<compile_context>
chip_gen: v7x
topology: tpu7x:2x2x1
jax: 0.10.2.dev20260603
libtpu: 0.0.44.dev20260713+nightly
codegen_flags: <defaults>
</compile_context>

<pallas_src>
import functools
import jax
import jax.numpy as jnp
from jax import lax
from jax.experimental import pallas as pl
from jax.experimental.pallas import tpu as pltpu
from jax.experimental.pallas import tpu_sc as plsc


def _make_gather(S, B, V, D, num_cores, num_subcores):
    NW = num_cores * num_subcores
    N = S * B
    C = 512
    CB = C // 128
    R = D // 8
    TP = C + 1
    n_tasks = N // C
    per_w = n_tasks // NW
    bc_per_s = B // C

    mesh = plsc.VectorSubcoreMesh(core_axis_name="c", subcore_axis_name="s")

    @functools.partial(
        pl.kernel,
        mesh=mesh,
        out_type=jax.ShapeDtypeStruct((S * R * (B // 128) * 8, 128), jnp.float32),
        scratch_types=[
            pltpu.VMEM((per_w * C,), jnp.int32),
            [pltpu.VMEM((C, D), jnp.float32)] * 2,
            [pltpu.VMEM((D, TP), jnp.float32)] * 2,
            [pltpu.SemaphoreType.DMA] * 2,
            [pltpu.SemaphoreType.DMA] * 2,
        ],
        compiler_params=pltpu.CompilerParams(
            use_tc_tiling_on_sc=False, needs_layout_passes=False
        ),
    )
    def k(idx_hbm, table_hbm, out_hbm, idx_v, rows_v, tr_v, gsem, wsem):
        wid = lax.axis_index("s") * num_cores + lax.axis_index("c")
        task0 = wid * per_w

        lanes = lax.iota(jnp.int32, 16)
        lanes_hi = lanes + 16

        pltpu.sync_copy(
            idx_hbm.at[pl.ds(pl.multiple_of(task0 * C, 8), per_w * C)], idx_v
        )

        def gather(t, b):
            off = pl.multiple_of((t - task0) * C, 8)
            return pltpu.async_copy(
                table_hbm.at[idx_v.at[pl.ds(off, C)]], rows_v[b], gsem[b]
            )

        def wait_gather(t, b):
            off = pl.multiple_of((t - task0) * C, 8)
            pltpu.make_async_copy(
                table_hbm.at[idx_v.at[pl.ds(off, C)]], rows_v[b], gsem[b]
            ).wait()

        def write(t, b):
            s = t // bc_per_s
            bc = t % bc_per_s
            for r in range(R):
                for c in range(CB):
                    rc = r * (B // 128) + bc * CB + c
                    dst = out_hbm.at[pl.ds((s * (B // 128) * R + rc) * 8, 8), :]
                    src = tr_v[b].at[pl.ds(8 * r, 8), pl.ds(128 * c, 128)]
                    pltpu.async_copy(src, dst, wsem[b])

        def wait_write(t, b):
            s = t // bc_per_s
            bc = t % bc_per_s
            for r in range(R):
                for c in range(CB):
                    rc = r * (B // 128) + bc * CB + c
                    dst = out_hbm.at[pl.ds((s * (B // 128) * R + rc) * 8, 8), :]
                    src = tr_v[b].at[pl.ds(8 * r, 8), pl.ds(128 * c, 128)]
                    pltpu.make_async_copy(src, dst, wsem[b]).wait()

        def transpose(b):
            src = rows_v[b]
            dst = tr_v[b]

            def j_body(j0, carry):
                for u in range(16):
                    j = j0 * 16 + u
                    col = jnp.full_like(lanes, j)
                    v_lo = plsc.load_gather(src, (col, lanes))
                    v_hi = plsc.load_gather(src, (col, lanes_hi))
                    plsc.store_scatter(dst, (lanes, col), v_lo)
                    plsc.store_scatter(dst, (lanes_hi, col), v_hi)
                return carry

            lax.fori_loop(0, C // 16, j_body, 0)

        gather(task0, 0)
        gather(task0 + 1, 1)

        def body(i, carry):
            for b in range(2):
                t = task0 + 2 * i + b
                wait_gather(t, b)

                @pl.when(2 * i + b >= 2)
                def _():
                    wait_write(t - 2, b)

                transpose(b)
                write(t, b)

                @pl.when(2 * i + b + 2 < per_w)
                def _():
                    gather(t + 2, b)

            return carry

        lax.fori_loop(0, per_w // 2, body, 0)

        wait_write(task0 + per_w - 2, 0)
        wait_write(task0 + per_w - 1, 1)

    return k


def kernel(x, table):
    B, S = x.shape
    V, D = table.shape
    info = plsc.get_sparse_core_info()
    k = _make_gather(S, B, V, D, info.num_cores, info.num_subcores)
    xt = x.T.reshape(S * B).astype(jnp.int32)
    out = k(xt, table)
    out5 = out.reshape(S, D // 8, B // 128, 8, 128)
    return out5.transpose(2, 4, 0, 1, 3).reshape(B, S, D)

# --- scband reference (transcript-rebuilt; emitter-appended) ---
"""Pipeline reference for scband-embedding-5970004541536 (READ-ONLY COPY).

The authoritative reference and input builder live on the scoring server;
editing this copy changes nothing except your own understanding.
"""

import jax, jax.numpy as jnp
import numpy as np

VOCAB = 1000000
EMBED_DIM = 32
BATCH = 4096
SEQ = 200

def setup_inputs(seed: int = 0) -> dict:
    key = jax.random.key(seed)
    k_idx, k_tab = jax.random.split(key)
    x = jax.random.randint(k_idx, (BATCH, SEQ), 0, VOCAB, dtype=jnp.int64 if jax.config.jax_enable_x64 else jnp.int32)
    table = jax.random.normal(k_tab, (VOCAB, EMBED_DIM), dtype=jnp.float32) * 0.02
    return {"x": x, "table": table}

def reference(x, table):
    # nn.Embedding forward: row gather from the embedding table
    word_emb = jnp.take(table, x, axis=0)
    return word_emb

if __name__ == "__main__":
    import jax
    _d = setup_inputs()
    print(jax.jit(kernel)(*tuple(_d.values())))

</pallas_src>

<mosaic_0001>
#map = affine_map<(d0, d1) -> (0)>
#map1 = affine_map<(d0, d1) -> (0, 0)>
module attributes {stable_mosaic.version = 14 : i64} {
  func.func @k(%arg0: i32, %arg1: i32, %arg2: memref<819200xi32, #tpu.memory_space<hbm>>, %arg3: memref<1000000x32xf32, #tpu.memory_space<hbm>>, %arg4: memref<204800x128xf32, #tpu.memory_space<hbm>>, %arg5: memref<25600xi32, #tpu.memory_space<vmem>>, %arg6: memref<512x32xf32, #tpu.memory_space<vmem>>, %arg7: memref<512x32xf32, #tpu.memory_space<vmem>>, %arg8: memref<32x513xf32, #tpu.memory_space<vmem>>, %arg9: memref<32x513xf32, #tpu.memory_space<vmem>>, %arg10: memref<!tpu.dma_semaphore, #tpu.memory_space<semaphore_mem>>, %arg11: memref<!tpu.dma_semaphore, #tpu.memory_space<semaphore_mem>>, %arg12: memref<!tpu.dma_semaphore, #tpu.memory_space<semaphore_mem>>, %arg13: memref<!tpu.dma_semaphore, #tpu.memory_space<semaphore_mem>>) attributes {dimension_semantics = [#tpu.dimension_semantics<core_parallel>, #tpu.dimension_semantics<subcore_parallel>], iteration_bounds = array<i64: 2, 16>, scalar_prefetch = 0 : i64, scratch_operands = 9 : i64, tpu.core_type = #tpu.core_type<sc_vector_subcore>, window_params = [{transform_indices = #map}, {transform_indices = #map1}, {transform_indices = #map1}]} {
    %mul3A = arith.constant 2 : i32
    %mul3A_0 = arith.muli %arg1, %mul3A : i32
    %add3A = arith.addi %mul3A_0, %arg0 : i32
    %mul3A_1 = arith.constant 50 : i32
    %mul3A_2 = arith.muli %add3A, %mul3A_1 : i32
    %iota3A = tpu.iota {dimensions = array<i32: 0>} : vector<16xi32>
    %add3A_3 = arith.constant 16 : i32
    %add3A_4 = vector.broadcast %add3A_3 : i32 to vector<16xi32>
    %add3A_5 = arith.addi %iota3A, %add3A_4 : vector<16xi32>
    %mul3A_6 = arith.constant 512 : i32
    %mul3A_7 = arith.muli %mul3A_2, %mul3A_6 : i32
    %multiple_of3A = tpu.assume_multiple %mul3A_7, 8 : i32
    "tpu.region"() ({
      %run_scoped3A = tpu.sem_alloc : memref<!tpu.dma_semaphore, #tpu.memory_space<semaphore_mem>>
      %dma_start3A_843 = tpu.memref_slice %arg2[%multiple_of3A] : memref<819200xi32, #tpu.memory_space<hbm>> -> memref<25600xi32, #tpu.memory_space<hbm>>
      %dma_start3A_844 = tpu.memref_slice %arg2[%multiple_of3A] : memref<819200xi32, #tpu.memory_space<hbm>> -> memref<25600xi32, #tpu.memory_space<hbm>>
      tpu.enqueue_dma source(%dma_start3A_844 : memref<25600xi32, #tpu.memory_space<hbm>>) target(%arg5 : memref<25600xi32, #tpu.memory_space<vmem>>) target_semaphore(%run_scoped3A : memref<!tpu.dma_semaphore, #tpu.memory_space<semaphore_mem>>)
      %dma_wait3A_845 = tpu.memref_slice %arg2[%multiple_of3A] : memref<819200xi32, #tpu.memory_space<hbm>> -> memref<25600xi32, #tpu.memory_space<hbm>>
      %dma_wait3A_846 = tpu.memref_slice %arg2[%multiple_of3A] : memref<819200xi32, #tpu.memory_space<hbm>> -> memref<25600xi32, #tpu.memory_space<hbm>>
      tpu.wait_dma2 semaphore(%run_scoped3A : memref<!tpu.dma_semaphore, #tpu.memory_space<semaphore_mem>>) src(%dma_wait3A_846 : memref<25600xi32, #tpu.memory_space<hbm>>) dst(%arg5 : memref<25600xi32, #tpu.memory_space<vmem>>)
      tpu.yield
    }) : () -> ()
    %sub3A = arith.subi %mul3A_2, %mul3A_2 : i32
    %mul3A_8 = arith.constant 512 : i32
    %mul3A_9 = arith.muli %sub3A, %mul3A_8 : i32
    %multiple_of3A_10 = tpu.assume_multiple %mul3A_9, 8 : i32
    %dma_start3A = tpu.memref_slice %arg5[%multiple_of3A_10] : memref<25600xi32, #tpu.memory_space<vmem>> -> memref<512xi32, #tpu.memory_space<vmem>>
    %dma_start3A_11 = arith.constant 0 : i32
    %dma_start3A_12 = arith.constant 0 : i32
    %dma_start3A_13 = tpu.memref_slice %arg3[%dma_start3A_11, %dma_start3A_12] : memref<1000000x32xf32, #tpu.memory_space<hbm>> -> memref<1000000x32xf32, #tpu.memory_space<hbm>>
    tpu.enqueue_indirect_dma source(%dma_start3A_13 : memref<1000000x32xf32, #tpu.memory_space<hbm>>) target(%arg6 : memref<512x32xf32, #tpu.memory_space<vmem>>) offsets(%dma_start3A : memref<512xi32, #tpu.memory_space<vmem>>) semaphore(%arg10 : memref<!tpu.dma_semaphore, #tpu.memory_space<semaphore_mem>>)
    %add3A_14 = arith.constant 1 : i32
    %add3A_15 = arith.addi %mul3A_2, %add3A_14 : i32
    %sub3A_16 = arith.subi %add3A_15, %mul3A_2 : i32
    %mul3A_17 = arith.constant 512 : i32
    %mul3A_18 = arith.muli %sub3A_16, %mul3A_17 : i32
    %multiple_of3A_19 = tpu.assume_multiple %mul3A_18, 8 : i32
    %dma_start3A_20 = tpu.memref_slice %arg5[%multiple_of3A_19] : memref<25600xi32, #tpu.memory_space<vmem>> -> memref<512xi32, #tpu.memory_space<vmem>>
    %dma_start3A_21 = arith.constant 0 : i32
    %dma_start3A_22 = arith.constant 0 : i32
    %dma_start3A_23 = tpu.memref_slice %arg3[%dma_start3A_21, %dma_start3A_22] : memref<1000000x32xf32, #tpu.memory_space<hbm>> -> memref<1000000x32xf32, #tpu.memory_space<hbm>>
    tpu.enqueue_indirect_dma source(%dma_start3A_23 : memref<1000000x32xf32, #tpu.memory_space<hbm>>) target(%arg7 : memref<512x32xf32, #tpu.memory_space<vmem>>) offsets(%dma_start3A_20 : memref<512xi32, #tpu.memory_space<vmem>>) semaphore(%arg11 : memref<!tpu.dma_semaphore, #tpu.memory_space<semaphore_mem>>)
    %scan3A = arith.constant 0 : i32
    %scan3A_24 = arith.constant 0 : i32
    %scan3A_25 = arith.constant 25 : i32
    %scan3A_26 = arith.addi %scan3A_24, %scan3A_25 : i32
    %scan3A_27 = arith.constant 1 : i32
    scf.for %scan3A_843 = %scan3A_24 to %scan3A_26 step %scan3A_27  : i32 {
      %mul3A_844 = arith.constant 2 : i32
      %mul3A_845 = arith.muli %mul3A_844, %scan3A_843 : i32
      %add3A_846 = arith.addi %mul3A_2, %mul3A_845 : i32
      %add3A_847 = arith.constant 0 : i32
      %add3A_848 = arith.addi %add3A_846, %add3A_847 : i32
      %sub3A_849 = arith.subi %add3A_848, %mul3A_2 : i32
      %mul3A_850 = arith.constant 512 : i32
      %mul3A_851 = arith.muli %sub3A_849, %mul3A_850 : i32
      %multiple_of3A_852 = tpu.assume_multiple %mul3A_851, 8 : i32
      %dma_wait3A_853 = tpu.memref_slice %arg5[%multiple_of3A_852] : memref<25600xi32, #tpu.memory_space<vmem>> -> memref<512xi32, #tpu.memory_space<vmem>>
      %dma_wait3A_854 = arith.constant 0 : i32
      %dma_wait3A_855 = arith.constant 0 : i32
      %dma_wait3A_856 = tpu.memref_slice %arg3[%dma_wait3A_854, %dma_wait3A_855] : memref<1000000x32xf32, #tpu.memory_space<hbm>> -> memref<1000000x32xf32, #tpu.memory_space<hbm>>
      tpu.wait_indirect_dma semaphore(%arg10 : memref<!tpu.dma_semaphore, #tpu.memory_space<semaphore_mem>>) src(%dma_wait3A_856 : memref<1000000x32xf32, #tpu.memory_space<hbm>>) dst(%arg6 : memref<512x32xf32, #tpu.memory_space<vmem>>)
      %mul3A_857 = arith.constant 2 : i32
      %mul3A_858 = arith.muli %mul3A_857, %scan3A_843 : i32
      %add3A_859 = arith.constant 0 : i32
      %add3A_860 = arith.addi %mul3A_858, %add3A_859 : i32
      %ge3A = arith.constant 2 : i32
      %ge3A_861 = arith.cmpi sge, %add3A_860, %ge3A : i32
      %convert_element_type3A = arith.extui %ge3A_861 : i1 to i32
      %cond3A = arith.constant 0 : i32
      %cond3A_862 = arith.cmpi ne, %convert_element_type3A, %cond3A : i32
      scf.if %cond3A_862 {
        %sub3A_1735 = arith.constant 2 : i32
        %sub3A_1736 = arith.subi %add3A_848, %sub3A_1735 : i32
        %jit3A_1737 = arith.constant 8 : i32
        %div3A_1738 = arith.divsi %sub3A_1736, %jit3A_1737 : i32
        %sign3A_1739 = arith.constant 0 : i32
        %sign3A_1740 = arith.cmpi sgt, %sub3A_1736, %sign3A_1739 : i32
        %sign3A_1741 = arith.extui %sign3A_1740 : i1 to i32
        %sign3A_1742 = arith.constant 0 : i32
        %sign3A_1743 = arith.cmpi slt, %sub3A_1736, %sign3A_1742 : i32
        %sign3A_1744 = arith.extui %sign3A_1743 : i1 to i32
        %sign3A_1745 = arith.subi %sign3A_1741, %sign3A_1744 : i32
        %sign3A_1746 = arith.constant 0 : i32
        %sign3A_1747 = arith.cmpi sgt, %jit3A_1737, %sign3A_1746 : i32
        %sign3A_1748 = arith.extui %sign3A_1747 : i1 to i32
        %sign3A_1749 = arith.constant 0 : i32
        %sign3A_1750 = arith.cmpi slt, %jit3A_1737, %sign3A_1749 : i32
        %sign3A_1751 = arith.extui %sign3A_1750 : i1 to i32
        %sign3A_1752 = arith.subi %sign3A_1748, %sign3A_1751 : i32
        %ne3A_1753 = arith.cmpi ne, %sign3A_1745, %sign3A_1752 : i32
        %rem3A_1754 = arith.remsi %sub3A_1736, %jit3A_1737 : i32
        %ne3A_1755 = arith.constant 0 : i32
        %ne3A_1756 = arith.cmpi ne, %rem3A_1754, %ne3A_1755 : i32
        %and3A_1757 = arith.andi %ne3A_1753, %ne3A_1756 : i1
        %sub3A_1758 = arith.constant 1 : i32
        %sub3A_1759 = arith.subi %div3A_1738, %sub3A_1758 : i32
        %select_n3A_1760 = arith.select %and3A_1757, %sub3A_1759, %div3A_1738 : i32
        %jit3A_1761 = arith.constant 8 : i32
        %eq3A_1762 = arith.constant 0 : i32
        %eq3A_1763 = arith.cmpi eq, %jit3A_1761, %eq3A_1762 : i32
        %jit3A_1764 = arith.constant 1 : i32
        %select_n3A_1765 = arith.select %eq3A_1763, %jit3A_1764, %jit3A_1761 : i32
        %rem3A_1766 = arith.remsi %sub3A_1736, %select_n3A_1765 : i32
        %ne3A_1767 = arith.constant 0 : i32
        %ne3A_1768 = arith.cmpi ne, %rem3A_1766, %ne3A_1767 : i32
        %lt3A_1769 = arith.constant 0 : i32
        %lt3A_1770 = arith.cmpi slt, %rem3A_1766, %lt3A_1769 : i32
        %lt3A_1771 = arith.constant 0 : i32
        %lt3A_1772 = arith.cmpi slt, %select_n3A_1765, %lt3A_1771 : i32
        %ne3A_1773 = arith.xori %lt3A_1770, %lt3A_1772 : i1
        %and3A_1774 = arith.andi %ne3A_1773, %ne3A_1768 : i1
        %add3A_1775 = arith.addi %rem3A_1766, %select_n3A_1765 : i32
        %select_n3A_1776 = arith.select %and3A_1774, %add3A_1775, %rem3A_1766 : i32
        %mul3A_1777 = arith.constant 4 : i32
        %mul3A_1778 = arith.muli %select_n3A_1776, %mul3A_1777 : i32
        %add3A_1779 = arith.constant 0 : i32
        %add3A_1780 = arith.addi %add3A_1779, %mul3A_1778 : i32
        %add3A_1781 = arith.constant 0 : i32
        %add3A_1782 = arith.addi %add3A_1780, %add3A_1781 : i32
        %mul3A_1783 = arith.constant 32 : i32
        %mul3A_1784 = arith.muli %select_n3A_1760, %mul3A_1783 : i32
        %mul3A_1785 = arith.constant 4 : i32
        %mul3A_1786 = arith.muli %mul3A_1784, %mul3A_1785 : i32
        %add3A_1787 = arith.addi %mul3A_1786, %add3A_1782 : i32
        %mul3A_1788 = arith.constant 8 : i32
        %mul3A_1789 = arith.muli %add3A_1787, %mul3A_1788 : i32
        %dma_wait3A_1790 = arith.constant 0 : i32
        %dma_wait3A_1791 = arith.constant 0 : i32
        %dma_wait3A_1792 = tpu.memref_slice %arg8[%dma_wait3A_1790, %dma_wait3A_1791] : memref<32x513xf32, #tpu.memory_space<vmem>> -> memref<8x128xf32, #tpu.memory_space<vmem>>
        %dma_wait3A_1793 = arith.constant 0 : i32
        %dma_wait3A_1794 = tpu.memref_slice %arg4[%mul3A_1789, %dma_wait3A_1793] : memref<204800x128xf32, #tpu.memory_space<hbm>> -> memref<8x128xf32, #tpu.memory_space<hbm>>
        %dma_wait3A_1795 = arith.constant 0 : i32
        %dma_wait3A_1796 = tpu.memref_slice %arg4[%mul3A_1789, %dma_wait3A_1795] : memref<204800x128xf32, #tpu.memory_space<hbm>> -> memref<8x128xf32, #tpu.memory_space<hbm>>
        %dma_wait3A_1797 = arith.constant 0 : i32
        %dma_wait3A_1798 = arith.constant 0 : i32
        %dma_wait3A_1799 = tpu.memref_slice %arg8[%dma_wait3A_1797, %dma_wait3A_1798] : memref<32x513xf32, #tpu.memory_space<vmem>> -> memref<8x128xf32, #tpu.memory_space<vmem>>
        tpu.wait_dma2 semaphore(%arg12 : memref<!tpu.dma_semaphore, #tpu.memory_space<semaphore_mem>>) src(%dma_wait3A_1799 : memref<8x128xf32, #tpu.memory_space<vmem>>) dst(%dma_wait3A_1796 : memref<8x128xf32, #tpu.memory_space<hbm>>)
        %mul3A_1800 = arith.constant 4 : i32
        %mul3A_1801 = arith.muli %select_n3A_1776, %mul3A_1800 : i32
        %add3A_1802 = arith.constant 0 : i32
        %add3A_1803 = arith.addi %add3A_1802, %mul3A_1801 : i32
        %add3A_1804 = arith.constant 1 : i32
        %add3A_1805 = arith.addi %add3A_1803, %add3A_1804 : i32
        %mul3A_1806 = arith.constant 32 : i32
        %mul3A_1807 = arith.muli %select_n3A_1760, %mul3A_1806 : i32
        %mul3A_1808 = arith.constant 4 : i32
        %mul3A_1809 = arith.muli %mul3A_1807, %mul3A_1808 : i32
        %add3A_1810 = arith.addi %mul3A_1809, %add3A_1805 : i32
        %mul3A_1811 = arith.constant 8 : i32
        %mul3A_1812 = arith.muli %add3A_1810, %mul3A_1811 : i32
        %dma_wait3A_1813 = arith.constant 0 : i32
        %dma_wait3A_1814 = arith.constant 128 : i32
        %dma_wait3A_1815 = tpu.memref_slice %arg8[%dma_wait3A_1813, %dma_wait3A_1814] : memref<32x513xf32, #tpu.memory_space<vmem>> -> memref<8x128xf32, #tpu.memory_space<vmem>>
        %dma_wait3A_1816 = arith.constant 0 : i32
        %dma_wait3A_1817 = tpu.memref_slice %arg4[%mul3A_1812, %dma_wait3A_1816] : memref<204800x128xf32, #tpu.memory_space<hbm>> -> memref<8x128xf32, #tpu.memory_space<hbm>>
        %dma_wait3A_1818 = arith.constant 0 : i32
        %dma_wait3A_1819 = tpu.memref_slice %arg4[%mul3A_1812, %dma_wait3A_1818] : memref<204800x128xf32, #tpu.memory_space<hbm>> -> memref<8x128xf32, #tpu.memory_space<hbm>>
        %dma_wait3A_1820 = arith.constant 0 : i32
        %dma_wait3A_1821 = arith.constant 128 : i32
        %dma_wait3A_1822 = tpu.memref_slice %arg8[%dma_wait3A_1820, %dma_wait3A_1821] : memref<32x513xf32, #tpu.memory_space<vmem>> -> memref<8x128xf32, #tpu.memory_space<vmem>>
        tpu.wait_dma2 semaphore(%arg12 : memref<!tpu.dma_semaphore, #tpu.memory_space<semaphore_mem>>) src(%dma_wait3A_1822 : memref<8x128xf32, #tpu.memory_space<vmem>>) dst(%dma_wait3A_1819 : memref<8x128xf32, #tpu.memory_space<hbm>>)
        %mul3A_1823 = arith.constant 4 : i32
        %mul3A_1824 = arith.muli %select_n3A_1776, %mul3A_1823 : i32
        %add3A_1825 = arith.constant 0 : i32
        %add3A_1826 = arith.addi %add3A_1825, %mul3A_1824 : i32
        %add3A_1827 = arith.constant 2 : i32
        %add3A_1828 = arith.addi %add3A_1826, %add3A_1827 : i32
        %mul3A_1829 = arith.constant 32 : i32
        %mul3A_1830 = arith.muli %select_n3A_1760, %mul3A_1829 : i32
        %mul3A_1831 = arith.constant 4 : i32
        %mul3A_1832 = arith.muli %mul3A_1830, %mul3A_1831 : i32
        %add3A_1833 = arith.addi %mul3A_1832, %add3A_1828 : i32
        %mul3A_1834 = arith.constant 8 : i32
        %mul3A_1835 = arith.muli %add3A_1833, %mul3A_1834 : i32
        %dma_wait3A_1836 = arith.constant 0 : i32
        %dma_wait3A_1837 = arith.constant 256 : i32
        %dma_wait3A_1838 = tpu.memref_slice %arg8[%dma_wait3A_1836, %dma_wait3A_1837] : memref<32x513xf32, #tpu.memory_space<vmem>> -> memref<8x128xf32, #tpu.memory_space<vmem>>
        %dma_wait3A_1839 = arith.constant 0 : i32
        %dma_wait3A_1840 = tpu.memref_slice %arg4[%mul3A_1835, %dma_wait3A_1839] : memref<204800x128xf32, #tpu.memory_space<hbm>> -> memref<8x128xf32, #tpu.memory_space<hbm>>
        %dma_wait3A_1841 = arith.constant 0 : i32
        %dma_wait3A_1842 = tpu.memref_slice %arg4[%mul3A_1835, %dma_wait3A_1841] : memref<204800x128xf32, #tpu.memory_space<hbm>> -> memref<8x128xf32, #tpu.memory_space<hbm>>
        %dma_wait3A_1843 = arith.constant 0 : i32
        %dma_wait3A_1844 = arith.constant 256 : i32
        %dma_wait3A_1845 = tpu.memref_slice %arg8[%dma_wait3A_1843, %dma_wait3A_1844] : memref<32x513xf32, #tpu.memory_space<vmem>> -> memref<8x128xf32, #tpu.memory_space<vmem>>
        tpu.wait_dma2 semaphore(%arg12 : memref<!tpu.dma_semaphore, #tpu.memory_space<semaphore_mem>>) src(%dma_wait3A_1845 : memref<8x128xf32, #tpu.memory_space<vmem>>) dst(%dma_wait3A_1842 : memref<8x128xf32, #tpu.memory_space<hbm>>)
        %mul3A_1846 = arith.constant 4 : i32
        %mul3A_1847 = arith.muli %select_n3A_1776, %mul3A_1846 : i32
        %add3A_1848 = arith.constant 0 : i32
        %add3A_1849 = arith.addi %add3A_1848, %mul3A_1847 : i32
        %add3A_1850 = arith.constant 3 : i32
        %add3A_1851 = arith.addi %add3A_1849, %add3A_1850 : i32
        %mul3A_1852 = arith.constant 32 : i32
        %mul3A_1853 = arith.muli %select_n3A_1760, %mul3A_1852 : i32
        %mul3A_1854 = arith.constant 4 : i32
        %mul3A_1855 = arith.muli %mul3A_1853, %mul3A_1854 : i32
        %add3A_1856 = arith.addi %mul3A_1855, %add3A_1851 : i32
        %mul3A_1857 = arith.constant 8 : i32
        %mul3A_1858 = arith.muli %add3A_1856, %mul3A_1857 : i32
        %dma_wait3A_1859 = arith.constant 0 : i32
        %dma_wait3A_1860 = arith.constant 384 : i32
        %dma_wait3A_1861 = tpu.memref_slice %arg8[%dma_wait3A_1859, %dma_wait3A_1860] : memref<32x513xf32, #tpu.memory_space<vmem>> -> memref<8x128xf32, #tpu.memory_space<vmem>>
        %dma_wait3A_1862 = arith.constant 0 : i32
        %dma_wait3A_1863 = tpu.memref_slice %arg4[%mul3A_1858, %dma_wait3A_1862] : memref<204800x128xf32, #tpu.memory_space<hbm>> -> memref<8x128xf32, #tpu.memory_space<hbm>>
        %dma_wait3A_1864 = arith.constant 0 : i32
        %dma_wait3A_1865 = tpu.memref_slice %arg4[%mul3A_1858, %dma_wait3A_1864] : memref<204800x128xf32, #tpu.memory_space<hbm>> -> memref<8x128xf32, #tpu.memory_space<hbm>>
        %dma_wait3A_1866 = arith.constant 0 : i32
        %dma_wait3A_1867 = arith.constant 384 : i32
        %dma_wait3A_1868 = tpu.memref_slice %arg8[%dma_wait3A_1866, %dma_wait3A_1867] : memref<32x513xf32, #tpu.memory_space<vmem>> -> memref<8x128xf32, #tpu.memory_space<vmem>>
        tpu.wait_dma2 semaphore(%arg12 : memref<!tpu.dma_semaphore, #tpu.memory_space<semaphore_mem>>) src(%dma_wait3A_1868 : memref<8x128xf32, #tpu.memory_space<vmem>>) dst(%dma_wait3A_1865 : memref<8x128xf32, #tpu.memory_space<hbm>>)
        %mul3A_1869 = arith.constant 4 : i32
        %mul3A_1870 = arith.muli %select_n3A_1776, %mul3A_1869 : i32
        %add3A_1871 = arith.constant 32 : i32
        %add3A_1872 = arith.addi %add3A_1871, %mul3A_1870 : i32
        %add3A_1873 = arith.constant 0 : i32
        %add3A_1874 = arith.addi %add3A_1872, %add3A_1873 : i32
        %mul3A_1875 = arith.constant 32 : i32
        %mul3A_1876 = arith.muli %select_n3A_1760, %mul3A_1875 : i32
        %mul3A_1877 = arith.constant 4 : i32
        %mul3A_1878 = arith.muli %mul3A_1876, %mul3A_1877 : i32
        %add3A_1879 = arith.addi %mul3A_1878, %add3A_1874 : i32
        %mul3A_1880 = arith.constant 8 : i32
        %mul3A_1881 = arith.muli %add3A_1879, %mul3A_1880 : i32
        %dma_wait3A_1882 = arith.constant 8 : i32
        %dma_wait3A_1883 = arith.constant 0 : i32
        %dma_wait3A_1884 = tpu.memref_slice %arg8[%dma_wait3A_1882, %dma_wait3A_1883] : memref<32x513xf32, #tpu.memory_space<vmem>> -> memref<8x128xf32, #tpu.memory_space<vmem>>
        %dma_wait3A_1885 = arith.constant 0 : i32
        %dma_wait3A_1886 = tpu.memref_slice %arg4[%mul3A_1881, %dma_wait3A_1885] : memref<204800x128xf32, #tpu.memory_space<hbm>> -> memref<8x128xf32, #tpu.memory_space<hbm>>
        %dma_wait3A_1887 = arith.constant 0 : i32
        %dma_wait3A_1888 = tpu.memref_slice %arg4[%mul3A_1881, %dma_wait3A_1887] : memref<204800x128xf32, #tpu.memory_space<hbm>> -> memref<8x128xf32, #tpu.memory_space<hbm>>
        %dma_wait3A_1889 = arith.constant 8 : i32
        %dma_wait3A_1890 = arith.constant 0 : i32
        %dma_wait3A_1891 = tpu.memref_slice %arg8[%dma_wait3A_1889, %dma_wait3A_1890] : memref<32x513xf32, #tpu.memory_space<vmem>> -> memref<8x128xf32, #tpu.memory_space<vmem>>
        tpu.wait_dma2 semaphore(%arg12 : memref<!tpu.dma_semaphore, #tpu.memory_space<semaphore_mem>>) src(%dma_wait3A_1891 : memref<8x128xf32, #tpu.memory_space<vmem>>) dst(%dma_wait3A_1888 : memref<8x128xf32, #tpu.memory_space<hbm>>)
        %mul3A_1892 = arith.constant 4 : i32
        %mul3A_1893 = arith.muli %select_n3A_1776, %mul3A_1892 : i32
        %add3A_1894 = arith.constant 32 : i32
        %add3A_1895 = arith.addi %add3A_1894, %mul3A_1893 : i32
        %add3A_1896 = arith.constant 1 : i32
        %add3A_1897 = arith.addi %add3A_1895, %add3A_1896 : i32
        %mul3A_1898 = arith.constant 32 : i32
        %mul3A_1899 = arith.muli %select_n3A_1760, %mul3A_1898 : i32
        %mul3A_1900 = arith.constant 4 : i32
        %mul3A_1901 = arith.muli %mul3A_1899, %mul3A_1900 : i32
        %add3A_1902 = arith.addi %mul3A_1901, %add3A_1897 : i32
        %mul3A_1903 = arith.constant 8 : i32
        %mul3A_1904 = arith.muli %add3A_1902, %mul3A_1903 : i32
        %dma_wait3A_1905 = arith.constant 8 : i32
        %dma_wait3A_1906 = arith.constant 128 : i32
        %dma_wait3A_1907 = tpu.memref_slice %arg8[%dma_wait3A_1905, %dma_wait3A_1906] : memref<32x513xf32, #tpu.memory_space<vmem>> -> memref<8x128xf32, #tpu.memory_space<vmem>>
        %dma_wait3A_1908 = arith.constant 0 : i32
        %dma_wait3A_1909 = tpu.memref_slice %arg4[%mul3A_1904, %dma_wait3A_1908] : memref<204800x128xf32, #tpu.memory_space<hbm>> -> memref<8x128xf32, #tpu.memory_space<hbm>>
        %dma_wait3A_1910 = arith.constant 0 : i32
        %dma_wait3A_1911 = tpu.memref_slice %arg4[%mul3A_1904, %dma_wait3A_1910] : memref<204800x128xf32, #tpu.memory_space<hbm>> -> memref<8x128xf32, #tpu.memory_space<hbm>>
        %dma_wait3A_1912 = arith.constant 8 : i32
        %dma_wait3A_1913 = arith.constant 128 : i32
        %dma_wait3A_1914 = tpu.memref_slice %arg8[%dma_wait3A_1912, %dma_wait3A_1913] : memref<32x513xf32, #tpu.memory_space<vmem>> -> memref<8x128xf32, #tpu.memory_space<vmem>>
        tpu.wait_dma2 semaphore(%arg12 : memref<!tpu.dma_semaphore, #tpu.memory_space<semaphore_mem>>) src(%dma_wait3A_1914 : memref<8x128xf32, #tpu.memory_space<vmem>>) dst(%dma_wait3A_1911 : memref<8x128xf32, #tpu.memory_space<hbm>>)
        %mul3A_1915 = arith.constant 4 : i32
        %mul3A_1916 = arith.muli %select_n3A_1776, %mul3A_1915 : i32
        %add3A_1917 = arith.constant 32 : i32
        %add3A_1918 = arith.addi %add3A_1917, %mul3A_1916 : i32
        %add3A_1919 = arith.constant 2 : i32
        %add3A_1920 = arith.addi %add3A_1918, %add3A_1919 : i32
        %mul3A_1921 = arith.constant 32 : i32
        %mul3A_1922 = arith.muli %select_n3A_1760, %mul3A_1921 : i32
        %mul3A_1923 = arith.constant 4 : i32
        %mul3A_1924 = arith.muli %mul3A_1922, %mul3A_1923 : i32
        %add3A_1925 = arith.addi %mul3A_1924, %add3A_1920 : i32
        %mul3A_1926 = arith.constant 8 : i32
        %mul3A_1927 = arith.muli %add3A_1925, %mul3A_1926 : i32
        %dma_wait3A_1928 = arith.constant 8 : i32
        %dma_wait3A_1929 = arith.constant 256 : i32
        %dma_wait3A_1930 = tpu.memref_slice %arg8[%dma_wait3A_1928, %dma_wait3A_1929] : memref<32x513xf32, #tpu.memory_space<vmem>> -> memref<8x128xf32, #tpu.memory_space<vmem>>
        %dma_wait3A_1931 = arith.constant 0 : i32
        %dma_wait3A_1932 = tpu.memref_slice %arg4[%mul3A_1927, %dma_wait3A_1931] : memref<204800x128xf32, #tpu.memory_space<hbm>> -> memref<8x128xf32, #tpu.memory_space<hbm>>
        %dma_wait3A_1933 = arith.constant 0 : i32
        %dma_wait3A_1934 = tpu.memref_slice %arg4[%mul3A_1927, %dma_wait3A_1933] : memref<204800x128xf32, #tpu.memory_space<hbm>> -> memref<8x128xf32, #tpu.memory_space<hbm>>
        %dma_wait3A_1935 = arith.constant 8 : i32
        %dma_wait3A_1936 = arith.constant 256 : i32
        %dma_wait3A_1937 = tpu.memref_slice %arg8[%dma_wait3A_1935, %dma_wait3A_1936] : memref<32x513xf32, #tpu.memory_space<vmem>> -> memref<8x128xf32, #tpu.memory_space<vmem>>
        tpu.wait_dma2 semaphore(%arg12 : memref<!tpu.dma_semaphore, #tpu.memory_space<semaphore_mem>>) src(%dma_wait3A_1937 : memref<8x128xf32, #tpu.memory_space<vmem>>) dst(%dma_wait3A_1934 : memref<8x128xf32, #tpu.memory_space<hbm>>)
        %mul3A_1938 = arith.constant 4 : i32
        %mul3A_1939 = arith.muli %select_n3A_1776, %mul3A_1938 : i32
        %add3A_1940 = arith.constant 32 : i32
        %add3A_1941 = arith.addi %add3A_1940, %mul3A_1939 : i32
        %add3A_1942 = arith.constant 3 : i32
        %add3A_1943 = arith.addi %add3A_1941, %add3A_1942 : i32
        %mul3A_1944 = arith.constant 32 : i32
        %mul3A_1945 = arith.muli %select_n3A_1760, %mul3A_1944 : i32
        %mul3A_1946 = arith.constant 4 : i32
        %mul3A_1947 = arith.muli %mul3A_1945, %mul3A_1946 : i32
        %add3A_1948 = arith.addi %mul3A_1947, %add3A_1943 : i32
        %mul3A_1949 = arith.constant 8 : i32
        %mul3A_1950 = arith.muli %add3A_1948, %mul3A_1949 : i32
        %dma_wait3A_1951 = arith.constant 8 : i32
        %dma_wait3A_1952 = arith.constant 384 : i32
        %dma_wait3A_1953 = tpu.memref_slice %arg8[%dma_wait3A_1951, %dma_wait3A_1952] : memref<32x513xf32, #tpu.memory_space<vmem>> -> memref<8x128xf32, #tpu.memory_space<vmem>>
        %dma_wait3A_1954 = arith.constant 0 : i32
        %dma_wait3A_1955 = tpu.memref_slice %arg4[%mul3A_1950, %dma_wait3A_1954] : memref<204800x128xf32, #tpu.memory_space<hbm>> -> memref<8x128xf32, #tpu.memory_space<hbm>>
        %dma_wait3A_1956 = arith.constant 0 : i32
        %dma_wait3A_1957 = tpu.memref_slice %arg4[%mul3A_1950, %dma_wait3A_1956] : memref<204800x128xf32, #tpu.memory_space<hbm>> -> memref<8x128xf32, #tpu.memory_space<hbm>>
        %dma_wait3A_1958 = arith.constant 8 : i32
        %dma_wait3A_1959 = arith.constant 384 : i32
        %dma_wait3A_1960 = tpu.memref_slice %arg8[%dma_wait3A_1958, %dma_wait3A_1959] : memref<32x513xf32, #tpu.memory_space<vmem>> -> memref<8x128xf32, #tpu.memory_space<vmem>>
        tpu.wait_dma2 semaphore(%arg12 : memref<!tpu.dma_semaphore, #tpu.memory_space<semaphore_mem>>) src(%dma_wait3A_1960 : memref<8x128xf32, #tpu.memory_space<vmem>>) dst(%dma_wait3A_1957 : memref<8x128xf32, #tpu.memory_space<hbm>>)
        %mul3A_1961 = arith.constant 4 : i32
        %mul3A_1962 = arith.muli %select_n3A_1776, %mul3A_1961 : i32
        %add3A_1963 = arith.constant 64 : i32
        %add3A_1964 = arith.addi %add3A_1963, %mul3A_1962 : i32
        %add3A_1965 = arith.constant 0 : i32
        %add3A_1966 = arith.addi %add3A_1964, %add3A_1965 : i32
        %mul3A_1967 = arith.constant 32 : i32
        %mul3A_1968 = arith.muli %select_n3A_1760, %mul3A_1967 : i32
        %mul3A_1969 = arith.constant 4 : i32
        %mul3A_1970 = arith.muli %mul3A_1968, %mul3A_1969 : i32
        %add3A_1971 = arith.addi %mul3A_1970, %add3A_1966 : i32
        %mul3A_1972 = arith.constant 8 : i32
        %mul3A_1973 = arith.muli %add3A_1971, %mul3A_1972 : i32
        %dma_wait3A_1974 = arith.constant 16 : i32
        %dma_wait3A_1975 = arith.constant 0 : i32
        %dma_wait3A_1976 = tpu.memref_slice %arg8[%dma_wait3A_1974, %dma_wait3A_1975] : memref<32x513xf32, #tpu.memory_space<vmem>> -> memref<8x128xf32, #tpu.memory_space<vmem>>
        %dma_wait3A_1977 = arith.constant 0 : i32
        %dma_wait3A_1978 = tpu.memref_slice %arg4[%mul3A_1973, %dma_wait3A_1977] : memref<204800x128xf32, #tpu.memory_space<hbm>> -> memref<8x128xf32, #tpu.memory_space<hbm>>
        %dma_wait3A_1979 = arith.constant 0 : i32
        %dma_wait3A_1980 = tpu.memref_slice %arg4[%mul3A_1973, %dma_wait3A_1979] : memref<204800x128xf32, #tpu.memory_space<hbm>> -> memref<8x128xf32, #tpu.memory_space<hbm>>
        %dma_wait3A_1981 = arith.constant 16 : i32
        %dma_wait3A_1982 = arith.constant 0 : i32
        %dma_wait3A_1983 = tpu.memref_slice %arg8[%dma_wait3A_1981, %dma_wait3A_1982] : memref<32x513xf32, #tpu.memory_space<vmem>> -> memref<8x128xf32, #tpu.memory_space<vmem>>
        tpu.wait_dma2 semaphore(%arg12 : memref<!tpu.dma_semaphore, #tpu.memory_space<semaphore_mem>>) src(%dma_wait3A_1983 : memref<8x128xf32, #tpu.memory_space<vmem>>) dst(%dma_wait3A_1980 : memref<8x128xf32, #tpu.memory_space<hbm>>)
        %mul3A_1984 = arith.constant 4 : i32
        %mul3A_1985 = arith.muli %select_n3A_1776, %mul3A_1984 : i32
        %add3A_1986 = arith.constant 64 : i32
        %add3A_1987 = arith.addi %add3A_1986, %mul3A_1985 : i32
        %add3A_1988 = arith.constant 1 : i32
        %add3A_1989 = arith.addi %add3A_1987, %add3A_1988 : i32
        %mul3A_1990 = arith.constant 32 : i32
        %mul3A_1991 = arith.muli %select_n3A_1760, %mul3A_1990 : i32
        %mul3A_1992 = arith.constant 4 : i32
        %mul3A_1993 = arith.muli %mul3A_1991, %mul3A_1992 : i32
        %add3A_1994 = arith.addi %mul3A_1993, %add3A_1989 : i32
        %mul3A_1995 = arith.constant 8 : i32
        %mul3A_1996 = arith.muli %add3A_1994, %mul3A_1995 : i32
        %dma_wait3A_1997 = arith.constant 16 : i32
        %dma_wait3A_1998 = arith.constant 128 : i32
        %dma_wait3A_1999 = tpu.memref_slice %arg8[%dma_wait3A_1997, %dma_wait3A_1998] : memref<32x513xf32, #tpu.memory_space<vmem>> -> memref<8x128xf32, #tpu.memory_space<vmem>>
        %dma_wait3A_2000 = arith.constant 0 : i32
        %dma_wait3A_2001 = tpu.memref_slice %arg4[%mul3A_1996, %dma_wait3A_2000] : memref<204800x128xf32, #tpu.memory_space<hbm>> -> memref<8x128xf32, #tpu.memory_space<hbm>>
        %dma_wait3A_2002 = arith.constant 0 : i32
        %dma_wait3A_2003 = tpu.memref_slice %arg4[%mul3A_1996, %dma_wait3A_2002] : memref<204800x128xf32, #tpu.memory_space<hbm>> -> memref<8x128xf32, #tpu.memory_space<hbm>>
        %dma_wait3A_2004 = arith.constant 16 : i32
        %dma_wait3A_2005 = arith.constant 128 : i32
        %dma_wait3A_2006 = tpu.memref_slice %arg8[%dma_wait3A_2004, %dma_wait3A_2005] : memref<32x513xf32, #tpu.memory_space<vmem>> -> memref<8x128xf32, #tpu.memory_space<vmem>>
        tpu.wait_dma2 semaphore(%arg12 : memref<!tpu.dma_semaphore, #tpu.memory_space<semaphore_mem>>) src(%dma_wait3A_2006 : memref<8x128xf32, #tpu.memory_space<vmem>>) dst(%dma_wait3A_2003 : memref<8x128xf32, #tpu.memory_space<hbm>>)
        %mul3A_2007 = arith.constant 4 : i32
        %mul3A_2008 = arith.muli %select_n3A_1776, %mul3A_2007 : i32
        %add3A_2009 = arith.constant 64 : i32
        %add3A_2010 = arith.addi %add3A_2009, %mul3A_2008 : i32
        %add3A_2011 = arith.constant 2 : i32
        %add3A_2012 = arith.addi %add3A_2010, %add3A_2011 : i32
        %mul3A_2013 = arith.constant 32 : i32
        %mul3A_2014 = arith.muli %select_n3A_1760, %mul3A_2013 : i32
        %mul3A_2015 = arith.constant 4 : i32
        %mul3A_2016 = arith.muli %mul3A_2014, %mul3A_2015 : i32
        %add3A_2017 = arith.addi %mul3A_2016, %add3A_2012 : i32
        %mul3A_2018 = arith.constant 8 : i32
        %mul3A_2019 = arith.muli %add3A_2017, %mul3A_2018 : i32
        %dma_wait3A_2020 = arith.constant 16 : i32
        %dma_wait3A_2021 = arith.constant 256 : i32
        %dma_wait3A_2022 = tpu.memref_slice %arg8[%dma_wait3A_2020, %dma_wait3A_2021] : memref<32x513xf32, #tpu.memory_space<vmem>> -> memref<8x128xf32, #tpu.memory_space<vmem>>
        %dma_wait3A_2023 = arith.constant 0 : i32
        %dma_wait3A_2024 = tpu.memref_slice %arg4[%mul3A_2019, %dma_wait3A_2023] : memref<204800x128xf32, #tpu.memory_space<hbm>> -> memref<8x128xf32, #tpu.memory_space<hbm>>
        %dma_wait3A_2025 = arith.constant 0 : i32
        %dma_wait3A_2026 = tpu.memref_slice %arg4[%mul3A_2019, %dma_wait3A_2025] : memref<204800x128xf32, #tpu.memory_space<hbm>> -> memref<8x128xf32, #tpu.memory_space<hbm>>
        %dma_wait3A_2027 = arith.constant 16 : i32
        %dma_wait3A_2028 = arith.constant 256 : i32
        %dma_wait3A_2029 = tpu.memref_slice %arg8[%dma_wait3A_2027, %dma_wait3A_2028] : memref<32x513xf32, #tpu.memory_space<vmem>> -> memref<8x128xf32, #tpu.memory_space<vmem>>
        tpu.wait_dma2 semaphore(%arg12 : memref<!tpu.dma_semaphore, #tpu.memory_space<semaphore_mem>>) src(%dma_wait3A_2029 : memref<8x128xf32, #tpu.memory_space<vmem>>) dst(%dma_wait3A_2026 : memref<8x128xf32, #tpu.memory_space<hbm>>)
        %mul3A_2030 = arith.constant 4 : i32
        %mul3A_2031 = arith.muli %select_n3A_1776, %mul3A_2030 : i32
        %add3A_2032 = arith.constant 64 : i32
        %add3A_2033 = arith.addi %add3A_2032, %mul3A_2031 : i32
        %add3A_2034 = arith.constant 3 : i32
        %add3A_2035 = arith.addi %add3A_2033, %add3A_2034 : i32
        %mul3A_2036 = arith.constant 32 : i32
        %mul3A_2037 = arith.muli %select_n3A_1760, %mul3A_2036 : i32
        %mul3A_2038 = arith.constant 4 : i32
        %mul3A_2039 = arith.muli %mul3A_2037, %mul3A_2038 : i32
        %add3A_2040 = arith.addi %mul3A_2039, %add3A_2035 : i32
        %mul3A_2041 = arith.constant 8 : i32
        %mul3A_2042 = arith.muli %add3A_2040, %mul3A_2041 : i32
        %dma_wait3A_2043 = arith.constant 16 : i32
        %dma_wait3A_2044 = arith.constant 384 : i32
        %dma_wait3A_2045 = tpu.memref_slice %arg8[%dma_wait3A_2043, %dma_wait3A_2044] : memref<32x513xf32, #tpu.memory_space<vmem>> -> memref<8x128xf32, #tpu.memory_space<vmem>>
        %dma_wait3A_2046 = arith.constant 0 : i32
        %dma_wait3A_2047 = tpu.memref_slice %arg4[%mul3A_2042, %dma_wait3A_2046] : memref<204800x128xf32, #tpu.memory_space<hbm>> -> memref<8x128xf32, #tpu.memory_space<hbm>>
        %dma_wait3A_2048 = arith.constant 0 : i32
        %dma_wait3A_2049 = tpu.memref_slice %arg4[%mul3A_2042, %dma_wait3A_2048] : memref<204800x128xf32, #tpu.memory_space<hbm>> -> memref<8x128xf32, #tpu.memory_space<hbm>>
        %dma_wait3A_2050 = arith.constant 16 : i32
        %dma_wait3A_2051 = arith.constant 384 : i32
        %dma_wait3A_2052 = tpu.memref_slice %arg8[%dma_wait3A_2050, %dma_wait3A_2051] : memref<32x513xf32, #tpu.memory_space<vmem>> -> memref<8x128xf32, #tpu.memory_space<vmem>>
        tpu.wait_dma2 semaphore(%arg12 : memref<!tpu.dma_semaphore, #tpu.memory_space<semaphore_mem>>) src(%dma_wait3A_2052 : memref<8x128xf32, #tpu.memory_space<vmem>>) dst(%dma_wait3A_2049 : memref<8x128xf32, #tpu.memory_space<hbm>>)
        %mul3A_2053 = arith.constant 4 : i32
        %mul3A_2054 = arith.muli %select_n3A_1776, %mul3A_2053 : i32
        %add3A_2055 = arith.constant 96 : i32
        %add3A_2056 = arith.addi %add3A_2055, %mul3A_2054 : i32
        %add3A_2057 = arith.constant 0 : i32
        %add3A_2058 = arith.addi %add3A_2056, %add3A_2057 : i32
        %mul3A_2059 = arith.constant 32 : i32
        %mul3A_2060 = arith.muli %select_n3A_1760, %mul3A_2059 : i32
        %mul3A_2061 = arith.constant 4 : i32
        %mul3A_2062 = arith.muli %mul3A_2060, %mul3A_2061 : i32
        %add3A_2063 = arith.addi %mul3A_2062, %add3A_2058 : i32
        %mul3A_2064 = arith.constant 8 : i32
        %mul3A_2065 = arith.muli %add3A_2063, %mul3A_2064 : i32
        %dma_wait3A_2066 = arith.constant 24 : i32
        %dma_wait3A_2067 = arith.constant 0 : i32
        %dma_wait3A_2068 = tpu.memref_slice %arg8[%dma_wait3A_2066, %dma_wait3A_2067] : memref<32x513xf32, #tpu.memory_space<vmem>> -> memref<8x128xf32, #tpu.memory_space<vmem>>
        %dma_wait3A_2069 = arith.constant 0 : i32
        %dma_wait3A_2070 = tpu.memref_slice %arg4[%mul3A_2065, %dma_wait3A_2069] : memref<204800x128xf32, #tpu.memory_space<hbm>> -> memref<8x128xf32, #tpu.memory_space<hbm>>
        %dma_wait3A_2071 = arith.constant 0 : i32
        %dma_wait3A_2072 = tpu.memref_slice %arg4[%mul3A_2065, %dma_wait3A_2071] : memref<204800x128xf32, #tpu.memory_space<hbm>> -> memref<8x128xf32, #tpu.memory_space<hbm>>
        %dma_wait3A_2073 = arith.constant 24 : i32
        %dma_wait3A_2074 = arith.constant 0 : i32
        %dma_wait3A_2075 = tpu.memref_slice %arg8[%dma_wait3A_2073, %dma_wait3A_2074] : memref<32x513xf32, #tpu.memory_space<vmem>> -> memref<8x128xf32, #tpu.memory_space<vmem>>
        tpu.wait_dma2 semaphore(%arg12 : memref<!tpu.dma_semaphore, #tpu.memory_space<semaphore_mem>>) src(%dma_wait3A_2075 : memref<8x128xf32, #tpu.memory_space<vmem>>) dst(%dma_wait3A_2072 : memref<8x128xf32, #tpu.memory_space<hbm>>)
        %mul3A_2076 = arith.constant 4 : i32
        %mul3A_2077 = arith.muli %select_n3A_1776, %mul3A_2076 : i32
        %add3A_2078 = arith.constant 96 : i32
        %add3A_2079 = arith.addi %add3A_2078, %mul3A_2077 : i32
        %add3A_2080 = arith.constant 1 : i32
        %add3A_2081 = arith.addi %add3A_2079, %add3A_2080 : i32
        %mul3A_2082 = arith.constant 32 : i32
        %mul3A_2083 = arith.muli %select_n3A_1760, %mul3A_2082 : i32
        %mul3A_2084 = arith.constant 4 : i32
        %mul3A_2085 = arith.muli %mul3A_2083, %mul3A_2084 : i32
        %add3A_2086 = arith.addi %mul3A_2085, %add3A_2081 : i32
        %mul3A_2087 = arith.constant 8 : i32
        %mul3A_2088 = arith.muli %add3A_2086, %mul3A_2087 : i32
        %dma_wait3A_2089 = arith.constant 24 : i32
        %dma_wait3A_2090 = arith.constant 128 : i32
        %dma_wait3A_2091 = tpu.memref_slice %arg8[%dma_wait3A_2089, %dma_wait3A_2090] : memref<32x513xf32, #tpu.memory_space<vmem>> -> memref<8x128xf32, #tpu.memory_space<vmem>>
        %dma_wait3A_2092 = arith.constant 0 : i32
        %dma_wait3A_2093 = tpu.memref_slice %arg4[%mul3A_2088, %dma_wait3A_2092] : memref<204800x128xf32, #tpu.memory_space<hbm>> -> memref<8x128xf32, #tpu.memory_space<hbm>>
        %dma_wait3A_2094 = arith.constant 0 : i32
        %dma_wait3A_2095 = tpu.memref_slice %arg4[%mul3A_2088, %dma_wait3A_2094] : memref<204800x128xf32, #tpu.memory_space<hbm>> -> memref<8x128xf32, #tpu.memory_space<hbm>>
        %dma_wait3A_2096 = arith.constant 24 : i32
        %dma_wait3A_2097 = arith.constant 128 : i32
        %dma_wait3A_2098 = tpu.memref_slice %arg8[%dma_wait3A_2096, %dma_wait3A_2097] : memref<32x513xf32, #tpu.memory_space<vmem>> -> memref<8x128xf32, #tpu.memory_space<vmem>>
        tpu.wait_dma2 semaphore(%arg12 : memref<!tpu.dma_semaphore, #tpu.memory_space<semaphore_mem>>) src(%dma_wait3A_2098 : memref<8x128xf32, #tpu.memory_space<vmem>>) dst(%dma_wait3A_2095 : memref<8x128xf32, #tpu.memory_space<hbm>>)
        %mul3A_2099 = arith.constant 4 : i32
        %mul3A_2100 = arith.muli %select_n3A_1776, %mul3A_2099 : i32
        %add3A_2101 = arith.constant 96 : i32
        %add3A_2102 = arith.addi %add3A_2101, %mul3A_2100 : i32
        %add3A_2103 = arith.constant 2 : i32
        %add3A_2104 = arith.addi %add3A_2102, %add3A_2103 : i32
        %mul3A_2105 = arith.constant 32 : i32
        %mul3A_2106 = arith.muli %select_n3A_1760, %mul3A_2105 : i32
        %mul3A_2107 = arith.constant 4 : i32
        %mul3A_2108 = arith.muli %mul3A_2106, %mul3A_2107 : i32
        %add3A_2109 = arith.addi %mul3A_2108, %add3A_2104 : i32
        %mul3A_2110 = arith.constant 8 : i32
        %mul3A_2111 = arith.muli %add3A_2109, %mul3A_2110 : i32
        %dma_wait3A_2112 = arith.constant 24 : i32
        %dma_wait3A_2113 = arith.constant 256 : i32
        %dma_wait3A_2114 = tpu.memref_slice %arg8[%dma_wait3A_2112, %dma_wait3A_2113] : memref<32x513xf32, #tpu.memory_space<vmem>> -> memref<8x128xf32, #tpu.memory_space<vmem>>
        %dma_wait3A_2115 = arith.constant 0 : i32
        %dma_wait3A_2116 = tpu.memref_slice %arg4[%mul3A_2111, %dma_wait3A_2115] : memref<204800x128xf32, #tpu.memory_space<hbm>> -> memref<8x128xf32, #tpu.memory_space<hbm>>
        %dma_wait3A_2117 = arith.constant 0 : i32
        %dma_wait3A_2118 = tpu.memref_slice %arg4[%mul3A_2111, %dma_wait3A_2117] : memref<204800x128xf32, #tpu.memory_space<hbm>> -> memref<8x128xf32, #tpu.memory_space<hbm>>
        %dma_wait3A_2119 = arith.constant 24 : i32
        %dma_wait3A_2120 = arith.constant 256 : i32
        %dma_wait3A_2121 = tpu.memref_slice %arg8[%dma_wait3A_2119, %dma_wait3A_2120] : memref<32x513xf32, #tpu.memory_space<vmem>> -> memref<8x128xf32, #tpu.memory_space<vmem>>
        tpu.wait_dma2 semaphore(%arg12 : memref<!tpu.dma_semaphore, #tpu.memory_space<semaphore_mem>>) src(%dma_wait3A_2121 : memref<8x128xf32, #tpu.memory_space<vmem>>) dst(%dma_wait3A_2118 : memref<8x128xf32, #tpu.memory_space<hbm>>)
        %mul3A_2122 = arith.constant 4 : i32
        %mul3A_2123 = arith.muli %select_n3A_1776, %mul3A_2122 : i32
        %add3A_2124 = arith.constant 96 : i32
        %add3A_2125 = arith.addi %add3A_2124, %mul3A_2123 : i32
        %add3A_2126 = arith.constant 3 : i32
        %add3A_2127 = arith.addi %add3A_2125, %add3A_2126 : i32
        %mul3A_2128 = arith.constant 32 : i32
        %mul3A_2129 = arith.muli %select_n3A_1760, %mul3A_2128 : i32
        %mul3A_2130 = arith.constant 4 : i32
        %mul3A_2131 = arith.muli %mul3A_2129, %mul3A_2130 : i32
        %add3A_2132 = arith.addi %mul3A_2131, %add3A_2127 : i32
        %mul3A_2133 = arith.constant 8 : i32
        %mul3A_2134 = arith.muli %add3A_2132, %mul3A_2133 : i32
        %dma_wait3A_2135 = arith.constant 24 : i32
        %dma_wait3A_2136 = arith.constant 384 : i32
        %dma_wait3A_2137 = tpu.memref_slice %arg8[%dma_wait3A_2135, %dma_wait3A_2136] : memref<32x513xf32, #tpu.memory_space<vmem>> -> memref<8x128xf32, #tpu.memory_space<vmem>>
        %dma_wait3A_2138 = arith.constant 0 : i32
        %dma_wait3A_2139 = tpu.memref_slice %arg4[%mul3A_2134, %dma_wait3A_2138] : memref<204800x128xf32, #tpu.memory_space<hbm>> -> memref<8x128xf32, #tpu.memory_space<hbm>>
        %dma_wait3A_2140 = arith.constant 0 : i32
        %dma_wait3A_2141 = tpu.memref_slice %arg4[%mul3A_2134, %dma_wait3A_2140] : memref<204800x128xf32, #tpu.memory_space<hbm>> -> memref<8x128xf32, #tpu.memory_space<hbm>>
        %dma_wait3A_2142 = arith.constant 24 : i32
        %dma_wait3A_2143 = arith.constant 384 : i32
        %dma_wait3A_2144 = tpu.memref_slice %arg8[%dma_wait3A_2142, %dma_wait3A_2143] : memref<32x513xf32, #tpu.memory_space<vmem>> -> memref<8x128xf32, #tpu.memory_space<vmem>>
        tpu.wait_dma2 semaphore(%arg12 : memref<!tpu.dma_semaphore, #tpu.memory_space<semaphore_mem>>) src(%dma_wait3A_2144 : memref<8x128xf32, #tpu.memory_space<vmem>>) dst(%dma_wait3A_2141 : memref<8x128xf32, #tpu.memory_space<hbm>>)
      } else {
      }
      %scan3A_863 = arith.constant 0 : i32
      %scan3A_864 = arith.constant 0 : i32
      %scan3A_865 = arith.constant 32 : i32
      %scan3A_866 = arith.addi %scan3A_864, %scan3A_865 : i32
      %scan3A_867 = arith.constant 1 : i32
      scf.for %scan3A_1735 = %scan3A_864 to %scan3A_866 step %scan3A_867  : i32 {
        %mul3A_1736 = arith.constant 16 : i32
        %mul3A_1737 = arith.muli %scan3A_1735, %mul3A_1736 : i32
        %add3A_1738 = arith.constant 0 : i32
        %add3A_1739 = arith.addi %mul3A_1737, %add3A_1738 : i32
        %broadcast_in_dim3A = vector.broadcast %add3A_1739 : i32 to vector<16xi32>
        %gather3A = tpu.vector_load_idx %arg6[%broadcast_in_dim3A, %iota3A] : memref<512x32xf32, #tpu.memory_space<vmem>>[vector<16xi32>, vector<16xi32>], vector<16xf32>,
        %gather3A_1740 = tpu.vector_load_idx %arg6[%broadcast_in_dim3A, %add3A_5] : memref<512x32xf32, #tpu.memory_space<vmem>>[vector<16xi32>, vector<16xi32>], vector<16xf32>,
        tpu.vector_store_idx %arg8[%iota3A, %broadcast_in_dim3A], %gather3A : memref<32x513xf32, #tpu.memory_space<vmem>>[vector<16xi32>, vector<16xi32>], vector<16xf32>,
        tpu.vector_store_idx %arg8[%add3A_5, %broadcast_in_dim3A], %gather3A_1740 : memref<32x513xf32, #tpu.memory_space<vmem>>[vector<16xi32>, vector<16xi32>], vector<16xf32>,
        %mul3A_1741 = arith.constant 16 : i32
        %mul3A_1742 = arith.muli %scan3A_1735, %mul3A_1741 : i32
        %add3A_1743 = arith.constant 1 : i32
        %add3A_1744 = arith.addi %mul3A_1742, %add3A_1743 : i32
        %broadcast_in_dim3A_1745 = vector.broadcast %add3A_1744 : i32 to vector<16xi32>
        %gather3A_1746 = tpu.vector_load_idx %arg6[%broadcast_in_dim3A_1745, %iota3A] : memref<512x32xf32, #tpu.memory_space<vmem>>[vector<16xi32>, vector<16xi32>], vector<16xf32>,
        %gather3A_1747 = tpu.vector_load_idx %arg6[%broadcast_in_dim3A_1745, %add3A_5] : memref<512x32xf32, #tpu.memory_space<vmem>>[vector<16xi32>, vector<16xi32>], vector<16xf32>,
        tpu.vector_store_idx %arg8[%iota3A, %broadcast_in_dim3A_1745], %gather3A_1746 : memref<32x513xf32, #tpu.memory_space<vmem>>[vector<16xi32>, vector<16xi32>], vector<16xf32>,
        tpu.vector_store_idx %arg8[%add3A_5, %broadcast_in_dim3A_1745], %gather3A_1747 : memref<32x513xf32, #tpu.memory_space<vmem>>[vector<16xi32>, vector<16xi32>], vector<16xf32>,
        %mul3A_1748 = arith.constant 16 : i32
        %mul3A_1749 = arith.muli %scan3A_1735, %mul3A_1748 : i32
        %add3A_1750 = arith.constant 2 : i32
        %add3A_1751 = arith.addi %mul3A_1749, %add3A_1750 : i32
        %broadcast_in_dim3A_1752 = vector.broadcast %add3A_1751 : i32 to vector<16xi32>
        %gather3A_1753 = tpu.vector_load_idx %arg6[%broadcast_in_dim3A_1752, %iota3A] : memref<512x32xf32, #tpu.memory_space<vmem>>[vector<16xi32>, vector<16xi32>], vector<16xf32>,
        %gather3A_1754 = tpu.vector_load_idx %arg6[%broadcast_in_dim3A_1752, %add3A_5] : memref<512x32xf32, #tpu.memory_space<vmem>>[vector<16xi32>, vector<16xi32>], vector<16xf32>,
        tpu.vector_store_idx %arg8[%iota3A, %broadcast_in_dim3A_1752], %gather3A_1753 : memref<32x513xf32, #tpu.memory_space<vmem>>[vector<16xi32>, vector<16xi32>], vector<16xf32>,
        tpu.vector_store_idx %arg8[%add3A_5, %broadcast_in_dim3A_1752], %gather3A_1754 : memref<32x513xf32, #tpu.memory_space<vmem>>[vector<16xi32>, vector<16xi32>], vector<16xf32>,
        %mul3A_1755 = arith.constant 16 : i32
        %mul3A_1756 = arith.muli %scan3A_1735, %mul3A_1755 : i32
        %add3A_1757 = arith.constant 3 : i32
        %add3A_1758 = arith.addi %mul3A_1756, %add3A_1757 : i32
        %broadcast_in_dim3A_1759 = vector.broadcast %add3A_1758 : i32 to vector<16xi32>
        %gather3A_1760 = tpu.vector_load_idx %arg6[%broadcast_in_dim3A_1759, %iota3A] : memref<512x32xf32, #tpu.memory_space<vmem>>[vector<16xi32>, vector<16xi32>], vector<16xf32>,
        %gather3A_1761 = tpu.vector_load_idx %arg6[%broadcast_in_dim3A_1759, %add3A_5] : memref<512x32xf32, #tpu.memory_space<vmem>>[vector<16xi32>, vector<16xi32>], vector<16xf32>,
        tpu.vector_store_idx %arg8[%iota3A, %broadcast_in_dim3A_1759], %gather3A_1760 : memref<32x513xf32, #tpu.memory_space<vmem>>[vector<16xi32>, vector<16xi32>], vector<16xf32>,
        tpu.vector_store_idx %arg8[%add3A_5, %broadcast_in_dim3A_1759], %gather3A_1761 : memref<32x513xf32, #tpu.memory_space<vmem>>[vector<16xi32>, vector<16xi32>], vector<16xf32>,
        %mul3A_1762 = arith.constant 16 : i32
        %mul3A_1763 = arith.muli %scan3A_1735, %mul3A_1762 : i32
        %add3A_1764 = arith.constant 4 : i32
        %add3A_1765 = arith.addi %mul3A_1763, %add3A_1764 : i32
        %broadcast_in_dim3A_1766 = vector.broadcast %add3A_1765 : i32 to vector<16xi32>
        %gather3A_1767 = tpu.vector_load_idx %arg6[%broadcast_in_dim3A_1766, %iota3A] : memref<512x32xf32, #tpu.memory_space<vmem>>[vector<16xi32>, vector<16xi32>], vector<16xf32>,
        %gather3A_1768 = tpu.vector_load_idx %arg6[%broadcast_in_dim3A_1766, %add3A_5] : memref<512x32xf32, #tpu.memory_space<vmem>>[vector<16xi32>, vector<16xi32>], vector<16xf32>,
        tpu.vector_store_idx %arg8[%iota3A, %broadcast_in_dim3A_1766], %gather3A_1767 : memref<32x513xf32, #tpu.memory_space<vmem>>[vector<16xi32>, vector<16xi32>], vector<16xf32>,
        tpu.vector_store_idx %arg8[%add3A_5, %broadcast_in_dim3A_1766], %gather3A_1768 : memref<32x513xf32, #tpu.memory_space<vmem>>[vector<16xi32>, vector<16xi32>], vector<16xf32>,
        %mul3A_1769 = arith.constant 16 : i32
        %mul3A_1770 = arith.muli %scan3A_1735, %mul3A_1769 : i32
        %add3A_1771 = arith.constant 5 : i32
        %add3A_1772 = arith.addi %mul3A_1770, %add3A_1771 : i32
        %broadcast_in_dim3A_1773 = vector.broadcast %add3A_1772 : i32 to vector<16xi32>
        %gather3A_1774 = tpu.vector_load_idx %arg6[%broadcast_in_dim3A_1773, %iota3A] : memref<512x32xf32, #tpu.memory_space<vmem>>[vector<16xi32>, vector<16xi32>], vector<16xf32>,
        %gather3A_1775 = tpu.vector_load_idx %arg6[%broadcast_in_dim3A_1773, %add3A_5] : memref<512x32xf32, #tpu.memory_space<vmem>>[vector<16xi32>, vector<16xi32>], vector<16xf32>,
        tpu.vector_store_idx %arg8[%iota3A, %broadcast_in_dim3A_1773], %gather3A_1774 : memref<32x513xf32, #tpu.memory_space<vmem>>[vector<16xi32>, vector<16xi32>], vector<16xf32>,
        tpu.vector_store_idx %arg8[%add3A_5, %broadcast_in_dim3A_1773], %gather3A_1775 : memref<32x513xf32, #tpu.memory_space<vmem>>[vector<16xi32>, vector<16xi32>], vector<16xf32>,
        %mul3A_1776 = arith.constant 16 : i32
        %mul3A_1777 = arith.muli %scan3A_1735, %mul3A_1776 : i32
        %add3A_1778 = arith.constant 6 : i32
        %add3A_1779 = arith.addi %mul3A_1777, %add3A_1778 : i32
        %broadcast_in_dim3A_1780 = vector.broadcast %add3A_1779 : i32 to vector<16xi32>
        %gather3A_1781 = tpu.vector_load_idx %arg6[%broadcast_in_dim3A_1780, %iota3A] : memref<512x32xf32, #tpu.memory_space<vmem>>[vector<16xi32>, vector<16xi32>], vector<16xf32>,
        %gather3A_1782 = tpu.vector_load_idx %arg6[%broadcast_in_dim3A_1780, %add3A_5] : memref<512x32xf32, #tpu.memory_space<vmem>>[vector<16xi32>, vector<16xi32>], vector<16xf32>,
        tpu.vector_store_idx %arg8[%iota3A, %broadcast_in_dim3A_1780], %gather3A_1781 : memref<32x513xf32, #tpu.memory_space<vmem>>[vector<16xi32>, vector<16xi32>], vector<16xf32>,
        tpu.vector_store_idx %arg8[%add3A_5, %broadcast_in_dim3A_1780], %gather3A_1782 : memref<32x513xf32, #tpu.memory_space<vmem>>[vector<16xi32>, vector<16xi32>], vector<16xf32>,
        %mul3A_1783 = arith.constant 16 : i32
        %mul3A_1784 = arith.muli %scan3A_1735, %mul3A_1783 : i32
        %add3A_1785 = arith.constant 7 : i32
        %add3A_1786 = arith.addi %mul3A_1784, %add3A_1785 : i32
        %broadcast_in_dim3A_1787 = vector.broadcast %add3A_1786 : i32 to vector<16xi32>
        %gather3A_1788 = tpu.vector_load_idx %arg6[%broadcast_in_dim3A_1787, %iota3A] : memref<512x32xf32, #tpu.memory_space<vmem>>[vector<16xi32>, vector<16xi32>], vector<16xf32>,
        %gather3A_1789 = tpu.vector_load_idx %arg6[%broadcast_in_dim3A_1787, %add3A_5] : memref<512x32xf32, #tpu.memory_space<vmem>>[vector<16xi32>, vector<16xi32>], vector<16xf32>,
        tpu.vector_store_idx %arg8[%iota3A, %broadcast_in_dim3A_1787], %gather3A_1788 : memref<32x513xf32, #tpu.memory_space<vmem>>[vector<16xi32>, vector<16xi32>], vector<16xf32>,
        tpu.vector_store_idx %arg8[%add3A_5, %broadcast_in_dim3A_1787], %gather3A_1789 : memref<32x513xf32, #tpu.memory_space<vmem>>[vector<16xi32>, vector<16xi32>], vector<16xf32>,
        %mul3A_1790 = arith.constant 16 : i32
        %mul3A_1791 = arith.muli %scan3A_1735, %mul3A_1790 : i32
        %add3A_1792 = arith.constant 8 : i32
        %add3A_1793 = arith.addi %mul3A_1791, %add3A_1792 : i32
        %broadcast_in_dim3A_1794 = vector.broadcast %add3A_1793 : i32 to vector<16xi32>
        %gather3A_1795 = tpu.vector_load_idx %arg6[%broadcast_in_dim3A_1794, %iota3A] : memref<512x32xf32, #tpu.memory_space<vmem>>[vector<16xi32>, vector<16xi32>], vector<16xf32>,
        %gather3A_1796 = tpu.vector_load_idx %arg6[%broadcast_in_dim3A_1794, %add3A_5] : memref<512x32xf32, #tpu.memory_space<vmem>>[vector<16xi32>, vector<16xi32>], vector<16xf32>,
        tpu.vector_store_idx %arg8[%iota3A, %broadcast_in_dim3A_1794], %gather3A_1795 : memref<32x513xf32, #tpu.memory_space<vmem>>[vector<16xi32>, vector<16xi32>], vector<16xf32>,
        tpu.vector_store_idx %arg8[%add3A_5, %broadcast_in_dim3A_1794], %gather3A_1796 : memref<32x513xf32, #tpu.memory_space<vmem>>[vector<16xi32>, vector<16xi32>], vector<16xf32>,
        %mul3A_1797 = arith.constant 16 : i32
        %mul3A_1798 = arith.muli %scan3A_1735, %mul3A_1797 : i32
        %add3A_1799 = arith.constant 9 : i32
        %add3A_1800 = arith.addi %mul3A_1798, %add3A_1799 : i32
        %broadcast_in_dim3A_1801 = vector.broadcast %add3A_1800 : i32 to vector<16xi32>
        %gather3A_1802 = tpu.vector_load_idx %arg6[%broadcast_in_dim3A_1801, %iota3A] : memref<512x32xf32, #tpu.memory_space<vmem>>[vector<16xi32>, vector<16xi32>], vector<16xf32>,
        %gather3A_1803 = tpu.vector_load_idx %arg6[%broadcast_in_dim3A_1801, %add3A_5] : memref<512x32xf32, #tpu.memory_space<vmem>>[vector<16xi32>, vector<16xi32>], vector<16xf32>,
        tpu.vector_store_idx %arg8[%iota3A, %broadcast_in_dim3A_1801], %gather3A_1802 : memref<32x513xf32, #tpu.memory_space<vmem>>[vector<16xi32>, vector<16xi32>], vector<16xf32>,
        tpu.vector_store_idx %arg8[%add3A_5, %broadcast_in_dim3A_1801], %gather3A_1803 : memref<32x513xf32, #tpu.memory_space<vmem>>[vector<16xi32>, vector<16xi32>], vector<16xf32>,
        %mul3A_1804 = arith.constant 16 : i32
        %mul3A_1805 = arith.muli %scan3A_1735, %mul3A_1804 : i32
        %add3A_1806 = arith.constant 10 : i32
        %add3A_1807 = arith.addi %mul3A_1805, %add3A_1806 : i32
        %broadcast_in_dim3A_1808 = vector.broadcast %add3A_1807 : i32 to vector<16xi32>
        %gather3A_1809 = tpu.vector_load_idx %arg6[%broadcast_in_dim3A_1808, %iota3A] : memref<512x32xf32, #tpu.memory_space<vmem>>[vector<16xi32>, vector<16xi32>], vector<16xf32>,
        %gather3A_1810 = tpu.vector_load_idx %arg6[%broadcast_in_dim3A_1808, %add3A_5] : memref<512x32xf32, #tpu.memory_space<vmem>>[vector<16xi32>, vector<16xi32>], vector<16xf32>,
        tpu.vector_store_idx %arg8[%iota3A, %broadcast_in_dim3A_1808], %gather3A_1809 : memref<32x513xf32, #tpu.memory_space<vmem>>[vector<16xi32>, vector<16xi32>], vector<16xf32>,
        tpu.vector_store_idx %arg8[%add3A_5, %broadcast_in_dim3A_1808], %gather3A_1810 : memref<32x513xf32, #tpu.memory_space<vmem>>[vector<16xi32>, vector<16xi32>], vector<16xf32>,
        %mul3A_1811 = arith.constant 16 : i32
        %mul3A_1812 = arith.muli %scan3A_1735, %mul3A_1811 : i32
        %add3A_1813 = arith.constant 11 : i32
        %add3A_1814 = arith.addi %mul3A_1812, %add3A_1813 : i32
        %broadcast_in_dim3A_1815 = vector.broadcast %add3A_1814 : i32 to vector<16xi32>
        %gather3A_1816 = tpu.vector_load_idx %arg6[%broadcast_in_dim3A_1815, %iota3A] : memref<512x32xf32, #tpu.memory_space<vmem>>[vector<16xi32>, vector<16xi32>], vector<16xf32>,
        %gather3A_1817 = tpu.vector_load_idx %arg6[%broadcast_in_dim3A_1815, %add3A_5] : memref<512x32xf32, #tpu.memory_space<vmem>>[vector<16xi32>, vector<16xi32>], vector<16xf32>,
        tpu.vector_store_idx %arg8[%iota3A, %broadcast_in_dim3A_1815], %gather3A_1816 : memref<32x513xf32, #tpu.memory_space<vmem>>[vector<16xi32>, vector<16xi32>], vector<16xf32>,
        tpu.vector_store_idx %arg8[%add3A_5, %broadcast_in_dim3A_1815], %gather3A_1817 : memref<32x513xf32, #tpu.memory_space<vmem>>[vector<16xi32>, vector<16xi32>], vector<16xf32>,
        %mul3A_1818 = arith.constant 16 : i32
        %mul3A_1819 = arith.muli %scan3A_1735, %mul3A_1818 : i32
        %add3A_1820 = arith.constant 12 : i32
        %add3A_1821 = arith.addi %mul3A_1819, %add3A_1820 : i32
        %broadcast_in_dim3A_1822 = vector.broadcast %add3A_1821 : i32 to vector<16xi32>
        %gather3A_1823 = tpu.vector_load_idx %arg6[%broadcast_in_dim3A_1822, %iota3A] : memref<512x32xf32, #tpu.memory_space<vmem>>[vector<16xi32>, vector<16xi32>], vector<16xf32>,
        %gather3A_1824 = tpu.vector_load_idx %arg6[%broadcast_in_dim3A_1822, %add3A_5] : memref<512x32xf32, #tpu.memory_space<vmem>>[vector<16xi32>, vector<16xi32>], vector<16xf32>,
        tpu.vector_store_idx %arg8[%iota3A, %broadcast_in_dim3A_1822], %gather3A_1823 : memref<32x513xf32, #tpu.memory_space<vmem>>[vector<16xi32>, vector<16xi32>], vector<16xf32>,
        tpu.vector_store_idx %arg8[%add3A_5, %broadcast_in_dim3A_1822], %gather3A_1824 : memref<32x513xf32, #tpu.memory_space<vmem>>[vector<16xi32>, vector<16xi32>], vector<16xf32>,
        %mul3A_1825 = arith.constant 16 : i32
        %mul3A_1826 = arith.muli %scan3A_1735, %mul3A_1825 : i32
        %add3A_1827 = arith.constant 13 : i32
        %add3A_1828 = arith.addi %mul3A_1826, %add3A_1827 : i32
        %broadcast_in_dim3A_1829 = vector.broadcast %add3A_1828 : i32 to vector<16xi32>
        %gather3A_1830 = tpu.vector_load_idx %arg6[%broadcast_in_dim3A_1829, %iota3A] : memref<512x32xf32, #tpu.memory_space<vmem>>[vector<16xi32>, vector<16xi32>], vector<16xf32>,
        %gather3A_1831 = tpu.vector_load_idx %arg6[%broadcast_in_dim3A_1829, %add3A_5] : memref<512x32xf32, #tpu.memory_space<vmem>>[vector<16xi32>, vector<16xi32>], vector<16xf32>,
        tpu.vector_store_idx %arg8[%iota3A, %broadcast_in_dim3A_1829], %gather3A_1830 : memref<32x513xf32, #tpu.memory_space<vmem>>[vector<16xi32>, vector<16xi32>], vector<16xf32>,
        tpu.vector_store_idx %arg8[%add3A_5, %broadcast_in_dim3A_1829], %gather3A_1831 : memref<32x513xf32, #tpu.memory_space<vmem>>[vector<16xi32>, vector<16xi32>], vector<16xf32>,
        %mul3A_1832 = arith.constant 16 : i32
        %mul3A_1833 = arith.muli %scan3A_1735, %mul3A_1832 : i32
        %add3A_1834 = arith.constant 14 : i32
        %add3A_1835 = arith.addi %mul3A_1833, %add3A_1834 : i32
        %broadcast_in_dim3A_1836 = vector.broadcast %add3A_1835 : i32 to vector<16xi32>
        %gather3A_1837 = tpu.vector_load_idx %arg6[%broadcast_in_dim3A_1836, %iota3A] : memref<512x32xf32, #tpu.memory_space<vmem>>[vector<16xi32>, vector<16xi32>], vector<16xf32>,
        %gather3A_1838 = tpu.vector_load_idx %arg6[%broadcast_in_dim3A_1836, %add3A_5] : memref<512x32xf32, #tpu.memory_space<vmem>>[vector<16xi32>, vector<16xi32>], vector<16xf32>,
        tpu.vector_store_idx %arg8[%iota3A, %broadcast_in_dim3A_1836], %gather3A_1837 : memref<32x513xf32, #tpu.memory_space<vmem>>[vector<16xi32>, vector<16xi32>], vector<16xf32>,
        tpu.vector_store_idx %arg8[%add3A_5, %broadcast_in_dim3A_1836], %gather3A_1838 : memref<32x513xf32, #tpu.memory_space<vmem>>[vector<16xi32>, vector<16xi32>], vector<16xf32>,
        %mul3A_1839 = arith.constant 16 : i32
        %mul3A_1840 = arith.muli %scan3A_1735, %mul3A_1839 : i32
        %add3A_1841 = arith.constant 15 : i32
        %add3A_1842 = arith.addi %mul3A_1840, %add3A_1841 : i32
        %broadcast_in_dim3A_1843 = vector.broadcast %add3A_1842 : i32 to vector<16xi32>
        %gather3A_1844 = tpu.vector_load_idx %arg6[%broadcast_in_dim3A_1843, %iota3A] : memref<512x32xf32, #tpu.memory_space<vmem>>[vector<16xi32>, vector<16xi32>], vector<16xf32>,
        %gather3A_1845 = tpu.vector_load_idx %arg6[%broadcast_in_dim3A_1843, %add3A_5] : memref<512x32xf32, #tpu.memory_space<vmem>>[vector<16xi32>, vector<16xi32>], vector<16xf32>,
        tpu.vector_store_idx %arg8[%iota3A, %broadcast_in_dim3A_1843], %gather3A_1844 : memref<32x513xf32, #tpu.memory_space<vmem>>[vector<16xi32>, vector<16xi32>], vector<16xf32>,
        tpu.vector_store_idx %arg8[%add3A_5, %broadcast_in_dim3A_1843], %gather3A_1845 : memref<32x513xf32, #tpu.memory_space<vmem>>[vector<16xi32>, vector<16xi32>], vector<16xf32>,
      }
      %scan3A_868 = arith.constant 32 : i32
      %jit3A_869 = arith.constant 8 : i32
      %div3A_870 = arith.divsi %add3A_848, %jit3A_869 : i32
      %sign3A_871 = arith.constant 0 : i32
      %sign3A_872 = arith.cmpi sgt, %add3A_848, %sign3A_871 : i32
      %sign3A_873 = arith.extui %sign3A_872 : i1 to i32
      %sign3A_874 = arith.constant 0 : i32
      %sign3A_875 = arith.cmpi slt, %add3A_848, %sign3A_874 : i32
      %sign3A_876 = arith.extui %sign3A_875 : i1 to i32
      %sign3A_877 = arith.subi %sign3A_873, %sign3A_876 : i32
      %sign3A_878 = arith.constant 0 : i32
      %sign3A_879 = arith.cmpi sgt, %jit3A_869, %sign3A_878 : i32
      %sign3A_880 = arith.extui %sign3A_879 : i1 to i32
      %sign3A_881 = arith.constant 0 : i32
      %sign3A_882 = arith.cmpi slt, %jit3A_869, %sign3A_881 : i32
      %sign3A_883 = arith.extui %sign3A_882 : i1 to i32
      %sign3A_884 = arith.subi %sign3A_880, %sign3A_883 : i32
      %ne3A_885 = arith.cmpi ne, %sign3A_877, %sign3A_884 : i32
      %rem3A_886 = arith.remsi %add3A_848, %jit3A_869 : i32
      %ne3A_887 = arith.constant 0 : i32
      %ne3A_888 = arith.cmpi ne, %rem3A_886, %ne3A_887 : i32
      %and3A_889 = arith.andi %ne3A_885, %ne3A_888 : i1
      %sub3A_890 = arith.constant 1 : i32
      %sub3A_891 = arith.subi %div3A_870, %sub3A_890 : i32
      %select_n3A_892 = arith.select %and3A_889, %sub3A_891, %div3A_870 : i32
      %jit3A_893 = arith.constant 8 : i32
      %eq3A_894 = arith.constant 0 : i32
      %eq3A_895 = arith.cmpi eq, %jit3A_893, %eq3A_894 : i32
      %jit3A_896 = arith.constant 1 : i32
      %select_n3A_897 = arith.select %eq3A_895, %jit3A_896, %jit3A_893 : i32
      %rem3A_898 = arith.remsi %add3A_848, %select_n3A_897 : i32
      %ne3A_899 = arith.constant 0 : i32
      %ne3A_900 = arith.cmpi ne, %rem3A_898, %ne3A_899 : i32
      %lt3A_901 = arith.constant 0 : i32
      %lt3A_902 = arith.cmpi slt, %rem3A_898, %lt3A_901 : i32
      %lt3A_903 = arith.constant 0 : i32
      %lt3A_904 = arith.cmpi slt, %select_n3A_897, %lt3A_903 : i32
      %ne3A_905 = arith.xori %lt3A_902, %lt3A_904 : i1
      %and3A_906 = arith.andi %ne3A_905, %ne3A_900 : i1
      %add3A_907 = arith.addi %rem3A_898, %select_n3A_897 : i32
      %select_n3A_908 = arith.select %and3A_906, %add3A_907, %rem3A_898 : i32
      %mul3A_909 = arith.constant 4 : i32
      %mul3A_910 = arith.muli %select_n3A_908, %mul3A_909 : i32
      %add3A_911 = arith.constant 0 : i32
      %add3A_912 = arith.addi %add3A_911, %mul3A_910 : i32
      %add3A_913 = arith.constant 0 : i32
      %add3A_914 = arith.addi %add3A_912, %add3A_913 : i32
      %mul3A_915 = arith.constant 32 : i32
      %mul3A_916 = arith.muli %select_n3A_892, %mul3A_915 : i32
      %mul3A_917 = arith.constant 4 : i32
      %mul3A_918 = arith.muli %mul3A_916, %mul3A_917 : i32
      %add3A_919 = arith.addi %mul3A_918, %add3A_914 : i32
      %mul3A_920 = arith.constant 8 : i32
      %mul3A_921 = arith.muli %add3A_919, %mul3A_920 : i32
      %dma_start3A_922 = arith.constant 0 : i32
      %dma_start3A_923 = arith.constant 0 : i32
      %dma_start3A_924 = tpu.memref_slice %arg8[%dma_start3A_922, %dma_start3A_923] : memref<32x513xf32, #tpu.memory_space<vmem>> -> memref<8x128xf32, #tpu.memory_space<vmem>>
      %dma_start3A_925 = arith.constant 0 : i32
      %dma_start3A_926 = tpu.memref_slice %arg4[%mul3A_921, %dma_start3A_925] : memref<204800x128xf32, #tpu.memory_space<hbm>> -> memref<8x128xf32, #tpu.memory_space<hbm>>
      %dma_start3A_927 = arith.constant 0 : i32
      %dma_start3A_928 = tpu.memref_slice %arg4[%mul3A_921, %dma_start3A_927] : memref<204800x128xf32, #tpu.memory_space<hbm>> -> memref<8x128xf32, #tpu.memory_space<hbm>>
      %dma_start3A_929 = arith.constant 0 : i32
      %dma_start3A_930 = arith.constant 0 : i32
      %dma_start3A_931 = tpu.memref_slice %arg8[%dma_start3A_929, %dma_start3A_930] : memref<32x513xf32, #tpu.memory_space<vmem>> -> memref<8x128xf32, #tpu.memory_space<vmem>>
      tpu.enqueue_dma source(%dma_start3A_931 : memref<8x128xf32, #tpu.memory_space<vmem>>) target(%dma_start3A_928 : memref<8x128xf32, #tpu.memory_space<hbm>>) target_semaphore(%arg12 : memref<!tpu.dma_semaphore, #tpu.memory_space<semaphore_mem>>)
      %mul3A_932 = arith.constant 4 : i32
      %mul3A_933 = arith.muli %select_n3A_908, %mul3A_932 : i32
      %add3A_934 = arith.constant 0 : i32
      %add3A_935 = arith.addi %add3A_934, %mul3A_933 : i32
      %add3A_936 = arith.constant 1 : i32
      %add3A_937 = arith.addi %add3A_935, %add3A_936 : i32
      %mul3A_938 = arith.constant 32 : i32
      %mul3A_939 = arith.muli %select_n3A_892, %mul3A_938 : i32
      %mul3A_940 = arith.constant 4 : i32
      %mul3A_941 = arith.muli %mul3A_939, %mul3A_940 : i32
      %add3A_942 = arith.addi %mul3A_941, %add3A_937 : i32
      %mul3A_943 = arith.constant 8 : i32
      %mul3A_944 = arith.muli %add3A_942, %mul3A_943 : i32
      %dma_start3A_945 = arith.constant 0 : i32
      %dma_start3A_946 = arith.constant 128 : i32
      %dma_start3A_947 = tpu.memref_slice %arg8[%dma_start3A_945, %dma_start3A_946] : memref<32x513xf32, #tpu.memory_space<vmem>> -> memref<8x128xf32, #tpu.memory_space<vmem>>
      %dma_start3A_948 = arith.constant 0 : i32
      %dma_start3A_949 = tpu.memref_slice %arg4[%mul3A_944, %dma_start3A_948] : memref<204800x128xf32, #tpu.memory_space<hbm>> -> memref<8x128xf32, #tpu.memory_space<hbm>>
      %dma_start3A_950 = arith.constant 0 : i32
      %dma_start3A_951 = tpu.memref_slice %arg4[%mul3A_944, %dma_start3A_950] : memref<204800x128xf32, #tpu.memory_space<hbm>> -> memref<8x128xf32, #tpu.memory_space<hbm>>
      %dma_start3A_952 = arith.constant 0 : i32
      %dma_start3A_953 = arith.constant 128 : i32
      %dma_start3A_954 = tpu.memref_slice %arg8[%dma_start3A_952, %dma_start3A_953] : memref<32x513xf32, #tpu.memory_space<vmem>> -> memref<8x128xf32, #tpu.memory_space<vmem>>
      tpu.enqueue_dma source(%dma_start3A_954 : memref<8x128xf32, #tpu.memory_space<vmem>>) target(%dma_start3A_951 : memref<8x128xf32, #tpu.memory_space<hbm>>) target_semaphore(%arg12 : memref<!tpu.dma_semaphore, #tpu.memory_space<semaphore_mem>>)
      %mul3A_955 = arith.constant 4 : i32
      %mul3A_956 = arith.muli %select_n3A_908, %mul3A_955 : i32
      %add3A_957 = arith.constant 0 : i32
      %add3A_958 = arith.addi %add3A_957, %mul3A_956 : i32
      %add3A_959 = arith.constant 2 : i32
      %add3A_960 = arith.addi %add3A_958, %add3A_959 : i32
      %mul3A_961 = arith.constant 32 : i32
      %mul3A_962 = arith.muli %select_n3A_892, %mul3A_961 : i32
      %mul3A_963 = arith.constant 4 : i32
      %mul3A_964 = arith.muli %mul3A_962, %mul3A_963 : i32
      %add3A_965 = arith.addi %mul3A_964, %add3A_960 : i32
      %mul3A_966 = arith.constant 8 : i32
      %mul3A_967 = arith.muli %add3A_965, %mul3A_966 : i32
      %dma_start3A_968 = arith.constant 0 : i32
      %dma_start3A_969 = arith.constant 256 : i32
      %dma_start3A_970 = tpu.memref_slice %arg8[%dma_start3A_968, %dma_start3A_969] : memref<32x513xf32, #tpu.memory_space<vmem>> -> memref<8x128xf32, #tpu.memory_space<vmem>>
      %dma_start3A_971 = arith.constant 0 : i32
      %dma_start3A_972 = tpu.memref_slice %arg4[%mul3A_967, %dma_start3A_971] : memref<204800x128xf32, #tpu.memory_space<hbm>> -> memref<8x128xf32, #tpu.memory_space<hbm>>
      %dma_start3A_973 = arith.constant 0 : i32
      %dma_start3A_974 = tpu.memref_slice %arg4[%mul3A_967, %dma_start3A_973] : memref<204800x128xf32, #tpu.memory_space<hbm>> -> memref<8x128xf32, #tpu.memory_space<hbm>>
      %dma_start3A_975 = arith.constant 0 : i32
      %dma_start3A_976 = arith.constant 256 : i32
      %dma_start3A_977 = tpu.memref_slice %arg8[%dma_start3A_975, %dma_start3A_976] : memref<32x513xf32, #tpu.memory_space<vmem>> -> memref<8x128xf32, #tpu.memory_space<vmem>>
      tpu.enqueue_dma source(%dma_start3A_977 : memref<8x128xf32, #tpu.memory_space<vmem>>) target(%dma_start3A_974 : memref<8x128xf32, #tpu.memory_space<hbm>>) target_semaphore(%arg12 : memref<!tpu.dma_semaphore, #tpu.memory_space<semaphore_mem>>)
      %mul3A_978 = arith.constant 4 : i32
      %mul3A_979 = arith.muli %select_n3A_908, %mul3A_978 : i32
      %add3A_980 = arith.constant 0 : i32
      %add3A_981 = arith.addi %add3A_980, %mul3A_979 : i32
      %add3A_982 = arith.constant 3 : i32
      %add3A_983 = arith.addi %add3A_981, %add3A_982 : i32
      %mul3A_984 = arith.constant 32 : i32
      %mul3A_985 = arith.muli %select_n3A_892, %mul3A_984 : i32
      %mul3A_986 = arith.constant 4 : i32
      %mul3A_987 = arith.muli %mul3A_985, %mul3A_986 : i32
      %add3A_988 = arith.addi %mul3A_987, %add3A_983 : i32
      %mul3A_989 = arith.constant 8 : i32
      %mul3A_990 = arith.muli %add3A_988, %mul3A_989 : i32
      %dma_start3A_991 = arith.constant 0 : i32
      %dma_start3A_992 = arith.constant 384 : i32
      %dma_start3A_993 = tpu.memref_slice %arg8[%dma_start3A_991, %dma_start3A_992] : memref<32x513xf32, #tpu.memory_space<vmem>> -> memref<8x128xf32, #tpu.memory_space<vmem>>
      %dma_start3A_994 = arith.constant 0 : i32
      %dma_start3A_995 = tpu.memref_slice %arg4[%mul3A_990, %dma_start3A_994] : memref<204800x128xf32, #tpu.memory_space<hbm>> -> memref<8x128xf32, #tpu.memory_space<hbm>>
      %dma_start3A_996 = arith.constant 0 : i32
      %dma_start3A_997 = tpu.memref_slice %arg4[%mul3A_990, %dma_start3A_996] : memref<204800x128xf32, #tpu.memory_space<hbm>> -> memref<8x128xf32, #tpu.memory_space<hbm>>
      %dma_start3A_998 = arith.constant 0 : i32
      %dma_start3A_999 = arith.constant 384 : i32
      %dma_start3A_1000 = tpu.memref_slice %arg8[%dma_start3A_998, %dma_start3A_999] : memref<32x513xf32, #tpu.memory_space<vmem>> -> memref<8x128xf32, #tpu.memory_space<vmem>>
      tpu.enqueue_dma source(%dma_start3A_1000 : memref<8x128xf32, #tpu.memory_space<vmem>>) target(%dma_start3A_997 : memref<8x128xf32, #tpu.memory_space<hbm>>) target_semaphore(%arg12 : memref<!tpu.dma_semaphore, #tpu.memory_space<semaphore_mem>>)
      %mul3A_1001 = arith.constant 4 : i32
      %mul3A_1002 = arith.muli %select_n3A_908, %mul3A_1001 : i32
      %add3A_1003 = arith.constant 32 : i32
      %add3A_1004 = arith.addi %add3A_1003, %mul3A_1002 : i32
      %add3A_1005 = arith.constant 0 : i32
      %add3A_1006 = arith.addi %add3A_1004, %add3A_1005 : i32
      %mul3A_1007 = arith.constant 32 : i32
      %mul3A_1008 = arith.muli %select_n3A_892, %mul3A_1007 : i32
      %mul3A_1009 = arith.constant 4 : i32
      %mul3A_1010 = arith.muli %mul3A_1008, %mul3A_1009 : i32
      %add3A_1011 = arith.addi %mul3A_1010, %add3A_1006 : i32
      %mul3A_1012 = arith.constant 8 : i32
      %mul3A_1013 = arith.muli %add3A_1011, %mul3A_1012 : i32
      %dma_start3A_1014 = arith.constant 8 : i32
      %dma_start3A_1015 = arith.constant 0 : i32
      %dma_start3A_1016 = tpu.memref_slice %arg8[%dma_start3A_1014, %dma_start3A_1015] : memref<32x513xf32, #tpu.memory_space<vmem>> -> memref<8x128xf32, #tpu.memory_space<vmem>>
      %dma_start3A_1017 = arith.constant 0 : i32
      %dma_start3A_1018 = tpu.memref_slice %arg4[%mul3A_1013, %dma_start3A_1017] : memref<204800x128xf32, #tpu.memory_space<hbm>> -> memref<8x128xf32, #tpu.memory_space<hbm>>
      %dma_start3A_1019 = arith.constant 0 : i32
      %dma_start3A_1020 = tpu.memref_slice %arg4[%mul3A_1013, %dma_start3A_1019] : memref<204800x128xf32, #tpu.memory_space<hbm>> -> memref<8x128xf32, #tpu.memory_space<hbm>>
      %dma_start3A_1021 = arith.constant 8 : i32
      %dma_start3A_1022 = arith.constant 0 : i32
      %dma_start3A_1023 = tpu.memref_slice %arg8[%dma_start3A_1021, %dma_start3A_1022] : memref<32x513xf32, #tpu.memory_space<vmem>> -> memref<8x128xf32, #tpu.memory_space<vmem>>
      tpu.enqueue_dma source(%dma_start3A_1023 : memref<8x128xf32, #tpu.memory_space<vmem>>) target(%dma_start3A_1020 : memref<8x128xf32, #tpu.memory_space<hbm>>) target_semaphore(%arg12 : memref<!tpu.dma_semaphore, #tpu.memory_space<semaphore_mem>>)
      %mul3A_1024 = arith.constant 4 : i32
      %mul3A_1025 = arith.muli %select_n3A_908, %mul3A_1024 : i32
      %add3A_1026 = arith.constant 32 : i32
      %add3A_1027 = arith.addi %add3A_1026, %mul3A_1025 : i32
      %add3A_1028 = arith.constant 1 : i32
      %add3A_1029 = arith.addi %add3A_1027, %add3A_1028 : i32
      %mul3A_1030 = arith.constant 32 : i32
      %mul3A_1031 = arith.muli %select_n3A_892, %mul3A_1030 : i32
      %mul3A_1032 = arith.constant 4 : i32
      %mul3A_1033 = arith.muli %mul3A_1031, %mul3A_1032 : i32
      %add3A_1034 = arith.addi %mul3A_1033, %add3A_1029 : i32
      %mul3A_1035 = arith.constant 8 : i32
      %mul3A_1036 = arith.muli %add3A_1034, %mul3A_1035 : i32
      %dma_start3A_1037 = arith.constant 8 : i32
      %dma_start3A_1038 = arith.constant 128 : i32
      %dma_start3A_1039 = tpu.memref_slice %arg8[%dma_start3A_1037, %dma_start3A_1038] : memref<32x513xf32, #tpu.memory_space<vmem>> -> memref<8x128xf32, #tpu.memory_space<vmem>>
      %dma_start3A_1040 = arith.constant 0 : i32
      %dma_start3A_1041 = tpu.memref_slice %arg4[%mul3A_1036, %dma_start3A_1040] : memref<204800x128xf32, #tpu.memory_space<hbm>> -> memref<8x128xf32, #tpu.memory_space<hbm>>
      %dma_start3A_1042 = arith.constant 0 : i32
      %dma_start3A_1043 = tpu.memref_slice %arg4[%mul3A_1036, %dma_start3A_1042] : memref<204800x128xf32, #tpu.memory_space<hbm>> -> memref<8x128xf32, #tpu.memory_space<hbm>>
      %dma_start3A_1044 = arith.constant 8 : i32
      %dma_start3A_1045 = arith.constant 128 : i32
      %dma_start3A_1046 = tpu.memref_slice %arg8[%dma_start3A_1044, %dma_start3A_1045] : memref<32x513xf32, #tpu.memory_space<vmem>> -> memref<8x128xf32, #tpu.memory_space<vmem>>
      tpu.enqueue_dma source(%dma_start3A_1046 : memref<8x128xf32, #tpu.memory_space<vmem>>) target(%dma_start3A_1043 : memref<8x128xf32, #tpu.memory_space<hbm>>) target_semaphore(%arg12 : memref<!tpu.dma_semaphore, #tpu.memory_space<semaphore_mem>>)
      %mul3A_1047 = arith.constant 4 : i32
      %mul3A_1048 = arith.muli %select_n3A_908, %mul3A_1047 : i32
      %add3A_1049 = arith.constant 32 : i32
      %add3A_1050 = arith.addi %add3A_1049, %mul3A_1048 : i32
      %add3A_1051 = arith.constant 2 : i32
      %add3A_1052 = arith.addi %add3A_1050, %add3A_1051 : i32
      %mul3A_1053 = arith.constant 32 : i32
      %mul3A_1054 = arith.muli %select_n3A_892, %mul3A_1053 : i32
      %mul3A_1055 = arith.constant 4 : i32
      %mul3A_1056 = arith.muli %mul3A_1054, %mul3A_1055 : i32
      %add3A_1057 = arith.addi %mul3A_1056, %add3A_1052 : i32
      %mul3A_1058 = arith.constant 8 : i32
      %mul3A_1059 = arith.muli %add3A_1057, %mul3A_1058 : i32
      %dma_start3A_1060 = arith.constant 8 : i32
      %dma_start3A_1061 = arith.constant 256 : i32
      %dma_start3A_1062 = tpu.memref_slice %arg8[%dma_start3A_1060, %dma_start3A_1061] : memref<32x513xf32, #tpu.memory_space<vmem>> -> memref<8x128xf32, #tpu.memory_space<vmem>>
      %dma_start3A_1063 = arith.constant 0 : i32
      %dma_start3A_1064 = tpu.memref_slice %arg4[%mul3A_1059, %dma_start3A_1063] : memref<204800x128xf32, #tpu.memory_space<hbm>> -> memref<8x128xf32, #tpu.memory_space<hbm>>
      %dma_start3A_1065 = arith.constant 0 : i32
      %dma_start3A_1066 = tpu.memref_slice %arg4[%mul3A_1059, %dma_start3A_1065] : memref<204800x128xf32, #tpu.memory_space<hbm>> -> memref<8x128xf32, #tpu.memory_space<hbm>>
      %dma_start3A_1067 = arith.constant 8 : i32
      %dma_start3A_1068 = arith.constant 256 : i32
      %dma_start3A_1069 = tpu.memref_slice %arg8[%dma_start3A_1067, %dma_start3A_1068] : memref<32x513xf32, #tpu.memory_space<vmem>> -> memref<8x128xf32, #tpu.memory_space<vmem>>
      tpu.enqueue_dma source(%dma_start3A_1069 : memref<8x128xf32, #tpu.memory_space<vmem>>) target(%dma_start3A_1066 : memref<8x128xf32, #tpu.memory_space<hbm>>) target_semaphore(%arg12 : memref<!tpu.dma_semaphore, #tpu.memory_space<semaphore_mem>>)
      %mul3A_1070 = arith.constant 4 : i32
      %mul3A_1071 = arith.muli %select_n3A_908, %mul3A_1070 : i32
      %add3A_1072 = arith.constant 32 : i32
      %add3A_1073 = arith.addi %add3A_1072, %mul3A_1071 : i32
      %add3A_1074 = arith.constant 3 : i32
      %add3A_1075 = arith.addi %add3A_1073, %add3A_1074 : i32
      %mul3A_1076 = arith.constant 32 : i32
      %mul3A_1077 = arith.muli %select_n3A_892, %mul3A_1076 : i32
      %mul3A_1078 = arith.constant 4 : i32
      %mul3A_1079 = arith.muli %mul3A_1077, %mul3A_1078 : i32
      %add3A_1080 = arith.addi %mul3A_1079, %add3A_1075 : i32
      %mul3A_1081 = arith.constant 8 : i32
      %mul3A_1082 = arith.muli %add3A_1080, %mul3A_1081 : i32
      %dma_start3A_1083 = arith.constant 8 : i32
      %dma_start3A_1084 = arith.constant 384 : i32
      %dma_start3A_1085 = tpu.memref_slice %arg8[%dma_start3A_1083, %dma_start3A_1084] : memref<32x513xf32, #tpu.memory_space<vmem>> -> memref<8x128xf32, #tpu.memory_space<vmem>>
      %dma_start3A_1086 = arith.constant 0 : i32
      %dma_start3A_1087 = tpu.memref_slice %arg4[%mul3A_1082, %dma_start3A_1086] : memref<204800x128xf32, #tpu.memory_space<hbm>> -> memref<8x128xf32, #tpu.memory_space<hbm>>
      %dma_start3A_1088 = arith.constant 0 : i32
      %dma_start3A_1089 = tpu.memref_slice %arg4[%mul3A_1082, %dma_start3A_1088] : memref<204800x128xf32, #tpu.memory_space<hbm>> -> memref<8x128xf32, #tpu.memory_space<hbm>>
      %dma_start3A_1090 = arith.constant 8 : i32
      %dma_start3A_1091 = arith.constant 384 : i32
      %dma_start3A_1092 = tpu.memref_slice %arg8[%dma_start3A_1090, %dma_start3A_1091] : memref<32x513xf32, #tpu.memory_space<vmem>> -> memref<8x128xf32, #tpu.memory_space<vmem>>
      tpu.enqueue_dma source(%dma_start3A_1092 : memref<8x128xf32, #tpu.memory_space<vmem>>) target(%dma_start3A_1089 : memref<8x128xf32, #tpu.memory_space<hbm>>) target_semaphore(%arg12 : memref<!tpu.dma_semaphore, #tpu.memory_space<semaphore_mem>>)
      %mul3A_1093 = arith.constant 4 : i32
      %mul3A_1094 = arith.muli %select_n3A_908, %mul3A_1093 : i32
      %add3A_1095 = arith.constant 64 : i32
      %add3A_1096 = arith.addi %add3A_1095, %mul3A_1094 : i32
      %add3A_1097 = arith.constant 0 : i32
      %add3A_1098 = arith.addi %add3A_1096, %add3A_1097 : i32
      %mul3A_1099 = arith.constant 32 : i32
      %mul3A_1100 = arith.muli %select_n3A_892, %mul3A_1099 : i32
      %mul3A_1101 = arith.constant 4 : i32
      %mul3A_1102 = arith.muli %mul3A_1100, %mul3A_1101 : i32
      %add3A_1103 = arith.addi %mul3A_1102, %add3A_1098 : i32
      %mul3A_1104 = arith.constant 8 : i32
      %mul3A_1105 = arith.muli %add3A_1103, %mul3A_1104 : i32
      %dma_start3A_1106 = arith.constant 16 : i32
      %dma_start3A_1107 = arith.constant 0 : i32
      %dma_start3A_1108 = tpu.memref_slice %arg8[%dma_start3A_1106, %dma_start3A_1107] : memref<32x513xf32, #tpu.memory_space<vmem>> -> memref<8x128xf32, #tpu.memory_space<vmem>>
      %dma_start3A_1109 = arith.constant 0 : i32
      %dma_start3A_1110 = tpu.memref_slice %arg4[%mul3A_1105, %dma_start3A_1109] : memref<204800x128xf32, #tpu.memory_space<hbm>> -> memref<8x128xf32, #tpu.memory_space<hbm>>
      %dma_start3A_1111 = arith.constant 0 : i32
      %dma_start3A_1112 = tpu.memref_slice %arg4[%mul3A_1105, %dma_start3A_1111] : memref<204800x128xf32, #tpu.memory_space<hbm>> -> memref<8x128xf32, #tpu.memory_space<hbm>>
      %dma_start3A_1113 = arith.constant 16 : i32
      %dma_start3A_1114 = arith.constant 0 : i32
      %dma_start3A_1115 = tpu.memref_slice %arg8[%dma_start3A_1113, %dma_start3A_1114] : memref<32x513xf32, #tpu.memory_space<vmem>> -> memref<8x128xf32, #tpu.memory_space<vmem>>
      tpu.enqueue_dma source(%dma_start3A_1115 : memref<8x128xf32, #tpu.memory_space<vmem>>) target(%dma_start3A_1112 : memref<8x128xf32, #tpu.memory_space<hbm>>) target_semaphore(%arg12 : memref<!tpu.dma_semaphore, #tpu.memory_space<semaphore_mem>>)
      %mul3A_1116 = arith.constant 4 : i32
      %mul3A_1117 = arith.muli %select_n3A_908, %mul3A_1116 : i32
      %add3A_1118 = arith.constant 64 : i32
      %add3A_1119 = arith.addi %add3A_1118, %mul3A_1117 : i32
      %add3A_1120 = arith.constant 1 : i32
      %add3A_1121 = arith.addi %add3A_1119, %add3A_1120 : i32
      %mul3A_1122 = arith.constant 32 : i32
      %mul3A_1123 = arith.muli %select_n3A_892, %mul3A_1122 : i32
      %mul3A_1124 = arith.constant 4 : i32
      %mul3A_1125 = arith.muli %mul3A_1123, %mul3A_1124 : i32
      %add3A_1126 = arith.addi %mul3A_1125, %add3A_1121 : i32
      %mul3A_1127 = arith.constant 8 : i32
      %mul3A_1128 = arith.muli %add3A_1126, %mul3A_1127 : i32
      %dma_start3A_1129 = arith.constant 16 : i32
      %dma_start3A_1130 = arith.constant 128 : i32
      %dma_start3A_1131 = tpu.memref_slice %arg8[%dma_start3A_1129, %dma_start3A_1130] : memref<32x513xf32, #tpu.memory_space<vmem>> -> memref<8x128xf32, #tpu.memory_space<vmem>>
      %dma_start3A_1132 = arith.constant 0 : i32
      %dma_start3A_1133 = tpu.memref_slice %arg4[%mul3A_1128, %dma_start3A_1132] : memref<204800x128xf32, #tpu.memory_space<hbm>> -> memref<8x128xf32, #tpu.memory_space<hbm>>
      %dma_start3A_1134 = arith.constant 0 : i32
      %dma_start3A_1135 = tpu.memref_slice %arg4[%mul3A_1128, %dma_start3A_1134] : memref<204800x128xf32, #tpu.memory_space<hbm>> -> memref<8x128xf32, #tpu.memory_space<hbm>>
      %dma_start3A_1136 = arith.constant 16 : i32
      %dma_start3A_1137 = arith.constant 128 : i32
      %dma_start3A_1138 = tpu.memref_slice %arg8[%dma_start3A_1136, %dma_start3A_1137] : memref<32x513xf32, #tpu.memory_space<vmem>> -> memref<8x128xf32, #tpu.memory_space<vmem>>
      tpu.enqueue_dma source(%dma_start3A_1138 : memref<8x128xf32, #tpu.memory_space<vmem>>) target(%dma_start3A_1135 : memref<8x128xf32, #tpu.memory_space<hbm>>) target_semaphore(%arg12 : memref<!tpu.dma_semaphore, #tpu.memory_space<semaphore_mem>>)
      %mul3A_1139 = arith.constant 4 : i32
      %mul3A_1140 = arith.muli %select_n3A_908, %mul3A_1139 : i32
      %add3A_1141 = arith.constant 64 : i32
      %add3A_1142 = arith.addi %add3A_1141, %mul3A_1140 : i32
      %add3A_1143 = arith.constant 2 : i32
      %add3A_1144 = arith.addi %add3A_1142, %add3A_1143 : i32
      %mul3A_1145 = arith.constant 32 : i32
      %mul3A_1146 = arith.muli %select_n3A_892, %mul3A_1145 : i32
      %mul3A_1147 = arith.constant 4 : i32
      %mul3A_1148 = arith.muli %mul3A_1146, %mul3A_1147 : i32
      %add3A_1149 = arith.addi %mul3A_1148, %add3A_1144 : i32
      %mul3A_1150 = arith.constant 8 : i32
      %mul3A_1151 = arith.muli %add3A_1149, %mul3A_1150 : i32
      %dma_start3A_1152 = arith.constant 16 : i32
      %dma_start3A_1153 = arith.constant 256 : i32
      %dma_start3A_1154 = tpu.memref_slice %arg8[%dma_start3A_1152, %dma_start3A_1153] : memref<32x513xf32, #tpu.memory_space<vmem>> -> memref<8x128xf32, #tpu.memory_space<vmem>>
      %dma_start3A_1155 = arith.constant 0 : i32
      %dma_start3A_1156 = tpu.memref_slice %arg4[%mul3A_1151, %dma_start3A_1155] : memref<204800x128xf32, #tpu.memory_space<hbm>> -> memref<8x128xf32, #tpu.memory_space<hbm>>
      %dma_start3A_1157 = arith.constant 0 : i32
      %dma_start3A_1158 = tpu.memref_slice %arg4[%mul3A_1151, %dma_start3A_1157] : memref<204800x128xf32, #tpu.memory_space<hbm>> -> memref<8x128xf32, #tpu.memory_space<hbm>>
      %dma_start3A_1159 = arith.constant 16 : i32
      %dma_start3A_1160 = arith.constant 256 : i32
      %dma_start3A_1161 = tpu.memref_slice %arg8[%dma_start3A_1159, %dma_start3A_1160] : memref<32x513xf32, #tpu.memory_space<vmem>> -> memref<8x128xf32, #tpu.memory_space<vmem>>
      tpu.enqueue_dma source(%dma_start3A_1161 : memref<8x128xf32, #tpu.memory_space<vmem>>) target(%dma_start3A_1158 : memref<8x128xf32, #tpu.memory_space<hbm>>) target_semaphore(%arg12 : memref<!tpu.dma_semaphore, #tpu.memory_space<semaphore_mem>>)
      %mul3A_1162 = arith.constant 4 : i32
      %mul3A_1163 = arith.muli %select_n3A_908, %mul3A_1162 : i32
      %add3A_1164 = arith.constant 64 : i32
      %add3A_1165 = arith.addi %add3A_1164, %mul3A_1163 : i32
      %add3A_1166 = arith.constant 3 : i32
      %add3A_1167 = arith.addi %add3A_1165, %add3A_1166 : i32
      %mul3A_1168 = arith.constant 32 : i32
      %mul3A_1169 = arith.muli %select_n3A_892, %mul3A_1168 : i32
      %mul3A_1170 = arith.constant 4 : i32
      %mul3A_1171 = arith.muli %mul3A_1169, %mul3A_1170 : i32
      %add3A_1172 = arith.addi %mul3A_1171, %add3A_1167 : i32
      %mul3A_1173 = arith.constant 8 : i32
      %mul3A_1174 = arith.muli %add3A_1172, %mul3A_1173 : i32
      %dma_start3A_1175 = arith.constant 16 : i32
      %dma_start3A_1176 = arith.constant 384 : i32
      %dma_start3A_1177 = tpu.memref_slice %arg8[%dma_start3A_1175, %dma_start3A_1176] : memref<32x513xf32, #tpu.memory_space<vmem>> -> memref<8x128xf32, #tpu.memory_space<vmem>>
      %dma_start3A_1178 = arith.constant 0 : i32
      %dma_start3A_1179 = tpu.memref_slice %arg4[%mul3A_1174, %dma_start3A_1178] : memref<204800x128xf32, #tpu.memory_space<hbm>> -> memref<8x128xf32, #tpu.memory_space<hbm>>
      %dma_start3A_1180 = arith.constant 0 : i32
      %dma_start3A_1181 = tpu.memref_slice %arg4[%mul3A_1174, %dma_start3A_1180] : memref<204800x128xf32, #tpu.memory_space<hbm>> -> memref<8x128xf32, #tpu.memory_space<hbm>>
      %dma_start3A_1182 = arith.constant 16 : i32
      %dma_start3A_1183 = arith.constant 384 : i32
      %dma_start3A_1184 = tpu.memref_slice %arg8[%dma_start3A_1182, %dma_start3A_1183] : memref<32x513xf32, #tpu.memory_space<vmem>> -> memref<8x128xf32, #tpu.memory_space<vmem>>
      tpu.enqueue_dma source(%dma_start3A_1184 : memref<8x128xf32, #tpu.memory_space<vmem>>) target(%dma_start3A_1181 : memref<8x128xf32, #tpu.memory_space<hbm>>) target_semaphore(%arg12 : memref<!tpu.dma_semaphore, #tpu.memory_space<semaphore_mem>>)
      %mul3A_1185 = arith.constant 4 : i32
      %mul3A_1186 = arith.muli %select_n3A_908, %mul3A_1185 : i32
      %add3A_1187 = arith.constant 96 : i32
      %add3A_1188 = arith.addi %add3A_1187, %mul3A_1186 : i32
      %add3A_1189 = arith.constant 0 : i32
      %add3A_1190 = arith.addi %add3A_1188, %add3A_1189 : i32
      %mul3A_1191 = arith.constant 32 : i32
      %mul3A_1192 = arith.muli %select_n3A_892, %mul3A_1191 : i32
      %mul3A_1193 = arith.constant 4 : i32
      %mul3A_1194 = arith.muli %mul3A_1192, %mul3A_1193 : i32
      %add3A_1195 = arith.addi %mul3A_1194, %add3A_1190 : i32
      %mul3A_1196 = arith.constant 8 : i32
      %mul3A_1197 = arith.muli %add3A_1195, %mul3A_1196 : i32
      %dma_start3A_1198 = arith.constant 24 : i32
      %dma_start3A_1199 = arith.constant 0 : i32
      %dma_start3A_1200 = tpu.memref_slice %arg8[%dma_start3A_1198, %dma_start3A_1199] : memref<32x513xf32, #tpu.memory_space<vmem>> -> memref<8x128xf32, #tpu.memory_space<vmem>>
      %dma_start3A_1201 = arith.constant 0 : i32
      %dma_start3A_1202 = tpu.memref_slice %arg4[%mul3A_1197, %dma_start3A_1201] : memref<204800x128xf32, #tpu.memory_space<hbm>> -> memref<8x128xf32, #tpu.memory_space<hbm>>
      %dma_start3A_1203 = arith.constant 0 : i32
      %dma_start3A_1204 = tpu.memref_slice %arg4[%mul3A_1197, %dma_start3A_1203] : memref<204800x128xf32, #tpu.memory_space<hbm>> -> memref<8x128xf32, #tpu.memory_space<hbm>>
      %dma_start3A_1205 = arith.constant 24 : i32
      %dma_start3A_1206 = arith.constant 0 : i32
      %dma_start3A_1207 = tpu.memref_slice %arg8[%dma_start3A_1205, %dma_start3A_1206] : memref<32x513xf32, #tpu.memory_space<vmem>> -> memref<8x128xf32, #tpu.memory_space<vmem>>
      tpu.enqueue_dma source(%dma_start3A_1207 : memref<8x128xf32, #tpu.memory_space<vmem>>) target(%dma_start3A_1204 : memref<8x128xf32, #tpu.memory_space<hbm>>) target_semaphore(%arg12 : memref<!tpu.dma_semaphore, #tpu.memory_space<semaphore_mem>>)
      %mul3A_1208 = arith.constant 4 : i32
      %mul3A_1209 = arith.muli %select_n3A_908, %mul3A_1208 : i32
      %add3A_1210 = arith.constant 96 : i32
      %add3A_1211 = arith.addi %add3A_1210, %mul3A_1209 : i32
      %add3A_1212 = arith.constant 1 : i32
      %add3A_1213 = arith.addi %add3A_1211, %add3A_1212 : i32
      %mul3A_1214 = arith.constant 32 : i32
      %mul3A_1215 = arith.muli %select_n3A_892, %mul3A_1214 : i32
      %mul3A_1216 = arith.constant 4 : i32
      %mul3A_1217 = arith.muli %mul3A_1215, %mul3A_1216 : i32
      %add3A_1218 = arith.addi %mul3A_1217, %add3A_1213 : i32
      %mul3A_1219 = arith.constant 8 : i32
      %mul3A_1220 = arith.muli %add3A_1218, %mul3A_1219 : i32
      %dma_start3A_1221 = arith.constant 24 : i32
      %dma_start3A_1222 = arith.constant 128 : i32
      %dma_start3A_1223 = tpu.memref_slice %arg8[%dma_start3A_1221, %dma_start3A_1222] : memref<32x513xf32, #tpu.memory_space<vmem>> -> memref<8x128xf32, #tpu.memory_space<vmem>>
      %dma_start3A_1224 = arith.constant 0 : i32
      %dma_start3A_1225 = tpu.memref_slice %arg4[%mul3A_1220, %dma_start3A_1224] : memref<204800x128xf32, #tpu.memory_space<hbm>> -> memref<8x128xf32, #tpu.memory_space<hbm>>
      %dma_start3A_1226 = arith.constant 0 : i32
      %dma_start3A_1227 = tpu.memref_slice %arg4[%mul3A_1220, %dma_start3A_1226] : memref<204800x128xf32, #tpu.memory_space<hbm>> -> memref<8x128xf32, #tpu.memory_space<hbm>>
      %dma_start3A_1228 = arith.constant 24 : i32
      %dma_start3A_1229 = arith.constant 128 : i32
      %dma_start3A_1230 = tpu.memref_slice %arg8[%dma_start3A_1228, %dma_start3A_1229] : memref<32x513xf32, #tpu.memory_space<vmem>> -> memref<8x128xf32, #tpu.memory_space<vmem>>
      tpu.enqueue_dma source(%dma_start3A_1230 : memref<8x128xf32, #tpu.memory_space<vmem>>) target(%dma_start3A_1227 : memref<8x128xf32, #tpu.memory_space<hbm>>) target_semaphore(%arg12 : memref<!tpu.dma_semaphore, #tpu.memory_space<semaphore_mem>>)
      %mul3A_1231 = arith.constant 4 : i32
      %mul3A_1232 = arith.muli %select_n3A_908, %mul3A_1231 : i32
      %add3A_1233 = arith.constant 96 : i32
      %add3A_1234 = arith.addi %add3A_1233, %mul3A_1232 : i32
      %add3A_1235 = arith.constant 2 : i32
      %add3A_1236 = arith.addi %add3A_1234, %add3A_1235 : i32
      %mul3A_1237 = arith.constant 32 : i32
      %mul3A_1238 = arith.muli %select_n3A_892, %mul3A_1237 : i32
      %mul3A_1239 = arith.constant 4 : i32
      %mul3A_1240 = arith.muli %mul3A_1238, %mul3A_1239 : i32
      %add3A_1241 = arith.addi %mul3A_1240, %add3A_1236 : i32
      %mul3A_1242 = arith.constant 8 : i32
      %mul3A_1243 = arith.muli %add3A_1241, %mul3A_1242 : i32
      %dma_start3A_1244 = arith.constant 24 : i32
      %dma_start3A_1245 = arith.constant 256 : i32
      %dma_start3A_1246 = tpu.memref_slice %arg8[%dma_start3A_1244, %dma_start3A_1245] : memref<32x513xf32, #tpu.memory_space<vmem>> -> memref<8x128xf32, #tpu.memory_space<vmem>>
      %dma_start3A_1247 = arith.constant 0 : i32
      %dma_start3A_1248 = tpu.memref_slice %arg4[%mul3A_1243, %dma_start3A_1247] : memref<204800x128xf32, #tpu.memory_space<hbm>> -> memref<8x128xf32, #tpu.memory_space<hbm>>
      %dma_start3A_1249 = arith.constant 0 : i32
      %dma_start3A_1250 = tpu.memref_slice %arg4[%mul3A_1243, %dma_start3A_1249] : memref<204800x128xf32, #tpu.memory_space<hbm>> -> memref<8x128xf32, #tpu.memory_space<hbm>>
      %dma_start3A_1251 = arith.constant 24 : i32
      %dma_start3A_1252 = arith.constant 256 : i32
      %dma_start3A_1253 = tpu.memref_slice %arg8[%dma_start3A_1251, %dma_start3A_1252] : memref<32x513xf32, #tpu.memory_space<vmem>> -> memref<8x128xf32, #tpu.memory_space<vmem>>
      tpu.enqueue_dma source(%dma_start3A_1253 : memref<8x128xf32, #tpu.memory_space<vmem>>) target(%dma_start3A_1250 : memref<8x128xf32, #tpu.memory_space<hbm>>) target_semaphore(%arg12 : memref<!tpu.dma_semaphore, #tpu.memory_space<semaphore_mem>>)
      %mul3A_1254 = arith.constant 4 : i32
      %mul3A_1255 = arith.muli %select_n3A_908, %mul3A_1254 : i32
      %add3A_1256 = arith.constant 96 : i32
      %add3A_1257 = arith.addi %add3A_1256, %mul3A_1255 : i32
      %add3A_1258 = arith.constant 3 : i32
      %add3A_1259 = arith.addi %add3A_1257, %add3A_1258 : i32
      %mul3A_1260 = arith.constant 32 : i32
      %mul3A_1261 = arith.muli %select_n3A_892, %mul3A_1260 : i32
      %mul3A_1262 = arith.constant 4 : i32
      %mul3A_1263 = arith.muli %mul3A_1261, %mul3A_1262 : i32
      %add3A_1264 = arith.addi %mul3A_1263, %add3A_1259 : i32
      %mul3A_1265 = arith.constant 8 : i32
      %mul3A_1266 = arith.muli %add3A_1264, %mul3A_1265 : i32
      %dma_start3A_1267 = arith.constant 24 : i32
      %dma_start3A_1268 = arith.constant 384 : i32
      %dma_start3A_1269 = tpu.memref_slice %arg8[%dma_start3A_1267, %dma_start3A_1268] : memref<32x513xf32, #tpu.memory_space<vmem>> -> memref<8x128xf32, #tpu.memory_space<vmem>>
      %dma_start3A_1270 = arith.constant 0 : i32
      %dma_start3A_1271 = tpu.memref_slice %arg4[%mul3A_1266, %dma_start3A_1270] : memref<204800x128xf32, #tpu.memory_space<hbm>> -> memref<8x128xf32, #tpu.memory_space<hbm>>
      %dma_start3A_1272 = arith.constant 0 : i32
      %dma_start3A_1273 = tpu.memref_slice %arg4[%mul3A_1266, %dma_start3A_1272] : memref<204800x128xf32, #tpu.memory_space<hbm>> -> memref<8x128xf32, #tpu.memory_space<hbm>>
      %dma_start3A_1274 = arith.constant 24 : i32
      %dma_start3A_1275 = arith.constant 384 : i32
      %dma_start3A_1276 = tpu.memref_slice %arg8[%dma_start3A_1274, %dma_start3A_1275] : memref<32x513xf32, #tpu.memory_space<vmem>> -> memref<8x128xf32, #tpu.memory_space<vmem>>
      tpu.enqueue_dma source(%dma_start3A_1276 : memref<8x128xf32, #tpu.memory_space<vmem>>) target(%dma_start3A_1273 : memref<8x128xf32, #tpu.memory_space<hbm>>) target_semaphore(%arg12 : memref<!tpu.dma_semaphore, #tpu.memory_space<semaphore_mem>>)
      %mul3A_1277 = arith.constant 2 : i32
      %mul3A_1278 = arith.muli %mul3A_1277, %scan3A_843 : i32
      %add3A_1279 = arith.constant 0 : i32
      %add3A_1280 = arith.addi %mul3A_1278, %add3A_1279 : i32
      %add3A_1281 = arith.constant 2 : i32
      %add3A_1282 = arith.addi %add3A_1280, %add3A_1281 : i32
      %lt3A_1283 = arith.constant 50 : i32
      %lt3A_1284 = arith.cmpi slt, %add3A_1282, %lt3A_1283 : i32
      %convert_element_type3A_1285 = arith.extui %lt3A_1284 : i1 to i32
      %cond3A_1286 = arith.constant 0 : i32
      %cond3A_1287 = arith.cmpi ne, %convert_element_type3A_1285, %cond3A_1286 : i32
      scf.if %cond3A_1287 {
        %add3A_1735 = arith.constant 2 : i32
        %add3A_1736 = arith.addi %add3A_848, %add3A_1735 : i32
        %sub3A_1737 = arith.subi %add3A_1736, %mul3A_2 : i32
        %mul3A_1738 = arith.constant 512 : i32
        %mul3A_1739 = arith.muli %sub3A_1737, %mul3A_1738 : i32
        %multiple_of3A_1740 = tpu.assume_multiple %mul3A_1739, 8 : i32
        %dma_start3A_1741 = tpu.memref_slice %arg5[%multiple_of3A_1740] : memref<25600xi32, #tpu.memory_space<vmem>> -> memref<512xi32, #tpu.memory_space<vmem>>
        %dma_start3A_1742 = arith.constant 0 : i32
        %dma_start3A_1743 = arith.constant 0 : i32
        %dma_start3A_1744 = tpu.memref_slice %arg3[%dma_start3A_1742, %dma_start3A_1743] : memref<1000000x32xf32, #tpu.memory_space<hbm>> -> memref<1000000x32xf32, #tpu.memory_space<hbm>>
        tpu.enqueue_indirect_dma source(%dma_start3A_1744 : memref<1000000x32xf32, #tpu.memory_space<hbm>>) target(%arg6 : memref<512x32xf32, #tpu.memory_space<vmem>>) offsets(%dma_start3A_1741 : memref<512xi32, #tpu.memory_space<vmem>>) semaphore(%arg10 : memref<!tpu.dma_semaphore, #tpu.memory_space<semaphore_mem>>)
      } else {
      }
      %mul3A_1288 = arith.constant 2 : i32
      %mul3A_1289 = arith.muli %mul3A_1288, %scan3A_843 : i32
      %add3A_1290 = arith.addi %mul3A_2, %mul3A_1289 : i32
      %add3A_1291 = arith.constant 1 : i32
      %add3A_1292 = arith.addi %add3A_1290, %add3A_1291 : i32
      %sub3A_1293 = arith.subi %add3A_1292, %mul3A_2 : i32
      %mul3A_1294 = arith.constant 512 : i32
      %mul3A_1295 = arith.muli %sub3A_1293, %mul3A_1294 : i32
      %multiple_of3A_1296 = tpu.assume_multiple %mul3A_1295, 8 : i32
      %dma_wait3A_1297 = tpu.memref_slice %arg5[%multiple_of3A_1296] : memref<25600xi32, #tpu.memory_space<vmem>> -> memref<512xi32, #tpu.memory_space<vmem>>
      %dma_wait3A_1298 = arith.constant 0 : i32
      %dma_wait3A_1299 = arith.constant 0 : i32
      %dma_wait3A_1300 = tpu.memref_slice %arg3[%dma_wait3A_1298, %dma_wait3A_1299] : memref<1000000x32xf32, #tpu.memory_space<hbm>> -> memref<1000000x32xf32, #tpu.memory_space<hbm>>
      tpu.wait_indirect_dma semaphore(%arg11 : memref<!tpu.dma_semaphore, #tpu.memory_space<semaphore_mem>>) src(%dma_wait3A_1300 : memref<1000000x32xf32, #tpu.memory_space<hbm>>) dst(%arg7 : memref<512x32xf32, #tpu.memory_space<vmem>>)
      %mul3A_1301 = arith.constant 2 : i32
      %mul3A_1302 = arith.muli %mul3A_1301, %scan3A_843 : i32
      %add3A_1303 = arith.constant 1 : i32
      %add3A_1304 = arith.addi %mul3A_1302, %add3A_1303 : i32
      %ge3A_1305 = arith.constant 2 : i32
      %ge3A_1306 = arith.cmpi sge, %add3A_1304, %ge3A_1305 : i32
      %convert_element_type3A_1307 = arith.extui %ge3A_1306 : i1 to i32
      %cond3A_1308 = arith.constant 0 : i32
      %cond3A_1309 = arith.cmpi ne, %convert_element_type3A_1307, %cond3A_1308 : i32
      scf.if %cond3A_1309 {
        %sub3A_1735 = arith.constant 2 : i32
        %sub3A_1736 = arith.subi %add3A_1292, %sub3A_1735 : i32
        %jit3A_1737 = arith.constant 8 : i32
        %div3A_1738 = arith.divsi %sub3A_1736, %jit3A_1737 : i32
        %sign3A_1739 = arith.constant 0 : i32
        %sign3A_1740 = arith.cmpi sgt, %sub3A_1736, %sign3A_1739 : i32
        %sign3A_1741 = arith.extui %sign3A_1740 : i1 to i32
        %sign3A_1742 = arith.constant 0 : i32
        %sign3A_1743 = arith.cmpi slt, %sub3A_1736, %sign3A_1742 : i32
        %sign3A_1744 = arith.extui %sign3A_1743 : i1 to i32
        %sign3A_1745 = arith.subi %sign3A_1741, %sign3A_1744 : i32
        %sign3A_1746 = arith.constant 0 : i32
        %sign3A_1747 = arith.cmpi sgt, %jit3A_1737, %sign3A_1746 : i32
        %sign3A_1748 = arith.extui %sign3A_1747 : i1 to i32
        %sign3A_1749 = arith.constant 0 : i32
        %sign3A_1750 = arith.cmpi slt, %jit3A_1737, %sign3A_1749 : i32
        %sign3A_1751 = arith.extui %sign3A_1750 : i1 to i32
        %sign3A_1752 = arith.subi %sign3A_1748, %sign3A_1751 : i32
        %ne3A_1753 = arith.cmpi ne, %sign3A_1745, %sign3A_1752 : i32
        %rem3A_1754 = arith.remsi %sub3A_1736, %jit3A_1737 : i32
        %ne3A_1755 = arith.constant 0 : i32
        %ne3A_1756 = arith.cmpi ne, %rem3A_1754, %ne3A_1755 : i32
        %and3A_1757 = arith.andi %ne3A_1753, %ne3A_1756 : i1
        %sub3A_1758 = arith.constant 1 : i32
        %sub3A_1759 = arith.subi %div3A_1738, %sub3A_1758 : i32
        %select_n3A_1760 = arith.select %and3A_1757, %sub3A_1759, %div3A_1738 : i32
        %jit3A_1761 = arith.constant 8 : i32
        %eq3A_1762 = arith.constant 0 : i32
        %eq3A_1763 = arith.cmpi eq, %jit3A_1761, %eq3A_1762 : i32
        %jit3A_1764 = arith.constant 1 : i32
        %select_n3A_1765 = arith.select %eq3A_1763, %jit3A_1764, %jit3A_1761 : i32
        %rem3A_1766 = arith.remsi %sub3A_1736, %select_n3A_1765 : i32
        %ne3A_1767 = arith.constant 0 : i32
        %ne3A_1768 = arith.cmpi ne, %rem3A_1766, %ne3A_1767 : i32
        %lt3A_1769 = arith.constant 0 : i32
        %lt3A_1770 = arith.cmpi slt, %rem3A_1766, %lt3A_1769 : i32
        %lt3A_1771 = arith.constant 0 : i32
        %lt3A_1772 = arith.cmpi slt, %select_n3A_1765, %lt3A_1771 : i32
        %ne3A_1773 = arith.xori %lt3A_1770, %lt3A_1772 : i1
        %and3A_1774 = arith.andi %ne3A_1773, %ne3A_1768 : i1
        %add3A_1775 = arith.addi %rem3A_1766, %select_n3A_1765 : i32
        %select_n3A_1776 = arith.select %and3A_1774, %add3A_1775, %rem3A_1766 : i32
        %mul3A_1777 = arith.constant 4 : i32
        %mul3A_1778 = arith.muli %select_n3A_1776, %mul3A_1777 : i32
        %add3A_1779 = arith.constant 0 : i32
        %add3A_1780 = arith.addi %add3A_1779, %mul3A_1778 : i32
        %add3A_1781 = arith.constant 0 : i32
        %add3A_1782 = arith.addi %add3A_1780, %add3A_1781 : i32
        %mul3A_1783 = arith.constant 32 : i32
        %mul3A_1784 = arith.muli %select_n3A_1760, %mul3A_1783 : i32
        %mul3A_1785 = arith.constant 4 : i32
        %mul3A_1786 = arith.muli %mul3A_1784, %mul3A_1785 : i32
        %add3A_1787 = arith.addi %mul3A_1786, %add3A_1782 : i32
        %mul3A_1788 = arith.constant 8 : i32
        %mul3A_1789 = arith.muli %add3A_1787, %mul3A_1788 : i32
        %dma_wait3A_1790 = arith.constant 0 : i32
        %dma_wait3A_1791 = arith.constant 0 : i32
        %dma_wait3A_1792 = tpu.memref_slice %arg9[%dma_wait3A_1790, %dma_wait3A_1791] : memref<32x513xf32, #tpu.memory_space<vmem>> -> memref<8x128xf32, #tpu.memory_space<vmem>>
        %dma_wait3A_1793 = arith.constant 0 : i32
        %dma_wait3A_1794 = tpu.memref_slice %arg4[%mul3A_1789, %dma_wait3A_1793] : memref<204800x128xf32, #tpu.memory_space<hbm>> -> memref<8x128xf32, #tpu.memory_space<hbm>>
        %dma_wait3A_1795 = arith.constant 0 : i32
        %dma_wait3A_1796 = tpu.memref_slice %arg4[%mul3A_1789, %dma_wait3A_1795] : memref<204800x128xf32, #tpu.memory_space<hbm>> -> memref<8x128xf32, #tpu.memory_space<hbm>>
        %dma_wait3A_1797 = arith.constant 0 : i32
        %dma_wait3A_1798 = arith.constant 0 : i32
        %dma_wait3A_1799 = tpu.memref_slice %arg9[%dma_wait3A_1797, %dma_wait3A_1798] : memref<32x513xf32, #tpu.memory_space<vmem>> -> memref<8x128xf32, #tpu.memory_space<vmem>>
        tpu.wait_dma2 semaphore(%arg13 : memref<!tpu.dma_semaphore, #tpu.memory_space<semaphore_mem>>) src(%dma_wait3A_1799 : memref<8x128xf32, #tpu.memory_space<vmem>>) dst(%dma_wait3A_1796 : memref<8x128xf32, #tpu.memory_space<hbm>>)
        %mul3A_1800 = arith.constant 4 : i32
        %mul3A_1801 = arith.muli %select_n3A_1776, %mul3A_1800 : i32
        %add3A_1802 = arith.constant 0 : i32
        %add3A_1803 = arith.addi %add3A_1802, %mul3A_1801 : i32
        %add3A_1804 = arith.constant 1 : i32
        %add3A_1805 = arith.addi %add3A_1803, %add3A_1804 : i32
        %mul3A_1806 = arith.constant 32 : i32
        %mul3A_1807 = arith.muli %select_n3A_1760, %mul3A_1806 : i32
        %mul3A_1808 = arith.constant 4 : i32
        %mul3A_1809 = arith.muli %mul3A_1807, %mul3A_1808 : i32
        %add3A_1810 = arith.addi %mul3A_1809, %add3A_1805 : i32
        %mul3A_1811 = arith.constant 8 : i32
        %mul3A_1812 = arith.muli %add3A_1810, %mul3A_1811 : i32
        %dma_wait3A_1813 = arith.constant 0 : i32
        %dma_wait3A_1814 = arith.constant 128 : i32
        %dma_wait3A_1815 = tpu.memref_slice %arg9[%dma_wait3A_1813, %dma_wait3A_1814] : memref<32x513xf32, #tpu.memory_space<vmem>> -> memref<8x128xf32, #tpu.memory_space<vmem>>
        %dma_wait3A_1816 = arith.constant 0 : i32
        %dma_wait3A_1817 = tpu.memref_slice %arg4[%mul3A_1812, %dma_wait3A_1816] : memref<204800x128xf32, #tpu.memory_space<hbm>> -> memref<8x128xf32, #tpu.memory_space<hbm>>
        %dma_wait3A_1818 = arith.constant 0 : i32
        %dma_wait3A_1819 = tpu.memref_slice %arg4[%mul3A_1812, %dma_wait3A_1818] : memref<204800x128xf32, #tpu.memory_space<hbm>> -> memref<8x128xf32, #tpu.memory_space<hbm>>
        %dma_wait3A_1820 = arith.constant 0 : i32
        %dma_wait3A_1821 = arith.constant 128 : i32
        %dma_wait3A_1822 = tpu.memref_slice %arg9[%dma_wait3A_1820, %dma_wait3A_1821] : memref<32x513xf32, #tpu.memory_space<vmem>> -> memref<8x128xf32, #tpu.memory_space<vmem>>
        tpu.wait_dma2 semaphore(%arg13 : memref<!tpu.dma_semaphore, #tpu.memory_space<semaphore_mem>>) src(%dma_wait3A_1822 : memref<8x128xf32, #tpu.memory_space<vmem>>) dst(%dma_wait3A_1819 : memref<8x128xf32, #tpu.memory_space<hbm>>)
        %mul3A_1823 = arith.constant 4 : i32
        %mul3A_1824 = arith.muli %select_n3A_1776, %mul3A_1823 : i32
        %add3A_1825 = arith.constant 0 : i32
        %add3A_1826 = arith.addi %add3A_1825, %mul3A_1824 : i32
        %add3A_1827 = arith.constant 2 : i32
        %add3A_1828 = arith.addi %add3A_1826, %add3A_1827 : i32
        %mul3A_1829 = arith.constant 32 : i32
        %mul3A_1830 = arith.muli %select_n3A_1760, %mul3A_1829 : i32
        %mul3A_1831 = arith.constant 4 : i32
        %mul3A_1832 = arith.muli %mul3A_1830, %mul3A_1831 : i32
        %add3A_1833 = arith.addi %mul3A_1832, %add3A_1828 : i32
        %mul3A_1834 = arith.constant 8 : i32
        %mul3A_1835 = arith.muli %add3A_1833, %mul3A_1834 : i32
        %dma_wait3A_1836 = arith.constant 0 : i32
        %dma_wait3A_1837 = arith.constant 256 : i32
        %dma_wait3A_1838 = tpu.memref_slice %arg9[%dma_wait3A_1836, %dma_wait3A_1837] : memref<32x513xf32, #tpu.memory_space<vmem>> -> memref<8x128xf32, #tpu.memory_space<vmem>>
        %dma_wait3A_1839 = arith.constant 0 : i32
        %dma_wait3A_1840 = tpu.memref_slice %arg4[%mul3A_1835, %dma_wait3A_1839] : memref<204800x128xf32, #tpu.memory_space<hbm>> -> memref<8x128xf32, #tpu.memory_space<hbm>>
        %dma_wait3A_1841 = arith.constant 0 : i32
        %dma_wait3A_1842 = tpu.memref_slice %arg4[%mul3A_1835, %dma_wait3A_1841] : memref<204800x128xf32, #tpu.memory_space<hbm>> -> memref<8x128xf32, #tpu.memory_space<hbm>>
        %dma_wait3A_1843 = arith.constant 0 : i32
        %dma_wait3A_1844 = arith.constant 256 : i32
        %dma_wait3A_1845 = tpu.memref_slice %arg9[%dma_wait3A_1843, %dma_wait3A_1844] : memref<32x513xf32, #tpu.memory_space<vmem>> -> memref<8x128xf32, #tpu.memory_space<vmem>>
        tpu.wait_dma2 semaphore(%arg13 : memref<!tpu.dma_semaphore, #tpu.memory_space<semaphore_mem>>) src(%dma_wait3A_1845 : memref<8x128xf32, #tpu.memory_space<vmem>>) dst(%dma_wait3A_1842 : memref<8x128xf32, #tpu.memory_space<hbm>>)
        %mul3A_1846 = arith.constant 4 : i32
        %mul3A_1847 = arith.muli %select_n3A_1776, %mul3A_1846 : i32
        %add3A_1848 = arith.constant 0 : i32
        %add3A_1849 = arith.addi %add3A_1848, %mul3A_1847 : i32
        %add3A_1850 = arith.constant 3 : i32
        %add3A_1851 = arith.addi %add3A_1849, %add3A_1850 : i32
        %mul3A_1852 = arith.constant 32 : i32
        %mul3A_1853 = arith.muli %select_n3A_1760, %mul3A_1852 : i32
        %mul3A_1854 = arith.constant 4 : i32
        %mul3A_1855 = arith.muli %mul3A_1853, %mul3A_1854 : i32
        %add3A_1856 = arith.addi %mul3A_1855, %add3A_1851 : i32
        %mul3A_1857 = arith.constant 8 : i32
        %mul3A_1858 = arith.muli %add3A_1856, %mul3A_1857 : i32
        %dma_wait3A_1859 = arith.constant 0 : i32
        %dma_wait3A_1860 = arith.constant 384 : i32
        %dma_wait3A_1861 = tpu.memref_slice %arg9[%dma_wait3A_1859, %dma_wait3A_1860] : memref<32x513xf32, #tpu.memory_space<vmem>> -> memref<8x128xf32, #tpu.memory_space<vmem>>
        %dma_wait3A_1862 = arith.constant 0 : i32
        %dma_wait3A_1863 = tpu.memref_slice %arg4[%mul3A_1858, %dma_wait3A_1862] : memref<204800x128xf32, #tpu.memory_space<hbm>> -> memref<8x128xf32, #tpu.memory_space<hbm>>
        %dma_wait3A_1864 = arith.constant 0 : i32
        %dma_wait3A_1865 = tpu.memref_slice %arg4[%mul3A_1858, %dma_wait3A_1864] : memref<204800x128xf32, #tpu.memory_space<hbm>> -> memref<8x128xf32, #tpu.memory_space<hbm>>
        %dma_wait3A_1866 = arith.constant 0 : i32
        %dma_wait3A_1867 = arith.constant 384 : i32
        %dma_wait3A_1868 = tpu.memref_slice %arg9[%dma_wait3A_1866, %dma_wait3A_1867] : memref<32x513xf32, #tpu.memory_space<vmem>> -> memref<8x128xf32, #tpu.memory_space<vmem>>
        tpu.wait_dma2 semaphore(%arg13 : memref<!tpu.dma_semaphore, #tpu.memory_space<semaphore_mem>>) src(%dma_wait3A_1868 : memref<8x128xf32, #tpu.memory_space<vmem>>) dst(%dma_wait3A_1865 : memref<8x128xf32, #tpu.memory_space<hbm>>)
        %mul3A_1869 = arith.constant 4 : i32
        %mul3A_1870 = arith.muli %select_n3A_1776, %mul3A_1869 : i32
        %add3A_1871 = arith.constant 32 : i32
        %add3A_1872 = arith.addi %add3A_1871, %mul3A_1870 : i32
        %add3A_1873 = arith.constant 0 : i32
        %add3A_1874 = arith.addi %add3A_1872, %add3A_1873 : i32
        %mul3A_1875 = arith.constant 32 : i32
        %mul3A_1876 = arith.muli %select_n3A_1760, %mul3A_1875 : i32
        %mul3A_1877 = arith.constant 4 : i32
        %mul3A_1878 = arith.muli %mul3A_1876, %mul3A_1877 : i32
        %add3A_1879 = arith.addi %mul3A_1878, %add3A_1874 : i32
        %mul3A_1880 = arith.constant 8 : i32
        %mul3A_1881 = arith.muli %add3A_1879, %mul3A_1880 : i32
        %dma_wait3A_1882 = arith.constant 8 : i32
        %dma_wait3A_1883 = arith.constant 0 : i32
        %dma_wait3A_1884 = tpu.memref_slice %arg9[%dma_wait3A_1882, %dma_wait3A_1883] : memref<32x513xf32, #tpu.memory_space<vmem>> -> memref<8x128xf32, #tpu.memory_space<vmem>>
        %dma_wait3A_1885 = arith.constant 0 : i32
        %dma_wait3A_1886 = tpu.memref_slice %arg4[%mul3A_1881, %dma_wait3A_1885] : memref<204800x128xf32, #tpu.memory_space<hbm>> -> memref<8x128xf32, #tpu.memory_space<hbm>>
        %dma_wait3A_1887 = arith.constant 0 : i32
        %dma_wait3A_1888 = tpu.memref_slice %arg4[%mul3A_1881, %dma_wait3A_1887] : memref<204800x128xf32, #tpu.memory_space<hbm>> -> memref<8x128xf32, #tpu.memory_space<hbm>>
        %dma_wait3A_1889 = arith.constant 8 : i32
        %dma_wait3A_1890 = arith.constant 0 : i32
        %dma_wait3A_1891 = tpu.memref_slice %arg9[%dma_wait3A_1889, %dma_wait3A_1890] : memref<32x513xf32, #tpu.memory_space<vmem>> -> memref<8x128xf32, #tpu.memory_space<vmem>>
        tpu.wait_dma2 semaphore(%arg13 : memref<!tpu.dma_semaphore, #tpu.memory_space<semaphore_mem>>) src(%dma_wait3A_1891 : memref<8x128xf32, #tpu.memory_space<vmem>>) dst(%dma_wait3A_1888 : memref<8x128xf32, #tpu.memory_space<hbm>>)
        %mul3A_1892 = arith.constant 4 : i32
        %mul3A_1893 = arith.muli %select_n3A_1776, %mul3A_1892 : i32
        %add3A_1894 = arith.constant 32 : i32
        %add3A_1895 = arith.addi %add3A_1894, %mul3A_1893 : i32
        %add3A_1896 = arith.constant 1 : i32
        %add3A_1897 = arith.addi %add3A_1895, %add3A_1896 : i32
        %mul3A_1898 = arith.constant 32 : i32
        %mul3A_1899 = arith.muli %select_n3A_1760, %mul3A_1898 : i32
        %mul3A_1900 = arith.constant 4 : i32
        %mul3A_1901 = arith.muli %mul3A_1899, %mul3A_1900 : i32
        %add3A_1902 = arith.addi %mul3A_1901, %add3A_1897 : i32
        %mul3A_1903 = arith.constant 8 : i32
        %mul3A_1904 = arith.muli %add3A_1902, %mul3A_1903 : i32
        %dma_wait3A_1905 = arith.constant 8 : i32
        %dma_wait3A_1906 = arith.constant 128 : i32
        %dma_wait3A_1907 = tpu.memref_slice %arg9[%dma_wait3A_1905, %dma_wait3A_1906] : memref<32x513xf32, #tpu.memory_space<vmem>> -> memref<8x128xf32, #tpu.memory_space<vmem>>
        %dma_wait3A_1908 = arith.constant 0 : i32
        %dma_wait3A_1909 = tpu.memref_slice %arg4[%mul3A_1904, %dma_wait3A_1908] : memref<204800x128xf32, #tpu.memory_space<hbm>> -> memref<8x128xf32, #tpu.memory_space<hbm>>
        %dma_wait3A_1910 = arith.constant 0 : i32
        %dma_wait3A_1911 = tpu.memref_slice %arg4[%mul3A_1904, %dma_wait3A_1910] : memref<204800x128xf32, #tpu.memory_space<hbm>> -> memref<8x128xf32, #tpu.memory_space<hbm>>
        %dma_wait3A_1912 = arith.constant 8 : i32
        %dma_wait3A_1913 = arith.constant 128 : i32
        %dma_wait3A_1914 = tpu.memref_slice %arg9[%dma_wait3A_1912, %dma_wait3A_1913] : memref<32x513xf32, #tpu.memory_space<vmem>> -> memref<8x128xf32, #tpu.memory_space<vmem>>
        tpu.wait_dma2 semaphore(%arg13 : memref<!tpu.dma_semaphore, #tpu.memory_space<semaphore_mem>>) src(%dma_wait3A_1914 : memref<8x128xf32, #tpu.memory_space<vmem>>) dst(%dma_wait3A_1911 : memref<8x128xf32, #tpu.memory_space<hbm>>)
        %mul3A_1915 = arith.constant 4 : i32
        %mul3A_1916 = arith.muli %select_n3A_1776, %mul3A_1915 : i32
        %add3A_1917 = arith.constant 32 : i32
        %add3A_1918 = arith.addi %add3A_1917, %mul3A_1916 : i32
        %add3A_1919 = arith.constant 2 : i32
        %add3A_1920 = arith.addi %add3A_1918, %add3A_1919 : i32
        %mul3A_1921 = arith.constant 32 : i32
        %mul3A_1922 = arith.muli %select_n3A_1760, %mul3A_1921 : i32
        %mul3A_1923 = arith.constant 4 : i32
        %mul3A_1924 = arith.muli %mul3A_1922, %mul3A_1923 : i32
        %add3A_1925 = arith.addi %mul3A_1924, %add3A_1920 : i32
        %mul3A_1926 = arith.constant 8 : i32
        %mul3A_1927 = arith.muli %add3A_1925, %mul3A_1926 : i32
        %dma_wait3A_1928 = arith.constant 8 : i32
        %dma_wait3A_1929 = arith.constant 256 : i32
        %dma_wait3A_1930 = tpu.memref_slice %arg9[%dma_wait3A_1928, %dma_wait3A_1929] : memref<32x513xf32, #tpu.memory_space<vmem>> -> memref<8x128xf32, #tpu.memory_space<vmem>>
        %dma_wait3A_1931 = arith.constant 0 : i32
        %dma_wait3A_1932 = tpu.memref_slice %arg4[%mul3A_1927, %dma_wait3A_1931] : memref<204800x128xf32, #tpu.memory_space<hbm>> -> memref<8x128xf32, #tpu.memory_space<hbm>>
        %dma_wait3A_1933 = arith.constant 0 : i32
        %dma_wait3A_1934 = tpu.memref_slice %arg4[%mul3A_1927, %dma_wait3A_1933] : memref<204800x128xf32, #tpu.memory_space<hbm>> -> memref<8x128xf32, #tpu.memory_space<hbm>>
        %dma_wait3A_1935 = arith.constant 8 : i32
        %dma_wait3A_1936 = arith.constant 256 : i32
        %dma_wait3A_1937 = tpu.memref_slice %arg9[%dma_wait3A_1935, %dma_wait3A_1936] : memref<32x513xf32, #tpu.memory_space<vmem>> -> memref<8x128xf32, #tpu.memory_space<vmem>>
        tpu.wait_dma2 semaphore(%arg13 : memref<!tpu.dma_semaphore, #tpu.memory_space<semaphore_mem>>) src(%dma_wait3A_1937 : memref<8x128xf32, #tpu.memory_space<vmem>>) dst(%dma_wait3A_1934 : memref<8x128xf32, #tpu.memory_space<hbm>>)
        %mul3A_1938 = arith.constant 4 : i32
        %mul3A_1939 = arith.muli %select_n3A_1776, %mul3A_1938 : i32
        %add3A_1940 = arith.constant 32 : i32
        %add3A_1941 = arith.addi %add3A_1940, %mul3A_1939 : i32
        %add3A_1942 = arith.constant 3 : i32
        %add3A_1943 = arith.addi %add3A_1941, %add3A_1942 : i32
        %mul3A_1944 = arith.constant 32 : i32
        %mul3A_1945 = arith.muli %select_n3A_1760, %mul3A_1944 : i32
        %mul3A_1946 = arith.constant 4 : i32
        %mul3A_1947 = arith.muli %mul3A_1945, %mul3A_1946 : i32
        %add3A_1948 = arith.addi %mul3A_1947, %add3A_1943 : i32
        %mul3A_1949 = arith.constant 8 : i32
        %mul3A_1950 = arith.muli %add3A_1948, %mul3A_1949 : i32
        %dma_wait3A_1951 = arith.constant 8 : i32
        %dma_wait3A_1952 = arith.constant 384 : i32
        %dma_wait3A_1953 = tpu.memref_slice %arg9[%dma_wait3A_1951, %dma_wait3A_1952] : memref<32x513xf32, #tpu.memory_space<vmem>> -> memref<8x128xf32, #tpu.memory_space<vmem>>
        %dma_wait3A_1954 = arith.constant 0 : i32
        %dma_wait3A_1955 = tpu.memref_slice %arg4[%mul3A_1950, %dma_wait3A_1954] : memref<204800x128xf32, #tpu.memory_space<hbm>> -> memref<8x128xf32, #tpu.memory_space<hbm>>
        %dma_wait3A_1956 = arith.constant 0 : i32
        %dma_wait3A_1957 = tpu.memref_slice %arg4[%mul3A_1950, %dma_wait3A_1956] : memref<204800x128xf32, #tpu.memory_space<hbm>> -> memref<8x128xf32, #tpu.memory_space<hbm>>
        %dma_wait3A_1958 = arith.constant 8 : i32
        %dma_wait3A_1959 = arith.constant 384 : i32
        %dma_wait3A_1960 = tpu.memref_slice %arg9[%dma_wait3A_1958, %dma_wait3A_1959] : memref<32x513xf32, #tpu.memory_space<vmem>> -> memref<8x128xf32, #tpu.memory_space<vmem>>
        tpu.wait_dma2 semaphore(%arg13 : memref<!tpu.dma_semaphore, #tpu.memory_space<semaphore_mem>>) src(%dma_wait3A_1960 : memref<8x128xf32, #tpu.memory_space<vmem>>) dst(%dma_wait3A_1957 : memref<8x128xf32, #tpu.memory_space<hbm>>)
        %mul3A_1961 = arith.constant 4 : i32
        %mul3A_1962 = arith.muli %select_n3A_1776, %mul3A_1961 : i32
        %add3A_1963 = arith.constant 64 : i32
        %add3A_1964 = arith.addi %add3A_1963, %mul3A_1962 : i32
        %add3A_1965 = arith.constant 0 : i32
        %add3A_1966 = arith.addi %add3A_1964, %add3A_1965 : i32
        %mul3A_1967 = arith.constant 32 : i32
        %mul3A_1968 = arith.muli %select_n3A_1760, %mul3A_1967 : i32
        %mul3A_1969 = arith.constant 4 : i32
        %mul3A_1970 = arith.muli %mul3A_1968, %mul3A_1969 : i32
        %add3A_1971 = arith.addi %mul3A_1970, %add3A_1966 : i32
        %mul3A_1972 = arith.constant 8 : i32
        %mul3A_1973 = arith.muli %add3A_1971, %mul3A_1972 : i32
        %dma_wait3A_1974 = arith.constant 16 : i32
        %dma_wait3A_1975 = arith.constant 0 : i32
        %dma_wait3A_1976 = tpu.memref_slice %arg9[%dma_wait3A_1974, %dma_wait3A_1975] : memref<32x513xf32, #tpu.memory_space<vmem>> -> memref<8x128xf32, #tpu.memory_space<vmem>>
        %dma_wait3A_1977 = arith.constant 0 : i32
        %dma_wait3A_1978 = tpu.memref_slice %arg4[%mul3A_1973, %dma_wait3A_1977] : memref<204800x128xf32, #tpu.memory_space<hbm>> -> memref<8x128xf32, #tpu.memory_space<hbm>>
        %dma_wait3A_1979 = arith.constant 0 : i32
        %dma_wait3A_1980 = tpu.memref_slice %arg4[%mul3A_1973, %dma_wait3A_1979] : memref<204800x128xf32, #tpu.memory_space<hbm>> -> memref<8x128xf32, #tpu.memory_space<hbm>>
        %dma_wait3A_1981 = arith.constant 16 : i32
        %dma_wait3A_1982 = arith.constant 0 : i32
        %dma_wait3A_1983 = tpu.memref_slice %arg9[%dma_wait3A_1981, %dma_wait3A_1982] : memref<32x513xf32, #tpu.memory_space<vmem>> -> memref<8x128xf32, #tpu.memory_space<vmem>>
        tpu.wait_dma2 semaphore(%arg13 : memref<!tpu.dma_semaphore, #tpu.memory_space<semaphore_mem>>) src(%dma_wait3A_1983 : memref<8x128xf32, #tpu.memory_space<vmem>>) dst(%dma_wait3A_1980 : memref<8x128xf32, #tpu.memory_space<hbm>>)
        %mul3A_1984 = arith.constant 4 : i32
        %mul3A_1985 = arith.muli %select_n3A_1776, %mul3A_1984 : i32
        %add3A_1986 = arith.constant 64 : i32
        %add3A_1987 = arith.addi %add3A_1986, %mul3A_1985 : i32
        %add3A_1988 = arith.constant 1 : i32
        %add3A_1989 = arith.addi %add3A_1987, %add3A_1988 : i32
        %mul3A_1990 = arith.constant 32 : i32
        %mul3A_1991 = arith.muli %select_n3A_1760, %mul3A_1990 : i32
        %mul3A_1992 = arith.constant 4 : i32
        %mul3A_1993 = arith.muli %mul3A_1991, %mul3A_1992 : i32
        %add3A_1994 = arith.addi %mul3A_1993, %add3A_1989 : i32
        %mul3A_1995 = arith.constant 8 : i32
        %mul3A_1996 = arith.muli %add3A_1994, %mul3A_1995 : i32
        %dma_wait3A_1997 = arith.constant 16 : i32
        %dma_wait3A_1998 = arith.constant 128 : i32
        %dma_wait3A_1999 = tpu.memref_slice %arg9[%dma_wait3A_1997, %dma_wait3A_1998] : memref<32x513xf32, #tpu.memory_space<vmem>> -> memref<8x128xf32, #tpu.memory_space<vmem>>
        %dma_wait3A_2000 = arith.constant 0 : i32
        %dma_wait3A_2001 = tpu.memref_slice %arg4[%mul3A_1996, %dma_wait3A_2000] : memref<204800x128xf32, #tpu.memory_space<hbm>> -> memref<8x128xf32, #tpu.memory_space<hbm>>
        %dma_wait3A_2002 = arith.constant 0 : i32
        %dma_wait3A_2003 = tpu.memref_slice %arg4[%mul3A_1996, %dma_wait3A_2002] : memref<204800x128xf32, #tpu.memory_space<hbm>> -> memref<8x128xf32, #tpu.memory_space<hbm>>
        %dma_wait3A_2004 = arith.constant 16 : i32
        %dma_wait3A_2005 = arith.constant 128 : i32
        %dma_wait3A_2006 = tpu.memref_slice %arg9[%dma_wait3A_2004, %dma_wait3A_2005] : memref<32x513xf32, #tpu.memory_space<vmem>> -> memref<8x128xf32, #tpu.memory_space<vmem>>
        tpu.wait_dma2 semaphore(%arg13 : memref<!tpu.dma_semaphore, #tpu.memory_space<semaphore_mem>>) src(%dma_wait3A_2006 : memref<8x128xf32, #tpu.memory_space<vmem>>) dst(%dma_wait3A_2003 : memref<8x128xf32, #tpu.memory_space<hbm>>)
        %mul3A_2007 = arith.constant 4 : i32
        %mul3A_2008 = arith.muli %select_n3A_1776, %mul3A_2007 : i32
        %add3A_2009 = arith.constant 64 : i32
        %add3A_2010 = arith.addi %add3A_2009, %mul3A_2008 : i32
        %add3A_2011 = arith.constant 2 : i32
        %add3A_2012 = arith.addi %add3A_2010, %add3A_2011 : i32
        %mul3A_2013 = arith.constant 32 : i32
        %mul3A_2014 = arith.muli %select_n3A_1760, %mul3A_2013 : i32
        %mul3A_2015 = arith.constant 4 : i32
        %mul3A_2016 = arith.muli %mul3A_2014, %mul3A_2015 : i32
        %add3A_2017 = arith.addi %mul3A_2016, %add3A_2012 : i32
        %mul3A_2018 = arith.constant 8 : i32
        %mul3A_2019 = arith.muli %add3A_2017, %mul3A_2018 : i32
        %dma_wait3A_2020 = arith.constant 16 : i32
        %dma_wait3A_2021 = arith.constant 256 : i32
        %dma_wait3A_2022 = tpu.memref_slice %arg9[%dma_wait3A_2020, %dma_wait3A_2021] : memref<32x513xf32, #tpu.memory_space<vmem>> -> memref<8x128xf32, #tpu.memory_space<vmem>>
        %dma_wait3A_2023 = arith.constant 0 : i32
        %dma_wait3A_2024 = tpu.memref_slice %arg4[%mul3A_2019, %dma_wait3A_2023] : memref<204800x128xf32, #tpu.memory_space<hbm>> -> memref<8x128xf32, #tpu.memory_space<hbm>>
        %dma_wait3A_2025 = arith.constant 0 : i32
        %dma_wait3A_2026 = tpu.memref_slice %arg4[%mul3A_2019, %dma_wait3A_2025] : memref<204800x128xf32, #tpu.memory_space<hbm>> -> memref<8x128xf32, #tpu.memory_space<hbm>>
        %dma_wait3A_2027 = arith.constant 16 : i32
        %dma_wait3A_2028 = arith.constant 256 : i32
        %dma_wait3A_2029 = tpu.memref_slice %arg9[%dma_wait3A_2027, %dma_wait3A_2028] : memref<32x513xf32, #tpu.memory_space<vmem>> -> memref<8x128xf32, #tpu.memory_space<vmem>>
        tpu.wait_dma2 semaphore(%arg13 : memref<!tpu.dma_semaphore, #tpu.memory_space<semaphore_mem>>) src(%dma_wait3A_2029 : memref<8x128xf32, #tpu.memory_space<vmem>>) dst(%dma_wait3A_2026 : memref<8x128xf32, #tpu.memory_space<hbm>>)
        %mul3A_2030 = arith.constant 4 : i32
        %mul3A_2031 = arith.muli %select_n3A_1776, %mul3A_2030 : i32
        %add3A_2032 = arith.constant 64 : i32
        %add3A_2033 = arith.addi %add3A_2032, %mul3A_2031 : i32
        %add3A_2034 = arith.constant 3 : i32
        %add3A_2035 = arith.addi %add3A_2033, %add3A_2034 : i32
        %mul3A_2036 = arith.constant 32 : i32
        %mul3A_2037 = arith.muli %select_n3A_1760, %mul3A_2036 : i32
        %mul3A_2038 = arith.constant 4 : i32
        %mul3A_2039 = arith.muli %mul3A_2037, %mul3A_2038 : i32
        %add3A_2040 = arith.addi %mul3A_2039, %add3A_2035 : i32
        %mul3A_2041 = arith.constant 8 : i32
        %mul3A_2042 = arith.muli %add3A_2040, %mul3A_2041 : i32
        %dma_wait3A_2043 = arith.constant 16 : i32
        %dma_wait3A_2044 = arith.constant 384 : i32
        %dma_wait3A_2045 = tpu.memref_slice %arg9[%dma_wait3A_2043, %dma_wait3A_2044] : memref<32x513xf32, #tpu.memory_space<vmem>> -> memref<8x128xf32, #tpu.memory_space<vmem>>
        %dma_wait3A_2046 = arith.constant 0 : i32
        %dma_wait3A_2047 = tpu.memref_slice %arg4[%mul3A_2042, %dma_wait3A_2046] : memref<204800x128xf32, #tpu.memory_space<hbm>> -> memref<8x128xf32, #tpu.memory_space<hbm>>
        %dma_wait3A_2048 = arith.constant 0 : i32
        %dma_wait3A_2049 = tpu.memref_slice %arg4[%mul3A_2042, %dma_wait3A_2048] : memref<204800x128xf32, #tpu.memory_space<hbm>> -> memref<8x128xf32, #tpu.memory_space<hbm>>
        %dma_wait3A_2050 = arith.constant 16 : i32
        %dma_wait3A_2051 = arith.constant 384 : i32
        %dma_wait3A_2052 = tpu.memref_slice %arg9[%dma_wait3A_2050, %dma_wait3A_2051] : memref<32x513xf32, #tpu.memory_space<vmem>> -> memref<8x128xf32, #tpu.memory_space<vmem>>
        tpu.wait_dma2 semaphore(%arg13 : memref<!tpu.dma_semaphore, #tpu.memory_space<semaphore_mem>>) src(%dma_wait3A_2052 : memref<8x128xf32, #tpu.memory_space<vmem>>) dst(%dma_wait3A_2049 : memref<8x128xf32, #tpu.memory_space<hbm>>)
        %mul3A_2053 = arith.constant 4 : i32
        %mul3A_2054 = arith.muli %select_n3A_1776, %mul3A_2053 : i32
        %add3A_2055 = arith.constant 96 : i32
        %add3A_2056 = arith.addi %add3A_2055, %mul3A_2054 : i32
        %add3A_2057 = arith.constant 0 : i32
        %add3A_2058 = arith.addi %add3A_2056, %add3A_2057 : i32
        %mul3A_2059 = arith.constant 32 : i32
        %mul3A_2060 = arith.muli %select_n3A_1760, %mul3A_2059 : i32
        %mul3A_2061 = arith.constant 4 : i32
        %mul3A_2062 = arith.muli %mul3A_2060, %mul3A_2061 : i32
        %add3A_2063 = arith.addi %mul3A_2062, %add3A_2058 : i32
        %mul3A_2064 = arith.constant 8 : i32
        %mul3A_2065 = arith.muli %add3A_2063, %mul3A_2064 : i32
        %dma_wait3A_2066 = arith.constant 24 : i32
        %dma_wait3A_2067 = arith.constant 0 : i32
        %dma_wait3A_2068 = tpu.memref_slice %arg9[%dma_wait3A_2066, %dma_wait3A_2067] : memref<32x513xf32, #tpu.memory_space<vmem>> -> memref<8x128xf32, #tpu.memory_space<vmem>>
        %dma_wait3A_2069 = arith.constant 0 : i32
        %dma_wait3A_2070 = tpu.memref_slice %arg4[%mul3A_2065, %dma_wait3A_2069] : memref<204800x128xf32, #tpu.memory_space<hbm>> -> memref<8x128xf32, #tpu.memory_space<hbm>>
        %dma_wait3A_2071 = arith.constant 0 : i32
        %dma_wait3A_2072 = tpu.memref_slice %arg4[%mul3A_2065, %dma_wait3A_2071] : memref<204800x128xf32, #tpu.memory_space<hbm>> -> memref<8x128xf32, #tpu.memory_space<hbm>>
        %dma_wait3A_2073 = arith.constant 24 : i32
        %dma_wait3A_2074 = arith.constant 0 : i32
        %dma_wait3A_2075 = tpu.memref_slice %arg9[%dma_wait3A_2073, %dma_wait3A_2074] : memref<32x513xf32, #tpu.memory_space<vmem>> -> memref<8x128xf32, #tpu.memory_space<vmem>>
        tpu.wait_dma2 semaphore(%arg13 : memref<!tpu.dma_semaphore, #tpu.memory_space<semaphore_mem>>) src(%dma_wait3A_2075 : memref<8x128xf32, #tpu.memory_space<vmem>>) dst(%dma_wait3A_2072 : memref<8x128xf32, #tpu.memory_space<hbm>>)
        %mul3A_2076 = arith.constant 4 : i32
        %mul3A_2077 = arith.muli %select_n3A_1776, %mul3A_2076 : i32
        %add3A_2078 = arith.constant 96 : i32
        %add3A_2079 = arith.addi %add3A_2078, %mul3A_2077 : i32
        %add3A_2080 = arith.constant 1 : i32
        %add3A_2081 = arith.addi %add3A_2079, %add3A_2080 : i32
        %mul3A_2082 = arith.constant 32 : i32
        %mul3A_2083 = arith.muli %select_n3A_1760, %mul3A_2082 : i32
        %mul3A_2084 = arith.constant 4 : i32
        %mul3A_2085 = arith.muli %mul3A_2083, %mul3A_2084 : i32
        %add3A_2086 = arith.addi %mul3A_2085, %add3A_2081 : i32
        %mul3A_2087 = arith.constant 8 : i32
        %mul3A_2088 = arith.muli %add3A_2086, %mul3A_2087 : i32
        %dma_wait3A_2089 = arith.constant 24 : i32
        %dma_wait3A_2090 = arith.constant 128 : i32
        %dma_wait3A_2091 = tpu.memref_slice %arg9[%dma_wait3A_2089, %dma_wait3A_2090] : memref<32x513xf32, #tpu.memory_space<vmem>> -> memref<8x128xf32, #tpu.memory_space<vmem>>
        %dma_wait3A_2092 = arith.constant 0 : i32
        %dma_wait3A_2093 = tpu.memref_slice %arg4[%mul3A_2088, %dma_wait3A_2092] : memref<204800x128xf32, #tpu.memory_space<hbm>> -> memref<8x128xf32, #tpu.memory_space<hbm>>
        %dma_wait3A_2094 = arith.constant 0 : i32
        %dma_wait3A_2095 = tpu.memref_slice %arg4[%mul3A_2088, %dma_wait3A_2094] : memref<204800x128xf32, #tpu.memory_space<hbm>> -> memref<8x128xf32, #tpu.memory_space<hbm>>
        %dma_wait3A_2096 = arith.constant 24 : i32
        %dma_wait3A_2097 = arith.constant 128 : i32
        %dma_wait3A_2098 = tpu.memref_slice %arg9[%dma_wait3A_2096, %dma_wait3A_2097] : memref<32x513xf32, #tpu.memory_space<vmem>> -> memref<8x128xf32, #tpu.memory_space<vmem>>
        tpu.wait_dma2 semaphore(%arg13 : memref<!tpu.dma_semaphore, #tpu.memory_space<semaphore_mem>>) src(%dma_wait3A_2098 : memref<8x128xf32, #tpu.memory_space<vmem>>) dst(%dma_wait3A_2095 : memref<8x128xf32, #tpu.memory_space<hbm>>)
        %mul3A_2099 = arith.constant 4 : i32
        %mul3A_2100 = arith.muli %select_n3A_1776, %mul3A_2099 : i32
        %add3A_2101 = arith.constant 96 : i32
        %add3A_2102 = arith.addi %add3A_2101, %mul3A_2100 : i32
        %add3A_2103 = arith.constant 2 : i32
        %add3A_2104 = arith.addi %add3A_2102, %add3A_2103 : i32
        %mul3A_2105 = arith.constant 32 : i32
        %mul3A_2106 = arith.muli %select_n3A_1760, %mul3A_2105 : i32
        %mul3A_2107 = arith.constant 4 : i32
        %mul3A_2108 = arith.muli %mul3A_2106, %mul3A_2107 : i32
        %add3A_2109 = arith.addi %mul3A_2108, %add3A_2104 : i32
        %mul3A_2110 = arith.constant 8 : i32
        %mul3A_2111 = arith.muli %add3A_2109, %mul3A_2110 : i32
        %dma_wait3A_2112 = arith.constant 24 : i32
        %dma_wait3A_2113 = arith.constant 256 : i32
        %dma_wait3A_2114 = tpu.memref_slice %arg9[%dma_wait3A_2112, %dma_wait3A_2113] : memref<32x513xf32, #tpu.memory_space<vmem>> -> memref<8x128xf32, #tpu.memory_space<vmem>>
        %dma_wait3A_2115 = arith.constant 0 : i32
        %dma_wait3A_2116 = tpu.memref_slice %arg4[%mul3A_2111, %dma_wait3A_2115] : memref<204800x128xf32, #tpu.memory_space<hbm>> -> memref<8x128xf32, #tpu.memory_space<hbm>>
        %dma_wait3A_2117 = arith.constant 0 : i32
        %dma_wait3A_2118 = tpu.memref_slice %arg4[%mul3A_2111, %dma_wait3A_2117] : memref<204800x128xf32, #tpu.memory_space<hbm>> -> memref<8x128xf32, #tpu.memory_space<hbm>>
        %dma_wait3A_2119 = arith.constant 24 : i32
        %dma_wait3A_2120 = arith.constant 256 : i32
        %dma_wait3A_2121 = tpu.memref_slice %arg9[%dma_wait3A_2119, %dma_wait3A_2120] : memref<32x513xf32, #tpu.memory_space<vmem>> -> memref<8x128xf32, #tpu.memory_space<vmem>>
        tpu.wait_dma2 semaphore(%arg13 : memref<!tpu.dma_semaphore, #tpu.memory_space<semaphore_mem>>) src(%dma_wait3A_2121 : memref<8x128xf32, #tpu.memory_space<vmem>>) dst(%dma_wait3A_2118 : memref<8x128xf32, #tpu.memory_space<hbm>>)
        %mul3A_2122 = arith.constant 4 : i32
        %mul3A_2123 = arith.muli %select_n3A_1776, %mul3A_2122 : i32
        %add3A_2124 = arith.constant 96 : i32
        %add3A_2125 = arith.addi %add3A_2124, %mul3A_2123 : i32
        %add3A_2126 = arith.constant 3 : i32
        %add3A_2127 = arith.addi %add3A_2125, %add3A_2126 : i32
        %mul3A_2128 = arith.constant 32 : i32
        %mul3A_2129 = arith.muli %select_n3A_1760, %mul3A_2128 : i32
        %mul3A_2130 = arith.constant 4 : i32
        %mul3A_2131 = arith.muli %mul3A_2129, %mul3A_2130 : i32
        %add3A_2132 = arith.addi %mul3A_2131, %add3A_2127 : i32
        %mul3A_2133 = arith.constant 8 : i32
        %mul3A_2134 = arith.muli %add3A_2132, %mul3A_2133 : i32
        %dma_wait3A_2135 = arith.constant 24 : i32
        %dma_wait3A_2136 = arith.constant 384 : i32
        %dma_wait3A_2137 = tpu.memref_slice %arg9[%dma_wait3A_2135, %dma_wait3A_2136] : memref<32x513xf32, #tpu.memory_space<vmem>> -> memref<8x128xf32, #tpu.memory_space<vmem>>
        %dma_wait3A_2138 = arith.constant 0 : i32
        %dma_wait3A_2139 = tpu.memref_slice %arg4[%mul3A_2134, %dma_wait3A_2138] : memref<204800x128xf32, #tpu.memory_space<hbm>> -> memref<8x128xf32, #tpu.memory_space<hbm>>
        %dma_wait3A_2140 = arith.constant 0 : i32
        %dma_wait3A_2141 = tpu.memref_slice %arg4[%mul3A_2134, %dma_wait3A_2140] : memref<204800x128xf32, #tpu.memory_space<hbm>> -> memref<8x128xf32, #tpu.memory_space<hbm>>
        %dma_wait3A_2142 = arith.constant 24 : i32
        %dma_wait3A_2143 = arith.constant 384 : i32
        %dma_wait3A_2144 = tpu.memref_slice %arg9[%dma_wait3A_2142, %dma_wait3A_2143] : memref<32x513xf32, #tpu.memory_space<vmem>> -> memref<8x128xf32, #tpu.memory_space<vmem>>
        tpu.wait_dma2 semaphore(%arg13 : memref<!tpu.dma_semaphore, #tpu.memory_space<semaphore_mem>>) src(%dma_wait3A_2144 : memref<8x128xf32, #tpu.memory_space<vmem>>) dst(%dma_wait3A_2141 : memref<8x128xf32, #tpu.memory_space<hbm>>)
      } else {
      }
      %scan3A_1310 = arith.constant 0 : i32
      %scan3A_1311 = arith.constant 0 : i32
      %scan3A_1312 = arith.constant 32 : i32
      %scan3A_1313 = arith.addi %scan3A_1311, %scan3A_1312 : i32
      %scan3A_1314 = arith.constant 1 : i32
      scf.for %scan3A_1735 = %scan3A_1311 to %scan3A_1313 step %scan3A_1314  : i32 {
        %mul3A_1736 = arith.constant 16 : i32
        %mul3A_1737 = arith.muli %scan3A_1735, %mul3A_1736 : i32
        %add3A_1738 = arith.constant 0 : i32
        %add3A_1739 = arith.addi %mul3A_1737, %add3A_1738 : i32
        %broadcast_in_dim3A = vector.broadcast %add3A_1739 : i32 to vector<16xi32>
        %gather3A = tpu.vector_load_idx %arg7[%broadcast_in_dim3A, %iota3A] : memref<512x32xf32, #tpu.memory_space<vmem>>[vector<16xi32>, vector<16xi32>], vector<16xf32>,
        %gather3A_1740 = tpu.vector_load_idx %arg7[%broadcast_in_dim3A, %add3A_5] : memref<512x32xf32, #tpu.memory_space<vmem>>[vector<16xi32>, vector<16xi32>], vector<16xf32>,
        tpu.vector_store_idx %arg9[%iota3A, %broadcast_in_dim3A], %gather3A : memref<32x513xf32, #tpu.memory_space<vmem>>[vector<16xi32>, vector<16xi32>], vector<16xf32>,
        tpu.vector_store_idx %arg9[%add3A_5, %broadcast_in_dim3A], %gather3A_1740 : memref<32x513xf32, #tpu.memory_space<vmem>>[vector<16xi32>, vector<16xi32>], vector<16xf32>,
        %mul3A_1741 = arith.constant 16 : i32
        %mul3A_1742 = arith.muli %scan3A_1735, %mul3A_1741 : i32
        %add3A_1743 = arith.constant 1 : i32
        %add3A_1744 = arith.addi %mul3A_1742, %add3A_1743 : i32
        %broadcast_in_dim3A_1745 = vector.broadcast %add3A_1744 : i32 to vector<16xi32>
        %gather3A_1746 = tpu.vector_load_idx %arg7[%broadcast_in_dim3A_1745, %iota3A] : memref<512x32xf32, #tpu.memory_space<vmem>>[vector<16xi32>, vector<16xi32>], vector<16xf32>,
        %gather3A_1747 = tpu.vector_load_idx %arg7[%broadcast_in_dim3A_1745, %add3A_5] : memref<512x32xf32, #tpu.memory_space<vmem>>[vector<16xi32>, vector<16xi32>], vector<16xf32>,
        tpu.vector_store_idx %arg9[%iota3A, %broadcast_in_dim3A_1745], %gather3A_1746 : memref<32x513xf32, #tpu.memory_space<vmem>>[vector<16xi32>, vector<16xi32>], vector<16xf32>,
        tpu.vector_store_idx %arg9[%add3A_5, %broadcast_in_dim3A_1745], %gather3A_1747 : memref<32x513xf32, #tpu.memory_space<vmem>>[vector<16xi32>, vector<16xi32>], vector<16xf32>,
        %mul3A_1748 = arith.constant 16 : i32
        %mul3A_1749 = arith.muli %scan3A_1735, %mul3A_1748 : i32
        %add3A_1750 = arith.constant 2 : i32
        %add3A_1751 = arith.addi %mul3A_1749, %add3A_1750 : i32
        %broadcast_in_dim3A_1752 = vector.broadcast %add3A_1751 : i32 to vector<16xi32>
        %gather3A_1753 = tpu.vector_load_idx %arg7[%broadcast_in_dim3A_1752, %iota3A] : memref<512x32xf32, #tpu.memory_space<vmem>>[vector<16xi32>, vector<16xi32>], vector<16xf32>,
        %gather3A_1754 = tpu.vector_load_idx %arg7[%broadcast_in_dim3A_1752, %add3A_5] : memref<512x32xf32, #tpu.memory_space<vmem>>[vector<16xi32>, vector<16xi32>], vector<16xf32>,
        tpu.vector_store_idx %arg9[%iota3A, %broadcast_in_dim3A_1752], %gather3A_1753 : memref<32x513xf32, #tpu.memory_space<vmem>>[vector<16xi32>, vector<16xi32>], vector<16xf32>,
        tpu.vector_store_idx %arg9[%add3A_5, %broadcast_in_dim3A_1752], %gather3A_1754 : memref<32x513xf32, #tpu.memory_space<vmem>>[vector<16xi32>, vector<16xi32>], vector<16xf32>,
        %mul3A_1755 = arith.constant 16 : i32
        %mul3A_1756 = arith.muli %scan3A_1735, %mul3A_1755 : i32
        %add3A_1757 = arith.constant 3 : i32
        %add3A_1758 = arith.addi %mul3A_1756, %add3A_1757 : i32
        %broadcast_in_dim3A_1759 = vector.broadcast %add3A_1758 : i32 to vector<16xi32>
        %gather3A_1760 = tpu.vector_load_idx %arg7[%broadcast_in_dim3A_1759, %iota3A] : memref<512x32xf32, #tpu.memory_space<vmem>>[vector<16xi32>, vector<16xi32>], vector<16xf32>,
        %gather3A_1761 = tpu.vector_load_idx %arg7[%broadcast_in_dim3A_1759, %add3A_5] : memref<512x32xf32, #tpu.memory_space<vmem>>[vector<16xi32>, vector<16xi32>], vector<16xf32>,
        tpu.vector_store_idx %arg9[%iota3A, %broadcast_in_dim3A_1759], %gather3A_1760 : memref<32x513xf32, #tpu.memory_space<vmem>>[vector<16xi32>, vector<16xi32>], vector<16xf32>,
        tpu.vector_store_idx %arg9[%add3A_5, %broadcast_in_dim3A_1759], %gather3A_1761 : memref<32x513xf32, #tpu.memory_space<vmem>>[vector<16xi32>, vector<16xi32>], vector<16xf32>,
        %mul3A_1762 = arith.constant 16 : i32
        %mul3A_1763 = arith.muli %scan3A_1735, %mul3A_1762 : i32
        %add3A_1764 = arith.constant 4 : i32
        %add3A_1765 = arith.addi %mul3A_1763, %add3A_1764 : i32
        %broadcast_in_dim3A_1766 = vector.broadcast %add3A_1765 : i32 to vector<16xi32>
        %gather3A_1767 = tpu.vector_load_idx %arg7[%broadcast_in_dim3A_1766, %iota3A] : memref<512x32xf32, #tpu.memory_space<vmem>>[vector<16xi32>, vector<16xi32>], vector<16xf32>,
        %gather3A_1768 = tpu.vector_load_idx %arg7[%broadcast_in_dim3A_1766, %add3A_5] : memref<512x32xf32, #tpu.memory_space<vmem>>[vector<16xi32>, vector<16xi32>], vector<16xf32>,
        tpu.vector_store_idx %arg9[%iota3A, %broadcast_in_dim3A_1766], %gather3A_1767 : memref<32x513xf32, #tpu.memory_space<vmem>>[vector<16xi32>, vector<16xi32>], vector<16xf32>,
        tpu.vector_store_idx %arg9[%add3A_5, %broadcast_in_dim3A_1766], %gather3A_1768 : memref<32x513xf32, #tpu.memory_space<vmem>>[vector<16xi32>, vector<16xi32>], vector<16xf32>,
        %mul3A_1769 = arith.constant 16 : i32
        %mul3A_1770 = arith.muli %scan3A_1735, %mul3A_1769 : i32
        %add3A_1771 = arith.constant 5 : i32
        %add3A_1772 = arith.addi %mul3A_1770, %add3A_1771 : i32
        %broadcast_in_dim3A_1773 = vector.broadcast %add3A_1772 : i32 to vector<16xi32>
        %gather3A_1774 = tpu.vector_load_idx %arg7[%broadcast_in_dim3A_1773, %iota3A] : memref<512x32xf32, #tpu.memory_space<vmem>>[vector<16xi32>, vector<16xi32>], vector<16xf32>,
        %gather3A_1775 = tpu.vector_load_idx %arg7[%broadcast_in_dim3A_1773, %add3A_5] : memref<512x32xf32, #tpu.memory_space<vmem>>[vector<16xi32>, vector<16xi32>], vector<16xf32>,
        tpu.vector_store_idx %arg9[%iota3A, %broadcast_in_dim3A_1773], %gather3A_1774 : memref<32x513xf32, #tpu.memory_space<vmem>>[vector<16xi32>, vector<16xi32>], vector<16xf32>,
        tpu.vector_store_idx %arg9[%add3A_5, %broadcast_in_dim3A_1773], %gather3A_1775 : memref<32x513xf32, #tpu.memory_space<vmem>>[vector<16xi32>, vector<16xi32>], vector<16xf32>,
        %mul3A_1776 = arith.constant 16 : i32
        %mul3A_1777 = arith.muli %scan3A_1735, %mul3A_1776 : i32
        %add3A_1778 = arith.constant 6 : i32
        %add3A_1779 = arith.addi %mul3A_1777, %add3A_1778 : i32
        %broadcast_in_dim3A_1780 = vector.broadcast %add3A_1779 : i32 to vector<16xi32>
        %gather3A_1781 = tpu.vector_load_idx %arg7[%broadcast_in_dim3A_1780, %iota3A] : memref<512x32xf32, #tpu.memory_space<vmem>>[vector<16xi32>, vector<16xi32>], vector<16xf32>,
        %gather3A_1782 = tpu.vector_load_idx %arg7[%broadcast_in_dim3A_1780, %add3A_5] : memref<512x32xf32, #tpu.memory_space<vmem>>[vector<16xi32>, vector<16xi32>], vector<16xf32>,
        tpu.vector_store_idx %arg9[%iota3A, %broadcast_in_dim3A_1780], %gather3A_1781 : memref<32x513xf32, #tpu.memory_space<vmem>>[vector<16xi32>, vector<16xi32>], vector<16xf32>,
        tpu.vector_store_idx %arg9[%add3A_5, %broadcast_in_dim3A_1780], %gather3A_1782 : memref<32x513xf32, #tpu.memory_space<vmem>>[vector<16xi32>, vector<16xi32>], vector<16xf32>,
        %mul3A_1783 = arith.constant 16 : i32
        %mul3A_1784 = arith.muli %scan3A_1735, %mul3A_1783 : i32
        %add3A_1785 = arith.constant 7 : i32
        %add3A_1786 = arith.addi %mul3A_1784, %add3A_1785 : i32
        %broadcast_in_dim3A_1787 = vector.broadcast %add3A_1786 : i32 to vector<16xi32>
        %gather3A_1788 = tpu.vector_load_idx %arg7[%broadcast_in_dim3A_1787, %iota3A] : memref<512x32xf32, #tpu.memory_space<vmem>>[vector<16xi32>, vector<16xi32>], vector<16xf32>,
        %gather3A_1789 = tpu.vector_load_idx %arg7[%broadcast_in_dim3A_1787, %add3A_5] : memref<512x32xf32, #tpu.memory_space<vmem>>[vector<16xi32>, vector<16xi32>], vector<16xf32>,
        tpu.vector_store_idx %arg9[%iota3A, %broadcast_in_dim3A_1787], %gather3A_1788 : memref<32x513xf32, #tpu.memory_space<vmem>>[vector<16xi32>, vector<16xi32>], vector<16xf32>,
        tpu.vector_store_idx %arg9[%add3A_5, %broadcast_in_dim3A_1787], %gather3A_1789 : memref<32x513xf32, #tpu.memory_space<vmem>>[vector<16xi32>, vector<16xi32>], vector<16xf32>,
        %mul3A_1790 = arith.constant 16 : i32
        %mul3A_1791 = arith.muli %scan3A_1735, %mul3A_1790 : i32
        %add3A_1792 = arith.constant 8 : i32
        %add3A_1793 = arith.addi %mul3A_1791, %add3A_1792 : i32
        %broadcast_in_dim3A_1794 = vector.broadcast %add3A_1793 : i32 to vector<16xi32>
        %gather3A_1795 = tpu.vector_load_idx %arg7[%broadcast_in_dim3A_1794, %iota3A] : memref<512x32xf32, #tpu.memory_space<vmem>>[vector<16xi32>, vector<16xi32>], vector<16xf32>,
        %gather3A_1796 = tpu.vector_load_idx %arg7[%broadcast_in_dim3A_1794, %add3A_5] : memref<512x32xf32, #tpu.memory_space<vmem>>[vector<16xi32>, vector<16xi32>], vector<16xf32>,
        tpu.vector_store_idx %arg9[%iota3A, %broadcast_in_dim3A_1794], %gather3A_1795 : memref<32x513xf32, #tpu.memory_space<vmem>>[vector<16xi32>, vector<16xi32>], vector<16xf32>,
        tpu.vector_store_idx %arg9[%add3A_5, %broadcast_in_dim3A_1794], %gather3A_1796 : memref<32x513xf32, #tpu.memory_space<vmem>>[vector<16xi32>, vector<16xi32>], vector<16xf32>,
        %mul3A_1797 = arith.constant 16 : i32
        %mul3A_1798 = arith.muli %scan3A_1735, %mul3A_1797 : i32
        %add3A_1799 = arith.constant 9 : i32
        %add3A_1800 = arith.addi %mul3A_1798, %add3A_1799 : i32
        %broadcast_in_dim3A_1801 = vector.broadcast %add3A_1800 : i32 to vector<16xi32>
        %gather3A_1802 = tpu.vector_load_idx %arg7[%broadcast_in_dim3A_1801, %iota3A] : memref<512x32xf32, #tpu.memory_space<vmem>>[vector<16xi32>, vector<16xi32>], vector<16xf32>,
        %gather3A_1803 = tpu.vector_load_idx %arg7[%broadcast_in_dim3A_1801, %add3A_5] : memref<512x32xf32, #tpu.memory_space<vmem>>[vector<16xi32>, vector<16xi32>], vector<16xf32>,
        tpu.vector_store_idx %arg9[%iota3A, %broadcast_in_dim3A_1801], %gather3A_1802 : memref<32x513xf32, #tpu.memory_space<vmem>>[vector<16xi32>, vector<16xi32>], vector<16xf32>,
        tpu.vector_store_idx %arg9[%add3A_5, %broadcast_in_dim3A_1801], %gather3A_1803 : memref<32x513xf32, #tpu.memory_space<vmem>>[vector<16xi32>, vector<16xi32>], vector<16xf32>,
        %mul3A_1804 = arith.constant 16 : i32
        %mul3A_1805 = arith.muli %scan3A_1735, %mul3A_1804 : i32
        %add3A_1806 = arith.constant 10 : i32
        %add3A_1807 = arith.addi %mul3A_1805, %add3A_1806 : i32
        %broadcast_in_dim3A_1808 = vector.broadcast %add3A_1807 : i32 to vector<16xi32>
        %gather3A_1809 = tpu.vector_load_idx %arg7[%broadcast_in_dim3A_1808, %iota3A] : memref<512x32xf32, #tpu.memory_space<vmem>>[vector<16xi32>, vector<16xi32>], vector<16xf32>,
        %gather3A_1810 = tpu.vector_load_idx %arg7[%broadcast_in_dim3A_1808, %add3A_5] : memref<512x32xf32, #tpu.memory_space<vmem>>[vector<16xi32>, vector<16xi32>], vector<16xf32>,
        tpu.vector_store_idx %arg9[%iota3A, %broadcast_in_dim3A_1808], %gather3A_1809 : memref<32x513xf32, #tpu.memory_space<vmem>>[vector<16xi32>, vector<16xi32>], vector<16xf32>,
        tpu.vector_store_idx %arg9[%add3A_5, %broadcast_in_dim3A_1808], %gather3A_1810 : memref<32x513xf32, #tpu.memory_space<vmem>>[vector<16xi32>, vector<16xi32>], vector<16xf32>,
        %mul3A_1811 = arith.constant 16 : i32
        %mul3A_1812 = arith.muli %scan3A_1735, %mul3A_1811 : i32
        %add3A_1813 = arith.constant 11 : i32
        %add3A_1814 = arith.addi %mul3A_1812, %add3A_1813 : i32
        %broadcast_in_dim3A_1815 = vector.broadcast %add3A_1814 : i32 to vector<16xi32>
        %gather3A_1816 = tpu.vector_load_idx %arg7[%broadcast_in_dim3A_1815, %iota3A] : memref<512x32xf32, #tpu.memory_space<vmem>>[vector<16xi32>, vector<16xi32>], vector<16xf32>,
        %gather3A_1817 = tpu.vector_load_idx %arg7[%broadcast_in_dim3A_1815, %add3A_5] : memref<512x32xf32, #tpu.memory_space<vmem>>[vector<16xi32>, vector<16xi32>], vector<16xf32>,
        tpu.vector_store_idx %arg9[%iota3A, %broadcast_in_dim3A_1815], %gather3A_1816 : memref<32x513xf32, #tpu.memory_space<vmem>>[vector<16xi32>, vector<16xi32>], vector<16xf32>,
        tpu.vector_store_idx %arg9[%add3A_5, %broadcast_in_dim3A_1815], %gather3A_1817 : memref<32x513xf32, #tpu.memory_space<vmem>>[vector<16xi32>, vector<16xi32>], vector<16xf32>,
        %mul3A_1818 = arith.constant 16 : i32
        %mul3A_1819 = arith.muli %scan3A_1735, %mul3A_1818 : i32
        %add3A_1820 = arith.constant 12 : i32
        %add3A_1821 = arith.addi %mul3A_1819, %add3A_1820 : i32
        %broadcast_in_dim3A_1822 = vector.broadcast %add3A_1821 : i32 to vector<16xi32>
        %gather3A_1823 = tpu.vector_load_idx %arg7[%broadcast_in_dim3A_1822, %iota3A] : memref<512x32xf32, #tpu.memory_space<vmem>>[vector<16xi32>, vector<16xi32>], vector<16xf32>,
        %gather3A_1824 = tpu.vector_load_idx %arg7[%broadcast_in_dim3A_1822, %add3A_5] : memref<512x32xf32, #tpu.memory_space<vmem>>[vector<16xi32>, vector<16xi32>], vector<16xf32>,
        tpu.vector_store_idx %arg9[%iota3A, %broadcast_in_dim3A_1822], %gather3A_1823 : memref<32x513xf32, #tpu.memory_space<vmem>>[vector<16xi32>, vector<16xi32>], vector<16xf32>,
        tpu.vector_store_idx %arg9[%add3A_5, %broadcast_in_dim3A_1822], %gather3A_1824 : memref<32x513xf32, #tpu.memory_space<vmem>>[vector<16xi32>, vector<16xi32>], vector<16xf32>,
        %mul3A_1825 = arith.constant 16 : i32
        %mul3A_1826 = arith.muli %scan3A_1735, %mul3A_1825 : i32
        %add3A_1827 = arith.constant 13 : i32
        %add3A_1828 = arith.addi %mul3A_1826, %add3A_1827 : i32
        %broadcast_in_dim3A_1829 = vector.broadcast %add3A_1828 : i32 to vector<16xi32>
        %gather3A_1830 = tpu.vector_load_idx %arg7[%broadcast_in_dim3A_1829, %iota3A] : memref<512x32xf32, #tpu.memory_space<vmem>>[vector<16xi32>, vector<16xi32>], vector<16xf32>,
        %gather3A_1831 = tpu.vector_load_idx %arg7[%broadcast_in_dim3A_1829, %add3A_5] : memref<512x32xf32, #tpu.memory_space<vmem>>[vector<16xi32>, vector<16xi32>], vector<16xf32>,
        tpu.vector_store_idx %arg9[%iota3A, %broadcast_in_dim3A_1829], %gather3A_1830 : memref<32x513xf32, #tpu.memory_space<vmem>>[vector<16xi32>, vector<16xi32>], vector<16xf32>,
        tpu.vector_store_idx %arg9[%add3A_5, %broadcast_in_dim3A_1829], %gather3A_1831 : memref<32x513xf32, #tpu.memory_space<vmem>>[vector<16xi32>, vector<16xi32>], vector<16xf32>,
        %mul3A_1832 = arith.constant 16 : i32
        %mul3A_1833 = arith.muli %scan3A_1735, %mul3A_1832 : i32
        %add3A_1834 = arith.constant 14 : i32
        %add3A_1835 = arith.addi %mul3A_1833, %add3A_1834 : i32
        %broadcast_in_dim3A_1836 = vector.broadcast %add3A_1835 : i32 to vector<16xi32>
        %gather3A_1837 = tpu.vector_load_idx %arg7[%broadcast_in_dim3A_1836, %iota3A] : memref<512x32xf32, #tpu.memory_space<vmem>>[vector<16xi32>, vector<16xi32>], vector<16xf32>,
        %gather3A_1838 = tpu.vector_load_idx %arg7[%broadcast_in_dim3A_1836, %add3A_5] : memref<512x32xf32, #tpu.memory_space<vmem>>[vector<16xi32>, vector<16xi32>], vector<16xf32>,
        tpu.vector_store_idx %arg9[%iota3A, %broadcast_in_dim3A_1836], %gather3A_1837 : memref<32x513xf32, #tpu.memory_space<vmem>>[vector<16xi32>, vector<16xi32>], vector<16xf32>,
        tpu.vector_store_idx %arg9[%add3A_5, %broadcast_in_dim3A_1836], %gather3A_1838 : memref<32x513xf32, #tpu.memory_space<vmem>>[vector<16xi32>, vector<16xi32>], vector<16xf32>,
        %mul3A_1839 = arith.constant 16 : i32
        %mul3A_1840 = arith.muli %scan3A_1735, %mul3A_1839 : i32
        %add3A_1841 = arith.constant 15 : i32
        %add3A_1842 = arith.addi %mul3A_1840, %add3A_1841 : i32
        %broadcast_in_dim3A_1843 = vector.broadcast %add3A_1842 : i32 to vector<16xi32>
        %gather3A_1844 = tpu.vector_load_idx %arg7[%broadcast_in_dim3A_1843, %iota3A] : memref<512x32xf32, #tpu.memory_space<vmem>>[vector<16xi32>, vector<16xi32>], vector<16xf32>,
        %gather3A_1845 = tpu.vector_load_idx %arg7[%broadcast_in_dim3A_1843, %add3A_5] : memref<512x32xf32, #tpu.memory_space<vmem>>[vector<16xi32>, vector<16xi32>], vector<16xf32>,
        tpu.vector_store_idx %arg9[%iota3A, %broadcast_in_dim3A_1843], %gather3A_1844 : memref<32x513xf32, #tpu.memory_space<vmem>>[vector<16xi32>, vector<16xi32>], vector<16xf32>,
        tpu.vector_store_idx %arg9[%add3A_5, %broadcast_in_dim3A_1843], %gather3A_1845 : memref<32x513xf32, #tpu.memory_space<vmem>>[vector<16xi32>, vector<16xi32>], vector<16xf32>,
      }
      %scan3A_1315 = arith.constant 32 : i32
      %jit3A_1316 = arith.constant 8 : i32
      %div3A_1317 = arith.divsi %add3A_1292, %jit3A_1316 : i32
      %sign3A_1318 = arith.constant 0 : i32
      %sign3A_1319 = arith.cmpi sgt, %add3A_1292, %sign3A_1318 : i32
      %sign3A_1320 = arith.extui %sign3A_1319 : i1 to i32
      %sign3A_1321 = arith.constant 0 : i32
      %sign3A_1322 = arith.cmpi slt, %add3A_1292, %sign3A_1321 : i32
      %sign3A_1323 = arith.extui %sign3A_1322 : i1 to i32
      %sign3A_1324 = arith.subi %sign3A_1320, %sign3A_1323 : i32
      %sign3A_1325 = arith.constant 0 : i32
      %sign3A_1326 = arith.cmpi sgt, %jit3A_1316, %sign3A_1325 : i32
      %sign3A_1327 = arith.extui %sign3A_1326 : i1 to i32
      %sign3A_1328 = arith.constant 0 : i32
      %sign3A_1329 = arith.cmpi slt, %jit3A_1316, %sign3A_1328 : i32
      %sign3A_1330 = arith.extui %sign3A_1329 : i1 to i32
      %sign3A_1331 = arith.subi %sign3A_1327, %sign3A_1330 : i32
      %ne3A_1332 = arith.cmpi ne, %sign3A_1324, %sign3A_1331 : i32
      %rem3A_1333 = arith.remsi %add3A_1292, %jit3A_1316 : i32
      %ne3A_1334 = arith.constant 0 : i32
      %ne3A_1335 = arith.cmpi ne, %rem3A_1333, %ne3A_1334 : i32
      %and3A_1336 = arith.andi %ne3A_1332, %ne3A_1335 : i1
      %sub3A_1337 = arith.constant 1 : i32
      %sub3A_1338 = arith.subi %div3A_1317, %sub3A_1337 : i32
      %select_n3A_1339 = arith.select %and3A_1336, %sub3A_1338, %div3A_1317 : i32
      %jit3A_1340 = arith.constant 8 : i32
      %eq3A_1341 = arith.constant 0 : i32
      %eq3A_1342 = arith.cmpi eq, %jit3A_1340, %eq3A_1341 : i32
      %jit3A_1343 = arith.constant 1 : i32
      %select_n3A_1344 = arith.select %eq3A_1342, %jit3A_1343, %jit3A_1340 : i32
      %rem3A_1345 = arith.remsi %add3A_1292, %select_n3A_1344 : i32
      %ne3A_1346 = arith.constant 0 : i32
      %ne3A_1347 = arith.cmpi ne, %rem3A_1345, %ne3A_1346 : i32
      %lt3A_1348 = arith.constant 0 : i32
      %lt3A_1349 = arith.cmpi slt, %rem3A_1345, %lt3A_1348 : i32
      %lt3A_1350 = arith.constant 0 : i32
      %lt3A_1351 = arith.cmpi slt, %select_n3A_1344, %lt3A_1350 : i32
      %ne3A_1352 = arith.xori %lt3A_1349, %lt3A_1351 : i1
      %and3A_1353 = arith.andi %ne3A_1352, %ne3A_1347 : i1
      %add3A_1354 = arith.addi %rem3A_1345, %select_n3A_1344 : i32
      %select_n3A_1355 = arith.select %and3A_1353, %add3A_1354, %rem3A_1345 : i32
      %mul3A_1356 = arith.constant 4 : i32
      %mul3A_1357 = arith.muli %select_n3A_1355, %mul3A_1356 : i32
      %add3A_1358 = arith.constant 0 : i32
      %add3A_1359 = arith.addi %add3A_1358, %mul3A_1357 : i32
      %add3A_1360 = arith.constant 0 : i32
      %add3A_1361 = arith.addi %add3A_1359, %add3A_1360 : i32
      %mul3A_1362 = arith.constant 32 : i32
      %mul3A_1363 = arith.muli %select_n3A_1339, %mul3A_1362 : i32
      %mul3A_1364 = arith.constant 4 : i32
      %mul3A_1365 = arith.muli %mul3A_1363, %mul3A_1364 : i32
      %add3A_1366 = arith.addi %mul3A_1365, %add3A_1361 : i32
      %mul3A_1367 = arith.constant 8 : i32
      %mul3A_1368 = arith.muli %add3A_1366, %mul3A_1367 : i32
      %dma_start3A_1369 = arith.constant 0 : i32
      %dma_start3A_1370 = arith.constant 0 : i32
      %dma_start3A_1371 = tpu.memref_slice %arg9[%dma_start3A_1369, %dma_start3A_1370] : memref<32x513xf32, #tpu.memory_space<vmem>> -> memref<8x128xf32, #tpu.memory_space<vmem>>
      %dma_start3A_1372 = arith.constant 0 : i32
      %dma_start3A_1373 = tpu.memref_slice %arg4[%mul3A_1368, %dma_start3A_1372] : memref<204800x128xf32, #tpu.memory_space<hbm>> -> memref<8x128xf32, #tpu.memory_space<hbm>>
      %dma_start3A_1374 = arith.constant 0 : i32
      %dma_start3A_1375 = tpu.memref_slice %arg4[%mul3A_1368, %dma_start3A_1374] : memref<204800x128xf32, #tpu.memory_space<hbm>> -> memref<8x128xf32, #tpu.memory_space<hbm>>
      %dma_start3A_1376 = arith.constant 0 : i32
      %dma_start3A_1377 = arith.constant 0 : i32
      %dma_start3A_1378 = tpu.memref_slice %arg9[%dma_start3A_1376, %dma_start3A_1377] : memref<32x513xf32, #tpu.memory_space<vmem>> -> memref<8x128xf32, #tpu.memory_space<vmem>>
      tpu.enqueue_dma source(%dma_start3A_1378 : memref<8x128xf32, #tpu.memory_space<vmem>>) target(%dma_start3A_1375 : memref<8x128xf32, #tpu.memory_space<hbm>>) target_semaphore(%arg13 : memref<!tpu.dma_semaphore, #tpu.memory_space<semaphore_mem>>)
      %mul3A_1379 = arith.constant 4 : i32
      %mul3A_1380 = arith.muli %select_n3A_1355, %mul3A_1379 : i32
      %add3A_1381 = arith.constant 0 : i32
      %add3A_1382 = arith.addi %add3A_1381, %mul3A_1380 : i32
      %add3A_1383 = arith.constant 1 : i32
      %add3A_1384 = arith.addi %add3A_1382, %add3A_1383 : i32
      %mul3A_1385 = arith.constant 32 : i32
      %mul3A_1386 = arith.muli %select_n3A_1339, %mul3A_1385 : i32
      %mul3A_1387 = arith.constant 4 : i32
      %mul3A_1388 = arith.muli %mul3A_1386, %mul3A_1387 : i32
      %add3A_1389 = arith.addi %mul3A_1388, %add3A_1384 : i32
      %mul3A_1390 = arith.constant 8 : i32
      %mul3A_1391 = arith.muli %add3A_1389, %mul3A_1390 : i32
      %dma_start3A_1392 = arith.constant 0 : i32
      %dma_start3A_1393 = arith.constant 128 : i32
      %dma_start3A_1394 = tpu.memref_slice %arg9[%dma_start3A_1392, %dma_start3A_1393] : memref<32x513xf32, #tpu.memory_space<vmem>> -> memref<8x128xf32, #tpu.memory_space<vmem>>
      %dma_start3A_1395 = arith.constant 0 : i32
      %dma_start3A_1396 = tpu.memref_slice %arg4[%mul3A_1391, %dma_start3A_1395] : memref<204800x128xf32, #tpu.memory_space<hbm>> -> memref<8x128xf32, #tpu.memory_space<hbm>>
      %dma_start3A_1397 = arith.constant 0 : i32
      %dma_start3A_1398 = tpu.memref_slice %arg4[%mul3A_1391, %dma_start3A_1397] : memref<204800x128xf32, #tpu.memory_space<hbm>> -> memref<8x128xf32, #tpu.memory_space<hbm>>
      %dma_start3A_1399 = arith.constant 0 : i32
      %dma_start3A_1400 = arith.constant 128 : i32
      %dma_start3A_1401 = tpu.memref_slice %arg9[%dma_start3A_1399, %dma_start3A_1400] : memref<32x513xf32, #tpu.memory_space<vmem>> -> memref<8x128xf32, #tpu.memory_space<vmem>>
      tpu.enqueue_dma source(%dma_start3A_1401 : memref<8x128xf32, #tpu.memory_space<vmem>>) target(%dma_start3A_1398 : memref<8x128xf32, #tpu.memory_space<hbm>>) target_semaphore(%arg13 : memref<!tpu.dma_semaphore, #tpu.memory_space<semaphore_mem>>)
      %mul3A_1402 = arith.constant 4 : i32
      %mul3A_1403 = arith.muli %select_n3A_1355, %mul3A_1402 : i32
      %add3A_1404 = arith.constant 0 : i32
      %add3A_1405 = arith.addi %add3A_1404, %mul3A_1403 : i32
      %add3A_1406 = arith.constant 2 : i32
      %add3A_1407 = arith.addi %add3A_1405, %add3A_1406 : i32
      %mul3A_1408 = arith.constant 32 : i32
      %mul3A_1409 = arith.muli %select_n3A_1339, %mul3A_1408 : i32
      %mul3A_1410 = arith.constant 4 : i32
      %mul3A_1411 = arith.muli %mul3A_1409, %mul3A_1410 : i32
      %add3A_1412 = arith.addi %mul3A_1411, %add3A_1407 : i32
      %mul3A_1413 = arith.constant 8 : i32
      %mul3A_1414 = arith.muli %add3A_1412, %mul3A_1413 : i32
      %dma_start3A_1415 = arith.constant 0 : i32
      %dma_start3A_1416 = arith.constant 256 : i32
      %dma_start3A_1417 = tpu.memref_slice %arg9[%dma_start3A_1415, %dma_start3A_1416] : memref<32x513xf32, #tpu.memory_space<vmem>> -> memref<8x128xf32, #tpu.memory_space<vmem>>
      %dma_start3A_1418 = arith.constant 0 : i32
      %dma_start3A_1419 = tpu.memref_slice %arg4[%mul3A_1414, %dma_start3A_1418] : memref<204800x128xf32, #tpu.memory_space<hbm>> -> memref<8x128xf32, #tpu.memory_space<hbm>>
      %dma_start3A_1420 = arith.constant 0 : i32
      %dma_start3A_1421 = tpu.memref_slice %arg4[%mul3A_1414, %dma_start3A_1420] : memref<204800x128xf32, #tpu.memory_space<hbm>> -> memref<8x128xf32, #tpu.memory_space<hbm>>
      %dma_start3A_1422 = arith.constant 0 : i32
      %dma_start3A_1423 = arith.constant 256 : i32
      %dma_start3A_1424 = tpu.memref_slice %arg9[%dma_start3A_1422, %dma_start3A_1423] : memref<32x513xf32, #tpu.memory_space<vmem>> -> memref<8x128xf32, #tpu.memory_space<vmem>>
      tpu.enqueue_dma source(%dma_start3A_1424 : memref<8x128xf32, #tpu.memory_space<vmem>>) target(%dma_start3A_1421 : memref<8x128xf32, #tpu.memory_space<hbm>>) target_semaphore(%arg13 : memref<!tpu.dma_semaphore, #tpu.memory_space<semaphore_mem>>)
      %mul3A_1425 = arith.constant 4 : i32
      %mul3A_1426 = arith.muli %select_n3A_1355, %mul3A_1425 : i32
      %add3A_1427 = arith.constant 0 : i32
      %add3A_1428 = arith.addi %add3A_1427, %mul3A_1426 : i32
      %add3A_1429 = arith.constant 3 : i32
      %add3A_1430 = arith.addi %add3A_1428, %add3A_1429 : i32
      %mul3A_1431 = arith.constant 32 : i32
      %mul3A_1432 = arith.muli %select_n3A_1339, %mul3A_1431 : i32
      %mul3A_1433 = arith.constant 4 : i32
      %mul3A_1434 = arith.muli %mul3A_1432, %mul3A_1433 : i32
      %add3A_1435 = arith.addi %mul3A_1434, %add3A_1430 : i32
      %mul3A_1436 = arith.constant 8 : i32
      %mul3A_1437 = arith.muli %add3A_1435, %mul3A_1436 : i32
      %dma_start3A_1438 = arith.constant 0 : i32
      %dma_start3A_1439 = arith.constant 384 : i32
      %dma_start3A_1440 = tpu.memref_slice %arg9[%dma_start3A_1438, %dma_start3A_1439] : memref<32x513xf32, #tpu.memory_space<vmem>> -> memref<8x128xf32, #tpu.memory_space<vmem>>
      %dma_start3A_1441 = arith.constant 0 : i32
      %dma_start3A_1442 = tpu.memref_slice %arg4[%mul3A_1437, %dma_start3A_1441] : memref<204800x128xf32, #tpu.memory_space<hbm>> -> memref<8x128xf32, #tpu.memory_space<hbm>>
      %dma_start3A_1443 = arith.constant 0 : i32
      %dma_start3A_1444 = tpu.memref_slice %arg4[%mul3A_1437, %dma_start3A_1443] : memref<204800x128xf32, #tpu.memory_space<hbm>> -> memref<8x128xf32, #tpu.memory_space<hbm>>
      %dma_start3A_1445 = arith.constant 0 : i32
      %dma_start3A_1446 = arith.constant 384 : i32
      %dma_start3A_1447 = tpu.memref_slice %arg9[%dma_start3A_1445, %dma_start3A_1446] : memref<32x513xf32, #tpu.memory_space<vmem>> -> memref<8x128xf32, #tpu.memory_space<vmem>>
      tpu.enqueue_dma source(%dma_start3A_1447 : memref<8x128xf32, #tpu.memory_space<vmem>>) target(%dma_start3A_1444 : memref<8x128xf32, #tpu.memory_space<hbm>>) target_semaphore(%arg13 : memref<!tpu.dma_semaphore, #tpu.memory_space<semaphore_mem>>)
      %mul3A_1448 = arith.constant 4 : i32
      %mul3A_1449 = arith.muli %select_n3A_1355, %mul3A_1448 : i32
      %add3A_1450 = arith.constant 32 : i32
      %add3A_1451 = arith.addi %add3A_1450, %mul3A_1449 : i32
      %add3A_1452 = arith.constant 0 : i32
      %add3A_1453 = arith.addi %add3A_1451, %add3A_1452 : i32
      %mul3A_1454 = arith.constant 32 : i32
      %mul3A_1455 = arith.muli %select_n3A_1339, %mul3A_1454 : i32
      %mul3A_1456 = arith.constant 4 : i32
      %mul3A_1457 = arith.muli %mul3A_1455, %mul3A_1456 : i32
      %add3A_1458 = arith.addi %mul3A_1457, %add3A_1453 : i32
      %mul3A_1459 = arith.constant 8 : i32
      %mul3A_1460 = arith.muli %add3A_1458, %mul3A_1459 : i32
      %dma_start3A_1461 = arith.constant 8 : i32
      %dma_start3A_1462 = arith.constant 0 : i32
      %dma_start3A_1463 = tpu.memref_slice %arg9[%dma_start3A_1461, %dma_start3A_1462] : memref<32x513xf32, #tpu.memory_space<vmem>> -> memref<8x128xf32, #tpu.memory_space<vmem>>
      %dma_start3A_1464 = arith.constant 0 : i32
      %dma_start3A_1465 = tpu.memref_slice %arg4[%mul3A_1460, %dma_start3A_1464] : memref<204800x128xf32, #tpu.memory_space<hbm>> -> memref<8x128xf32, #tpu.memory_space<hbm>>
      %dma_start3A_1466 = arith.constant 0 : i32
      %dma_start3A_1467 = tpu.memref_slice %arg4[%mul3A_1460, %dma_start3A_1466] : memref<204800x128xf32, #tpu.memory_space<hbm>> -> memref<8x128xf32, #tpu.memory_space<hbm>>
      %dma_start3A_1468 = arith.constant 8 : i32
      %dma_start3A_1469 = arith.constant 0 : i32
      %dma_start3A_1470 = tpu.memref_slice %arg9[%dma_start3A_1468, %dma_start3A_1469] : memref<32x513xf32, #tpu.memory_space<vmem>> -> memref<8x128xf32, #tpu.memory_space<vmem>>
      tpu.enqueue_dma source(%dma_start3A_1470 : memref<8x128xf32, #tpu.memory_space<vmem>>) target(%dma_start3A_1467 : memref<8x128xf32, #tpu.memory_space<hbm>>) target_semaphore(%arg13 : memref<!tpu.dma_semaphore, #tpu.memory_space<semaphore_mem>>)
      %mul3A_1471 = arith.constant 4 : i32
      %mul3A_1472 = arith.muli %select_n3A_1355, %mul3A_1471 : i32
      %add3A_1473 = arith.constant 32 : i32
      %add3A_1474 = arith.addi %add3A_1473, %mul3A_1472 : i32
      %add3A_1475 = arith.constant 1 : i32
      %add3A_1476 = arith.addi %add3A_1474, %add3A_1475 : i32
      %mul3A_1477 = arith.constant 32 : i32
      %mul3A_1478 = arith.muli %select_n3A_1339, %mul3A_1477 : i32
      %mul3A_1479 = arith.constant 4 : i32
      %mul3A_1480 = arith.muli %mul3A_1478, %mul3A_1479 : i32
      %add3A_1481 = arith.addi %mul3A_1480, %add3A_1476 : i32
      %mul3A_1482 = arith.constant 8 : i32
      %mul3A_1483 = arith.muli %add3A_1481, %mul3A_1482 : i32
      %dma_start3A_1484 = arith.constant 8 : i32
      %dma_start3A_1485 = arith.constant 128 : i32
      %dma_start3A_1486 = tpu.memref_slice %arg9[%dma_start3A_1484, %dma_start3A_1485] : memref<32x513xf32, #tpu.memory_space<vmem>> -> memref<8x128xf32, #tpu.memory_space<vmem>>
      %dma_start3A_1487 = arith.constant 0 : i32
      %dma_start3A_1488 = tpu.memref_slice %arg4[%mul3A_1483, %dma_start3A_1487] : memref<204800x128xf32, #tpu.memory_space<hbm>> -> memref<8x128xf32, #tpu.memory_space<hbm>>
      %dma_start3A_1489 = arith.constant 0 : i32
      %dma_start3A_1490 = tpu.memref_slice %arg4[%mul3A_1483, %dma_start3A_1489] : memref<204800x128xf32, #tpu.memory_space<hbm>> -> memref<8x128xf32, #tpu.memory_space<hbm>>
      %dma_start3A_1491 = arith.constant 8 : i32
      %dma_start3A_1492 = arith.constant 128 : i32
      %dma_start3A_1493 = tpu.memref_slice %arg9[%dma_start3A_1491, %dma_start3A_1492] : memref<32x513xf32, #tpu.memory_space<vmem>> -> memref<8x128xf32, #tpu.memory_space<vmem>>
      tpu.enqueue_dma source(%dma_start3A_1493 : memref<8x128xf32, #tpu.memory_space<vmem>>) target(%dma_start3A_1490 : memref<8x128xf32, #tpu.memory_space<hbm>>) target_semaphore(%arg13 : memref<!tpu.dma_semaphore, #tpu.memory_space<semaphore_mem>>)
      %mul3A_1494 = arith.constant 4 : i32
      %mul3A_1495 = arith.muli %select_n3A_1355, %mul3A_1494 : i32
      %add3A_1496 = arith.constant 32 : i32
      %add3A_1497 = arith.addi %add3A_1496, %mul3A_1495 : i32
      %add3A_1498 = arith.constant 2 : i32
      %add3A_1499 = arith.addi %add3A_1497, %add3A_1498 : i32
      %mul3A_1500 = arith.constant 32 : i32
      %mul3A_1501 = arith.muli %select_n3A_1339, %mul3A_1500 : i32
      %mul3A_1502 = arith.constant 4 : i32
      %mul3A_1503 = arith.muli %mul3A_1501, %mul3A_1502 : i32
      %add3A_1504 = arith.addi %mul3A_1503, %add3A_1499 : i32
      %mul3A_1505 = arith.constant 8 : i32
      %mul3A_1506 = arith.muli %add3A_1504, %mul3A_1505 : i32
      %dma_start3A_1507 = arith.constant 8 : i32
      %dma_start3A_1508 = arith.constant 256 : i32
      %dma_start3A_1509 = tpu.memref_slice %arg9[%dma_start3A_1507, %dma_start3A_1508] : memref<32x513xf32, #tpu.memory_space<vmem>> -> memref<8x128xf32, #tpu.memory_space<vmem>>
      %dma_start3A_1510 = arith.constant 0 : i32
      %dma_start3A_1511 = tpu.memref_slice %arg4[%mul3A_1506, %dma_start3A_1510] : memref<204800x128xf32, #tpu.memory_space<hbm>> -> memref<8x128xf32, #tpu.memory_space<hbm>>
      %dma_start3A_1512 = arith.constant 0 : i32
      %dma_start3A_1513 = tpu.memref_slice %arg4[%mul3A_1506, %dma_start3A_1512] : memref<204800x128xf32, #tpu.memory_space<hbm>> -> memref<8x128xf32, #tpu.memory_space<hbm>>
      %dma_start3A_1514 = arith.constant 8 : i32
      %dma_start3A_1515 = arith.constant 256 : i32
      %dma_start3A_1516 = tpu.memref_slice %arg9[%dma_start3A_1514, %dma_start3A_1515] : memref<32x513xf32, #tpu.memory_space<vmem>> -> memref<8x128xf32, #tpu.memory_space<vmem>>
      tpu.enqueue_dma source(%dma_start3A_1516 : memref<8x128xf32, #tpu.memory_space<vmem>>) target(%dma_start3A_1513 : memref<8x128xf32, #tpu.memory_space<hbm>>) target_semaphore(%arg13 : memref<!tpu.dma_semaphore, #tpu.memory_space<semaphore_mem>>)
      %mul3A_1517 = arith.constant 4 : i32
      %mul3A_1518 = arith.muli %select_n3A_1355, %mul3A_1517 : i32
      %add3A_1519 = arith.constant 32 : i32
      %add3A_1520 = arith.addi %add3A_1519, %mul3A_1518 : i32
      %add3A_1521 = arith.constant 3 : i32
      %add3A_1522 = arith.addi %add3A_1520, %add3A_1521 : i32
      %mul3A_1523 = arith.constant 32 : i32
      %mul3A_1524 = arith.muli %select_n3A_1339, %mul3A_1523 : i32
      %mul3A_1525 = arith.constant 4 : i32
      %mul3A_1526 = arith.muli %mul3A_1524, %mul3A_1525 : i32
      %add3A_1527 = arith.addi %mul3A_1526, %add3A_1522 : i32
      %mul3A_1528 = arith.constant 8 : i32
      %mul3A_1529 = arith.muli %add3A_1527, %mul3A_1528 : i32
      %dma_start3A_1530 = arith.constant 8 : i32
      %dma_start3A_1531 = arith.constant 384 : i32
      %dma_start3A_1532 = tpu.memref_slice %arg9[%dma_start3A_1530, %dma_start3A_1531] : memref<32x513xf32, #tpu.memory_space<vmem>> -> memref<8x128xf32, #tpu.memory_space<vmem>>
      %dma_start3A_1533 = arith.constant 0 : i32
      %dma_start3A_1534 = tpu.memref_slice %arg4[%mul3A_1529, %dma_start3A_1533] : memref<204800x128xf32, #tpu.memory_space<hbm>> -> memref<8x128xf32, #tpu.memory_space<hbm>>
      %dma_start3A_1535 = arith.constant 0 : i32
      %dma_start3A_1536 = tpu.memref_slice %arg4[%mul3A_1529, %dma_start3A_1535] : memref<204800x128xf32, #tpu.memory_space<hbm>> -> memref<8x128xf32, #tpu.memory_space<hbm>>
      %dma_start3A_1537 = arith.constant 8 : i32
      %dma_start3A_1538 = arith.constant 384 : i32
      %dma_start3A_1539 = tpu.memref_slice %arg9[%dma_start3A_1537, %dma_start3A_1538] : memref<32x513xf32, #tpu.memory_space<vmem>> -> memref<8x128xf32, #tpu.memory_space<vmem>>
      tpu.enqueue_dma source(%dma_start3A_1539 : memref<8x128xf32, #tpu.memory_space<vmem>>) target(%dma_start3A_1536 : memref<8x128xf32, #tpu.memory_space<hbm>>) target_semaphore(%arg13 : memref<!tpu.dma_semaphore, #tpu.memory_space<semaphore_mem>>)
      %mul3A_1540 = arith.constant 4 : i32
      %mul3A_1541 = arith.muli %select_n3A_1355, %mul3A_1540 : i32
      %add3A_1542 = arith.constant 64 : i32
      %add3A_1543 = arith.addi %add3A_1542, %mul3A_1541 : i32
      %add3A_1544 = arith.constant 0 : i32
      %add3A_1545 = arith.addi %add3A_1543, %add3A_1544 : i32
      %mul3A_1546 = arith.constant 32 : i32
      %mul3A_1547 = arith.muli %select_n3A_1339, %mul3A_1546 : i32
      %mul3A_1548 = arith.constant 4 : i32
      %mul3A_1549 = arith.muli %mul3A_1547, %mul3A_1548 : i32
      %add3A_1550 = arith.addi %mul3A_1549, %add3A_1545 : i32
      %mul3A_1551 = arith.constant 8 : i32
      %mul3A_1552 = arith.muli %add3A_1550, %mul3A_1551 : i32
      %dma_start3A_1553 = arith.constant 16 : i32
      %dma_start3A_1554 = arith.constant 0 : i32
      %dma_start3A_1555 = tpu.memref_slice %arg9[%dma_start3A_1553, %dma_start3A_1554] : memref<32x513xf32, #tpu.memory_space<vmem>> -> memref<8x128xf32, #tpu.memory_space<vmem>>
      %dma_start3A_1556 = arith.constant 0 : i32
      %dma_start3A_1557 = tpu.memref_slice %arg4[%mul3A_1552, %dma_start3A_1556] : memref<204800x128xf32, #tpu.memory_space<hbm>> -> memref<8x128xf32, #tpu.memory_space<hbm>>
      %dma_start3A_1558 = arith.constant 0 : i32
      %dma_start3A_1559 = tpu.memref_slice %arg4[%mul3A_1552, %dma_start3A_1558] : memref<204800x128xf32, #tpu.memory_space<hbm>> -> memref<8x128xf32, #tpu.memory_space<hbm>>
      %dma_start3A_1560 = arith.constant 16 : i32
      %dma_start3A_1561 = arith.constant 0 : i32
      %dma_start3A_1562 = tpu.memref_slice %arg9[%dma_start3A_1560, %dma_start3A_1561] : memref<32x513xf32, #tpu.memory_space<vmem>> -> memref<8x128xf32, #tpu.memory_space<vmem>>
      tpu.enqueue_dma source(%dma_start3A_1562 : memref<8x128xf32, #tpu.memory_space<vmem>>) target(%dma_start3A_1559 : memref<8x128xf32, #tpu.memory_space<hbm>>) target_semaphore(%arg13 : memref<!tpu.dma_semaphore, #tpu.memory_space<semaphore_mem>>)
      %mul3A_1563 = arith.constant 4 : i32
      %mul3A_1564 = arith.muli %select_n3A_1355, %mul3A_1563 : i32
      %add3A_1565 = arith.constant 64 : i32
      %add3A_1566 = arith.addi %add3A_1565, %mul3A_1564 : i32
      %add3A_1567 = arith.constant 1 : i32
      %add3A_1568 = arith.addi %add3A_1566, %add3A_1567 : i32
      %mul3A_1569 = arith.constant 32 : i32
      %mul3A_1570 = arith.muli %select_n3A_1339, %mul3A_1569 : i32
      %mul3A_1571 = arith.constant 4 : i32
      %mul3A_1572 = arith.muli %mul3A_1570, %mul3A_1571 : i32
      %add3A_1573 = arith.addi %mul3A_1572, %add3A_1568 : i32
      %mul3A_1574 = arith.constant 8 : i32
      %mul3A_1575 = arith.muli %add3A_1573, %mul3A_1574 : i32
      %dma_start3A_1576 = arith.constant 16 : i32
      %dma_start3A_1577 = arith.constant 128 : i32
      %dma_start3A_1578 = tpu.memref_slice %arg9[%dma_start3A_1576, %dma_start3A_1577] : memref<32x513xf32, #tpu.memory_space<vmem>> -> memref<8x128xf32, #tpu.memory_space<vmem>>
      %dma_start3A_1579 = arith.constant 0 : i32
      %dma_start3A_1580 = tpu.memref_slice %arg4[%mul3A_1575, %dma_start3A_1579] : memref<204800x128xf32, #tpu.memory_space<hbm>> -> memref<8x128xf32, #tpu.memory_space<hbm>>
      %dma_start3A_1581 = arith.constant 0 : i32
      %dma_start3A_1582 = tpu.memref_slice %arg4[%mul3A_1575, %dma_start3A_1581] : memref<204800x128xf32, #tpu.memory_space<hbm>> -> memref<8x128xf32, #tpu.memory_space<hbm>>
      %dma_start3A_1583 = arith.constant 16 : i32
      %dma_start3A_1584 = arith.constant 128 : i32
      %dma_start3A_1585 = tpu.memref_slice %arg9[%dma_start3A_1583, %dma_start3A_1584] : memref<32x513xf32, #tpu.memory_space<vmem>> -> memref<8x128xf32, #tpu.memory_space<vmem>>
      tpu.enqueue_dma source(%dma_start3A_1585 : memref<8x128xf32, #tpu.memory_space<vmem>>) target(%dma_start3A_1582 : memref<8x128xf32, #tpu.memory_space<hbm>>) target_semaphore(%arg13 : memref<!tpu.dma_semaphore, #tpu.memory_space<semaphore_mem>>)
      %mul3A_1586 = arith.constant 4 : i32
      %mul3A_1587 = arith.muli %select_n3A_1355, %mul3A_1586 : i32
      %add3A_1588 = arith.constant 64 : i32
      %add3A_1589 = arith.addi %add3A_1588, %mul3A_1587 : i32
      %add3A_1590 = arith.constant 2 : i32
      %add3A_1591 = arith.addi %add3A_1589, %add3A_1590 : i32
      %mul3A_1592 = arith.constant 32 : i32
      %mul3A_1593 = arith.muli %select_n3A_1339, %mul3A_1592 : i32
      %mul3A_1594 = arith.constant 4 : i32
      %mul3A_1595 = arith.muli %mul3A_1593, %mul3A_1594 : i32
      %add3A_1596 = arith.addi %mul3A_1595, %add3A_1591 : i32
      %mul3A_1597 = arith.constant 8 : i32
      %mul3A_1598 = arith.muli %add3A_1596, %mul3A_1597 : i32
      %dma_start3A_1599 = arith.constant 16 : i32
      %dma_start3A_1600 = arith.constant 256 : i32
      %dma_start3A_1601 = tpu.memref_slice %arg9[%dma_start3A_1599, %dma_start3A_1600] : memref<32x513xf32, #tpu.memory_space<vmem>> -> memref<8x128xf32, #tpu.memory_space<vmem>>
      %dma_start3A_1602 = arith.constant 0 : i32
      %dma_start3A_1603 = tpu.memref_slice %arg4[%mul3A_1598, %dma_start3A_1602] : memref<204800x128xf32, #tpu.memory_space<hbm>> -> memref<8x128xf32, #tpu.memory_space<hbm>>
      %dma_start3A_1604 = arith.constant 0 : i32
      %dma_start3A_1605 = tpu.memref_slice %arg4[%mul3A_1598, %dma_start3A_1604] : memref<204800x128xf32, #tpu.memory_space<hbm>> -> memref<8x128xf32, #tpu.memory_space<hbm>>
      %dma_start3A_1606 = arith.constant 16 : i32
      %dma_start3A_1607 = arith.constant 256 : i32
      %dma_start3A_1608 = tpu.memref_slice %arg9[%dma_start3A_1606, %dma_start3A_1607] : memref<32x513xf32, #tpu.memory_space<vmem>> -> memref<8x128xf32, #tpu.memory_space<vmem>>
      tpu.enqueue_dma source(%dma_start3A_1608 : memref<8x128xf32, #tpu.memory_space<vmem>>) target(%dma_start3A_1605 : memref<8x128xf32, #tpu.memory_space<hbm>>) target_semaphore(%arg13 : memref<!tpu.dma_semaphore, #tpu.memory_space<semaphore_mem>>)
      %mul3A_1609 = arith.constant 4 : i32
      %mul3A_1610 = arith.muli %select_n3A_1355, %mul3A_1609 : i32
      %add3A_1611 = arith.constant 64 : i32
      %add3A_1612 = arith.addi %add3A_1611, %mul3A_1610 : i32
      %add3A_1613 = arith.constant 3 : i32
      %add3A_1614 = arith.addi %add3A_1612, %add3A_1613 : i32
      %mul3A_1615 = arith.constant 32 : i32
      %mul3A_1616 = arith.muli %select_n3A_1339, %mul3A_1615 : i32
      %mul3A_1617 = arith.constant 4 : i32
      %mul3A_1618 = arith.muli %mul3A_1616, %mul3A_1617 : i32
      %add3A_1619 = arith.addi %mul3A_1618, %add3A_1614 : i32
      %mul3A_1620 = arith.constant 8 : i32
      %mul3A_1621 = arith.muli %add3A_1619, %mul3A_1620 : i32
      %dma_start3A_1622 = arith.constant 16 : i32
      %dma_start3A_1623 = arith.constant 384 : i32
      %dma_start3A_1624 = tpu.memref_slice %arg9[%dma_start3A_1622, %dma_start3A_1623] : memref<32x513xf32, #tpu.memory_space<vmem>> -> memref<8x128xf32, #tpu.memory_space<vmem>>
      %dma_start3A_1625 = arith.constant 0 : i32
      %dma_start3A_1626 = tpu.memref_slice %arg4[%mul3A_1621, %dma_start3A_1625] : memref<204800x128xf32, #tpu.memory_space<hbm>> -> memref<8x128xf32, #tpu.memory_space<hbm>>
      %dma_start3A_1627 = arith.constant 0 : i32
      %dma_start3A_1628 = tpu.memref_slice %arg4[%mul3A_1621, %dma_start3A_1627] : memref<204800x128xf32, #tpu.memory_space<hbm>> -> memref<8x128xf32, #tpu.memory_space<hbm>>
      %dma_start3A_1629 = arith.constant 16 : i32
      %dma_start3A_1630 = arith.constant 384 : i32
      %dma_start3A_1631 = tpu.memref_slice %arg9[%dma_start3A_1629, %dma_start3A_1630] : memref<32x513xf32, #tpu.memory_space<vmem>> -> memref<8x128xf32, #tpu.memory_space<vmem>>
      tpu.enqueue_dma source(%dma_start3A_1631 : memref<8x128xf32, #tpu.memory_space<vmem>>) target(%dma_start3A_1628 : memref<8x128xf32, #tpu.memory_space<hbm>>) target_semaphore(%arg13 : memref<!tpu.dma_semaphore, #tpu.memory_space<semaphore_mem>>)
      %mul3A_1632 = arith.constant 4 : i32
      %mul3A_1633 = arith.muli %select_n3A_1355, %mul3A_1632 : i32
      %add3A_1634 = arith.constant 96 : i32
      %add3A_1635 = arith.addi %add3A_1634, %mul3A_1633 : i32
      %add3A_1636 = arith.constant 0 : i32
      %add3A_1637 = arith.addi %add3A_1635, %add3A_1636 : i32
      %mul3A_1638 = arith.constant 32 : i32
      %mul3A_1639 = arith.muli %select_n3A_1339, %mul3A_1638 : i32
      %mul3A_1640 = arith.constant 4 : i32
      %mul3A_1641 = arith.muli %mul3A_1639, %mul3A_1640 : i32
      %add3A_1642 = arith.addi %mul3A_1641, %add3A_1637 : i32
      %mul3A_1643 = arith.constant 8 : i32
      %mul3A_1644 = arith.muli %add3A_1642, %mul3A_1643 : i32
      %dma_start3A_1645 = arith.constant 24 : i32
      %dma_start3A_1646 = arith.constant 0 : i32
      %dma_start3A_1647 = tpu.memref_slice %arg9[%dma_start3A_1645, %dma_start3A_1646] : memref<32x513xf32, #tpu.memory_space<vmem>> -> memref<8x128xf32, #tpu.memory_space<vmem>>
      %dma_start3A_1648 = arith.constant 0 : i32
      %dma_start3A_1649 = tpu.memref_slice %arg4[%mul3A_1644, %dma_start3A_1648] : memref<204800x128xf32, #tpu.memory_space<hbm>> -> memref<8x128xf32, #tpu.memory_space<hbm>>
      %dma_start3A_1650 = arith.constant 0 : i32
      %dma_start3A_1651 = tpu.memref_slice %arg4[%mul3A_1644, %dma_start3A_1650] : memref<204800x128xf32, #tpu.memory_space<hbm>> -> memref<8x128xf32, #tpu.memory_space<hbm>>
      %dma_start3A_1652 = arith.constant 24 : i32
      %dma_start3A_1653 = arith.constant 0 : i32
      %dma_start3A_1654 = tpu.memref_slice %arg9[%dma_start3A_1652, %dma_start3A_1653] : memref<32x513xf32, #tpu.memory_space<vmem>> -> memref<8x128xf32, #tpu.memory_space<vmem>>
      tpu.enqueue_dma source(%dma_start3A_1654 : memref<8x128xf32, #tpu.memory_space<vmem>>) target(%dma_start3A_1651 : memref<8x128xf32, #tpu.memory_space<hbm>>) target_semaphore(%arg13 : memref<!tpu.dma_semaphore, #tpu.memory_space<semaphore_mem>>)
      %mul3A_1655 = arith.constant 4 : i32
      %mul3A_1656 = arith.muli %select_n3A_1355, %mul3A_1655 : i32
      %add3A_1657 = arith.constant 96 : i32
      %add3A_1658 = arith.addi %add3A_1657, %mul3A_1656 : i32
      %add3A_1659 = arith.constant 1 : i32
      %add3A_1660 = arith.addi %add3A_1658, %add3A_1659 : i32
      %mul3A_1661 = arith.constant 32 : i32
      %mul3A_1662 = arith.muli %select_n3A_1339, %mul3A_1661 : i32
      %mul3A_1663 = arith.constant 4 : i32
      %mul3A_1664 = arith.muli %mul3A_1662, %mul3A_1663 : i32
      %add3A_1665 = arith.addi %mul3A_1664, %add3A_1660 : i32
      %mul3A_1666 = arith.constant 8 : i32
      %mul3A_1667 = arith.muli %add3A_1665, %mul3A_1666 : i32
      %dma_start3A_1668 = arith.constant 24 : i32
      %dma_start3A_1669 = arith.constant 128 : i32
      %dma_start3A_1670 = tpu.memref_slice %arg9[%dma_start3A_1668, %dma_start3A_1669] : memref<32x513xf32, #tpu.memory_space<vmem>> -> memref<8x128xf32, #tpu.memory_space<vmem>>
      %dma_start3A_1671 = arith.constant 0 : i32
      %dma_start3A_1672 = tpu.memref_slice %arg4[%mul3A_1667, %dma_start3A_1671] : memref<204800x128xf32, #tpu.memory_space<hbm>> -> memref<8x128xf32, #tpu.memory_space<hbm>>
      %dma_start3A_1673 = arith.constant 0 : i32
      %dma_start3A_1674 = tpu.memref_slice %arg4[%mul3A_1667, %dma_start3A_1673] : memref<204800x128xf32, #tpu.memory_space<hbm>> -> memref<8x128xf32, #tpu.memory_space<hbm>>
      %dma_start3A_1675 = arith.constant 24 : i32
      %dma_start3A_1676 = arith.constant 128 : i32
      %dma_start3A_1677 = tpu.memref_slice %arg9[%dma_start3A_1675, %dma_start3A_1676] : memref<32x513xf32, #tpu.memory_space<vmem>> -> memref<8x128xf32, #tpu.memory_space<vmem>>
      tpu.enqueue_dma source(%dma_start3A_1677 : memref<8x128xf32, #tpu.memory_space<vmem>>) target(%dma_start3A_1674 : memref<8x128xf32, #tpu.memory_space<hbm>>) target_semaphore(%arg13 : memref<!tpu.dma_semaphore, #tpu.memory_space<semaphore_mem>>)
      %mul3A_1678 = arith.constant 4 : i32
      %mul3A_1679 = arith.muli %select_n3A_1355, %mul3A_1678 : i32
      %add3A_1680 = arith.constant 96 : i32
      %add3A_1681 = arith.addi %add3A_1680, %mul3A_1679 : i32
      %add3A_1682 = arith.constant 2 : i32
      %add3A_1683 = arith.addi %add3A_1681, %add3A_1682 : i32
      %mul3A_1684 = arith.constant 32 : i32
      %mul3A_1685 = arith.muli %select_n3A_1339, %mul3A_1684 : i32
      %mul3A_1686 = arith.constant 4 : i32
      %mul3A_1687 = arith.muli %mul3A_1685, %mul3A_1686 : i32
      %add3A_1688 = arith.addi %mul3A_1687, %add3A_1683 : i32
      %mul3A_1689 = arith.constant 8 : i32
      %mul3A_1690 = arith.muli %add3A_1688, %mul3A_1689 : i32
      %dma_start3A_1691 = arith.constant 24 : i32
      %dma_start3A_1692 = arith.constant 256 : i32
      %dma_start3A_1693 = tpu.memref_slice %arg9[%dma_start3A_1691, %dma_start3A_1692] : memref<32x513xf32, #tpu.memory_space<vmem>> -> memref<8x128xf32, #tpu.memory_space<vmem>>
      %dma_start3A_1694 = arith.constant 0 : i32
      %dma_start3A_1695 = tpu.memref_slice %arg4[%mul3A_1690, %dma_start3A_1694] : memref<204800x128xf32, #tpu.memory_space<hbm>> -> memref<8x128xf32, #tpu.memory_space<hbm>>
      %dma_start3A_1696 = arith.constant 0 : i32
      %dma_start3A_1697 = tpu.memref_slice %arg4[%mul3A_1690, %dma_start3A_1696] : memref<204800x128xf32, #tpu.memory_space<hbm>> -> memref<8x128xf32, #tpu.memory_space<hbm>>
      %dma_start3A_1698 = arith.constant 24 : i32
      %dma_start3A_1699 = arith.constant 256 : i32
      %dma_start3A_1700 = tpu.memref_slice %arg9[%dma_start3A_1698, %dma_start3A_1699] : memref<32x513xf32, #tpu.memory_space<vmem>> -> memref<8x128xf32, #tpu.memory_space<vmem>>
      tpu.enqueue_dma source(%dma_start3A_1700 : memref<8x128xf32, #tpu.memory_space<vmem>>) target(%dma_start3A_1697 : memref<8x128xf32, #tpu.memory_space<hbm>>) target_semaphore(%arg13 : memref<!tpu.dma_semaphore, #tpu.memory_space<semaphore_mem>>)
      %mul3A_1701 = arith.constant 4 : i32
      %mul3A_1702 = arith.muli %select_n3A_1355, %mul3A_1701 : i32
      %add3A_1703 = arith.constant 96 : i32
      %add3A_1704 = arith.addi %add3A_1703, %mul3A_1702 : i32
      %add3A_1705 = arith.constant 3 : i32
      %add3A_1706 = arith.addi %add3A_1704, %add3A_1705 : i32
      %mul3A_1707 = arith.constant 32 : i32
      %mul3A_1708 = arith.muli %select_n3A_1339, %mul3A_1707 : i32
      %mul3A_1709 = arith.constant 4 : i32
      %mul3A_1710 = arith.muli %mul3A_1708, %mul3A_1709 : i32
      %add3A_1711 = arith.addi %mul3A_1710, %add3A_1706 : i32
      %mul3A_1712 = arith.constant 8 : i32
      %mul3A_1713 = arith.muli %add3A_1711, %mul3A_1712 : i32
      %dma_start3A_1714 = arith.constant 24 : i32
      %dma_start3A_1715 = arith.constant 384 : i32
      %dma_start3A_1716 = tpu.memref_slice %arg9[%dma_start3A_1714, %dma_start3A_1715] : memref<32x513xf32, #tpu.memory_space<vmem>> -> memref<8x128xf32, #tpu.memory_space<vmem>>
      %dma_start3A_1717 = arith.constant 0 : i32
      %dma_start3A_1718 = tpu.memref_slice %arg4[%mul3A_1713, %dma_start3A_1717] : memref<204800x128xf32, #tpu.memory_space<hbm>> -> memref<8x128xf32, #tpu.memory_space<hbm>>
      %dma_start3A_1719 = arith.constant 0 : i32
      %dma_start3A_1720 = tpu.memref_slice %arg4[%mul3A_1713, %dma_start3A_1719] : memref<204800x128xf32, #tpu.memory_space<hbm>> -> memref<8x128xf32, #tpu.memory_space<hbm>>
      %dma_start3A_1721 = arith.constant 24 : i32
      %dma_start3A_1722 = arith.constant 384 : i32
      %dma_start3A_1723 = tpu.memref_slice %arg9[%dma_start3A_1721, %dma_start3A_1722] : memref<32x513xf32, #tpu.memory_space<vmem>> -> memref<8x128xf32, #tpu.memory_space<vmem>>
      tpu.enqueue_dma source(%dma_start3A_1723 : memref<8x128xf32, #tpu.memory_space<vmem>>) target(%dma_start3A_1720 : memref<8x128xf32, #tpu.memory_space<hbm>>) target_semaphore(%arg13 : memref<!tpu.dma_semaphore, #tpu.memory_space<semaphore_mem>>)
      %mul3A_1724 = arith.constant 2 : i32
      %mul3A_1725 = arith.muli %mul3A_1724, %scan3A_843 : i32
      %add3A_1726 = arith.constant 1 : i32
      %add3A_1727 = arith.addi %mul3A_1725, %add3A_1726 : i32
      %add3A_1728 = arith.constant 2 : i32
      %add3A_1729 = arith.addi %add3A_1727, %add3A_1728 : i32
      %lt3A_1730 = arith.constant 50 : i32
      %lt3A_1731 = arith.cmpi slt, %add3A_1729, %lt3A_1730 : i32
      %convert_element_type3A_1732 = arith.extui %lt3A_1731 : i1 to i32
      %cond3A_1733 = arith.constant 0 : i32
      %cond3A_1734 = arith.cmpi ne, %convert_element_type3A_1732, %cond3A_1733 : i32
      scf.if %cond3A_1734 {
        %add3A_1735 = arith.constant 2 : i32
        %add3A_1736 = arith.addi %add3A_1292, %add3A_1735 : i32
        %sub3A_1737 = arith.subi %add3A_1736, %mul3A_2 : i32
        %mul3A_1738 = arith.constant 512 : i32
        %mul3A_1739 = arith.muli %sub3A_1737, %mul3A_1738 : i32
        %multiple_of3A_1740 = tpu.assume_multiple %mul3A_1739, 8 : i32
        %dma_start3A_1741 = tpu.memref_slice %arg5[%multiple_of3A_1740] : memref<25600xi32, #tpu.memory_space<vmem>> -> memref<512xi32, #tpu.memory_space<vmem>>
        %dma_start3A_1742 = arith.constant 0 : i32
        %dma_start3A_1743 = arith.constant 0 : i32
        %dma_start3A_1744 = tpu.memref_slice %arg3[%dma_start3A_1742, %dma_start3A_1743] : memref<1000000x32xf32, #tpu.memory_space<hbm>> -> memref<1000000x32xf32, #tpu.memory_space<hbm>>
        tpu.enqueue_indirect_dma source(%dma_start3A_1744 : memref<1000000x32xf32, #tpu.memory_space<hbm>>) target(%arg7 : memref<512x32xf32, #tpu.memory_space<vmem>>) offsets(%dma_start3A_1741 : memref<512xi32, #tpu.memory_space<vmem>>) semaphore(%arg11 : memref<!tpu.dma_semaphore, #tpu.memory_space<semaphore_mem>>)
      } else {
      }
    }
    %scan3A_28 = arith.constant 25 : i32
    %add3A_29 = arith.constant 50 : i32
    %add3A_30 = arith.addi %mul3A_2, %add3A_29 : i32
    %sub3A_31 = arith.constant 2 : i32
    %sub3A_32 = arith.subi %add3A_30, %sub3A_31 : i32
    %jit3A = arith.constant 8 : i32
    %div3A = arith.divsi %sub3A_32, %jit3A : i32
    %sign3A = arith.constant 0 : i32
    %sign3A_33 = arith.cmpi sgt, %sub3A_32, %sign3A : i32
    %sign3A_34 = arith.extui %sign3A_33 : i1 to i32
    %sign3A_35 = arith.constant 0 : i32
    %sign3A_36 = arith.cmpi slt, %sub3A_32, %sign3A_35 : i32
    %sign3A_37 = arith.extui %sign3A_36 : i1 to i32
    %sign3A_38 = arith.subi %sign3A_34, %sign3A_37 : i32
    %sign3A_39 = arith.constant 0 : i32
    %sign3A_40 = arith.cmpi sgt, %jit3A, %sign3A_39 : i32
    %sign3A_41 = arith.extui %sign3A_40 : i1 to i32
    %sign3A_42 = arith.constant 0 : i32
    %sign3A_43 = arith.cmpi slt, %jit3A, %sign3A_42 : i32
    %sign3A_44 = arith.extui %sign3A_43 : i1 to i32
    %sign3A_45 = arith.subi %sign3A_41, %sign3A_44 : i32
    %ne3A = arith.cmpi ne, %sign3A_38, %sign3A_45 : i32
    %rem3A = arith.remsi %sub3A_32, %jit3A : i32
    %ne3A_46 = arith.constant 0 : i32
    %ne3A_47 = arith.cmpi ne, %rem3A, %ne3A_46 : i32
    %and3A = arith.andi %ne3A, %ne3A_47 : i1
    %sub3A_48 = arith.constant 1 : i32
    %sub3A_49 = arith.subi %div3A, %sub3A_48 : i32
    %select_n3A = arith.select %and3A, %sub3A_49, %div3A : i32
    %jit3A_50 = arith.constant 8 : i32
    %eq3A = arith.constant 0 : i32
    %eq3A_51 = arith.cmpi eq, %jit3A_50, %eq3A : i32
    %jit3A_52 = arith.constant 1 : i32
    %select_n3A_53 = arith.select %eq3A_51, %jit3A_52, %jit3A_50 : i32
    %rem3A_54 = arith.remsi %sub3A_32, %select_n3A_53 : i32
    %ne3A_55 = arith.constant 0 : i32
    %ne3A_56 = arith.cmpi ne, %rem3A_54, %ne3A_55 : i32
    %lt3A = arith.constant 0 : i32
    %lt3A_57 = arith.cmpi slt, %rem3A_54, %lt3A : i32
    %lt3A_58 = arith.constant 0 : i32
    %lt3A_59 = arith.cmpi slt, %select_n3A_53, %lt3A_58 : i32
    %ne3A_60 = arith.xori %lt3A_57, %lt3A_59 : i1
    %and3A_61 = arith.andi %ne3A_60, %ne3A_56 : i1
    %add3A_62 = arith.addi %rem3A_54, %select_n3A_53 : i32
    %select_n3A_63 = arith.select %and3A_61, %add3A_62, %rem3A_54 : i32
    %mul3A_64 = arith.constant 4 : i32
    %mul3A_65 = arith.muli %select_n3A_63, %mul3A_64 : i32
    %add3A_66 = arith.constant 0 : i32
    %add3A_67 = arith.addi %add3A_66, %mul3A_65 : i32
    %add3A_68 = arith.constant 0 : i32
    %add3A_69 = arith.addi %add3A_67, %add3A_68 : i32
    %mul3A_70 = arith.constant 32 : i32
    %mul3A_71 = arith.muli %select_n3A, %mul3A_70 : i32
    %mul3A_72 = arith.constant 4 : i32
    %mul3A_73 = arith.muli %mul3A_71, %mul3A_72 : i32
    %add3A_74 = arith.addi %mul3A_73, %add3A_69 : i32
    %mul3A_75 = arith.constant 8 : i32
    %mul3A_76 = arith.muli %add3A_74, %mul3A_75 : i32
    %dma_wait3A = arith.constant 0 : i32
    %dma_wait3A_77 = arith.constant 0 : i32
    %dma_wait3A_78 = tpu.memref_slice %arg8[%dma_wait3A, %dma_wait3A_77] : memref<32x513xf32, #tpu.memory_space<vmem>> -> memref<8x128xf32, #tpu.memory_space<vmem>>
    %dma_wait3A_79 = arith.constant 0 : i32
    %dma_wait3A_80 = tpu.memref_slice %arg4[%mul3A_76, %dma_wait3A_79] : memref<204800x128xf32, #tpu.memory_space<hbm>> -> memref<8x128xf32, #tpu.memory_space<hbm>>
    %dma_wait3A_81 = arith.constant 0 : i32
    %dma_wait3A_82 = tpu.memref_slice %arg4[%mul3A_76, %dma_wait3A_81] : memref<204800x128xf32, #tpu.memory_space<hbm>> -> memref<8x128xf32, #tpu.memory_space<hbm>>
    %dma_wait3A_83 = arith.constant 0 : i32
    %dma_wait3A_84 = arith.constant 0 : i32
    %dma_wait3A_85 = tpu.memref_slice %arg8[%dma_wait3A_83, %dma_wait3A_84] : memref<32x513xf32, #tpu.memory_space<vmem>> -> memref<8x128xf32, #tpu.memory_space<vmem>>
    tpu.wait_dma2 semaphore(%arg12 : memref<!tpu.dma_semaphore, #tpu.memory_space<semaphore_mem>>) src(%dma_wait3A_85 : memref<8x128xf32, #tpu.memory_space<vmem>>) dst(%dma_wait3A_82 : memref<8x128xf32, #tpu.memory_space<hbm>>)
    %mul3A_86 = arith.constant 4 : i32
    %mul3A_87 = arith.muli %select_n3A_63, %mul3A_86 : i32
    %add3A_88 = arith.constant 0 : i32
    %add3A_89 = arith.addi %add3A_88, %mul3A_87 : i32
    %add3A_90 = arith.constant 1 : i32
    %add3A_91 = arith.addi %add3A_89, %add3A_90 : i32
    %mul3A_92 = arith.constant 32 : i32
    %mul3A_93 = arith.muli %select_n3A, %mul3A_92 : i32
    %mul3A_94 = arith.constant 4 : i32
    %mul3A_95 = arith.muli %mul3A_93, %mul3A_94 : i32
    %add3A_96 = arith.addi %mul3A_95, %add3A_91 : i32
    %mul3A_97 = arith.constant 8 : i32
    %mul3A_98 = arith.muli %add3A_96, %mul3A_97 : i32
    %dma_wait3A_99 = arith.constant 0 : i32
    %dma_wait3A_100 = arith.constant 128 : i32
    %dma_wait3A_101 = tpu.memref_slice %arg8[%dma_wait3A_99, %dma_wait3A_100] : memref<32x513xf32, #tpu.memory_space<vmem>> -> memref<8x128xf32, #tpu.memory_space<vmem>>
    %dma_wait3A_102 = arith.constant 0 : i32
    %dma_wait3A_103 = tpu.memref_slice %arg4[%mul3A_98, %dma_wait3A_102] : memref<204800x128xf32, #tpu.memory_space<hbm>> -> memref<8x128xf32, #tpu.memory_space<hbm>>
    %dma_wait3A_104 = arith.constant 0 : i32
    %dma_wait3A_105 = tpu.memref_slice %arg4[%mul3A_98, %dma_wait3A_104] : memref<204800x128xf32, #tpu.memory_space<hbm>> -> memref<8x128xf32, #tpu.memory_space<hbm>>
    %dma_wait3A_106 = arith.constant 0 : i32
    %dma_wait3A_107 = arith.constant 128 : i32
    %dma_wait3A_108 = tpu.memref_slice %arg8[%dma_wait3A_106, %dma_wait3A_107] : memref<32x513xf32, #tpu.memory_space<vmem>> -> memref<8x128xf32, #tpu.memory_space<vmem>>
    tpu.wait_dma2 semaphore(%arg12 : memref<!tpu.dma_semaphore, #tpu.memory_space<semaphore_mem>>) src(%dma_wait3A_108 : memref<8x128xf32, #tpu.memory_space<vmem>>) dst(%dma_wait3A_105 : memref<8x128xf32, #tpu.memory_space<hbm>>)
    %mul3A_109 = arith.constant 4 : i32
    %mul3A_110 = arith.muli %select_n3A_63, %mul3A_109 : i32
    %add3A_111 = arith.constant 0 : i32
    %add3A_112 = arith.addi %add3A_111, %mul3A_110 : i32
    %add3A_113 = arith.constant 2 : i32
    %add3A_114 = arith.addi %add3A_112, %add3A_113 : i32
    %mul3A_115 = arith.constant 32 : i32
    %mul3A_116 = arith.muli %select_n3A, %mul3A_115 : i32
    %mul3A_117 = arith.constant 4 : i32
    %mul3A_118 = arith.muli %mul3A_116, %mul3A_117 : i32
    %add3A_119 = arith.addi %mul3A_118, %add3A_114 : i32
    %mul3A_120 = arith.constant 8 : i32
    %mul3A_121 = arith.muli %add3A_119, %mul3A_120 : i32
    %dma_wait3A_122 = arith.constant 0 : i32
    %dma_wait3A_123 = arith.constant 256 : i32
    %dma_wait3A_124 = tpu.memref_slice %arg8[%dma_wait3A_122, %dma_wait3A_123] : memref<32x513xf32, #tpu.memory_space<vmem>> -> memref<8x128xf32, #tpu.memory_space<vmem>>
    %dma_wait3A_125 = arith.constant 0 : i32
    %dma_wait3A_126 = tpu.memref_slice %arg4[%mul3A_121, %dma_wait3A_125] : memref<204800x128xf32, #tpu.memory_space<hbm>> -> memref<8x128xf32, #tpu.memory_space<hbm>>
    %dma_wait3A_127 = arith.constant 0 : i32
    %dma_wait3A_128 = tpu.memref_slice %arg4[%mul3A_121, %dma_wait3A_127] : memref<204800x128xf32, #tpu.memory_space<hbm>> -> memref<8x128xf32, #tpu.memory_space<hbm>>
    %dma_wait3A_129 = arith.constant 0 : i32
    %dma_wait3A_130 = arith.constant 256 : i32
    %dma_wait3A_131 = tpu.memref_slice %arg8[%dma_wait3A_129, %dma_wait3A_130] : memref<32x513xf32, #tpu.memory_space<vmem>> -> memref<8x128xf32, #tpu.memory_space<vmem>>
    tpu.wait_dma2 semaphore(%arg12 : memref<!tpu.dma_semaphore, #tpu.memory_space<semaphore_mem>>) src(%dma_wait3A_131 : memref<8x128xf32, #tpu.memory_space<vmem>>) dst(%dma_wait3A_128 : memref<8x128xf32, #tpu.memory_space<hbm>>)
    %mul3A_132 = arith.constant 4 : i32
    %mul3A_133 = arith.muli %select_n3A_63, %mul3A_132 : i32
    %add3A_134 = arith.constant 0 : i32
    %add3A_135 = arith.addi %add3A_134, %mul3A_133 : i32
    %add3A_136 = arith.constant 3 : i32
    %add3A_137 = arith.addi %add3A_135, %add3A_136 : i32
    %mul3A_138 = arith.constant 32 : i32
    %mul3A_139 = arith.muli %select_n3A, %mul3A_138 : i32
    %mul3A_140 = arith.constant 4 : i32
    %mul3A_141 = arith.muli %mul3A_139, %mul3A_140 : i32
    %add3A_142 = arith.addi %mul3A_141, %add3A_137 : i32
    %mul3A_143 = arith.constant 8 : i32
    %mul3A_144 = arith.muli %add3A_142, %mul3A_143 : i32
    %dma_wait3A_145 = arith.constant 0 : i32
    %dma_wait3A_146 = arith.constant 384 : i32
    %dma_wait3A_147 = tpu.memref_slice %arg8[%dma_wait3A_145, %dma_wait3A_146] : memref<32x513xf32, #tpu.memory_space<vmem>> -> memref<8x128xf32, #tpu.memory_space<vmem>>
    %dma_wait3A_148 = arith.constant 0 : i32
    %dma_wait3A_149 = tpu.memref_slice %arg4[%mul3A_144, %dma_wait3A_148] : memref<204800x128xf32, #tpu.memory_space<hbm>> -> memref<8x128xf32, #tpu.memory_space<hbm>>
    %dma_wait3A_150 = arith.constant 0 : i32
    %dma_wait3A_151 = tpu.memref_slice %arg4[%mul3A_144, %dma_wait3A_150] : memref<204800x128xf32, #tpu.memory_space<hbm>> -> memref<8x128xf32, #tpu.memory_space<hbm>>
    %dma_wait3A_152 = arith.constant 0 : i32
    %dma_wait3A_153 = arith.constant 384 : i32
    %dma_wait3A_154 = tpu.memref_slice %arg8[%dma_wait3A_152, %dma_wait3A_153] : memref<32x513xf32, #tpu.memory_space<vmem>> -> memref<8x128xf32, #tpu.memory_space<vmem>>
    tpu.wait_dma2 semaphore(%arg12 : memref<!tpu.dma_semaphore, #tpu.memory_space<semaphore_mem>>) src(%dma_wait3A_154 : memref<8x128xf32, #tpu.memory_space<vmem>>) dst(%dma_wait3A_151 : memref<8x128xf32, #tpu.memory_space<hbm>>)
    %mul3A_155 = arith.constant 4 : i32
    %mul3A_156 = arith.muli %select_n3A_63, %mul3A_155 : i32
    %add3A_157 = arith.constant 32 : i32
    %add3A_158 = arith.addi %add3A_157, %mul3A_156 : i32
    %add3A_159 = arith.constant 0 : i32
    %add3A_160 = arith.addi %add3A_158, %add3A_159 : i32
    %mul3A_161 = arith.constant 32 : i32
    %mul3A_162 = arith.muli %select_n3A, %mul3A_161 : i32
    %mul3A_163 = arith.constant 4 : i32
    %mul3A_164 = arith.muli %mul3A_162, %mul3A_163 : i32
    %add3A_165 = arith.addi %mul3A_164, %add3A_160 : i32
    %mul3A_166 = arith.constant 8 : i32
    %mul3A_167 = arith.muli %add3A_165, %mul3A_166 : i32
    %dma_wait3A_168 = arith.constant 8 : i32
    %dma_wait3A_169 = arith.constant 0 : i32
    %dma_wait3A_170 = tpu.memref_slice %arg8[%dma_wait3A_168, %dma_wait3A_169] : memref<32x513xf32, #tpu.memory_space<vmem>> -> memref<8x128xf32, #tpu.memory_space<vmem>>
    %dma_wait3A_171 = arith.constant 0 : i32
    %dma_wait3A_172 = tpu.memref_slice %arg4[%mul3A_167, %dma_wait3A_171] : memref<204800x128xf32, #tpu.memory_space<hbm>> -> memref<8x128xf32, #tpu.memory_space<hbm>>
    %dma_wait3A_173 = arith.constant 0 : i32
    %dma_wait3A_174 = tpu.memref_slice %arg4[%mul3A_167, %dma_wait3A_173] : memref<204800x128xf32, #tpu.memory_space<hbm>> -> memref<8x128xf32, #tpu.memory_space<hbm>>
    %dma_wait3A_175 = arith.constant 8 : i32
    %dma_wait3A_176 = arith.constant 0 : i32
    %dma_wait3A_177 = tpu.memref_slice %arg8[%dma_wait3A_175, %dma_wait3A_176] : memref<32x513xf32, #tpu.memory_space<vmem>> -> memref<8x128xf32, #tpu.memory_space<vmem>>
    tpu.wait_dma2 semaphore(%arg12 : memref<!tpu.dma_semaphore, #tpu.memory_space<semaphore_mem>>) src(%dma_wait3A_177 : memref<8x128xf32, #tpu.memory_space<vmem>>) dst(%dma_wait3A_174 : memref<8x128xf32, #tpu.memory_space<hbm>>)
    %mul3A_178 = arith.constant 4 : i32
    %mul3A_179 = arith.muli %select_n3A_63, %mul3A_178 : i32
    %add3A_180 = arith.constant 32 : i32
    %add3A_181 = arith.addi %add3A_180, %mul3A_179 : i32
    %add3A_182 = arith.constant 1 : i32
    %add3A_183 = arith.addi %add3A_181, %add3A_182 : i32
    %mul3A_184 = arith.constant 32 : i32
    %mul3A_185 = arith.muli %select_n3A, %mul3A_184 : i32
    %mul3A_186 = arith.constant 4 : i32
    %mul3A_187 = arith.muli %mul3A_185, %mul3A_186 : i32
    %add3A_188 = arith.addi %mul3A_187, %add3A_183 : i32
    %mul3A_189 = arith.constant 8 : i32
    %mul3A_190 = arith.muli %add3A_188, %mul3A_189 : i32
    %dma_wait3A_191 = arith.constant 8 : i32
    %dma_wait3A_192 = arith.constant 128 : i32
    %dma_wait3A_193 = tpu.memref_slice %arg8[%dma_wait3A_191, %dma_wait3A_192] : memref<32x513xf32, #tpu.memory_space<vmem>> -> memref<8x128xf32, #tpu.memory_space<vmem>>
    %dma_wait3A_194 = arith.constant 0 : i32
    %dma_wait3A_195 = tpu.memref_slice %arg4[%mul3A_190, %dma_wait3A_194] : memref<204800x128xf32, #tpu.memory_space<hbm>> -> memref<8x128xf32, #tpu.memory_space<hbm>>
    %dma_wait3A_196 = arith.constant 0 : i32
    %dma_wait3A_197 = tpu.memref_slice %arg4[%mul3A_190, %dma_wait3A_196] : memref<204800x128xf32, #tpu.memory_space<hbm>> -> memref<8x128xf32, #tpu.memory_space<hbm>>
    %dma_wait3A_198 = arith.constant 8 : i32
    %dma_wait3A_199 = arith.constant 128 : i32
    %dma_wait3A_200 = tpu.memref_slice %arg8[%dma_wait3A_198, %dma_wait3A_199] : memref<32x513xf32, #tpu.memory_space<vmem>> -> memref<8x128xf32, #tpu.memory_space<vmem>>
    tpu.wait_dma2 semaphore(%arg12 : memref<!tpu.dma_semaphore, #tpu.memory_space<semaphore_mem>>) src(%dma_wait3A_200 : memref<8x128xf32, #tpu.memory_space<vmem>>) dst(%dma_wait3A_197 : memref<8x128xf32, #tpu.memory_space<hbm>>)
    %mul3A_201 = arith.constant 4 : i32
    %mul3A_202 = arith.muli %select_n3A_63, %mul3A_201 : i32
    %add3A_203 = arith.constant 32 : i32
    %add3A_204 = arith.addi %add3A_203, %mul3A_202 : i32
    %add3A_205 = arith.constant 2 : i32
    %add3A_206 = arith.addi %add3A_204, %add3A_205 : i32
    %mul3A_207 = arith.constant 32 : i32
    %mul3A_208 = arith.muli %select_n3A, %mul3A_207 : i32
    %mul3A_209 = arith.constant 4 : i32
    %mul3A_210 = arith.muli %mul3A_208, %mul3A_209 : i32
    %add3A_211 = arith.addi %mul3A_210, %add3A_206 : i32
    %mul3A_212 = arith.constant 8 : i32
    %mul3A_213 = arith.muli %add3A_211, %mul3A_212 : i32
    %dma_wait3A_214 = arith.constant 8 : i32
    %dma_wait3A_215 = arith.constant 256 : i32
    %dma_wait3A_216 = tpu.memref_slice %arg8[%dma_wait3A_214, %dma_wait3A_215] : memref<32x513xf32, #tpu.memory_space<vmem>> -> memref<8x128xf32, #tpu.memory_space<vmem>>
    %dma_wait3A_217 = arith.constant 0 : i32
    %dma_wait3A_218 = tpu.memref_slice %arg4[%mul3A_213, %dma_wait3A_217] : memref<204800x128xf32, #tpu.memory_space<hbm>> -> memref<8x128xf32, #tpu.memory_space<hbm>>
    %dma_wait3A_219 = arith.constant 0 : i32
    %dma_wait3A_220 = tpu.memref_slice %arg4[%mul3A_213, %dma_wait3A_219] : memref<204800x128xf32, #tpu.memory_space<hbm>> -> memref<8x128xf32, #tpu.memory_space<hbm>>
    %dma_wait3A_221 = arith.constant 8 : i32
    %dma_wait3A_222 = arith.constant 256 : i32
    %dma_wait3A_223 = tpu.memref_slice %arg8[%dma_wait3A_221, %dma_wait3A_222] : memref<32x513xf32, #tpu.memory_space<vmem>> -> memref<8x128xf32, #tpu.memory_space<vmem>>
    tpu.wait_dma2 semaphore(%arg12 : memref<!tpu.dma_semaphore, #tpu.memory_space<semaphore_mem>>) src(%dma_wait3A_223 : memref<8x128xf32, #tpu.memory_space<vmem>>) dst(%dma_wait3A_220 : memref<8x128xf32, #tpu.memory_space<hbm>>)
    %mul3A_224 = arith.constant 4 : i32
    %mul3A_225 = arith.muli %select_n3A_63, %mul3A_224 : i32
    %add3A_226 = arith.constant 32 : i32
    %add3A_227 = arith.addi %add3A_226, %mul3A_225 : i32
    %add3A_228 = arith.constant 3 : i32
    %add3A_229 = arith.addi %add3A_227, %add3A_228 : i32
    %mul3A_230 = arith.constant 32 : i32
    %mul3A_231 = arith.muli %select_n3A, %mul3A_230 : i32
    %mul3A_232 = arith.constant 4 : i32
    %mul3A_233 = arith.muli %mul3A_231, %mul3A_232 : i32
    %add3A_234 = arith.addi %mul3A_233, %add3A_229 : i32
    %mul3A_235 = arith.constant 8 : i32
    %mul3A_236 = arith.muli %add3A_234, %mul3A_235 : i32
    %dma_wait3A_237 = arith.constant 8 : i32
    %dma_wait3A_238 = arith.constant 384 : i32
    %dma_wait3A_239 = tpu.memref_slice %arg8[%dma_wait3A_237, %dma_wait3A_238] : memref<32x513xf32, #tpu.memory_space<vmem>> -> memref<8x128xf32, #tpu.memory_space<vmem>>
    %dma_wait3A_240 = arith.constant 0 : i32
    %dma_wait3A_241 = tpu.memref_slice %arg4[%mul3A_236, %dma_wait3A_240] : memref<204800x128xf32, #tpu.memory_space<hbm>> -> memref<8x128xf32, #tpu.memory_space<hbm>>
    %dma_wait3A_242 = arith.constant 0 : i32
    %dma_wait3A_243 = tpu.memref_slice %arg4[%mul3A_236, %dma_wait3A_242] : memref<204800x128xf32, #tpu.memory_space<hbm>> -> memref<8x128xf32, #tpu.memory_space<hbm>>
    %dma_wait3A_244 = arith.constant 8 : i32
    %dma_wait3A_245 = arith.constant 384 : i32
    %dma_wait3A_246 = tpu.memref_slice %arg8[%dma_wait3A_244, %dma_wait3A_245] : memref<32x513xf32, #tpu.memory_space<vmem>> -> memref<8x128xf32, #tpu.memory_space<vmem>>
    tpu.wait_dma2 semaphore(%arg12 : memref<!tpu.dma_semaphore, #tpu.memory_space<semaphore_mem>>) src(%dma_wait3A_246 : memref<8x128xf32, #tpu.memory_space<vmem>>) dst(%dma_wait3A_243 : memref<8x128xf32, #tpu.memory_space<hbm>>)
    %mul3A_247 = arith.constant 4 : i32
    %mul3A_248 = arith.muli %select_n3A_63, %mul3A_247 : i32
    %add3A_249 = arith.constant 64 : i32
    %add3A_250 = arith.addi %add3A_249, %mul3A_248 : i32
    %add3A_251 = arith.constant 0 : i32
    %add3A_252 = arith.addi %add3A_250, %add3A_251 : i32
    %mul3A_253 = arith.constant 32 : i32
    %mul3A_254 = arith.muli %select_n3A, %mul3A_253 : i32
    %mul3A_255 = arith.constant 4 : i32
    %mul3A_256 = arith.muli %mul3A_254, %mul3A_255 : i32
    %add3A_257 = arith.addi %mul3A_256, %add3A_252 : i32
    %mul3A_258 = arith.constant 8 : i32
    %mul3A_259 = arith.muli %add3A_257, %mul3A_258 : i32
    %dma_wait3A_260 = arith.constant 16 : i32
    %dma_wait3A_261 = arith.constant 0 : i32
    %dma_wait3A_262 = tpu.memref_slice %arg8[%dma_wait3A_260, %dma_wait3A_261] : memref<32x513xf32, #tpu.memory_space<vmem>> -> memref<8x128xf32, #tpu.memory_space<vmem>>
    %dma_wait3A_263 = arith.constant 0 : i32
    %dma_wait3A_264 = tpu.memref_slice %arg4[%mul3A_259, %dma_wait3A_263] : memref<204800x128xf32, #tpu.memory_space<hbm>> -> memref<8x128xf32, #tpu.memory_space<hbm>>
    %dma_wait3A_265 = arith.constant 0 : i32
    %dma_wait3A_266 = tpu.memref_slice %arg4[%mul3A_259, %dma_wait3A_265] : memref<204800x128xf32, #tpu.memory_space<hbm>> -> memref<8x128xf32, #tpu.memory_space<hbm>>
    %dma_wait3A_267 = arith.constant 16 : i32
    %dma_wait3A_268 = arith.constant 0 : i32
    %dma_wait3A_269 = tpu.memref_slice %arg8[%dma_wait3A_267, %dma_wait3A_268] : memref<32x513xf32, #tpu.memory_space<vmem>> -> memref<8x128xf32, #tpu.memory_space<vmem>>
    tpu.wait_dma2 semaphore(%arg12 : memref<!tpu.dma_semaphore, #tpu.memory_space<semaphore_mem>>) src(%dma_wait3A_269 : memref<8x128xf32, #tpu.memory_space<vmem>>) dst(%dma_wait3A_266 : memref<8x128xf32, #tpu.memory_space<hbm>>)
    %mul3A_270 = arith.constant 4 : i32
    %mul3A_271 = arith.muli %select_n3A_63, %mul3A_270 : i32
    %add3A_272 = arith.constant 64 : i32
    %add3A_273 = arith.addi %add3A_272, %mul3A_271 : i32
    %add3A_274 = arith.constant 1 : i32
    %add3A_275 = arith.addi %add3A_273, %add3A_274 : i32
    %mul3A_276 = arith.constant 32 : i32
    %mul3A_277 = arith.muli %select_n3A, %mul3A_276 : i32
    %mul3A_278 = arith.constant 4 : i32
    %mul3A_279 = arith.muli %mul3A_277, %mul3A_278 : i32
    %add3A_280 = arith.addi %mul3A_279, %add3A_275 : i32
    %mul3A_281 = arith.constant 8 : i32
    %mul3A_282 = arith.muli %add3A_280, %mul3A_281 : i32
    %dma_wait3A_283 = arith.constant 16 : i32
    %dma_wait3A_284 = arith.constant 128 : i32
    %dma_wait3A_285 = tpu.memref_slice %arg8[%dma_wait3A_283, %dma_wait3A_284] : memref<32x513xf32, #tpu.memory_space<vmem>> -> memref<8x128xf32, #tpu.memory_space<vmem>>
    %dma_wait3A_286 = arith.constant 0 : i32
    %dma_wait3A_287 = tpu.memref_slice %arg4[%mul3A_282, %dma_wait3A_286] : memref<204800x128xf32, #tpu.memory_space<hbm>> -> memref<8x128xf32, #tpu.memory_space<hbm>>
    %dma_wait3A_288 = arith.constant 0 : i32
    %dma_wait3A_289 = tpu.memref_slice %arg4[%mul3A_282, %dma_wait3A_288] : memref<204800x128xf32, #tpu.memory_space<hbm>> -> memref<8x128xf32, #tpu.memory_space<hbm>>
    %dma_wait3A_290 = arith.constant 16 : i32
    %dma_wait3A_291 = arith.constant 128 : i32
    %dma_wait3A_292 = tpu.memref_slice %arg8[%dma_wait3A_290, %dma_wait3A_291] : memref<32x513xf32, #tpu.memory_space<vmem>> -> memref<8x128xf32, #tpu.memory_space<vmem>>
    tpu.wait_dma2 semaphore(%arg12 : memref<!tpu.dma_semaphore, #tpu.memory_space<semaphore_mem>>) src(%dma_wait3A_292 : memref<8x128xf32, #tpu.memory_space<vmem>>) dst(%dma_wait3A_289 : memref<8x128xf32, #tpu.memory_space<hbm>>)
    %mul3A_293 = arith.constant 4 : i32
    %mul3A_294 = arith.muli %select_n3A_63, %mul3A_293 : i32
    %add3A_295 = arith.constant 64 : i32
    %add3A_296 = arith.addi %add3A_295, %mul3A_294 : i32
    %add3A_297 = arith.constant 2 : i32
    %add3A_298 = arith.addi %add3A_296, %add3A_297 : i32
    %mul3A_299 = arith.constant 32 : i32
    %mul3A_300 = arith.muli %select_n3A, %mul3A_299 : i32
    %mul3A_301 = arith.constant 4 : i32
    %mul3A_302 = arith.muli %mul3A_300, %mul3A_301 : i32
    %add3A_303 = arith.addi %mul3A_302, %add3A_298 : i32
    %mul3A_304 = arith.constant 8 : i32
    %mul3A_305 = arith.muli %add3A_303, %mul3A_304 : i32
    %dma_wait3A_306 = arith.constant 16 : i32
    %dma_wait3A_307 = arith.constant 256 : i32
    %dma_wait3A_308 = tpu.memref_slice %arg8[%dma_wait3A_306, %dma_wait3A_307] : memref<32x513xf32, #tpu.memory_space<vmem>> -> memref<8x128xf32, #tpu.memory_space<vmem>>
    %dma_wait3A_309 = arith.constant 0 : i32
    %dma_wait3A_310 = tpu.memref_slice %arg4[%mul3A_305, %dma_wait3A_309] : memref<204800x128xf32, #tpu.memory_space<hbm>> -> memref<8x128xf32, #tpu.memory_space<hbm>>
    %dma_wait3A_311 = arith.constant 0 : i32
    %dma_wait3A_312 = tpu.memref_slice %arg4[%mul3A_305, %dma_wait3A_311] : memref<204800x128xf32, #tpu.memory_space<hbm>> -> memref<8x128xf32, #tpu.memory_space<hbm>>
    %dma_wait3A_313 = arith.constant 16 : i32
    %dma_wait3A_314 = arith.constant 256 : i32
    %dma_wait3A_315 = tpu.memref_slice %arg8[%dma_wait3A_313, %dma_wait3A_314] : memref<32x513xf32, #tpu.memory_space<vmem>> -> memref<8x128xf32, #tpu.memory_space<vmem>>
    tpu.wait_dma2 semaphore(%arg12 : memref<!tpu.dma_semaphore, #tpu.memory_space<semaphore_mem>>) src(%dma_wait3A_315 : memref<8x128xf32, #tpu.memory_space<vmem>>) dst(%dma_wait3A_312 : memref<8x128xf32, #tpu.memory_space<hbm>>)
    %mul3A_316 = arith.constant 4 : i32
    %mul3A_317 = arith.muli %select_n3A_63, %mul3A_316 : i32
    %add3A_318 = arith.constant 64 : i32
    %add3A_319 = arith.addi %add3A_318, %mul3A_317 : i32
    %add3A_320 = arith.constant 3 : i32
    %add3A_321 = arith.addi %add3A_319, %add3A_320 : i32
    %mul3A_322 = arith.constant 32 : i32
    %mul3A_323 = arith.muli %select_n3A, %mul3A_322 : i32
    %mul3A_324 = arith.constant 4 : i32
    %mul3A_325 = arith.muli %mul3A_323, %mul3A_324 : i32
    %add3A_326 = arith.addi %mul3A_325, %add3A_321 : i32
    %mul3A_327 = arith.constant 8 : i32
    %mul3A_328 = arith.muli %add3A_326, %mul3A_327 : i32
    %dma_wait3A_329 = arith.constant 16 : i32
    %dma_wait3A_330 = arith.constant 384 : i32
    %dma_wait3A_331 = tpu.memref_slice %arg8[%dma_wait3A_329, %dma_wait3A_330] : memref<32x513xf32, #tpu.memory_space<vmem>> -> memref<8x128xf32, #tpu.memory_space<vmem>>
    %dma_wait3A_332 = arith.constant 0 : i32
    %dma_wait3A_333 = tpu.memref_slice %arg4[%mul3A_328, %dma_wait3A_332] : memref<204800x128xf32, #tpu.memory_space<hbm>> -> memref<8x128xf32, #tpu.memory_space<hbm>>
    %dma_wait3A_334 = arith.constant 0 : i32
    %dma_wait3A_335 = tpu.memref_slice %arg4[%mul3A_328, %dma_wait3A_334] : memref<204800x128xf32, #tpu.memory_space<hbm>> -> memref<8x128xf32, #tpu.memory_space<hbm>>
    %dma_wait3A_336 = arith.constant 16 : i32
    %dma_wait3A_337 = arith.constant 384 : i32
    %dma_wait3A_338 = tpu.memref_slice %arg8[%dma_wait3A_336, %dma_wait3A_337] : memref<32x513xf32, #tpu.memory_space<vmem>> -> memref<8x128xf32, #tpu.memory_space<vmem>>
    tpu.wait_dma2 semaphore(%arg12 : memref<!tpu.dma_semaphore, #tpu.memory_space<semaphore_mem>>) src(%dma_wait3A_338 : memref<8x128xf32, #tpu.memory_space<vmem>>) dst(%dma_wait3A_335 : memref<8x128xf32, #tpu.memory_space<hbm>>)
    %mul3A_339 = arith.constant 4 : i32
    %mul3A_340 = arith.muli %select_n3A_63, %mul3A_339 : i32
    %add3A_341 = arith.constant 96 : i32
    %add3A_342 = arith.addi %add3A_341, %mul3A_340 : i32
    %add3A_343 = arith.constant 0 : i32
    %add3A_344 = arith.addi %add3A_342, %add3A_343 : i32
    %mul3A_345 = arith.constant 32 : i32
    %mul3A_346 = arith.muli %select_n3A, %mul3A_345 : i32
    %mul3A_347 = arith.constant 4 : i32
    %mul3A_348 = arith.muli %mul3A_346, %mul3A_347 : i32
    %add3A_349 = arith.addi %mul3A_348, %add3A_344 : i32
    %mul3A_350 = arith.constant 8 : i32
    %mul3A_351 = arith.muli %add3A_349, %mul3A_350 : i32
    %dma_wait3A_352 = arith.constant 24 : i32
    %dma_wait3A_353 = arith.constant 0 : i32
    %dma_wait3A_354 = tpu.memref_slice %arg8[%dma_wait3A_352, %dma_wait3A_353] : memref<32x513xf32, #tpu.memory_space<vmem>> -> memref<8x128xf32, #tpu.memory_space<vmem>>
    %dma_wait3A_355 = arith.constant 0 : i32
    %dma_wait3A_356 = tpu.memref_slice %arg4[%mul3A_351, %dma_wait3A_355] : memref<204800x128xf32, #tpu.memory_space<hbm>> -> memref<8x128xf32, #tpu.memory_space<hbm>>
    %dma_wait3A_357 = arith.constant 0 : i32
    %dma_wait3A_358 = tpu.memref_slice %arg4[%mul3A_351, %dma_wait3A_357] : memref<204800x128xf32, #tpu.memory_space<hbm>> -> memref<8x128xf32, #tpu.memory_space<hbm>>
    %dma_wait3A_359 = arith.constant 24 : i32
    %dma_wait3A_360 = arith.constant 0 : i32
    %dma_wait3A_361 = tpu.memref_slice %arg8[%dma_wait3A_359, %dma_wait3A_360] : memref<32x513xf32, #tpu.memory_space<vmem>> -> memref<8x128xf32, #tpu.memory_space<vmem>>
    tpu.wait_dma2 semaphore(%arg12 : memref<!tpu.dma_semaphore, #tpu.memory_space<semaphore_mem>>) src(%dma_wait3A_361 : memref<8x128xf32, #tpu.memory_space<vmem>>) dst(%dma_wait3A_358 : memref<8x128xf32, #tpu.memory_space<hbm>>)
    %mul3A_362 = arith.constant 4 : i32
    %mul3A_363 = arith.muli %select_n3A_63, %mul3A_362 : i32
    %add3A_364 = arith.constant 96 : i32
    %add3A_365 = arith.addi %add3A_364, %mul3A_363 : i32
    %add3A_366 = arith.constant 1 : i32
    %add3A_367 = arith.addi %add3A_365, %add3A_366 : i32
    %mul3A_368 = arith.constant 32 : i32
    %mul3A_369 = arith.muli %select_n3A, %mul3A_368 : i32
    %mul3A_370 = arith.constant 4 : i32
    %mul3A_371 = arith.muli %mul3A_369, %mul3A_370 : i32
    %add3A_372 = arith.addi %mul3A_371, %add3A_367 : i32
    %mul3A_373 = arith.constant 8 : i32
    %mul3A_374 = arith.muli %add3A_372, %mul3A_373 : i32
    %dma_wait3A_375 = arith.constant 24 : i32
    %dma_wait3A_376 = arith.constant 128 : i32
    %dma_wait3A_377 = tpu.memref_slice %arg8[%dma_wait3A_375, %dma_wait3A_376] : memref<32x513xf32, #tpu.memory_space<vmem>> -> memref<8x128xf32, #tpu.memory_space<vmem>>
    %dma_wait3A_378 = arith.constant 0 : i32
    %dma_wait3A_379 = tpu.memref_slice %arg4[%mul3A_374, %dma_wait3A_378] : memref<204800x128xf32, #tpu.memory_space<hbm>> -> memref<8x128xf32, #tpu.memory_space<hbm>>
    %dma_wait3A_380 = arith.constant 0 : i32
    %dma_wait3A_381 = tpu.memref_slice %arg4[%mul3A_374, %dma_wait3A_380] : memref<204800x128xf32, #tpu.memory_space<hbm>> -> memref<8x128xf32, #tpu.memory_space<hbm>>
    %dma_wait3A_382 = arith.constant 24 : i32
    %dma_wait3A_383 = arith.constant 128 : i32
    %dma_wait3A_384 = tpu.memref_slice %arg8[%dma_wait3A_382, %dma_wait3A_383] : memref<32x513xf32, #tpu.memory_space<vmem>> -> memref<8x128xf32, #tpu.memory_space<vmem>>
    tpu.wait_dma2 semaphore(%arg12 : memref<!tpu.dma_semaphore, #tpu.memory_space<semaphore_mem>>) src(%dma_wait3A_384 : memref<8x128xf32, #tpu.memory_space<vmem>>) dst(%dma_wait3A_381 : memref<8x128xf32, #tpu.memory_space<hbm>>)
    %mul3A_385 = arith.constant 4 : i32
    %mul3A_386 = arith.muli %select_n3A_63, %mul3A_385 : i32
    %add3A_387 = arith.constant 96 : i32
    %add3A_388 = arith.addi %add3A_387, %mul3A_386 : i32
    %add3A_389 = arith.constant 2 : i32
    %add3A_390 = arith.addi %add3A_388, %add3A_389 : i32
    %mul3A_391 = arith.constant 32 : i32
    %mul3A_392 = arith.muli %select_n3A, %mul3A_391 : i32
    %mul3A_393 = arith.constant 4 : i32
    %mul3A_394 = arith.muli %mul3A_392, %mul3A_393 : i32
    %add3A_395 = arith.addi %mul3A_394, %add3A_390 : i32
    %mul3A_396 = arith.constant 8 : i32
    %mul3A_397 = arith.muli %add3A_395, %mul3A_396 : i32
    %dma_wait3A_398 = arith.constant 24 : i32
    %dma_wait3A_399 = arith.constant 256 : i32
    %dma_wait3A_400 = tpu.memref_slice %arg8[%dma_wait3A_398, %dma_wait3A_399] : memref<32x513xf32, #tpu.memory_space<vmem>> -> memref<8x128xf32, #tpu.memory_space<vmem>>
    %dma_wait3A_401 = arith.constant 0 : i32
    %dma_wait3A_402 = tpu.memref_slice %arg4[%mul3A_397, %dma_wait3A_401] : memref<204800x128xf32, #tpu.memory_space<hbm>> -> memref<8x128xf32, #tpu.memory_space<hbm>>
    %dma_wait3A_403 = arith.constant 0 : i32
    %dma_wait3A_404 = tpu.memref_slice %arg4[%mul3A_397, %dma_wait3A_403] : memref<204800x128xf32, #tpu.memory_space<hbm>> -> memref<8x128xf32, #tpu.memory_space<hbm>>
    %dma_wait3A_405 = arith.constant 24 : i32
    %dma_wait3A_406 = arith.constant 256 : i32
    %dma_wait3A_407 = tpu.memref_slice %arg8[%dma_wait3A_405, %dma_wait3A_406] : memref<32x513xf32, #tpu.memory_space<vmem>> -> memref<8x128xf32, #tpu.memory_space<vmem>>
    tpu.wait_dma2 semaphore(%arg12 : memref<!tpu.dma_semaphore, #tpu.memory_space<semaphore_mem>>) src(%dma_wait3A_407 : memref<8x128xf32, #tpu.memory_space<vmem>>) dst(%dma_wait3A_404 : memref<8x128xf32, #tpu.memory_space<hbm>>)
    %mul3A_408 = arith.constant 4 : i32
    %mul3A_409 = arith.muli %select_n3A_63, %mul3A_408 : i32
    %add3A_410 = arith.constant 96 : i32
    %add3A_411 = arith.addi %add3A_410, %mul3A_409 : i32
    %add3A_412 = arith.constant 3 : i32
    %add3A_413 = arith.addi %add3A_411, %add3A_412 : i32
    %mul3A_414 = arith.constant 32 : i32
    %mul3A_415 = arith.muli %select_n3A, %mul3A_414 : i32
    %mul3A_416 = arith.constant 4 : i32
    %mul3A_417 = arith.muli %mul3A_415, %mul3A_416 : i32
    %add3A_418 = arith.addi %mul3A_417, %add3A_413 : i32
    %mul3A_419 = arith.constant 8 : i32
    %mul3A_420 = arith.muli %add3A_418, %mul3A_419 : i32
    %dma_wait3A_421 = arith.constant 24 : i32
    %dma_wait3A_422 = arith.constant 384 : i32
    %dma_wait3A_423 = tpu.memref_slice %arg8[%dma_wait3A_421, %dma_wait3A_422] : memref<32x513xf32, #tpu.memory_space<vmem>> -> memref<8x128xf32, #tpu.memory_space<vmem>>
    %dma_wait3A_424 = arith.constant 0 : i32
    %dma_wait3A_425 = tpu.memref_slice %arg4[%mul3A_420, %dma_wait3A_424] : memref<204800x128xf32, #tpu.memory_space<hbm>> -> memref<8x128xf32, #tpu.memory_space<hbm>>
    %dma_wait3A_426 = arith.constant 0 : i32
    %dma_wait3A_427 = tpu.memref_slice %arg4[%mul3A_420, %dma_wait3A_426] : memref<204800x128xf32, #tpu.memory_space<hbm>> -> memref<8x128xf32, #tpu.memory_space<hbm>>
    %dma_wait3A_428 = arith.constant 24 : i32
    %dma_wait3A_429 = arith.constant 384 : i32
    %dma_wait3A_430 = tpu.memref_slice %arg8[%dma_wait3A_428, %dma_wait3A_429] : memref<32x513xf32, #tpu.memory_space<vmem>> -> memref<8x128xf32, #tpu.memory_space<vmem>>
    tpu.wait_dma2 semaphore(%arg12 : memref<!tpu.dma_semaphore, #tpu.memory_space<semaphore_mem>>) src(%dma_wait3A_430 : memref<8x128xf32, #tpu.memory_space<vmem>>) dst(%dma_wait3A_427 : memref<8x128xf32, #tpu.memory_space<hbm>>)
    %add3A_431 = arith.constant 50 : i32
    %add3A_432 = arith.addi %mul3A_2, %add3A_431 : i32
    %sub3A_433 = arith.constant 1 : i32
    %sub3A_434 = arith.subi %add3A_432, %sub3A_433 : i32
    %jit3A_435 = arith.constant 8 : i32
    %div3A_436 = arith.divsi %sub3A_434, %jit3A_435 : i32
    %sign3A_437 = arith.constant 0 : i32
    %sign3A_438 = arith.cmpi sgt, %sub3A_434, %sign3A_437 : i32
    %sign3A_439 = arith.extui %sign3A_438 : i1 to i32
    %sign3A_440 = arith.constant 0 : i32
    %sign3A_441 = arith.cmpi slt, %sub3A_434, %sign3A_440 : i32
    %sign3A_442 = arith.extui %sign3A_441 : i1 to i32
    %sign3A_443 = arith.subi %sign3A_439, %sign3A_442 : i32
    %sign3A_444 = arith.constant 0 : i32
    %sign3A_445 = arith.cmpi sgt, %jit3A_435, %sign3A_444 : i32
    %sign3A_446 = arith.extui %sign3A_445 : i1 to i32
    %sign3A_447 = arith.constant 0 : i32
    %sign3A_448 = arith.cmpi slt, %jit3A_435, %sign3A_447 : i32
    %sign3A_449 = arith.extui %sign3A_448 : i1 to i32
    %sign3A_450 = arith.subi %sign3A_446, %sign3A_449 : i32
    %ne3A_451 = arith.cmpi ne, %sign3A_443, %sign3A_450 : i32
    %rem3A_452 = arith.remsi %sub3A_434, %jit3A_435 : i32
    %ne3A_453 = arith.constant 0 : i32
    %ne3A_454 = arith.cmpi ne, %rem3A_452, %ne3A_453 : i32
    %and3A_455 = arith.andi %ne3A_451, %ne3A_454 : i1
    %sub3A_456 = arith.constant 1 : i32
    %sub3A_457 = arith.subi %div3A_436, %sub3A_456 : i32
    %select_n3A_458 = arith.select %and3A_455, %sub3A_457, %div3A_436 : i32
    %jit3A_459 = arith.constant 8 : i32
    %eq3A_460 = arith.constant 0 : i32
    %eq3A_461 = arith.cmpi eq, %jit3A_459, %eq3A_460 : i32
    %jit3A_462 = arith.constant 1 : i32
    %select_n3A_463 = arith.select %eq3A_461, %jit3A_462, %jit3A_459 : i32
    %rem3A_464 = arith.remsi %sub3A_434, %select_n3A_463 : i32
    %ne3A_465 = arith.constant 0 : i32
    %ne3A_466 = arith.cmpi ne, %rem3A_464, %ne3A_465 : i32
    %lt3A_467 = arith.constant 0 : i32
    %lt3A_468 = arith.cmpi slt, %rem3A_464, %lt3A_467 : i32
    %lt3A_469 = arith.constant 0 : i32
    %lt3A_470 = arith.cmpi slt, %select_n3A_463, %lt3A_469 : i32
    %ne3A_471 = arith.xori %lt3A_468, %lt3A_470 : i1
    %and3A_472 = arith.andi %ne3A_471, %ne3A_466 : i1
    %add3A_473 = arith.addi %rem3A_464, %select_n3A_463 : i32
    %select_n3A_474 = arith.select %and3A_472, %add3A_473, %rem3A_464 : i32
    %mul3A_475 = arith.constant 4 : i32
    %mul3A_476 = arith.muli %select_n3A_474, %mul3A_475 : i32
    %add3A_477 = arith.constant 0 : i32
    %add3A_478 = arith.addi %add3A_477, %mul3A_476 : i32
    %add3A_479 = arith.constant 0 : i32
    %add3A_480 = arith.addi %add3A_478, %add3A_479 : i32
    %mul3A_481 = arith.constant 32 : i32
    %mul3A_482 = arith.muli %select_n3A_458, %mul3A_481 : i32
    %mul3A_483 = arith.constant 4 : i32
    %mul3A_484 = arith.muli %mul3A_482, %mul3A_483 : i32
    %add3A_485 = arith.addi %mul3A_484, %add3A_480 : i32
    %mul3A_486 = arith.constant 8 : i32
    %mul3A_487 = arith.muli %add3A_485, %mul3A_486 : i32
    %dma_wait3A_488 = arith.constant 0 : i32
    %dma_wait3A_489 = arith.constant 0 : i32
    %dma_wait3A_490 = tpu.memref_slice %arg9[%dma_wait3A_488, %dma_wait3A_489] : memref<32x513xf32, #tpu.memory_space<vmem>> -> memref<8x128xf32, #tpu.memory_space<vmem>>
    %dma_wait3A_491 = arith.constant 0 : i32
    %dma_wait3A_492 = tpu.memref_slice %arg4[%mul3A_487, %dma_wait3A_491] : memref<204800x128xf32, #tpu.memory_space<hbm>> -> memref<8x128xf32, #tpu.memory_space<hbm>>
    %dma_wait3A_493 = arith.constant 0 : i32
    %dma_wait3A_494 = tpu.memref_slice %arg4[%mul3A_487, %dma_wait3A_493] : memref<204800x128xf32, #tpu.memory_space<hbm>> -> memref<8x128xf32, #tpu.memory_space<hbm>>
    %dma_wait3A_495 = arith.constant 0 : i32
    %dma_wait3A_496 = arith.constant 0 : i32
    %dma_wait3A_497 = tpu.memref_slice %arg9[%dma_wait3A_495, %dma_wait3A_496] : memref<32x513xf32, #tpu.memory_space<vmem>> -> memref<8x128xf32, #tpu.memory_space<vmem>>
    tpu.wait_dma2 semaphore(%arg13 : memref<!tpu.dma_semaphore, #tpu.memory_space<semaphore_mem>>) src(%dma_wait3A_497 : memref<8x128xf32, #tpu.memory_space<vmem>>) dst(%dma_wait3A_494 : memref<8x128xf32, #tpu.memory_space<hbm>>)
    %mul3A_498 = arith.constant 4 : i32
    %mul3A_499 = arith.muli %select_n3A_474, %mul3A_498 : i32
    %add3A_500 = arith.constant 0 : i32
    %add3A_501 = arith.addi %add3A_500, %mul3A_499 : i32
    %add3A_502 = arith.constant 1 : i32
    %add3A_503 = arith.addi %add3A_501, %add3A_502 : i32
    %mul3A_504 = arith.constant 32 : i32
    %mul3A_505 = arith.muli %select_n3A_458, %mul3A_504 : i32
    %mul3A_506 = arith.constant 4 : i32
    %mul3A_507 = arith.muli %mul3A_505, %mul3A_506 : i32
    %add3A_508 = arith.addi %mul3A_507, %add3A_503 : i32
    %mul3A_509 = arith.constant 8 : i32
    %mul3A_510 = arith.muli %add3A_508, %mul3A_509 : i32
    %dma_wait3A_511 = arith.constant 0 : i32
    %dma_wait3A_512 = arith.constant 128 : i32
    %dma_wait3A_513 = tpu.memref_slice %arg9[%dma_wait3A_511, %dma_wait3A_512] : memref<32x513xf32, #tpu.memory_space<vmem>> -> memref<8x128xf32, #tpu.memory_space<vmem>>
    %dma_wait3A_514 = arith.constant 0 : i32
    %dma_wait3A_515 = tpu.memref_slice %arg4[%mul3A_510, %dma_wait3A_514] : memref<204800x128xf32, #tpu.memory_space<hbm>> -> memref<8x128xf32, #tpu.memory_space<hbm>>
    %dma_wait3A_516 = arith.constant 0 : i32
    %dma_wait3A_517 = tpu.memref_slice %arg4[%mul3A_510, %dma_wait3A_516] : memref<204800x128xf32, #tpu.memory_space<hbm>> -> memref<8x128xf32, #tpu.memory_space<hbm>>
    %dma_wait3A_518 = arith.constant 0 : i32
    %dma_wait3A_519 = arith.constant 128 : i32
    %dma_wait3A_520 = tpu.memref_slice %arg9[%dma_wait3A_518, %dma_wait3A_519] : memref<32x513xf32, #tpu.memory_space<vmem>> -> memref<8x128xf32, #tpu.memory_space<vmem>>
    tpu.wait_dma2 semaphore(%arg13 : memref<!tpu.dma_semaphore, #tpu.memory_space<semaphore_mem>>) src(%dma_wait3A_520 : memref<8x128xf32, #tpu.memory_space<vmem>>) dst(%dma_wait3A_517 : memref<8x128xf32, #tpu.memory_space<hbm>>)
    %mul3A_521 = arith.constant 4 : i32
    %mul3A_522 = arith.muli %select_n3A_474, %mul3A_521 : i32
    %add3A_523 = arith.constant 0 : i32
    %add3A_524 = arith.addi %add3A_523, %mul3A_522 : i32
    %add3A_525 = arith.constant 2 : i32
    %add3A_526 = arith.addi %add3A_524, %add3A_525 : i32
    %mul3A_527 = arith.constant 32 : i32
    %mul3A_528 = arith.muli %select_n3A_458, %mul3A_527 : i32
    %mul3A_529 = arith.constant 4 : i32
    %mul3A_530 = arith.muli %mul3A_528, %mul3A_529 : i32
    %add3A_531 = arith.addi %mul3A_530, %add3A_526 : i32
    %mul3A_532 = arith.constant 8 : i32
    %mul3A_533 = arith.muli %add3A_531, %mul3A_532 : i32
    %dma_wait3A_534 = arith.constant 0 : i32
    %dma_wait3A_535 = arith.constant 256 : i32
    %dma_wait3A_536 = tpu.memref_slice %arg9[%dma_wait3A_534, %dma_wait3A_535] : memref<32x513xf32, #tpu.memory_space<vmem>> -> memref<8x128xf32, #tpu.memory_space<vmem>>
    %dma_wait3A_537 = arith.constant 0 : i32
    %dma_wait3A_538 = tpu.memref_slice %arg4[%mul3A_533, %dma_wait3A_537] : memref<204800x128xf32, #tpu.memory_space<hbm>> -> memref<8x128xf32, #tpu.memory_space<hbm>>
    %dma_wait3A_539 = arith.constant 0 : i32
    %dma_wait3A_540 = tpu.memref_slice %arg4[%mul3A_533, %dma_wait3A_539] : memref<204800x128xf32, #tpu.memory_space<hbm>> -> memref<8x128xf32, #tpu.memory_space<hbm>>
    %dma_wait3A_541 = arith.constant 0 : i32
    %dma_wait3A_542 = arith.constant 256 : i32
    %dma_wait3A_543 = tpu.memref_slice %arg9[%dma_wait3A_541, %dma_wait3A_542] : memref<32x513xf32, #tpu.memory_space<vmem>> -> memref<8x128xf32, #tpu.memory_space<vmem>>
    tpu.wait_dma2 semaphore(%arg13 : memref<!tpu.dma_semaphore, #tpu.memory_space<semaphore_mem>>) src(%dma_wait3A_543 : memref<8x128xf32, #tpu.memory_space<vmem>>) dst(%dma_wait3A_540 : memref<8x128xf32, #tpu.memory_space<hbm>>)
    %mul3A_544 = arith.constant 4 : i32
    %mul3A_545 = arith.muli %select_n3A_474, %mul3A_544 : i32
    %add3A_546 = arith.constant 0 : i32
    %add3A_547 = arith.addi %add3A_546, %mul3A_545 : i32
    %add3A_548 = arith.constant 3 : i32
    %add3A_549 = arith.addi %add3A_547, %add3A_548 : i32
    %mul3A_550 = arith.constant 32 : i32
    %mul3A_551 = arith.muli %select_n3A_458, %mul3A_550 : i32
    %mul3A_552 = arith.constant 4 : i32
    %mul3A_553 = arith.muli %mul3A_551, %mul3A_552 : i32
    %add3A_554 = arith.addi %mul3A_553, %add3A_549 : i32
    %mul3A_555 = arith.constant 8 : i32
    %mul3A_556 = arith.muli %add3A_554, %mul3A_555 : i32
    %dma_wait3A_557 = arith.constant 0 : i32
    %dma_wait3A_558 = arith.constant 384 : i32
    %dma_wait3A_559 = tpu.memref_slice %arg9[%dma_wait3A_557, %dma_wait3A_558] : memref<32x513xf32, #tpu.memory_space<vmem>> -> memref<8x128xf32, #tpu.memory_space<vmem>>
    %dma_wait3A_560 = arith.constant 0 : i32
    %dma_wait3A_561 = tpu.memref_slice %arg4[%mul3A_556, %dma_wait3A_560] : memref<204800x128xf32, #tpu.memory_space<hbm>> -> memref<8x128xf32, #tpu.memory_space<hbm>>
    %dma_wait3A_562 = arith.constant 0 : i32
    %dma_wait3A_563 = tpu.memref_slice %arg4[%mul3A_556, %dma_wait3A_562] : memref<204800x128xf32, #tpu.memory_space<hbm>> -> memref<8x128xf32, #tpu.memory_space<hbm>>
    %dma_wait3A_564 = arith.constant 0 : i32
    %dma_wait3A_565 = arith.constant 384 : i32
    %dma_wait3A_566 = tpu.memref_slice %arg9[%dma_wait3A_564, %dma_wait3A_565] : memref<32x513xf32, #tpu.memory_space<vmem>> -> memref<8x128xf32, #tpu.memory_space<vmem>>
    tpu.wait_dma2 semaphore(%arg13 : memref<!tpu.dma_semaphore, #tpu.memory_space<semaphore_mem>>) src(%dma_wait3A_566 : memref<8x128xf32, #tpu.memory_space<vmem>>) dst(%dma_wait3A_563 : memref<8x128xf32, #tpu.memory_space<hbm>>)
    %mul3A_567 = arith.constant 4 : i32
    %mul3A_568 = arith.muli %select_n3A_474, %mul3A_567 : i32
    %add3A_569 = arith.constant 32 : i32
    %add3A_570 = arith.addi %add3A_569, %mul3A_568 : i32
    %add3A_571 = arith.constant 0 : i32
    %add3A_572 = arith.addi %add3A_570, %add3A_571 : i32
    %mul3A_573 = arith.constant 32 : i32
    %mul3A_574 = arith.muli %select_n3A_458, %mul3A_573 : i32
    %mul3A_575 = arith.constant 4 : i32
    %mul3A_576 = arith.muli %mul3A_574, %mul3A_575 : i32
    %add3A_577 = arith.addi %mul3A_576, %add3A_572 : i32
    %mul3A_578 = arith.constant 8 : i32
    %mul3A_579 = arith.muli %add3A_577, %mul3A_578 : i32
    %dma_wait3A_580 = arith.constant 8 : i32
    %dma_wait3A_581 = arith.constant 0 : i32
    %dma_wait3A_582 = tpu.memref_slice %arg9[%dma_wait3A_580, %dma_wait3A_581] : memref<32x513xf32, #tpu.memory_space<vmem>> -> memref<8x128xf32, #tpu.memory_space<vmem>>
    %dma_wait3A_583 = arith.constant 0 : i32
    %dma_wait3A_584 = tpu.memref_slice %arg4[%mul3A_579, %dma_wait3A_583] : memref<204800x128xf32, #tpu.memory_space<hbm>> -> memref<8x128xf32, #tpu.memory_space<hbm>>
    %dma_wait3A_585 = arith.constant 0 : i32
    %dma_wait3A_586 = tpu.memref_slice %arg4[%mul3A_579, %dma_wait3A_585] : memref<204800x128xf32, #tpu.memory_space<hbm>> -> memref<8x128xf32, #tpu.memory_space<hbm>>
    %dma_wait3A_587 = arith.constant 8 : i32
    %dma_wait3A_588 = arith.constant 0 : i32
    %dma_wait3A_589 = tpu.memref_slice %arg9[%dma_wait3A_587, %dma_wait3A_588] : memref<32x513xf32, #tpu.memory_space<vmem>> -> memref<8x128xf32, #tpu.memory_space<vmem>>
    tpu.wait_dma2 semaphore(%arg13 : memref<!tpu.dma_semaphore, #tpu.memory_space<semaphore_mem>>) src(%dma_wait3A_589 : memref<8x128xf32, #tpu.memory_space<vmem>>) dst(%dma_wait3A_586 : memref<8x128xf32, #tpu.memory_space<hbm>>)
    %mul3A_590 = arith.constant 4 : i32
    %mul3A_591 = arith.muli %select_n3A_474, %mul3A_590 : i32
    %add3A_592 = arith.constant 32 : i32
    %add3A_593 = arith.addi %add3A_592, %mul3A_591 : i32
    %add3A_594 = arith.constant 1 : i32
    %add3A_595 = arith.addi %add3A_593, %add3A_594 : i32
    %mul3A_596 = arith.constant 32 : i32
    %mul3A_597 = arith.muli %select_n3A_458, %mul3A_596 : i32
    %mul3A_598 = arith.constant 4 : i32
    %mul3A_599 = arith.muli %mul3A_597, %mul3A_598 : i32
    %add3A_600 = arith.addi %mul3A_599, %add3A_595 : i32
    %mul3A_601 = arith.constant 8 : i32
    %mul3A_602 = arith.muli %add3A_600, %mul3A_601 : i32
    %dma_wait3A_603 = arith.constant 8 : i32
    %dma_wait3A_604 = arith.constant 128 : i32
    %dma_wait3A_605 = tpu.memref_slice %arg9[%dma_wait3A_603, %dma_wait3A_604] : memref<32x513xf32, #tpu.memory_space<vmem>> -> memref<8x128xf32, #tpu.memory_space<vmem>>
    %dma_wait3A_606 = arith.constant 0 : i32
    %dma_wait3A_607 = tpu.memref_slice %arg4[%mul3A_602, %dma_wait3A_606] : memref<204800x128xf32, #tpu.memory_space<hbm>> -> memref<8x128xf32, #tpu.memory_space<hbm>>
    %dma_wait3A_608 = arith.constant 0 : i32
    %dma_wait3A_609 = tpu.memref_slice %arg4[%mul3A_602, %dma_wait3A_608] : memref<204800x128xf32, #tpu.memory_space<hbm>> -> memref<8x128xf32, #tpu.memory_space<hbm>>
    %dma_wait3A_610 = arith.constant 8 : i32
    %dma_wait3A_611 = arith.constant 128 : i32
    %dma_wait3A_612 = tpu.memref_slice %arg9[%dma_wait3A_610, %dma_wait3A_611] : memref<32x513xf32, #tpu.memory_space<vmem>> -> memref<8x128xf32, #tpu.memory_space<vmem>>
    tpu.wait_dma2 semaphore(%arg13 : memref<!tpu.dma_semaphore, #tpu.memory_space<semaphore_mem>>) src(%dma_wait3A_612 : memref<8x128xf32, #tpu.memory_space<vmem>>) dst(%dma_wait3A_609 : memref<8x128xf32, #tpu.memory_space<hbm>>)
    %mul3A_613 = arith.constant 4 : i32
    %mul3A_614 = arith.muli %select_n3A_474, %mul3A_613 : i32
    %add3A_615 = arith.constant 32 : i32
    %add3A_616 = arith.addi %add3A_615, %mul3A_614 : i32
    %add3A_617 = arith.constant 2 : i32
    %add3A_618 = arith.addi %add3A_616, %add3A_617 : i32
    %mul3A_619 = arith.constant 32 : i32
    %mul3A_620 = arith.muli %select_n3A_458, %mul3A_619 : i32
    %mul3A_621 = arith.constant 4 : i32
    %mul3A_622 = arith.muli %mul3A_620, %mul3A_621 : i32
    %add3A_623 = arith.addi %mul3A_622, %add3A_618 : i32
    %mul3A_624 = arith.constant 8 : i32
    %mul3A_625 = arith.muli %add3A_623, %mul3A_624 : i32
    %dma_wait3A_626 = arith.constant 8 : i32
    %dma_wait3A_627 = arith.constant 256 : i32
    %dma_wait3A_628 = tpu.memref_slice %arg9[%dma_wait3A_626, %dma_wait3A_627] : memref<32x513xf32, #tpu.memory_space<vmem>> -> memref<8x128xf32, #tpu.memory_space<vmem>>
    %dma_wait3A_629 = arith.constant 0 : i32
    %dma_wait3A_630 = tpu.memref_slice %arg4[%mul3A_625, %dma_wait3A_629] : memref<204800x128xf32, #tpu.memory_space<hbm>> -> memref<8x128xf32, #tpu.memory_space<hbm>>
    %dma_wait3A_631 = arith.constant 0 : i32
    %dma_wait3A_632 = tpu.memref_slice %arg4[%mul3A_625, %dma_wait3A_631] : memref<204800x128xf32, #tpu.memory_space<hbm>> -> memref<8x128xf32, #tpu.memory_space<hbm>>
    %dma_wait3A_633 = arith.constant 8 : i32
    %dma_wait3A_634 = arith.constant 256 : i32
    %dma_wait3A_635 = tpu.memref_slice %arg9[%dma_wait3A_633, %dma_wait3A_634] : memref<32x513xf32, #tpu.memory_space<vmem>> -> memref<8x128xf32, #tpu.memory_space<vmem>>
    tpu.wait_dma2 semaphore(%arg13 : memref<!tpu.dma_semaphore, #tpu.memory_space<semaphore_mem>>) src(%dma_wait3A_635 : memref<8x128xf32, #tpu.memory_space<vmem>>) dst(%dma_wait3A_632 : memref<8x128xf32, #tpu.memory_space<hbm>>)
    %mul3A_636 = arith.constant 4 : i32
    %mul3A_637 = arith.muli %select_n3A_474, %mul3A_636 : i32
    %add3A_638 = arith.constant 32 : i32
    %add3A_639 = arith.addi %add3A_638, %mul3A_637 : i32
    %add3A_640 = arith.constant 3 : i32
    %add3A_641 = arith.addi %add3A_639, %add3A_640 : i32
    %mul3A_642 = arith.constant 32 : i32
    %mul3A_643 = arith.muli %select_n3A_458, %mul3A_642 : i32
    %mul3A_644 = arith.constant 4 : i32
    %mul3A_645 = arith.muli %mul3A_643, %mul3A_644 : i32
    %add3A_646 = arith.addi %mul3A_645, %add3A_641 : i32
    %mul3A_647 = arith.constant 8 : i32
    %mul3A_648 = arith.muli %add3A_646, %mul3A_647 : i32
    %dma_wait3A_649 = arith.constant 8 : i32
    %dma_wait3A_650 = arith.constant 384 : i32
    %dma_wait3A_651 = tpu.memref_slice %arg9[%dma_wait3A_649, %dma_wait3A_650] : memref<32x513xf32, #tpu.memory_space<vmem>> -> memref<8x128xf32, #tpu.memory_space<vmem>>
    %dma_wait3A_652 = arith.constant 0 : i32
    %dma_wait3A_653 = tpu.memref_slice %arg4[%mul3A_648, %dma_wait3A_652] : memref<204800x128xf32, #tpu.memory_space<hbm>> -> memref<8x128xf32, #tpu.memory_space<hbm>>
    %dma_wait3A_654 = arith.constant 0 : i32
    %dma_wait3A_655 = tpu.memref_slice %arg4[%mul3A_648, %dma_wait3A_654] : memref<204800x128xf32, #tpu.memory_space<hbm>> -> memref<8x128xf32, #tpu.memory_space<hbm>>
    %dma_wait3A_656 = arith.constant 8 : i32
    %dma_wait3A_657 = arith.constant 384 : i32
    %dma_wait3A_658 = tpu.memref_slice %arg9[%dma_wait3A_656, %dma_wait3A_657] : memref<32x513xf32, #tpu.memory_space<vmem>> -> memref<8x128xf32, #tpu.memory_space<vmem>>
    tpu.wait_dma2 semaphore(%arg13 : memref<!tpu.dma_semaphore, #tpu.memory_space<semaphore_mem>>) src(%dma_wait3A_658 : memref<8x128xf32, #tpu.memory_space<vmem>>) dst(%dma_wait3A_655 : memref<8x128xf32, #tpu.memory_space<hbm>>)
    %mul3A_659 = arith.constant 4 : i32
    %mul3A_660 = arith.muli %select_n3A_474, %mul3A_659 : i32
    %add3A_661 = arith.constant 64 : i32
    %add3A_662 = arith.addi %add3A_661, %mul3A_660 : i32
    %add3A_663 = arith.constant 0 : i32
    %add3A_664 = arith.addi %add3A_662, %add3A_663 : i32
    %mul3A_665 = arith.constant 32 : i32
    %mul3A_666 = arith.muli %select_n3A_458, %mul3A_665 : i32
    %mul3A_667 = arith.constant 4 : i32
    %mul3A_668 = arith.muli %mul3A_666, %mul3A_667 : i32
    %add3A_669 = arith.addi %mul3A_668, %add3A_664 : i32
    %mul3A_670 = arith.constant 8 : i32
    %mul3A_671 = arith.muli %add3A_669, %mul3A_670 : i32
    %dma_wait3A_672 = arith.constant 16 : i32
    %dma_wait3A_673 = arith.constant 0 : i32
    %dma_wait3A_674 = tpu.memref_slice %arg9[%dma_wait3A_672, %dma_wait3A_673] : memref<32x513xf32, #tpu.memory_space<vmem>> -> memref<8x128xf32, #tpu.memory_space<vmem>>
    %dma_wait3A_675 = arith.constant 0 : i32
    %dma_wait3A_676 = tpu.memref_slice %arg4[%mul3A_671, %dma_wait3A_675] : memref<204800x128xf32, #tpu.memory_space<hbm>> -> memref<8x128xf32, #tpu.memory_space<hbm>>
    %dma_wait3A_677 = arith.constant 0 : i32
    %dma_wait3A_678 = tpu.memref_slice %arg4[%mul3A_671, %dma_wait3A_677] : memref<204800x128xf32, #tpu.memory_space<hbm>> -> memref<8x128xf32, #tpu.memory_space<hbm>>
    %dma_wait3A_679 = arith.constant 16 : i32
    %dma_wait3A_680 = arith.constant 0 : i32
    %dma_wait3A_681 = tpu.memref_slice %arg9[%dma_wait3A_679, %dma_wait3A_680] : memref<32x513xf32, #tpu.memory_space<vmem>> -> memref<8x128xf32, #tpu.memory_space<vmem>>
    tpu.wait_dma2 semaphore(%arg13 : memref<!tpu.dma_semaphore, #tpu.memory_space<semaphore_mem>>) src(%dma_wait3A_681 : memref<8x128xf32, #tpu.memory_space<vmem>>) dst(%dma_wait3A_678 : memref<8x128xf32, #tpu.memory_space<hbm>>)
    %mul3A_682 = arith.constant 4 : i32
    %mul3A_683 = arith.muli %select_n3A_474, %mul3A_682 : i32
    %add3A_684 = arith.constant 64 : i32
    %add3A_685 = arith.addi %add3A_684, %mul3A_683 : i32
    %add3A_686 = arith.constant 1 : i32
    %add3A_687 = arith.addi %add3A_685, %add3A_686 : i32
    %mul3A_688 = arith.constant 32 : i32
    %mul3A_689 = arith.muli %select_n3A_458, %mul3A_688 : i32
    %mul3A_690 = arith.constant 4 : i32
    %mul3A_691 = arith.muli %mul3A_689, %mul3A_690 : i32
    %add3A_692 = arith.addi %mul3A_691, %add3A_687 : i32
    %mul3A_693 = arith.constant 8 : i32
    %mul3A_694 = arith.muli %add3A_692, %mul3A_693 : i32
    %dma_wait3A_695 = arith.constant 16 : i32
    %dma_wait3A_696 = arith.constant 128 : i32
    %dma_wait3A_697 = tpu.memref_slice %arg9[%dma_wait3A_695, %dma_wait3A_696] : memref<32x513xf32, #tpu.memory_space<vmem>> -> memref<8x128xf32, #tpu.memory_space<vmem>>
    %dma_wait3A_698 = arith.constant 0 : i32
    %dma_wait3A_699 = tpu.memref_slice %arg4[%mul3A_694, %dma_wait3A_698] : memref<204800x128xf32, #tpu.memory_space<hbm>> -> memref<8x128xf32, #tpu.memory_space<hbm>>
    %dma_wait3A_700 = arith.constant 0 : i32
    %dma_wait3A_701 = tpu.memref_slice %arg4[%mul3A_694, %dma_wait3A_700] : memref<204800x128xf32, #tpu.memory_space<hbm>> -> memref<8x128xf32, #tpu.memory_space<hbm>>
    %dma_wait3A_702 = arith.constant 16 : i32
    %dma_wait3A_703 = arith.constant 128 : i32
    %dma_wait3A_704 = tpu.memref_slice %arg9[%dma_wait3A_702, %dma_wait3A_703] : memref<32x513xf32, #tpu.memory_space<vmem>> -> memref<8x128xf32, #tpu.memory_space<vmem>>
    tpu.wait_dma2 semaphore(%arg13 : memref<!tpu.dma_semaphore, #tpu.memory_space<semaphore_mem>>) src(%dma_wait3A_704 : memref<8x128xf32, #tpu.memory_space<vmem>>) dst(%dma_wait3A_701 : memref<8x128xf32, #tpu.memory_space<hbm>>)
    %mul3A_705 = arith.constant 4 : i32
    %mul3A_706 = arith.muli %select_n3A_474, %mul3A_705 : i32
    %add3A_707 = arith.constant 64 : i32
    %add3A_708 = arith.addi %add3A_707, %mul3A_706 : i32
    %add3A_709 = arith.constant 2 : i32
    %add3A_710 = arith.addi %add3A_708, %add3A_709 : i32
    %mul3A_711 = arith.constant 32 : i32
    %mul3A_712 = arith.muli %select_n3A_458, %mul3A_711 : i32
    %mul3A_713 = arith.constant 4 : i32
    %mul3A_714 = arith.muli %mul3A_712, %mul3A_713 : i32
    %add3A_715 = arith.addi %mul3A_714, %add3A_710 : i32
    %mul3A_716 = arith.constant 8 : i32
    %mul3A_717 = arith.muli %add3A_715, %mul3A_716 : i32
    %dma_wait3A_718 = arith.constant 16 : i32
    %dma_wait3A_719 = arith.constant 256 : i32
    %dma_wait3A_720 = tpu.memref_slice %arg9[%dma_wait3A_718, %dma_wait3A_719] : memref<32x513xf32, #tpu.memory_space<vmem>> -> memref<8x128xf32, #tpu.memory_space<vmem>>
    %dma_wait3A_721 = arith.constant 0 : i32
    %dma_wait3A_722 = tpu.memref_slice %arg4[%mul3A_717, %dma_wait3A_721] : memref<204800x128xf32, #tpu.memory_space<hbm>> -> memref<8x128xf32, #tpu.memory_space<hbm>>
    %dma_wait3A_723 = arith.constant 0 : i32
    %dma_wait3A_724 = tpu.memref_slice %arg4[%mul3A_717, %dma_wait3A_723] : memref<204800x128xf32, #tpu.memory_space<hbm>> -> memref<8x128xf32, #tpu.memory_space<hbm>>
    %dma_wait3A_725 = arith.constant 16 : i32
    %dma_wait3A_726 = arith.constant 256 : i32
    %dma_wait3A_727 = tpu.memref_slice %arg9[%dma_wait3A_725, %dma_wait3A_726] : memref<32x513xf32, #tpu.memory_space<vmem>> -> memref<8x128xf32, #tpu.memory_space<vmem>>
    tpu.wait_dma2 semaphore(%arg13 : memref<!tpu.dma_semaphore, #tpu.memory_space<semaphore_mem>>) src(%dma_wait3A_727 : memref<8x128xf32, #tpu.memory_space<vmem>>) dst(%dma_wait3A_724 : memref<8x128xf32, #tpu.memory_space<hbm>>)
    %mul3A_728 = arith.constant 4 : i32
    %mul3A_729 = arith.muli %select_n3A_474, %mul3A_728 : i32
    %add3A_730 = arith.constant 64 : i32
    %add3A_731 = arith.addi %add3A_730, %mul3A_729 : i32
    %add3A_732 = arith.constant 3 : i32
    %add3A_733 = arith.addi %add3A_731, %add3A_732 : i32
    %mul3A_734 = arith.constant 32 : i32
    %mul3A_735 = arith.muli %select_n3A_458, %mul3A_734 : i32
    %mul3A_736 = arith.constant 4 : i32
    %mul3A_737 = arith.muli %mul3A_735, %mul3A_736 : i32
    %add3A_738 = arith.addi %mul3A_737, %add3A_733 : i32
    %mul3A_739 = arith.constant 8 : i32
    %mul3A_740 = arith.muli %add3A_738, %mul3A_739 : i32
    %dma_wait3A_741 = arith.constant 16 : i32
    %dma_wait3A_742 = arith.constant 384 : i32
    %dma_wait3A_743 = tpu.memref_slice %arg9[%dma_wait3A_741, %dma_wait3A_742] : memref<32x513xf32, #tpu.memory_space<vmem>> -> memref<8x128xf32, #tpu.memory_space<vmem>>
    %dma_wait3A_744 = arith.constant 0 : i32
    %dma_wait3A_745 = tpu.memref_slice %arg4[%mul3A_740, %dma_wait3A_744] : memref<204800x128xf32, #tpu.memory_space<hbm>> -> memref<8x128xf32, #tpu.memory_space<hbm>>
    %dma_wait3A_746 = arith.constant 0 : i32
    %dma_wait3A_747 = tpu.memref_slice %arg4[%mul3A_740, %dma_wait3A_746] : memref<204800x128xf32, #tpu.memory_space<hbm>> -> memref<8x128xf32, #tpu.memory_space<hbm>>
    %dma_wait3A_748 = arith.constant 16 : i32
    %dma_wait3A_749 = arith.constant 384 : i32
    %dma_wait3A_750 = tpu.memref_slice %arg9[%dma_wait3A_748, %dma_wait3A_749] : memref<32x513xf32, #tpu.memory_space<vmem>> -> memref<8x128xf32, #tpu.memory_space<vmem>>
    tpu.wait_dma2 semaphore(%arg13 : memref<!tpu.dma_semaphore, #tpu.memory_space<semaphore_mem>>) src(%dma_wait3A_750 : memref<8x128xf32, #tpu.memory_space<vmem>>) dst(%dma_wait3A_747 : memref<8x128xf32, #tpu.memory_space<hbm>>)
    %mul3A_751 = arith.constant 4 : i32
    %mul3A_752 = arith.muli %select_n3A_474, %mul3A_751 : i32
    %add3A_753 = arith.constant 96 : i32
    %add3A_754 = arith.addi %add3A_753, %mul3A_752 : i32
    %add3A_755 = arith.constant 0 : i32
    %add3A_756 = arith.addi %add3A_754, %add3A_755 : i32
    %mul3A_757 = arith.constant 32 : i32
    %mul3A_758 = arith.muli %select_n3A_458, %mul3A_757 : i32
    %mul3A_759 = arith.constant 4 : i32
    %mul3A_760 = arith.muli %mul3A_758, %mul3A_759 : i32
    %add3A_761 = arith.addi %mul3A_760, %add3A_756 : i32
    %mul3A_762 = arith.constant 8 : i32
    %mul3A_763 = arith.muli %add3A_761, %mul3A_762 : i32
    %dma_wait3A_764 = arith.constant 24 : i32
    %dma_wait3A_765 = arith.constant 0 : i32
    %dma_wait3A_766 = tpu.memref_slice %arg9[%dma_wait3A_764, %dma_wait3A_765] : memref<32x513xf32, #tpu.memory_space<vmem>> -> memref<8x128xf32, #tpu.memory_space<vmem>>
    %dma_wait3A_767 = arith.constant 0 : i32
    %dma_wait3A_768 = tpu.memref_slice %arg4[%mul3A_763, %dma_wait3A_767] : memref<204800x128xf32, #tpu.memory_space<hbm>> -> memref<8x128xf32, #tpu.memory_space<hbm>>
    %dma_wait3A_769 = arith.constant 0 : i32
    %dma_wait3A_770 = tpu.memref_slice %arg4[%mul3A_763, %dma_wait3A_769] : memref<204800x128xf32, #tpu.memory_space<hbm>> -> memref<8x128xf32, #tpu.memory_space<hbm>>
    %dma_wait3A_771 = arith.constant 24 : i32
    %dma_wait3A_772 = arith.constant 0 : i32
    %dma_wait3A_773 = tpu.memref_slice %arg9[%dma_wait3A_771, %dma_wait3A_772] : memref<32x513xf32, #tpu.memory_space<vmem>> -> memref<8x128xf32, #tpu.memory_space<vmem>>
    tpu.wait_dma2 semaphore(%arg13 : memref<!tpu.dma_semaphore, #tpu.memory_space<semaphore_mem>>) src(%dma_wait3A_773 : memref<8x128xf32, #tpu.memory_space<vmem>>) dst(%dma_wait3A_770 : memref<8x128xf32, #tpu.memory_space<hbm>>)
    %mul3A_774 = arith.constant 4 : i32
    %mul3A_775 = arith.muli %select_n3A_474, %mul3A_774 : i32
    %add3A_776 = arith.constant 96 : i32
    %add3A_777 = arith.addi %add3A_776, %mul3A_775 : i32
    %add3A_778 = arith.constant 1 : i32
    %add3A_779 = arith.addi %add3A_777, %add3A_778 : i32
    %mul3A_780 = arith.constant 32 : i32
    %mul3A_781 = arith.muli %select_n3A_458, %mul3A_780 : i32
    %mul3A_782 = arith.constant 4 : i32
    %mul3A_783 = arith.muli %mul3A_781, %mul3A_782 : i32
    %add3A_784 = arith.addi %mul3A_783, %add3A_779 : i32
    %mul3A_785 = arith.constant 8 : i32
    %mul3A_786 = arith.muli %add3A_784, %mul3A_785 : i32
    %dma_wait3A_787 = arith.constant 24 : i32
    %dma_wait3A_788 = arith.constant 128 : i32
    %dma_wait3A_789 = tpu.memref_slice %arg9[%dma_wait3A_787, %dma_wait3A_788] : memref<32x513xf32, #tpu.memory_space<vmem>> -> memref<8x128xf32, #tpu.memory_space<vmem>>
    %dma_wait3A_790 = arith.constant 0 : i32
    %dma_wait3A_791 = tpu.memref_slice %arg4[%mul3A_786, %dma_wait3A_790] : memref<204800x128xf32, #tpu.memory_space<hbm>> -> memref<8x128xf32, #tpu.memory_space<hbm>>
    %dma_wait3A_792 = arith.constant 0 : i32
    %dma_wait3A_793 = tpu.memref_slice %arg4[%mul3A_786, %dma_wait3A_792] : memref<204800x128xf32, #tpu.memory_space<hbm>> -> memref<8x128xf32, #tpu.memory_space<hbm>>
    %dma_wait3A_794 = arith.constant 24 : i32
    %dma_wait3A_795 = arith.constant 128 : i32
    %dma_wait3A_796 = tpu.memref_slice %arg9[%dma_wait3A_794, %dma_wait3A_795] : memref<32x513xf32, #tpu.memory_space<vmem>> -> memref<8x128xf32, #tpu.memory_space<vmem>>
    tpu.wait_dma2 semaphore(%arg13 : memref<!tpu.dma_semaphore, #tpu.memory_space<semaphore_mem>>) src(%dma_wait3A_796 : memref<8x128xf32, #tpu.memory_space<vmem>>) dst(%dma_wait3A_793 : memref<8x128xf32, #tpu.memory_space<hbm>>)
    %mul3A_797 = arith.constant 4 : i32
    %mul3A_798 = arith.muli %select_n3A_474, %mul3A_797 : i32
    %add3A_799 = arith.constant 96 : i32
    %add3A_800 = arith.addi %add3A_799, %mul3A_798 : i32
    %add3A_801 = arith.constant 2 : i32
    %add3A_802 = arith.addi %add3A_800, %add3A_801 : i32
    %mul3A_803 = arith.constant 32 : i32
    %mul3A_804 = arith.muli %select_n3A_458, %mul3A_803 : i32
    %mul3A_805 = arith.constant 4 : i32
    %mul3A_806 = arith.muli %mul3A_804, %mul3A_805 : i32
    %add3A_807 = arith.addi %mul3A_806, %add3A_802 : i32
    %mul3A_808 = arith.constant 8 : i32
    %mul3A_809 = arith.muli %add3A_807, %mul3A_808 : i32
    %dma_wait3A_810 = arith.constant 24 : i32
    %dma_wait3A_811 = arith.constant 256 : i32
    %dma_wait3A_812 = tpu.memref_slice %arg9[%dma_wait3A_810, %dma_wait3A_811] : memref<32x513xf32, #tpu.memory_space<vmem>> -> memref<8x128xf32, #tpu.memory_space<vmem>>
    %dma_wait3A_813 = arith.constant 0 : i32
    %dma_wait3A_814 = tpu.memref_slice %arg4[%mul3A_809, %dma_wait3A_813] : memref<204800x128xf32, #tpu.memory_space<hbm>> -> memref<8x128xf32, #tpu.memory_space<hbm>>
    %dma_wait3A_815 = arith.constant 0 : i32
    %dma_wait3A_816 = tpu.memref_slice %arg4[%mul3A_809, %dma_wait3A_815] : memref<204800x128xf32, #tpu.memory_space<hbm>> -> memref<8x128xf32, #tpu.memory_space<hbm>>
    %dma_wait3A_817 = arith.constant 24 : i32
    %dma_wait3A_818 = arith.constant 256 : i32
    %dma_wait3A_819 = tpu.memref_slice %arg9[%dma_wait3A_817, %dma_wait3A_818] : memref<32x513xf32, #tpu.memory_space<vmem>> -> memref<8x128xf32, #tpu.memory_space<vmem>>
    tpu.wait_dma2 semaphore(%arg13 : memref<!tpu.dma_semaphore, #tpu.memory_space<semaphore_mem>>) src(%dma_wait3A_819 : memref<8x128xf32, #tpu.memory_space<vmem>>) dst(%dma_wait3A_816 : memref<8x128xf32, #tpu.memory_space<hbm>>)
    %mul3A_820 = arith.constant 4 : i32
    %mul3A_821 = arith.muli %select_n3A_474, %mul3A_820 : i32
    %add3A_822 = arith.constant 96 : i32
    %add3A_823 = arith.addi %add3A_822, %mul3A_821 : i32
    %add3A_824 = arith.constant 3 : i32
    %add3A_825 = arith.addi %add3A_823, %add3A_824 : i32
    %mul3A_826 = arith.constant 32 : i32
    %mul3A_827 = arith.muli %select_n3A_458, %mul3A_826 : i32
    %mul3A_828 = arith.constant 4 : i32
    %mul3A_829 = arith.muli %mul3A_827, %mul3A_828 : i32
    %add3A_830 = arith.addi %mul3A_829, %add3A_825 : i32
    %mul3A_831 = arith.constant 8 : i32
    %mul3A_832 = arith.muli %add3A_830, %mul3A_831 : i32
    %dma_wait3A_833 = arith.constant 24 : i32
    %dma_wait3A_834 = arith.constant 384 : i32
    %dma_wait3A_835 = tpu.memref_slice %arg9[%dma_wait3A_833, %dma_wait3A_834] : memref<32x513xf32, #tpu.memory_space<vmem>> -> memref<8x128xf32, #tpu.memory_space<vmem>>
    %dma_wait3A_836 = arith.constant 0 : i32
    %dma_wait3A_837 = tpu.memref_slice %arg4[%mul3A_832, %dma_wait3A_836] : memref<204800x128xf32, #tpu.memory_space<hbm>> -> memref<8x128xf32, #tpu.memory_space<hbm>>
    %dma_wait3A_838 = arith.constant 0 : i32
    %dma_wait3A_839 = tpu.memref_slice %arg4[%mul3A_832, %dma_wait3A_838] : memref<204800x128xf32, #tpu.memory_space<hbm>> -> memref<8x128xf32, #tpu.memory_space<hbm>>
    %dma_wait3A_840 = arith.constant 24 : i32
    %dma_wait3A_841 = arith.constant 384 : i32
    %dma_wait3A_842 = tpu.memref_slice %arg9[%dma_wait3A_840, %dma_wait3A_841] : memref<32x513xf32, #tpu.memory_space<vmem>> -> memref<8x128xf32, #tpu.memory_space<vmem>>
    tpu.wait_dma2 semaphore(%arg13 : memref<!tpu.dma_semaphore, #tpu.memory_space<semaphore_mem>>) src(%dma_wait3A_842 : memref<8x128xf32, #tpu.memory_space<vmem>>) dst(%dma_wait3A_839 : memref<8x128xf32, #tpu.memory_space<hbm>>)
    return
  }
}

</mosaic_0001>

<sc_bundles>
// kernel: kernel.3.cloned.1.call-start
scs
__scs_entry_jumppad:
0x0: {  	(pc) =	sbr.rel $0x88, $3  }
0x1: {  	(tag) =	ssettag $0x0;
	lr =	simm.s32 $0x1  }
0x2: {  	[smem:$0x3F9F] =	sst lr;
	_ =	strace $0xD0000000  }
0x3: {  	_ = 	snop  }
0x4: {  	_ = 	snop  }
0x5: {  	_ = 	snop  }
0x6: {  	_ = 	snop  }
0x7: {  	_ = 	snop  }
__scs_overlays_trampoline_lowered:
0x8: {  	[smem:$0x3FAE] =	sst s0  }
0x9: {  	[smem:$0x3FAF] =	sst s1  }
0xa: {  	[smem:$0x3FB0] =	sst s2  }
0xb: {  	[smem:$0x3FB1] =	sst s3  }
0xc: {  	[smem:$0x3FB2] =	sst s4  }
0xd: {  	[smem:$0x3FB3] =	sst s5  }
0xe: {  	[smem:$0x3FB4] =	sst s6  }
0xf: {  	[smem:$0x3FB5] =	sst s7  }
0x10: {  	[smem:$0x3FB6] =	sst s8  }
0x11: {  	[smem:$0x3FB7] =	sst s9;
	s0 =	simm.s32 @!p0 $0x0  }
0x12: {  	s1 =	sld [smem:$0x3F9D];
	s0 =	simm.s32 @p0 $0x1  }
0x13: {  	[smem:$0x3FB8] =	sst s0;
	s0 =	simm.s32 @!p1 $0x0  }
0x14: {  	s2 =	sld [smem:$0x3F9C];
	s0 =	simm.s32 @p1 $0x1  }
0x15: {  	[smem:$0x3FB9] =	sst s0;
	s0 =	simm.s32 @!p2 $0x0  }
0x16: {  	s3 =	sld [smem:$0x3FDB];
	s0 =	simm.s32 @p2 $0x1  }
0x17: {  	s4 =	simm.s32 $0x1BF5;
	[smem:$0x3FBB] =	sst s0  }
0x18: {  	s0 =	sld [smem:$0x3F9E];
	_ =	swait.ge [sflag:s4], $0x0  }
0x19: {  	s7 =	sld [smem:$0x3F9F]  }
0x1a: {  	s8 =	sadd.s32 $0xFFFFE003, lr  }
0x1b: {  	s9 =	sadd.s32 $0xFFFFFEF7, lr;
	s5 =	simm.s32 $0xFFFFFFFF;
	p2 =	slt.u32 s8, $0xFFFFF086  }
0x1c: {  	p1 =	slt.u32 s9, $0xF7A;
	s5 =	simm.s32 @!p2 $0x0  }
0x1d: {  	s5 =	simm.s32 @p1 $0x1;
	p0 =	seq.s32 s7, s2  }
0x1e: {  	s7 =	smul.u32 @!p0 $0xF7A, s2;
	p2 =	seq.s32 @!p0 s5, $0x0  }
0x1f: {  	s9 =	smul.u32 $0xF7A, s1;
	s8 =	simm.s32 @!p0 $0x1BF5;
	p2 =	por !p2, p0  }
0x20: {  	[sflag:s8] =	ssyncset.s32 @!p0 $0xFFFFF086;
	s6 =	sadd.s32 @!p0 s3, s7;
	s7 =	simm.s32 @!p0 $0x108  }
0x21: {  	s3 =	sadd.s32 s3, s9;
	s6 =	sadd.s32 @!p0 $0x88, s6;
	s7 =	simm.s32 @p2 $0x1082  }
0x22: {  	[simem:s7], [sflag:s8] =	dma.local @!p0 [hbm:s6], $0xF7A  }
0x23: {  	s9 =	sor.u32 $0xD0000000, s2;
	s6 =	simm.s32 $0x108;
	_ =	swait.ge @!p0 [sflag:s8], $0x0  }
0x24: {  	s3 =	sadd.s32 $0x88, s3;
	s6 =	simm.s32 @!p1 $0x1082;
	[sflag:s4] =	ssyncset.s32 $0xFFFFF086  }
0x25: {  	[simem:s6], [sflag:s4] =	dma.local [hbm:s3], $0xF7A  }
0x26: {  	[smem:$0x3F9F] =	sst s1;
	(tag) =	ssettag s2;
	_ =	strace s9  }
0x27: {  	s1 =	sld [smem:$0x3FAF]  }
0x28: {  	s2 =	sld [smem:$0x3FB0]  }
0x29: {  	s4 =	sld [smem:$0x3FB2]  }
0x2a: {  	p0 =	seq.s32 s5, $0x0;
	s5 =	sld [smem:$0x3FB3]  }
0x2b: {  	s6 =	sld [smem:$0x3FB4]  }
0x2c: {  	s7 =	sld [smem:$0x3FB5]  }
0x2d: {  	s3 =	simm.s32 $0x108;
	s8 =	sld [smem:$0x3FB6]  }
0x2e: {  	s3 =	simm.s32 @!p0 $0x1082;
	s9 =	sld [smem:$0x3FB7]  }
0x2f: {  	lr =	sadd.s32 s0, s3;
	s0 =	sld [smem:$0x3FAE]  }
0x30: {  	s3 =	sld [smem:$0x3FB1]  }
0x31: {  	[smem:$0x3FBA] =	sst s10  }
0x32: {  	s10 =	sld [smem:$0x3FB8];
	_ =	sdelay $0x3  }
0x33: {  	p0 =	seq.s32 s10, $0x1;
	s10 =	sld [smem:$0x3FBA];
	_ =	sdelay $0x3  }
0x34: {  	[smem:$0x3FBA] =	sst s10  }
0x35: {  	s10 =	sld [smem:$0x3FB9];
	_ =	sdelay $0x3  }
0x36: {  	p1 =	seq.s32 s10, $0x1;
	s10 =	sld [smem:$0x3FBA];
	_ =	sdelay $0x3  }
0x37: {  	[smem:$0x3FBA] =	sst s10  }
0x38: {  	s10 =	sld [smem:$0x3FBB]  }
0x39: {  	_ = 	snop;
	(pc) =	sbr.ind lr, $3  }
0x3a: {  	_ = 	snop  }
0x3b: {  	_ = 	snop  }
0x3c: {  	p2 =	seq.s32 s10, $0x1;
	s10 =	sld [smem:$0x3FBA]  }
0x3d: {  	_ =	shalt  }
0x3e: {  	_ =	shalt  }
0x3f: {  	_ =	shalt  }
0x40: {  	_ =	shalt  }
0x41: {  	_ =	shalt  }
0x42: {  	_ =	shalt  }
0x43: {  	_ =	shalt  }
0x44: {  	_ =	shalt  }
0x45: {  	_ =	shalt  }
0x46: {  	_ =	shalt  }
0x47: {  	_ =	shalt  }
0x48: {  	_ =	shalt  }
0x49: {  	_ =	shalt  }
0x4a: {  	_ =	shalt  }
0x4b: {  	_ =	shalt  }
0x4c: {  	_ =	shalt  }
0x4d: {  	_ =	shalt  }
0x4e: {  	_ =	shalt  }
0x4f: {  	_ =	shalt  }
0x50: {  	_ =	shalt  }
0x51: {  	_ =	shalt  }
0x52: {  	_ =	shalt  }
0x53: {  	_ =	shalt  }
0x54: {  	_ =	shalt  }
0x55: {  	_ =	shalt  }
0x56: {  	_ =	shalt  }
0x57: {  	_ =	shalt  }
0x58: {  	_ =	shalt  }
0x59: {  	_ =	shalt  }
0x5a: {  	_ =	shalt  }
0x5b: {  	_ =	shalt  }
0x5c: {  	_ =	shalt  }
0x5d: {  	_ =	shalt  }
0x5e: {  	_ =	shalt  }
0x5f: {  	_ =	shalt  }
0x60: {  	_ =	shalt  }
0x61: {  	_ =	shalt  }
0x62: {  	_ =	shalt  }
0x63: {  	_ =	shalt  }
0x64: {  	_ =	shalt  }
0x65: {  	_ =	shalt  }
0x66: {  	_ =	shalt  }
0x67: {  	_ =	shalt  }
0x68: {  	_ =	shalt  }
0x69: {  	_ =	shalt  }
0x6a: {  	_ =	shalt  }
0x6b: {  	_ =	shalt  }
0x6c: {  	_ =	shalt  }
0x6d: {  	_ =	shalt  }
0x6e: {  	_ =	shalt  }
0x6f: {  	_ =	shalt  }
0x70: {  	_ =	shalt  }
0x71: {  	_ =	shalt  }
0x72: {  	_ =	shalt  }
0x73: {  	_ =	shalt  }
0x74: {  	_ =	shalt  }
0x75: {  	_ =	shalt  }
0x76: {  	_ =	shalt  }
0x77: {  	_ =	shalt  }
0x78: {  	_ =	shalt  }
0x79: {  	_ =	shalt  }
0x7a: {  	_ =	shalt  }
0x7b: {  	_ =	shalt  }
0x7c: {  	_ =	shalt  }
0x7d: {  	_ =	shalt  }
0x7e: {  	_ =	shalt  }
0x7f: {  	_ =	shalt  }
0x80: {  	_ =	shalt  }
0x81: {  	_ =	shalt  }
0x82: {  	_ =	shalt  }
0x83: {  	_ =	shalt  }
0x84: {  	_ =	shalt  }
0x85: {  	_ =	shalt  }
0x86: {  	_ =	shalt  }
0x87: {  	_ =	shalt  }
.Lfunc_end0:
.L_simem_size_0:
called_computation_lowered:
.L_overlay_start_0:
0x88: {  	s2 =	sld [smem:$0x3FD9]  }
0x89: {  	s3 =	sld [smem:$0x3FFE];
	_ =	sdelay $0x1  }
0x8a: {  	s1 =	srdreg.scid  }
0x8b: {  	s0 =	sand.u32 $0x1, s1  }
0x8c: {  	s17 =	sshll.u32 s0, $0xA;
	s2 =	sadd.s32 s3, s2  }
0x8d: {  	s2 =	sadd.s32 s2, s17  }
0x8e: {  	[smem:$0x3FC6] =	sst s2  }
0x8f: {  	_ = 	snop  }
0x90: {  	s2 =	sld [smem:$0x3FD0];
	(tm) =	ssettm $0x1  }
0x91: {  	s18 =	sld [smem:$0x3FFB];
	_ =	sdelay $0x3  }
0x92: {  	_ =	strace s18  }
0x93: {  	s3 =	sld [smem:$0x3FFC];
	_ =	sdelay $0x3  }
0x94: {  	_ =	strace s3  }
0x95: {  	s3 =	sld [smem:$0x3FFD];
	_ =	sdelay $0x3  }
0x96: {  	_ =	strace s3  }
0x97: {  	_ =	strace $0x8FFFFFFF  }
0x98: {  	s19 =	sld [smem:$0x3FDB];
	_ =	sdelay $0x1  }
0x99: {  	s4 =	simm.s32 $_scs_section_size  }
0x9a: {  	s5 =	simm.s32 $_size__tile_overlayer_lowered;
	s6 =	simm.s32 $_tile_overlayer_lowered  }
0x9b: {  	s22 =	simm.s32 $0x1BFF;
	s21 =	sshll.u32 s6, $0x1;
	s3 =	sadd.s32 s4, s19  }
0x9c: {  	s7 =	simm.s32 $0x0;
	s20 =	sshll.u32 s5, $0x1;
	s5 =	sadd.s32 s21, s3  }
0x9d: {  	[timem:s7], [sflag:s22] =	dma.local [hbm:s5], s20  }
0x9e: {  	_ =	swait.ge [sflag:s22], s20  }
0x9f: {  	s4 =	ssub.s32 $0x0, s20;
	[sflag:s22] =	ssyncset.done $0x0  }
0xa0: {  	[sflag:s22] =	ssyncadd.s32 s4;
	_ =	sdelay $0x1  }
0xa1: {  	s23 =	simm.s32 $0x1B8B  }
0xa2: {  	_ =	swait.ge [sflag:s23], $0x1  }
0xa3: {  	[sflag:s23] =	ssyncset.done $0x0  }
0xa4: {  	s25 =	simm.s32 $0x1B8E;
	s24 =	sld [smem:$0x3FFE];
	[sflag:s23] =	ssyncadd.s32 $0xFFFFFFFF  }
0xa5: {  	s26 =	simm.s32 $execute0_lowered;
	[smem:$0x3FD2] =	sst s25  }
0xa6: {  	s5 =	sshll.u32 s26, $0x1;
	_ =	strace $0x80000046;
	[dreg:$0x1] =	wrdreg $0xFFFFFFFF  }
0xa7: {  	s28 =	simm.s32 $_size_execute0_lowered;
	s3 =	sadd.s32 s3, s5;
	[dreg:$0x0] =	wrdreg $0x0  }
0xa8: {  	s5 =	sshll.u32 s28, $0x1;
	[dreg:$0x2] =	wrdreg s3  }
0xa9: {  	[dreg:$0x3] =	wrdreg s5  }
0xaa: {  	[dreg:$0x4] =	wrdreg $0xC0  }
0xab: {  	_ =	task [dreg:s7], $0x5FFFF  }
0xac: {  	[dreg:$0x1] =	wrdreg $0xFFFFFFFF  }
0xad: {  	[dreg:$0x0] =	wrdreg $0x60  }
0xae: {  	[dreg:$0x2] =	wrdreg s24  }
0xaf: {  	[dreg:$0x3] =	wrdreg s2  }
0xb0: {  	[dreg:$0x4] =	wrdreg $0x9  }
0xb1: {  	_ =	task.clear_ibuf [dreg:s7], $0x5FFFF;
	_ =	strace $0x90000046  }
0xb2: {  	s29 =	simm.s32 $0x9;
	_ =	strace $0x80000048  }
0xb3: {  	_ =	swait.ge [sflag:s29], $0x1  }
0xb4: {  	[sflag:s29] =	ssyncadd.s32 $0xFFFFFFFF  }
0xb5: {  	_ =	strace $0x90000048  }
0xb6: {  	_ =	sfence  }
0xb7: {  	s30 =	sld [smem:$0x0];
	_ =	sdelay $0x2  }
0xb8: {  	s31 =	sshll.u32 s1, $0xD;
	s1 =	sshrl.u32 s1, $0x2  }
0xb9: {  	s3 =	sand.u32 $0x4000, s31;
	s1 =	sadd.s32 s1, s30  }
0xba: {  	s0 =	sor.u32 s3, s0;
	s1 =	sshll.u32 s1, $0x11  }
0xbb: {  	s0 =	sor.u32 s1, s0  }
0xbc: {  	s0 =	sadd.s32 $0x8F2B, s0  }
0xbd: {  	[sflag:s0] =	ssyncadd.remote.s32 $0x1  }
0xbe: {  	_ =	sfence.sel $0xFFFF  }
0xbf: {  	[dreg:$0x0] =	wrdreg $0xFFFFFFFF;
	(pc) =	sbr.abs _section_cstart, $3  }
0xc0: {  	[dreg:$0x1] =	wrdreg $0xFFFFFFFF  }
0xc1: {  	_ =	task.clear_ibuf [dreg:s7], $0x2FFFF;
	_ =	strace $0x9FFFFFFF  }
0xc2: {  	(tm) =	ssettm $0x7FFFFFFF  }
0xc3: {  	_ =	shalt  }
tec
execute0_lowered:
.L_overlay_start_1:
0x0: {  	(tag) =	ssettag $0x1  }
0x1: {  	s0 =	srdreg.scid  }
0x2: {  	s2 =	stileid.u32;
	s1 =	rddreg [dreg:$0x0]  }
0x3: {  	s9 =	simm.s32 $0x200;
	s10 =	simm.s32 $0x6400;
	s11 =	simm.s32 $0xA400  }
0x4: {  	s12 =	simm.s32 $0x1;
	s13 =	simm.s32 $0xE400;
	s15 =	simm.s32 $0x15740  }
0x5: {  	s16 =	simm.s32 $0x164F8;
	s17 =	simm.s32 $0x162F0;
	s18 =	simm.s32 $0x15AD0  }
0x6: {  	s19 =	simm.s32 $0x16068;
	s20 =	simm.s32 $0x158C8;
	s21 =	simm.s32 $0x16270  }
0x7: {  	s22 =	simm.s32 $0x16478;
	s23 =	simm.s32 $0x156C0;
	s24 =	simm.s32 $0x16578  }
0x8: {  	v0 =	vlaneseq.u32;
	s25 =	simm.s32 $0x3;
	s0 =	sand.u32 $0x1, s0;
	s3 =	sshll.u32 s2, $0x1  }
0x9: {  	s8 =	simm.s32 $0x0;
	s2 =	rddreg [dreg:$0x1];
	v1 =	vmul.u32 $0x208, v0;
	s5 =	sor.u32 s0, s3  }
0xa: {  	v2 =	vor.u32 $0x10, v0;
	s3 =	simm.s32 $0x0;
	s0 =	ssub.s32 $0x2, s0;
	s4 =	smul.u32 $0xC80, s5  }
.Ltmp0:
0xb: {  	[smem:$0x7FF] =	sst s3;
	s7 =	sshrl.u32 s0, $0x1;
	v3 =	vadd.s32 $0x2080, v1;
	v4 =	vor.u32 $0x1, v1;
	v5 =	vadd.s32 $0x2081, v1;
	(pc) =	sbr.rel .LBB2_1-.Ltmp0, $4  }
0xc: {  	s5 =	smul.u32 $0x32, s5;
	v6 =	vor.u32 $0x2, v1;
	v7 =	vadd.s32 $0x2082, v1;
	v8 =	vor.u32 $0x3, v1;
	_ =	strace $0x80000047;
	s0 =	ssub.s32 s0, s7  }
0xd: {  	v9 =	vadd.s32 $0x2083, v1;
	v10 =	vor.u32 $0x4, v1;
	v11 =	vadd.s32 $0x2084, v1;
	s6 =	sadd.s32 s4, s1;
	s4 =	sadd.s32 $0xF42A00, s1;
	s0 =	smax.u32 s0, $0x1  }
0xe: {  	v12 =	vor.u32 $0x5, v1;
	v13 =	vadd.s32 $0x2085, v1;
	v14 =	vor.u32 $0x6, v1;
	s1 =	simm.s32 $0x2;
	s31 =	sadd.s32 $0x600, s6;
	[dreg:$0x4] =	wrdreg s0  }
0xf: {  	v15 =	vadd.s32 $0x2086, v1;
	v16 =	vor.u32 $0x7, v1;
	v17 =	vadd.s32 $0x2087, v1;
	s0 =	simm.s32 $0x4;
	s6 =	simm.s32 $0x12500;
	[dreg:$0x3] =	wrdreg s31  }
.LBB2_12:
0x10: {  	_ =	swait.ge [sflag:s25], $0x400  }
0x11: {  	[sflag:s25] =	ssyncset.done $0x0  }
0x12: {  	[sflag:s25] =	ssyncadd.s32 $0xFFFFFC00  }
0x13: {  	_ =	swait.ge [sflag:s25], $0x400  }
0x14: {  	[sflag:s25] =	ssyncset.done $0x0  }
0x15: {  	[sflag:s25] =	ssyncadd.s32 $0xFFFFFC00  }
0x16: {  	_ =	swait.ge [sflag:s25], $0x400  }
0x17: {  	[sflag:s25] =	ssyncset.done $0x0  }
0x18: {  	[sflag:s25] =	ssyncadd.s32 $0xFFFFFC00  }
0x19: {  	_ =	swait.ge [sflag:s25], $0x400  }
0x1a: {  	[sflag:s25] =	ssyncset.done $0x0  }
0x1b: {  	[sflag:s25] =	ssyncadd.s32 $0xFFFFFC00  }
0x1c: {  	_ =	swait.ge [sflag:s25], $0x400  }
0x1d: {  	[sflag:s25] =	ssyncset.done $0x0  }
0x1e: {  	[sflag:s25] =	ssyncadd.s32 $0xFFFFFC00  }
0x1f: {  	_ =	swait.ge [sflag:s25], $0x400  }
0x20: {  	[sflag:s25] =	ssyncset.done $0x0  }
0x21: {  	[sflag:s25] =	ssyncadd.s32 $0xFFFFFC00  }
0x22: {  	_ =	swait.ge [sflag:s25], $0x400  }
0x23: {  	[sflag:s25] =	ssyncset.done $0x0  }
0x24: {  	[sflag:s25] =	ssyncadd.s32 $0xFFFFFC00  }
0x25: {  	_ =	swait.ge [sflag:s25], $0x400  }
0x26: {  	[sflag:s25] =	ssyncset.done $0x0  }
0x27: {  	[sflag:s25] =	ssyncadd.s32 $0xFFFFFC00  }
0x28: {  	_ =	swait.ge [sflag:s25], $0x400  }
0x29: {  	[sflag:s25] =	ssyncset.done $0x0  }
0x2a: {  	[sflag:s25] =	ssyncadd.s32 $0xFFFFFC00  }
0x2b: {  	_ =	swait.ge [sflag:s25], $0x400  }
0x2c: {  	[sflag:s25] =	ssyncset.done $0x0  }
0x2d: {  	[sflag:s25] =	ssyncadd.s32 $0xFFFFFC00  }
0x2e: {  	_ =	swait.ge [sflag:s25], $0x400  }
0x2f: {  	[sflag:s25] =	ssyncset.done $0x0  }
0x30: {  	[sflag:s25] =	ssyncadd.s32 $0xFFFFFC00  }
0x31: {  	_ =	swait.ge [sflag:s25], $0x400  }
0x32: {  	[sflag:s25] =	ssyncset.done $0x0  }
0x33: {  	[sflag:s25] =	ssyncadd.s32 $0xFFFFFC00  }
0x34: {  	_ =	swait.ge [sflag:s25], $0x400  }
0x35: {  	[sflag:s25] =	ssyncset.done $0x0  }
0x36: {  	[sflag:s25] =	ssyncadd.s32 $0xFFFFFC00  }
0x37: {  	_ =	swait.ge [sflag:s25], $0x400  }
0x38: {  	[sflag:s25] =	ssyncset.done $0x0  }
0x39: {  	[sflag:s25] =	ssyncadd.s32 $0xFFFFFC00  }
0x3a: {  	_ =	swait.ge [sflag:s25], $0x400  }
0x3b: {  	[sflag:s25] =	ssyncset.done $0x0  }
0x3c: {  	[sflag:s25] =	ssyncadd.s32 $0xFFFFFC00  }
0x3d: {  	_ =	swait.ge [sflag:s25], $0x400  }
0x3e: {  	[sflag:s25] =	ssyncset.done $0x0  }
0x3f: {  	[sflag:s25] =	ssyncadd.s32 $0xFFFFFC00  }
0x40: {  	_ =	swait.ge [sflag:s0], $0x400  }
0x41: {  	[sflag:s0] =	ssyncset.done $0x0  }
0x42: {  	[sflag:s0] =	ssyncadd.s32 $0xFFFFFC00  }
0x43: {  	_ =	swait.ge [sflag:s0], $0x400  }
0x44: {  	[sflag:s0] =	ssyncset.done $0x0  }
0x45: {  	[sflag:s0] =	ssyncadd.s32 $0xFFFFFC00  }
0x46: {  	_ =	swait.ge [sflag:s0], $0x400  }
0x47: {  	[sflag:s0] =	ssyncset.done $0x0  }
0x48: {  	[sflag:s0] =	ssyncadd.s32 $0xFFFFFC00  }
0x49: {  	_ =	swait.ge [sflag:s0], $0x400  }
0x4a: {  	[sflag:s0] =	ssyncset.done $0x0  }
0x4b: {  	[sflag:s0] =	ssyncadd.s32 $0xFFFFFC00  }
0x4c: {  	_ =	swait.ge [sflag:s0], $0x400  }
0x4d: {  	[sflag:s0] =	ssyncset.done $0x0  }
0x4e: {  	[sflag:s0] =	ssyncadd.s32 $0xFFFFFC00  }
0x4f: {  	_ =	swait.ge [sflag:s0], $0x400  }
0x50: {  	[sflag:s0] =	ssyncset.done $0x0  }
0x51: {  	[sflag:s0] =	ssyncadd.s32 $0xFFFFFC00  }
0x52: {  	_ =	swait.ge [sflag:s0], $0x400  }
0x53: {  	[sflag:s0] =	ssyncset.done $0x0  }
0x54: {  	[sflag:s0] =	ssyncadd.s32 $0xFFFFFC00  }
0x55: {  	_ =	swait.ge [sflag:s0], $0x400  }
0x56: {  	[sflag:s0] =	ssyncset.done $0x0  }
0x57: {  	[sflag:s0] =	ssyncadd.s32 $0xFFFFFC00  }
0x58: {  	_ =	swait.ge [sflag:s0], $0x400  }
0x59: {  	[sflag:s0] =	ssyncset.done $0x0  }
0x5a: {  	[sflag:s0] =	ssyncadd.s32 $0xFFFFFC00  }
0x5b: {  	_ =	swait.ge [sflag:s0], $0x400  }
0x5c: {  	[sflag:s0] =	ssyncset.done $0x0  }
0x5d: {  	[sflag:s0] =	ssyncadd.s32 $0xFFFFFC00  }
0x5e: {  	_ =	swait.ge [sflag:s0], $0x400  }
0x5f: {  	[sflag:s0] =	ssyncset.done $0x0  }
0x60: {  	[sflag:s0] =	ssyncadd.s32 $0xFFFFFC00  }
0x61: {  	_ =	swait.ge [sflag:s0], $0x400  }
0x62: {  	[sflag:s0] =	ssyncset.done $0x0  }
0x63: {  	[sflag:s0] =	ssyncadd.s32 $0xFFFFFC00  }
0x64: {  	_ =	swait.ge [sflag:s0], $0x400  }
0x65: {  	[sflag:s0] =	ssyncset.done $0x0  }
0x66: {  	[sflag:s0] =	ssyncadd.s32 $0xFFFFFC00  }
0x67: {  	_ =	swait.ge [sflag:s0], $0x400  }
0x68: {  	[sflag:s0] =	ssyncset.done $0x0  }
0x69: {  	[sflag:s0] =	ssyncadd.s32 $0xFFFFFC00  }
0x6a: {  	_ =	swait.ge [sflag:s0], $0x400  }
0x6b: {  	[sflag:s0] =	ssyncset.done $0x0  }
0x6c: {  	[sflag:s0] =	ssyncadd.s32 $0xFFFFFC00  }
0x6d: {  	_ =	swait.ge [sflag:s0], $0x400  }
0x6e: {  	s8 =	rddreg [dreg:$0x5]  }
0x6f: {  	s7 =	rddreg [dreg:$0x4];
	s8 =	sadd.s32 $0x1, s8  }
0x70: {  	p0 =	sne.s32 s8, s7  }
.Ltmp1:
0x71: {  	_ = 	snop;
	(pc) =	sbr.rel @!p0 .LBB2_13-.Ltmp1, $3  }
0x72: {  	_ =	sdelay $0x1  }
0x73: {  	[sflag:s0] =	ssyncset.done $0x0  }
0x74: {  	[sflag:s0] =	ssyncadd.s32 $0xFFFFFC00  }
.LBB2_1:
0x75: {  	[dreg:$0x5] =	wrdreg s8  }
0x76: {  	s7 =	rddreg [dreg:$0x3];
	s31 =	simm.s32 $0x5  }
0x77: {  	[tilespmem:s3], [sflag:$0x5] =	stream.linear.gather [hbm4b:s7+s3], $0x6400, $0x38;
	[tilespmem:$0x16600] =	vst v63  }
0x78: {  	_ =	swait.ge [sflag:s31], $0x6400  }
0x79: {  	[sflag:s31] =	ssyncset.done $0x0  }
0x7a: {  	[sflag:s31] =	ssyncadd.s32 $0xFFFF9C00  }
0x7b: {  	[tilespmem:s10], [sflag:$0x1] =	stream.indirect.gather [hbm4b:s4+s9], $0x20, s3, s9, $0xb8;
	[tilespmem:$0x16600] =	vst v63  }
0x7c: {  	s26 =	simm.s32 $0x0  }
0x7d: {  	[tilespmem:s11], [sflag:$0x2] =	stream.indirect.gather [hbm4b:s4+s9], $0x20, s9, s9, $0xb8;
	[tilespmem:$0x16600] =	vst v63  }
.LBB2_2:
0x7e: {  	_ =	swait.ge [sflag:s12], $0x4000  }
0x7f: {  	p0 =	seq.s32 s26, $0x0;
	[sflag:s12] =	ssyncset.done $0x0  }
0x80: {  	s7 =	simm.s32 @!p0 $0x3;
	[sflag:s12] =	ssyncadd.s32 $0xFFFFC000  }
0x81: {  	_ =	swait.ge @!p0 [sflag:s7], $0x400  }
0x82: {  	[sflag:s7] =	ssyncset.done @!p0 $0x0  }
0x83: {  	[sflag:s7] =	ssyncadd.s32 @!p0 $0xFFFFFC00  }
0x84: {  	_ =	swait.ge @!p0 [sflag:s7], $0x400  }
0x85: {  	[sflag:s7] =	ssyncset.done @!p0 $0x0  }
0x86: {  	[sflag:s7] =	ssyncadd.s32 @!p0 $0xFFFFFC00  }
0x87: {  	_ =	swait.ge @!p0 [sflag:s7], $0x400  }
0x88: {  	[sflag:s7] =	ssyncset.done @!p0 $0x0  }
0x89: {  	[sflag:s7] =	ssyncadd.s32 @!p0 $0xFFFFFC00  }
0x8a: {  	_ =	swait.ge @!p0 [sflag:s7], $0x400  }
0x8b: {  	[sflag:s7] =	ssyncset.done @!p0 $0x0  }
0x8c: {  	[sflag:s7] =	ssyncadd.s32 @!p0 $0xFFFFFC00  }
0x8d: {  	_ =	swait.ge @!p0 [sflag:s7], $0x400  }
0x8e: {  	[sflag:s7] =	ssyncset.done @!p0 $0x0  }
0x8f: {  	[sflag:s7] =	ssyncadd.s32 @!p0 $0xFFFFFC00  }
0x90: {  	_ =	swait.ge @!p0 [sflag:s7], $0x400  }
0x91: {  	[sflag:s7] =	ssyncset.done @!p0 $0x0  }
0x92: {  	[sflag:s7] =	ssyncadd.s32 @!p0 $0xFFFFFC00  }
0x93: {  	_ =	swait.ge @!p0 [sflag:s7], $0x400  }
0x94: {  	[sflag:s7] =	ssyncset.done @!p0 $0x0  }
0x95: {  	[sflag:s7] =	ssyncadd.s32 @!p0 $0xFFFFFC00  }
0x96: {  	_ =	swait.ge @!p0 [sflag:s7], $0x400  }
0x97: {  	[sflag:s7] =	ssyncset.done @!p0 $0x0  }
0x98: {  	[sflag:s7] =	ssyncadd.s32 @!p0 $0xFFFFFC00  }
0x99: {  	_ =	swait.ge @!p0 [sflag:s7], $0x400  }
0x9a: {  	[sflag:s7] =	ssyncset.done @!p0 $0x0  }
0x9b: {  	[sflag:s7] =	ssyncadd.s32 @!p0 $0xFFFFFC00  }
0x9c: {  	_ =	swait.ge @!p0 [sflag:s7], $0x400  }
0x9d: {  	[sflag:s7] =	ssyncset.done @!p0 $0x0  }
0x9e: {  	[sflag:s7] =	ssyncadd.s32 @!p0 $0xFFFFFC00  }
0x9f: {  	_ =	swait.ge @!p0 [sflag:s7], $0x400  }
0xa0: {  	[sflag:s7] =	ssyncset.done @!p0 $0x0  }
0xa1: {  	[sflag:s7] =	ssyncadd.s32 @!p0 $0xFFFFFC00  }
0xa2: {  	_ =	swait.ge @!p0 [sflag:s7], $0x400  }
0xa3: {  	[sflag:s7] =	ssyncset.done @!p0 $0x0  }
0xa4: {  	[sflag:s7] =	ssyncadd.s32 @!p0 $0xFFFFFC00  }
0xa5: {  	_ =	swait.ge @!p0 [sflag:s7], $0x400  }
0xa6: {  	[sflag:s7] =	ssyncset.done @!p0 $0x0  }
0xa7: {  	[sflag:s7] =	ssyncadd.s32 @!p0 $0xFFFFFC00  }
0xa8: {  	_ =	swait.ge @!p0 [sflag:s7], $0x400  }
0xa9: {  	s8 =	simm.s32 $0x0;
	[sflag:s7] =	ssyncset.done @!p0 $0x0  }
0xaa: {  	v18 =	vmov s8;
	[sflag:s7] =	ssyncadd.s32 @!p0 $0xFFFFFC00  }
0xab: {  	v18 =	vshll.u32 v18, $0x5;
	_ =	swait.ge @!p0 [sflag:s7], $0x400  }
0xac: {  	v19 =	vor.u32 v0, v18;
	[sflag:s7] =	ssyncset.done @!p0 $0x0  }
0xad: {  	v18 =	vor.u32 v2, v18;
	[sflag:s7] =	ssyncadd.s32 @!p0 $0xFFFFFC00  }
0xae: {  	_ =	swait.ge @!p0 [sflag:s7], $0x400  }
0xaf: {  	[sflag:s7] =	ssyncset.done @!p0 $0x0  }
0xb0: {  	s14 =	simm.s32 $0x1;
	[sflag:s7] =	ssyncadd.s32 @!p0 $0xFFFFFC00  }
0xb1: {  	v20 =	vadd.s32 s8, v1;
	v21 =	vmov s14;
	v19 =	vld.idx.msk [tilespmem:v19+s10+$0x0], $0xffff  }
0xb2: {  	v22 =	vadd.s32 s8, v3;
	v23 =	vshll.u32 v21, $0x5;
	v18 =	vld.idx.msk [tilespmem:v18+s10+$0x0], $0xffff  }
0xb3: {  	v24 =	vor.u32 v0, v23  }
0xb4: {  	v23 =	vor.u32 v2, v23;
	_ =	sdelay $0x1  }
0xb5: {  	[tilespmem:v20+s13+$0x0] =	vst.idx.msk $0xffff, v19  }
0xb6: {  	s31 =	simm.s32 $0x2;
	v19 =	vand.u32 $0x1F0, v21;
	[tilespmem:v22+s13+$0x0] =	vst.idx.msk $0xffff, v18  }
0xb7: {  	v21 =	vmov s31;
	v20 =	vadd.s32 v4, v19;
	v18 =	vld.idx.msk [tilespmem:v24+s10+$0x0], $0xffff  }
0xb8: {  	v19 =	vadd.s32 v5, v19;
	v22 =	vld.idx.msk [tilespmem:v23+s10+$0x0], $0xffff;
	v23 =	vshll.u32 v21, $0x5  }
0xb9: {  	v51 =	vor.u32 v0, v23  }
0xba: {  	v23 =	vor.u32 v2, v23;
	_ =	sdelay $0x1  }
0xbb: {  	[tilespmem:v20+s13+$0x0] =	vst.idx.msk $0xffff, v18  }
0xbc: {  	s8 =	simm.s32 $0x3;
	v18 =	vand.u32 $0x1F0, v21;
	[tilespmem:v19+s13+$0x0] =	vst.idx.msk $0xffff, v22  }
0xbd: {  	v21 =	vmov s8;
	v20 =	vadd.s32 v6, v18;
	v19 =	vld.idx.msk [tilespmem:v51+s10+$0x0], $0xffff  }
0xbe: {  	v18 =	vadd.s32 v7, v18;
	v22 =	vld.idx.msk [tilespmem:v23+s10+$0x0], $0xffff;
	v23 =	vshll.u32 v21, $0x5  }
0xbf: {  	v52 =	vor.u32 v0, v23  }
0xc0: {  	v23 =	vor.u32 v2, v23;
	_ =	sdelay $0x1  }
0xc1: {  	[tilespmem:v20+s13+$0x0] =	vst.idx.msk $0xffff, v19  }
0xc2: {  	s14 =	simm.s32 $0x4;
	v19 =	vand.u32 $0x1F0, v21;
	[tilespmem:v18+s13+$0x0] =	vst.idx.msk $0xffff, v22  }
0xc3: {  	v21 =	vmov s14;
	v20 =	vadd.s32 v8, v19;
	v18 =	vld.idx.msk [tilespmem:v52+s10+$0x0], $0xffff  }
0xc4: {  	v19 =	vadd.s32 v9, v19;
	v22 =	vld.idx.msk [tilespmem:v23+s10+$0x0], $0xffff;
	v23 =	vshll.u32 v21, $0x5  }
0xc5: {  	v53 =	vor.u32 v0, v23  }
0xc6: {  	v23 =	vor.u32 v2, v23;
	_ =	sdelay $0x1  }
0xc7: {  	[tilespmem:v20+s13+$0x0] =	vst.idx.msk $0xffff, v18  }
0xc8: {  	s31 =	simm.s32 $0x5;
	v18 =	vand.u32 $0x1F0, v21;
	[tilespmem:v19+s13+$0x0] =	vst.idx.msk $0xffff, v22  }
0xc9: {  	v21 =	vmov s31;
	v20 =	vadd.s32 v10, v18;
	v19 =	vld.idx.msk [tilespmem:v53+s10+$0x0], $0xffff  }
0xca: {  	v18 =	vadd.s32 v11, v18;
	v22 =	vld.idx.msk [tilespmem:v23+s10+$0x0], $0xffff;
	v23 =	vshll.u32 v21, $0x5  }
0xcb: {  	v54 =	vor.u32 v0, v23  }
0xcc: {  	v23 =	vor.u32 v2, v23;
	_ =	sdelay $0x1  }
0xcd: {  	[tilespmem:v20+s13+$0x0] =	vst.idx.msk $0xffff, v19  }
0xce: {  	s8 =	simm.s32 $0x6;
	v19 =	vand.u32 $0x1F0, v21;
	[tilespmem:v18+s13+$0x0] =	vst.idx.msk $0xffff, v22  }
0xcf: {  	v21 =	vmov s8;
	v20 =	vadd.s32 v12, v19;
	v18 =	vld.idx.msk [tilespmem:v54+s10+$0x0], $0xffff  }
0xd0: {  	v19 =	vadd.s32 v13, v19;
	v22 =	vld.idx.msk [tilespmem:v23+s10+$0x0], $0xffff;
	v23 =	vshll.u32 v21, $0x5  }
0xd1: {  	v55 =	vor.u32 v0, v23  }
0xd2: {  	v23 =	vor.u32 v2, v23;
	_ =	sdelay $0x1  }
0xd3: {  	[tilespmem:v20+s13+$0x0] =	vst.idx.msk $0xffff, v18  }
0xd4: {  	s14 =	simm.s32 $0x7;
	v18 =	vand.u32 $0x1F0, v21;
	[tilespmem:v19+s13+$0x0] =	vst.idx.msk $0xffff, v22  }
0xd5: {  	v21 =	vmov s14;
	v20 =	vadd.s32 v14, v18;
	v19 =	vld.idx.msk [tilespmem:v55+s10+$0x0], $0xffff  }
0xd6: {  	v18 =	vadd.s32 v15, v18;
	v22 =	vld.idx.msk [tilespmem:v23+s10+$0x0], $0xffff;
	v23 =	vshll.u32 v21, $0x5  }
0xd7: {  	v56 =	vor.u32 v0, v23  }
0xd8: {  	v23 =	vor.u32 v2, v23;
	_ =	sdelay $0x1  }
0xd9: {  	[tilespmem:v20+s13+$0x0] =	vst.idx.msk $0xffff, v19  }
0xda: {  	s31 =	simm.s32 $0x8;
	v19 =	vand.u32 $0x1F0, v21;
	[tilespmem:v18+s13+$0x0] =	vst.idx.msk $0xffff, v22  }
0xdb: {  	v21 =	vmov s31;
	v20 =	vadd.s32 v16, v19;
	v18 =	vld.idx.msk [tilespmem:v56+s10+$0x0], $0xffff  }
0xdc: {  	v19 =	vadd.s32 v17, v19;
	v21 =	vshll.u32 v21, $0x5;
	v22 =	vld.idx.msk [tilespmem:v23+s10+$0x0], $0xffff  }
0xdd: {  	v23 =	vor.u32 v0, v21  }
0xde: {  	v21 =	vor.u32 v2, v21;
	_ =	sdelay $0x1  }
0xdf: {  	[tilespmem:v20+s13+$0x0] =	vst.idx.msk $0xffff, v18  }
0xe0: {  	s14 =	simm.s32 $0x9;
	[tilespmem:v19+s13+$0x0] =	vst.idx.msk $0xffff, v22  }
0xe1: {  	v20 =	vmov s14;
	v19 =	vadd.s32 s31, v1;
	v18 =	vld.idx.msk [tilespmem:v23+s10+$0x0], $0xffff  }
0xe2: {  	v22 =	vadd.s32 s31, v3;
	v21 =	vld.idx.msk [tilespmem:v21+s10+$0x0], $0xffff;
	v23 =	vshll.u32 v20, $0x5  }
0xe3: {  	v57 =	vor.u32 v0, v23  }
0xe4: {  	v23 =	vor.u32 v2, v23;
	_ =	sdelay $0x1  }
0xe5: {  	[tilespmem:v19+s13+$0x0] =	vst.idx.msk $0xffff, v18  }
0xe6: {  	s31 =	simm.s32 $0xA;
	v18 =	vand.u32 $0x1F8, v20;
	[tilespmem:v22+s13+$0x0] =	vst.idx.msk $0xffff, v21  }
0xe7: {  	v20 =	vadd.s32 v4, v18;
	v21 =	vmov s31;
	v19 =	vld.idx.msk [tilespmem:v57+s10+$0x0], $0xffff  }
0xe8: {  	v18 =	vadd.s32 v5, v18;
	v22 =	vld.idx.msk [tilespmem:v23+s10+$0x0], $0xffff;
	v23 =	vshll.u32 v21, $0x5  }
0xe9: {  	v58 =	vor.u32 v0, v23  }
0xea: {  	v23 =	vor.u32 v2, v23;
	_ =	sdelay $0x1  }
0xeb: {  	[tilespmem:v20+s13+$0x0] =	vst.idx.msk $0xffff, v19  }
0xec: {  	s8 =	simm.s32 $0xB;
	v19 =	vand.u32 $0x1F8, v21;
	[tilespmem:v18+s13+$0x0] =	vst.idx.msk $0xffff, v22  }
0xed: {  	v21 =	vmov s8;
	v20 =	vadd.s32 v6, v19;
	v18 =	vld.idx.msk [tilespmem:v58+s10+$0x0], $0xffff  }
0xee: {  	v19 =	vadd.s32 v7, v19;
	v22 =	vld.idx.msk [tilespmem:v23+s10+$0x0], $0xffff;
	v23 =	vshll.u32 v21, $0x5  }
0xef: {  	v59 =	vor.u32 v0, v23  }
0xf0: {  	v23 =	vor.u32 v2, v23;
	_ =	sdelay $0x1  }
0xf1: {  	[tilespmem:v20+s13+$0x0] =	vst.idx.msk $0xffff, v18  }
0xf2: {  	s14 =	simm.s32 $0xC;
	v18 =	vand.u32 $0x1F8, v21;
	[tilespmem:v19+s13+$0x0] =	vst.idx.msk $0xffff, v22  }
0xf3: {  	v21 =	vmov s14;
	v20 =	vadd.s32 v8, v18;
	v19 =	vld.idx.msk [tilespmem:v59+s10+$0x0], $0xffff  }
0xf4: {  	v18 =	vadd.s32 v9, v18;
	v22 =	vld.idx.msk [tilespmem:v23+s10+$0x0], $0xffff;
	v23 =	vshll.u32 v21, $0x5  }
0xf5: {  	v60 =	vor.u32 v0, v23  }
0xf6: {  	v23 =	vor.u32 v2, v23;
	_ =	sdelay $0x1  }
0xf7: {  	[tilespmem:v20+s13+$0x0] =	vst.idx.msk $0xffff, v19  }
0xf8: {  	s31 =	simm.s32 $0xD;
	v19 =	vand.u32 $0x1F8, v21;
	[tilespmem:v18+s13+$0x0] =	vst.idx.msk $0xffff, v22  }
0xf9: {  	v21 =	vmov s31;
	v20 =	vadd.s32 v10, v19;
	v18 =	vld.idx.msk [tilespmem:v60+s10+$0x0], $0xffff  }
0xfa: {  	v19 =	vadd.s32 v11, v19;
	v22 =	vld.idx.msk [tilespmem:v23+s10+$0x0], $0xffff;
	v23 =	vshll.u32 v21, $0x5  }
0xfb: {  	v61 =	vor.u32 v0, v23  }
0xfc: {  	v23 =	vor.u32 v2, v23;
	_ =	sdelay $0x1  }
0xfd: {  	[tilespmem:v20+s13+$0x0] =	vst.idx.msk $0xffff, v18  }
0xfe: {  	s8 =	simm.s32 $0xE;
	v18 =	vand.u32 $0x1F8, v21;
	[tilespmem:v19+s13+$0x0] =	vst.idx.msk $0xffff, v22  }
0xff: {  	v21 =	vmov s8;
	v20 =	vadd.s32 v12, v18;
	v19 =	vld.idx.msk [tilespmem:v61+s10+$0x0], $0xffff  }
0x100: {  	v18 =	vadd.s32 v13, v18;
	v22 =	vld.idx.msk [tilespmem:v23+s10+$0x0], $0xffff;
	v23 =	vshll.u32 v21, $0x5  }
0x101: {  	v62 =	vor.u32 v0, v23;
	_ =	sdelay $0x2  }
0x102: {  	v23 =	vor.u32 v2, v23;
	[tilespmem:v20+s13+$0x0] =	vst.idx.msk $0xffff, v19  }
0x103: {  	v19 =	vand.u32 $0x1F8, v21;
	[tilespmem:v18+s13+$0x0] =	vst.idx.msk $0xffff, v22  }
0x104: {  	v20 =	vadd.s32 v14, v19;
	v18 =	vld.idx.msk [tilespmem:v62+s10+$0x0], $0xffff  }
0x105: {  	s14 =	simm.s32 $0xF  }
0x106: {  	v21 =	vmov s14  }
0x107: {  	v19 =	vadd.s32 v15, v19;
	v22 =	vld.idx.msk [tilespmem:v23+s10+$0x0], $0xffff;
	v23 =	vshll.u32 v21, $0x5  }
0x108: {  	v63 =	vor.u32 v0, v23  }
0x109: {  	[tilespmem:v20+s13+$0x0] =	vst.idx.msk $0xffff, v18;
	v18 =	vor.u32 v2, v23;
	_ =	sdelay $0x2  }
0x10a: {  	s7 =	simm.s32 $0x10;
	v20 =	vand.u32 $0x1F8, v21;
	[tilespmem:v19+s13+$0x0] =	vst.idx.msk $0xffff, v22  }
0x10b: {  	v23 =	vadd.s32 v16, v20;
	v19 =	vmov s7;
	v22 =	vld.idx.msk [tilespmem:v63+s10+$0x0], $0xffff  }
0x10c: {  	v20 =	vadd.s32 v17, v20;
	v19 =	vshll.u32 v19, $0x5;
	v18 =	vld.idx.msk [tilespmem:v18+s10+$0x0], $0xffff  }
0x10d: {  	v21 =	vor.u32 v0, v19  }
0x10e: {  	v19 =	vor.u32 v2, v19  }
0x10f: {  	s31 =	sshll.u32 s26, $0x1  }
0x110: {  	s29 =	simm.s32 $0x1F;
	s30 =	simm.s32 $0x2F;
	s28 =	sadd.s32 s5, s31;
	[tilespmem:v23+s13+$0x0] =	vst.idx.msk $0xffff, v22  }
.LBB2_3:
0x111: {  	p1 =	sne.s32 s30, $0x1FF;
	[tilespmem:v20+s13+$0x0] =	vst.idx.msk $0xffff, v18;
	s31 =	smov.u32 s30;
	s30 =	sadd.s32 $0x10, s30  }
0x112: {  	s8 =	sadd.s32 $0xFFFFFFF2, s29;
	v18 =	vld.idx.msk [tilespmem:v21+s10+$0x0], $0xffff  }
0x113: {  	v20 =	vadd.s32 s7, v1;
	v21 =	vmov s8;
	v19 =	vld.idx.msk [tilespmem:v19+s10+$0x0], $0xffff  }
0x114: {  	v22 =	vadd.s32 s7, v3;
	v23 =	vshll.u32 v21, $0x5;
	v21 =	vand.u32 $0x1F0, v21  }
0x115: {  	v24 =	vor.u32 v0, v23  }
0x116: {  	v23 =	vor.u32 v2, v23;
	_ =	sdelay $0x1  }
0x117: {  	[tilespmem:v20+s13+$0x0] =	vst.idx.msk $0xffff, v18  }
0x118: {  	[tilespmem:v22+s13+$0x0] =	vst.idx.msk $0xffff, v19  }
0x119: {  	s7 =	sadd.s32 $0xFFFFFFF3, s29;
	v18 =	vld.idx.msk [tilespmem:v24+s10+$0x0], $0xffff  }
0x11a: {  	v20 =	vadd.s32 v4, v21;
	v22 =	vmov s7;
	v19 =	vld.idx.msk [tilespmem:v23+s10+$0x0], $0xffff  }
0x11b: {  	v21 =	vadd.s32 v5, v21;
	v23 =	vshll.u32 v22, $0x5;
	v22 =	vand.u32 $0x1F0, v22  }
0x11c: {  	v24 =	vor.u32 v0, v23  }
0x11d: {  	v23 =	vor.u32 v2, v23;
	_ =	sdelay $0x1  }
0x11e: {  	[tilespmem:v20+s13+$0x0] =	vst.idx.msk $0xffff, v18  }
0x11f: {  	[tilespmem:v21+s13+$0x0] =	vst.idx.msk $0xffff, v19  }
0x120: {  	s7 =	sadd.s32 $0xFFFFFFF4, s29;
	v18 =	vld.idx.msk [tilespmem:v24+s10+$0x0], $0xffff  }
0x121: {  	v20 =	vadd.s32 v6, v22;
	v21 =	vmov s7;
	v19 =	vld.idx.msk [tilespmem:v23+s10+$0x0], $0xffff  }
0x122: {  	v22 =	vadd.s32 v7, v22;
	v23 =	vshll.u32 v21, $0x5;
	v21 =	vand.u32 $0x1F0, v21  }
0x123: {  	v24 =	vor.u32 v0, v23  }
0x124: {  	v23 =	vor.u32 v2, v23;
	_ =	sdelay $0x1  }
0x125: {  	[tilespmem:v20+s13+$0x0] =	vst.idx.msk $0xffff, v18  }
0x126: {  	[tilespmem:v22+s13+$0x0] =	vst.idx.msk $0xffff, v19  }
0x127: {  	s7 =	sadd.s32 $0xFFFFFFF5, s29;
	v18 =	vld.idx.msk [tilespmem:v24+s10+$0x0], $0xffff  }
0x128: {  	v20 =	vadd.s32 v8, v21;
	v22 =	vmov s7;
	v19 =	vld.idx.msk [tilespmem:v23+s10+$0x0], $0xffff  }
0x129: {  	v21 =	vadd.s32 v9, v21;
	v23 =	vshll.u32 v22, $0x5;
	v22 =	vand.u32 $0x1F0, v22  }
0x12a: {  	v24 =	vor.u32 v0, v23  }
0x12b: {  	v23 =	vor.u32 v2, v23;
	_ =	sdelay $0x1  }
0x12c: {  	[tilespmem:v20+s13+$0x0] =	vst.idx.msk $0xffff, v18  }
0x12d: {  	[tilespmem:v21+s13+$0x0] =	vst.idx.msk $0xffff, v19  }
0x12e: {  	s7 =	sadd.s32 $0xFFFFFFF6, s29;
	v18 =	vld.idx.msk [tilespmem:v24+s10+$0x0], $0xffff  }
0x12f: {  	v20 =	vadd.s32 v10, v22;
	v21 =	vmov s7;
	v19 =	vld.idx.msk [tilespmem:v23+s10+$0x0], $0xffff  }
0x130: {  	v22 =	vadd.s32 v11, v22;
	v23 =	vshll.u32 v21, $0x5;
	v21 =	vand.u32 $0x1F0, v21  }
0x131: {  	v24 =	vor.u32 v0, v23  }
0x132: {  	v23 =	vor.u32 v2, v23;
	_ =	sdelay $0x1  }
0x133: {  	[tilespmem:v20+s13+$0x0] =	vst.idx.msk $0xffff, v18  }
0x134: {  	[tilespmem:v22+s13+$0x0] =	vst.idx.msk $0xffff, v19  }
0x135: {  	s7 =	sadd.s32 $0xFFFFFFF7, s29;
	v18 =	vld.idx.msk [tilespmem:v24+s10+$0x0], $0xffff  }
0x136: {  	v20 =	vadd.s32 v12, v21;
	v22 =	vmov s7;
	v19 =	vld.idx.msk [tilespmem:v23+s10+$0x0], $0xffff  }
0x137: {  	v21 =	vadd.s32 v13, v21;
	v23 =	vshll.u32 v22, $0x5;
	v22 =	vand.u32 $0x1F0, v22  }
0x138: {  	v24 =	vor.u32 v0, v23  }
0x139: {  	v23 =	vor.u32 v2, v23;
	_ =	sdelay $0x1  }
0x13a: {  	[tilespmem:v20+s13+$0x0] =	vst.idx.msk $0xffff, v18  }
0x13b: {  	[tilespmem:v21+s13+$0x0] =	vst.idx.msk $0xffff, v19  }
0x13c: {  	s7 =	sadd.s32 $0xFFFFFFF8, s29;
	v18 =	vld.idx.msk [tilespmem:v24+s10+$0x0], $0xffff  }
0x13d: {  	v20 =	vadd.s32 v14, v22;
	v21 =	vmov s7;
	v19 =	vld.idx.msk [tilespmem:v23+s10+$0x0], $0xffff  }
0x13e: {  	v22 =	vadd.s32 v15, v22;
	v23 =	vshll.u32 v21, $0x5;
	v21 =	vand.u32 $0x1F0, v21  }
0x13f: {  	v24 =	vor.u32 v0, v23  }
0x140: {  	v23 =	vor.u32 v2, v23;
	_ =	sdelay $0x1  }
0x141: {  	[tilespmem:v20+s13+$0x0] =	vst.idx.msk $0xffff, v18  }
0x142: {  	[tilespmem:v22+s13+$0x0] =	vst.idx.msk $0xffff, v19  }
0x143: {  	s7 =	sadd.s32 $0xFFFFFFF9, s29;
	v18 =	vld.idx.msk [tilespmem:v24+s10+$0x0], $0xffff  }
0x144: {  	v20 =	vadd.s32 v16, v21;
	v22 =	vmov s7;
	v19 =	vld.idx.msk [tilespmem:v23+s10+$0x0], $0xffff  }
0x145: {  	v21 =	vadd.s32 v17, v21;
	v22 =	vshll.u32 v22, $0x5  }
0x146: {  	v23 =	vor.u32 v0, v22  }
0x147: {  	v22 =	vor.u32 v2, v22;
	_ =	sdelay $0x1  }
0x148: {  	[tilespmem:v20+s13+$0x0] =	vst.idx.msk $0xffff, v18  }
0x149: {  	[tilespmem:v21+s13+$0x0] =	vst.idx.msk $0xffff, v19  }
0x14a: {  	s8 =	sadd.s32 $0xFFFFFFFA, s29;
	v18 =	vld.idx.msk [tilespmem:v23+s10+$0x0], $0xffff  }
0x14b: {  	v20 =	vadd.s32 s7, v1;
	v21 =	vmov s8;
	v19 =	vld.idx.msk [tilespmem:v22+s10+$0x0], $0xffff  }
0x14c: {  	v23 =	vshll.u32 v21, $0x5;
	v22 =	vadd.s32 s7, v3  }
0x14d: {  	v24 =	vor.u32 v0, v23  }
0x14e: {  	v23 =	vor.u32 v2, v23;
	_ =	sdelay $0x1  }
0x14f: {  	[tilespmem:v20+s13+$0x0] =	vst.idx.msk $0xffff, v18  }
0x150: {  	[tilespmem:v22+s13+$0x0] =	vst.idx.msk $0xffff, v19  }
0x151: {  	s7 =	sadd.s32 $0xFFFFFFFB, s29;
	v19 =	vand.u32 $0x1F8, v21;
	v18 =	vld.idx.msk [tilespmem:v24+s10+$0x0], $0xffff  }
0x152: {  	v22 =	vmov s7;
	v21 =	vadd.s32 v4, v19;
	v20 =	vld.idx.msk [tilespmem:v23+s10+$0x0], $0xffff  }
0x153: {  	v19 =	vadd.s32 v5, v19;
	v23 =	vshll.u32 v22, $0x5;
	v22 =	vand.u32 $0x1F8, v22  }
0x154: {  	v24 =	vor.u32 v0, v23  }
0x155: {  	v23 =	vor.u32 v2, v23;
	_ =	sdelay $0x1  }
0x156: {  	[tilespmem:v21+s13+$0x0] =	vst.idx.msk $0xffff, v18  }
0x157: {  	[tilespmem:v19+s13+$0x0] =	vst.idx.msk $0xffff, v20  }
0x158: {  	s7 =	sadd.s32 $0xFFFFFFFC, s29;
	v18 =	vld.idx.msk [tilespmem:v24+s10+$0x0], $0xffff  }
0x159: {  	v21 =	vmov s7;
	v20 =	vadd.s32 v6, v22;
	v19 =	vld.idx.msk [tilespmem:v23+s10+$0x0], $0xffff  }
0x15a: {  	v22 =	vadd.s32 v7, v22;
	v23 =	vshll.u32 v21, $0x5;
	v21 =	vand.u32 $0x1F8, v21  }
0x15b: {  	v24 =	vor.u32 v0, v23  }
0x15c: {  	v23 =	vor.u32 v2, v23;
	_ =	sdelay $0x1  }
0x15d: {  	[tilespmem:v20+s13+$0x0] =	vst.idx.msk $0xffff, v18  }
0x15e: {  	[tilespmem:v22+s13+$0x0] =	vst.idx.msk $0xffff, v19  }
0x15f: {  	s7 =	sadd.s32 $0xFFFFFFFD, s29;
	v18 =	vld.idx.msk [tilespmem:v24+s10+$0x0], $0xffff  }
0x160: {  	v20 =	vadd.s32 v8, v21;
	v22 =	vmov s7;
	v19 =	vld.idx.msk [tilespmem:v23+s10+$0x0], $0xffff  }
0x161: {  	v21 =	vadd.s32 v9, v21;
	v23 =	vshll.u32 v22, $0x5;
	v22 =	vand.u32 $0x1F8, v22  }
0x162: {  	v24 =	vor.u32 v0, v23  }
0x163: {  	v23 =	vor.u32 v2, v23;
	_ =	sdelay $0x1  }
0x164: {  	[tilespmem:v20+s13+$0x0] =	vst.idx.msk $0xffff, v18  }
0x165: {  	[tilespmem:v21+s13+$0x0] =	vst.idx.msk $0xffff, v19  }
0x166: {  	s7 =	sadd.s32 $0xFFFFFFFE, s29;
	v18 =	vld.idx.msk [tilespmem:v24+s10+$0x0], $0xffff  }
0x167: {  	v20 =	vadd.s32 v10, v22;
	v21 =	vmov s7;
	v19 =	vld.idx.msk [tilespmem:v23+s10+$0x0], $0xffff  }
0x168: {  	v22 =	vadd.s32 v11, v22;
	v23 =	vshll.u32 v21, $0x5;
	v21 =	vand.u32 $0x1F8, v21  }
0x169: {  	v24 =	vor.u32 v0, v23  }
0x16a: {  	v23 =	vor.u32 v2, v23;
	_ =	sdelay $0x1  }
0x16b: {  	[tilespmem:v20+s13+$0x0] =	vst.idx.msk $0xffff, v18  }
0x16c: {  	[tilespmem:v22+s13+$0x0] =	vst.idx.msk $0xffff, v19  }
0x16d: {  	s7 =	sadd.s32 $0xFFFFFFFF, s29;
	v18 =	vld.idx.msk [tilespmem:v24+s10+$0x0], $0xffff  }
0x16e: {  	v20 =	vadd.s32 v12, v21;
	v22 =	vmov s7;
	v19 =	vld.idx.msk [tilespmem:v23+s10+$0x0], $0xffff  }
0x16f: {  	v21 =	vadd.s32 v13, v21;
	v23 =	vshll.u32 v22, $0x5;
	v22 =	vand.u32 $0x1F8, v22  }
0x170: {  	v24 =	vor.u32 v0, v23  }
0x171: {  	v23 =	vor.u32 v2, v23;
	_ =	sdelay $0x1  }
0x172: {  	[tilespmem:v20+s13+$0x0] =	vst.idx.msk $0xffff, v18  }
0x173: {  	[tilespmem:v21+s13+$0x0] =	vst.idx.msk $0xffff, v19  }
0x174: {  	v18 =	vld.idx.msk [tilespmem:v24+s10+$0x0], $0xffff  }
0x175: {  	v20 =	vadd.s32 v14, v22;
	v21 =	vmov s29;
	s29 =	smov.u32 s31;
	v19 =	vld.idx.msk [tilespmem:v23+s10+$0x0], $0xffff  }
0x176: {  	v22 =	vadd.s32 v15, v22;
	v23 =	vshll.u32 v21, $0x5;
	v21 =	vand.u32 $0x1F8, v21  }
0x177: {  	v24 =	vor.u32 v0, v23  }
0x178: {  	v23 =	vor.u32 v2, v23;
	_ =	sdelay $0x1  }
0x179: {  	[tilespmem:v20+s13+$0x0] =	vst.idx.msk $0xffff, v18  }
0x17a: {  	[tilespmem:v22+s13+$0x0] =	vst.idx.msk $0xffff, v19  }
0x17b: {  	s7 =	sadd.s32 $0xFFFFFFF1, s29;
	v22 =	vld.idx.msk [tilespmem:v24+s10+$0x0], $0xffff  }
0x17c: {  	v19 =	vmov s7;
	v18 =	vld.idx.msk [tilespmem:v23+s10+$0x0], $0xffff;
	v23 =	vadd.s32 v16, v21  }
.Ltmp2:
0x17d: {  	v20 =	vadd.s32 v17, v21;
	v19 =	vshll.u32 v19, $0x5;
	(pc) =	sbr.rel @p1 .LBB2_3-.Ltmp2, $2  }
0x17e: {  	v21 =	vor.u32 v0, v19;
	v19 =	vor.u32 v2, v19;
	_ =	sdelay $0x2  }
0x17f: {  	[tilespmem:v23+s13+$0x0] =	vst.idx.msk $0xffff, v22  }
0x180: {  	_ =	sdelay $0x3  }
0x181: {  	[tilespmem:v20+s13+$0x0] =	vst.idx.msk $0xffff, v18;
	s8 =	sadd.s32 $0xFFFFFFF2, s29  }
0x182: {  	v42 =	vadd.s32 s7, v1;
	v18 =	vld.idx.msk [tilespmem:v21+s10+$0x0], $0xffff;
	v43 =	vmov s8  }
0x183: {  	v22 =	vadd.s32 s7, v3;
	v19 =	vld.idx.msk [tilespmem:v19+s10+$0x0], $0xffff;
	v23 =	vshll.u32 v43, $0x5  }
0x184: {  	v24 =	vor.u32 v0, v23  }
0x185: {  	v23 =	vor.u32 v2, v23;
	_ =	sdelay $0x1  }
0x186: {  	[tilespmem:v42+s13+$0x0] =	vst.idx.msk $0xffff, v18  }
0x187: {  	s8 =	sadd.s32 $0xFFFFFFF3, s29;
	v18 =	vand.u32 $0x1F0, v43;
	[tilespmem:v22+s13+$0x0] =	vst.idx.msk $0xffff, v19  }
0x188: {  	v45 =	vmov s8;
	v44 =	vadd.s32 v4, v18;
	v19 =	vld.idx.msk [tilespmem:v24+s10+$0x0], $0xffff  }
0x189: {  	v46 =	vshll.u32 v45, $0x5;
	v18 =	vadd.s32 v5, v18;
	v22 =	vld.idx.msk [tilespmem:v23+s10+$0x0], $0xffff  }
0x18a: {  	v47 =	vor.u32 v0, v46  }
0x18b: {  	v23 =	vor.u32 v2, v46;
	_ =	sdelay $0x1  }
0x18c: {  	[tilespmem:v44+s13+$0x0] =	vst.idx.msk $0xffff, v19  }
0x18d: {  	s14 =	sadd.s32 $0xFFFFFFF4, s29;
	v19 =	vand.u32 $0x1F0, v45;
	[tilespmem:v18+s13+$0x0] =	vst.idx.msk $0xffff, v22  }
0x18e: {  	v49 =	vmov s14;
	v48 =	vadd.s32 v6, v19;
	v18 =	vld.idx.msk [tilespmem:v47+s10+$0x0], $0xffff  }
0x18f: {  	v50 =	vshll.u32 v49, $0x5;
	v19 =	vadd.s32 v7, v19;
	v22 =	vld.idx.msk [tilespmem:v23+s10+$0x0], $0xffff  }
0x190: {  	v51 =	vor.u32 v0, v50  }
0x191: {  	v23 =	vor.u32 v2, v50;
	_ =	sdelay $0x1  }
0x192: {  	[tilespmem:v48+s13+$0x0] =	vst.idx.msk $0xffff, v18  }
0x193: {  	s30 =	sadd.s32 $0xFFFFFFF5, s29;
	v18 =	vand.u32 $0x1F0, v49;
	[tilespmem:v19+s13+$0x0] =	vst.idx.msk $0xffff, v22  }
0x194: {  	v53 =	vmov s30;
	v52 =	vadd.s32 v8, v18;
	v19 =	vld.idx.msk [tilespmem:v51+s10+$0x0], $0xffff  }
0x195: {  	v54 =	vshll.u32 v53, $0x5;
	v18 =	vadd.s32 v9, v18;
	v22 =	vld.idx.msk [tilespmem:v23+s10+$0x0], $0xffff  }
0x196: {  	v55 =	vor.u32 v0, v54  }
0x197: {  	v23 =	vor.u32 v2, v54;
	_ =	sdelay $0x1  }
0x198: {  	[tilespmem:v52+s13+$0x0] =	vst.idx.msk $0xffff, v19  }
0x199: {  	s31 =	sadd.s32 $0xFFFFFFF6, s29;
	v19 =	vand.u32 $0x1F0, v53;
	[tilespmem:v18+s13+$0x0] =	vst.idx.msk $0xffff, v22  }
0x19a: {  	v57 =	vmov s31;
	v56 =	vadd.s32 v10, v19;
	v18 =	vld.idx.msk [tilespmem:v55+s10+$0x0], $0xffff  }
0x19b: {  	v58 =	vshll.u32 v57, $0x5;
	v19 =	vadd.s32 v11, v19;
	v22 =	vld.idx.msk [tilespmem:v23+s10+$0x0], $0xffff  }
0x19c: {  	v59 =	vor.u32 v0, v58  }
0x19d: {  	v23 =	vor.u32 v2, v58;
	_ =	sdelay $0x1  }
0x19e: {  	[tilespmem:v56+s13+$0x0] =	vst.idx.msk $0xffff, v18  }
0x19f: {  	s8 =	sadd.s32 $0xFFFFFFF7, s29;
	v18 =	vand.u32 $0x1F0, v57;
	[tilespmem:v19+s13+$0x0] =	vst.idx.msk $0xffff, v22  }
0x1a0: {  	v61 =	vmov s8;
	v60 =	vadd.s32 v12, v18;
	v19 =	vld.idx.msk [tilespmem:v59+s10+$0x0], $0xffff  }
0x1a1: {  	v62 =	vshll.u32 v61, $0x5;
	v18 =	vadd.s32 v13, v18;
	v22 =	vld.idx.msk [tilespmem:v23+s10+$0x0], $0xffff  }
0x1a2: {  	v63 =	vor.u32 v0, v62  }
0x1a3: {  	v23 =	vor.u32 v2, v62;
	_ =	sdelay $0x1  }
0x1a4: {  	[tilespmem:v60+s13+$0x0] =	vst.idx.msk $0xffff, v19  }
0x1a5: {  	s14 =	sadd.s32 $0xFFFFFFF8, s29;
	v19 =	vand.u32 $0x1F0, v61;
	[tilespmem:v18+s13+$0x0] =	vst.idx.msk $0xffff, v22  }
0x1a6: {  	v29 =	vmov s14;
	v28 =	vadd.s32 v14, v19;
	v18 =	vld.idx.msk [tilespmem:v63+s10+$0x0], $0xffff  }
0x1a7: {  	v30 =	vshll.u32 v29, $0x5;
	v19 =	vadd.s32 v15, v19;
	v22 =	vld.idx.msk [tilespmem:v23+s10+$0x0], $0xffff  }
0x1a8: {  	v31 =	vor.u32 v0, v30  }
0x1a9: {  	v23 =	vor.u32 v2, v30;
	_ =	sdelay $0x1  }
0x1aa: {  	[tilespmem:v28+s13+$0x0] =	vst.idx.msk $0xffff, v18  }
0x1ab: {  	s30 =	sadd.s32 $0xFFFFFFF9, s29;
	v18 =	vand.u32 $0x1F0, v29;
	[tilespmem:v19+s13+$0x0] =	vst.idx.msk $0xffff, v22  }
0x1ac: {  	v33 =	vmov s30;
	v32 =	vadd.s32 v16, v18;
	v19 =	vld.idx.msk [tilespmem:v31+s10+$0x0], $0xffff  }
0x1ad: {  	v21 =	vshll.u32 v33, $0x5;
	v18 =	vadd.s32 v17, v18;
	v22 =	vld.idx.msk [tilespmem:v23+s10+$0x0], $0xffff  }
0x1ae: {  	v34 =	vor.u32 v0, v21  }
0x1af: {  	v21 =	vor.u32 v2, v21;
	_ =	sdelay $0x1  }
0x1b0: {  	[tilespmem:v32+s13+$0x0] =	vst.idx.msk $0xffff, v19  }
0x1b1: {  	s31 =	sadd.s32 $0xFFFFFFFA, s29;
	[tilespmem:v18+s13+$0x0] =	vst.idx.msk $0xffff, v22  }
0x1b2: {  	v35 =	vmov s31;
	v19 =	vadd.s32 s30, v1;
	v18 =	vld.idx.msk [tilespmem:v34+s10+$0x0], $0xffff  }
0x1b3: {  	v36 =	vadd.s32 s30, v3;
	v37 =	vshll.u32 v35, $0x5;
	v21 =	vld.idx.msk [tilespmem:v21+s10+$0x0], $0xffff  }
0x1b4: {  	v38 =	vor.u32 v0, v37  }
0x1b5: {  	v23 =	vor.u32 v2, v37;
	_ =	sdelay $0x1  }
0x1b6: {  	[tilespmem:v19+s13+$0x0] =	vst.idx.msk $0xffff, v18  }
0x1b7: {  	s8 =	sadd.s32 $0xFFFFFFFB, s29;
	v18 =	vand.u32 $0x1F8, v35;
	[tilespmem:v36+s13+$0x0] =	vst.idx.msk $0xffff, v21  }
0x1b8: {  	v39 =	vmov s8;
	v20 =	vadd.s32 v4, v18;
	v19 =	vld.idx.msk [tilespmem:v38+s10+$0x0], $0xffff  }
0x1b9: {  	v40 =	vshll.u32 v39, $0x5;
	v18 =	vadd.s32 v5, v18;
	v22 =	vld.idx.msk [tilespmem:v23+s10+$0x0], $0xffff  }
0x1ba: {  	v41 =	vor.u32 v0, v40  }
0x1bb: {  	v23 =	vor.u32 v2, v40;
	_ =	sdelay $0x1  }
0x1bc: {  	[tilespmem:v20+s13+$0x0] =	vst.idx.msk $0xffff, v19  }
0x1bd: {  	s14 =	sadd.s32 $0xFFFFFFFC, s29;
	v19 =	vand.u32 $0x1F8, v39;
	[tilespmem:v18+s13+$0x0] =	vst.idx.msk $0xffff, v22  }
0x1be: {  	v43 =	vmov s14;
	v42 =	vadd.s32 v6, v19;
	v18 =	vld.idx.msk [tilespmem:v41+s10+$0x0], $0xffff  }
0x1bf: {  	v44 =	vshll.u32 v43, $0x5;
	v19 =	vadd.s32 v7, v19;
	v22 =	vld.idx.msk [tilespmem:v23+s10+$0x0], $0xffff  }
0x1c0: {  	v45 =	vor.u32 v0, v44  }
0x1c1: {  	v23 =	vor.u32 v2, v44;
	_ =	sdelay $0x1  }
0x1c2: {  	[tilespmem:v42+s13+$0x0] =	vst.idx.msk $0xffff, v18  }
0x1c3: {  	s30 =	sadd.s32 $0xFFFFFFFD, s29;
	v18 =	vand.u32 $0x1F8, v43;
	[tilespmem:v19+s13+$0x0] =	vst.idx.msk $0xffff, v22  }
0x1c4: {  	v47 =	vmov s30;
	v46 =	vadd.s32 v8, v18;
	v19 =	vld.idx.msk [tilespmem:v45+s10+$0x0], $0xffff  }
0x1c5: {  	v48 =	vshll.u32 v47, $0x5;
	v18 =	vadd.s32 v9, v18;
	v22 =	vld.idx.msk [tilespmem:v23+s10+$0x0], $0xffff  }
0x1c6: {  	v49 =	vor.u32 v0, v48  }
0x1c7: {  	v23 =	vor.u32 v2, v48;
	_ =	sdelay $0x1  }
0x1c8: {  	[tilespmem:v46+s13+$0x0] =	vst.idx.msk $0xffff, v19  }
0x1c9: {  	s31 =	sadd.s32 $0xFFFFFFFE, s29;
	v19 =	vand.u32 $0x1F8, v47;
	[tilespmem:v18+s13+$0x0] =	vst.idx.msk $0xffff, v22  }
0x1ca: {  	v51 =	vmov s31;
	v50 =	vadd.s32 v10, v19;
	v18 =	vld.idx.msk [tilespmem:v49+s10+$0x0], $0xffff  }
0x1cb: {  	v52 =	vshll.u32 v51, $0x5;
	v19 =	vadd.s32 v11, v19;
	v22 =	vld.idx.msk [tilespmem:v23+s10+$0x0], $0xffff  }
0x1cc: {  	v53 =	vor.u32 v0, v52  }
0x1cd: {  	v23 =	vor.u32 v2, v52;
	_ =	sdelay $0x1  }
0x1ce: {  	[tilespmem:v50+s13+$0x0] =	vst.idx.msk $0xffff, v18  }
0x1cf: {  	s8 =	sadd.s32 $0xFFFFFFFF, s29;
	v18 =	vand.u32 $0x1F8, v51;
	[tilespmem:v19+s13+$0x0] =	vst.idx.msk $0xffff, v22  }
0x1d0: {  	v55 =	vmov s8;
	v54 =	vadd.s32 v12, v18;
	v19 =	vld.idx.msk [tilespmem:v53+s10+$0x0], $0xffff  }
0x1d1: {  	v56 =	vshll.u32 v55, $0x5;
	v18 =	vadd.s32 v13, v18;
	v22 =	vld.idx.msk [tilespmem:v23+s10+$0x0], $0xffff  }
0x1d2: {  	v57 =	vor.u32 v0, v56  }
0x1d3: {  	v23 =	vor.u32 v2, v56;
	_ =	sdelay $0x1  }
0x1d4: {  	[tilespmem:v54+s13+$0x0] =	vst.idx.msk $0xffff, v19  }
0x1d5: {  	v19 =	vand.u32 $0x1F8, v55;
	[tilespmem:v18+s13+$0x0] =	vst.idx.msk $0xffff, v22  }
0x1d6: {  	v59 =	vmov s29;
	v58 =	vadd.s32 v14, v19;
	v18 =	vld.idx.msk [tilespmem:v57+s10+$0x0], $0xffff  }
0x1d7: {  	v60 =	vshll.u32 v59, $0x5;
	v19 =	vadd.s32 v15, v19;
	v22 =	vld.idx.msk [tilespmem:v23+s10+$0x0], $0xffff  }
0x1d8: {  	v61 =	vor.u32 v0, v60  }
0x1d9: {  	v23 =	vor.u32 v2, v60;
	_ =	sdelay $0x1  }
0x1da: {  	[tilespmem:v58+s13+$0x0] =	vst.idx.msk $0xffff, v18  }
0x1db: {  	v18 =	vand.u32 $0x1F8, v59;
	[tilespmem:v19+s13+$0x0] =	vst.idx.msk $0xffff, v22  }
0x1dc: {  	v62 =	vadd.s32 v16, v18;
	v19 =	vld.idx.msk [tilespmem:v61+s10+$0x0], $0xffff  }
0x1dd: {  	v18 =	vadd.s32 v17, v18;
	v63 =	vld.idx.msk [tilespmem:v23+s10+$0x0], $0xffff  }
0x1de: {  	s7 =	sshll.u32 s28, $0x4;
	s14 =	sshll.u32 s28, $0x2  }
0x1df: {  	s28 =	sand.u32 $0x18, s14;
	s30 =	sand.u32 $0x3FFF80, s7  }
0x1e0: {  	s8 =	sor.u32 s28, s30  }
0x1e1: {  	s29 =	sshll.u32 s8, $0x7;
	[tilespmem:v62+s13+$0x0] =	vst.idx.msk $0xffff, v19  }
0x1e2: {  	s30 =	sadd.s32 s2, s29;
	[tilespmem:v18+s13+$0x0] =	vst.idx.msk $0xffff, v63  }
0x1e3: {  	[hbm4b:s30+s3] =	stream.linear.scatter [tilespmem:s13], [sflag:$0x3], $0x80, $0x38;
	[tilespmem:$0x16600] =	vst v63  }
0x1e4: {  	s14 =	simm.s32 $0xE608;
	s31 =	sadd.s32 $0x10, s30  }
0x1e5: {  	[hbm4b:s31+s3] =	stream.linear.scatter [tilespmem:s14], [sflag:$0x3], $0x80, $0x38;
	[tilespmem:$0x16600] =	vst v63  }
0x1e6: {  	s14 =	sadd.s32 $0x20, s30;
	s31 =	simm.s32 $0xE810  }
0x1e7: {  	[hbm4b:s14+s3] =	stream.linear.scatter [tilespmem:s31], [sflag:$0x3], $0x80, $0x38;
	[tilespmem:$0x16600] =	vst v63  }
0x1e8: {  	s14 =	sadd.s32 $0x30, s30;
	s31 =	simm.s32 $0xEA18  }
0x1e9: {  	[hbm4b:s14+s3] =	stream.linear.scatter [tilespmem:s31], [sflag:$0x3], $0x80, $0x38;
	[tilespmem:$0x16600] =	vst v63  }
0x1ea: {  	s14 =	sadd.s32 $0x40, s30;
	s31 =	simm.s32 $0xEC20  }
0x1eb: {  	[hbm4b:s14+s3] =	stream.linear.scatter [tilespmem:s31], [sflag:$0x3], $0x80, $0x38;
	[tilespmem:$0x16600] =	vst v63  }
0x1ec: {  	s14 =	sadd.s32 $0x50, s30;
	s31 =	simm.s32 $0xEE28  }
0x1ed: {  	[hbm4b:s14+s3] =	stream.linear.scatter [tilespmem:s31], [sflag:$0x3], $0x80, $0x38;
	[tilespmem:$0x16600] =	vst v63  }
0x1ee: {  	s14 =	sadd.s32 $0x60, s30;
	s31 =	simm.s32 $0xF030  }
0x1ef: {  	[hbm4b:s14+s3] =	stream.linear.scatter [tilespmem:s31], [sflag:$0x3], $0x80, $0x38;
	[tilespmem:$0x16600] =	vst v63  }
0x1f0: {  	s14 =	sadd.s32 $0x70, s30;
	s31 =	simm.s32 $0xF238  }
0x1f1: {  	[hbm4b:s14+s3] =	stream.linear.scatter [tilespmem:s31], [sflag:$0x3], $0x80, $0x38;
	[tilespmem:$0x16600] =	vst v63  }
0x1f2: {  	s14 =	sadd.s32 $0x80, s30;
	s31 =	simm.s32 $0xE480  }
0x1f3: {  	[hbm4b:s14+s3] =	stream.linear.scatter [tilespmem:s31], [sflag:$0x3], $0x80, $0x38;
	[tilespmem:$0x16600] =	vst v63  }
0x1f4: {  	s14 =	sadd.s32 $0x90, s30;
	s31 =	simm.s32 $0xE688  }
0x1f5: {  	[hbm4b:s14+s3] =	stream.linear.scatter [tilespmem:s31], [sflag:$0x3], $0x80, $0x38;
	[tilespmem:$0x16600] =	vst v63  }
0x1f6: {  	s14 =	sadd.s32 $0xA0, s30;
	s31 =	simm.s32 $0xE890  }
0x1f7: {  	[hbm4b:s14+s3] =	stream.linear.scatter [tilespmem:s31], [sflag:$0x3], $0x80, $0x38;
	[tilespmem:$0x16600] =	vst v63  }
0x1f8: {  	s14 =	sadd.s32 $0xB0, s30;
	s31 =	simm.s32 $0xEA98  }
0x1f9: {  	[hbm4b:s14+s3] =	stream.linear.scatter [tilespmem:s31], [sflag:$0x3], $0x80, $0x38;
	[tilespmem:$0x16600] =	vst v63  }
0x1fa: {  	s14 =	sadd.s32 $0xC0, s30;
	s31 =	simm.s32 $0xECA0  }
0x1fb: {  	[hbm4b:s14+s3] =	stream.linear.scatter [tilespmem:s31], [sflag:$0x3], $0x80, $0x38;
	[tilespmem:$0x16600] =	vst v63  }
0x1fc: {  	s14 =	sadd.s32 $0xD0, s30;
	s31 =	simm.s32 $0xEEA8  }
0x1fd: {  	[hbm4b:s14+s3] =	stream.linear.scatter [tilespmem:s31], [sflag:$0x3], $0x80, $0x38;
	[tilespmem:$0x16600] =	vst v63  }
0x1fe: {  	s14 =	sadd.s32 $0xE0, s30;
	s31 =	simm.s32 $0xF0B0  }
0x1ff: {  	[hbm4b:s14+s3] =	stream.linear.scatter [tilespmem:s31], [sflag:$0x3], $0x80, $0x38;
	[tilespmem:$0x16600] =	vst v63  }
0x200: {  	s14 =	sadd.s32 $0xF0, s30;
	s31 =	simm.s32 $0xF2B8  }
0x201: {  	[hbm4b:s14+s3] =	stream.linear.scatter [tilespmem:s31], [sflag:$0x3], $0x80, $0x38;
	[tilespmem:$0x16600] =	vst v63  }
0x202: {  	s14 =	sadd.s32 $0x100, s30;
	s31 =	simm.s32 $0xE500  }
0x203: {  	[hbm4b:s14+s3] =	stream.linear.scatter [tilespmem:s31], [sflag:$0x3], $0x80, $0x38;
	[tilespmem:$0x16600] =	vst v63  }
0x204: {  	s14 =	sadd.s32 $0x110, s30;
	s31 =	simm.s32 $0xE708  }
0x205: {  	[hbm4b:s14+s3] =	stream.linear.scatter [tilespmem:s31], [sflag:$0x3], $0x80, $0x38;
	[tilespmem:$0x16600] =	vst v63  }
0x206: {  	s14 =	sadd.s32 $0x120, s30;
	s31 =	simm.s32 $0xE910  }
0x207: {  	[hbm4b:s14+s3] =	stream.linear.scatter [tilespmem:s31], [sflag:$0x3], $0x80, $0x38;
	[tilespmem:$0x16600] =	vst v63  }
0x208: {  	s14 =	sadd.s32 $0x130, s30;
	s31 =	simm.s32 $0xEB18  }
0x209: {  	[hbm4b:s14+s3] =	stream.linear.scatter [tilespmem:s31], [sflag:$0x3], $0x80, $0x38;
	[tilespmem:$0x16600] =	vst v63  }
0x20a: {  	s14 =	sadd.s32 $0x140, s30;
	s31 =	simm.s32 $0xED20  }
0x20b: {  	[hbm4b:s14+s3] =	stream.linear.scatter [tilespmem:s31], [sflag:$0x3], $0x80, $0x38;
	[tilespmem:$0x16600] =	vst v63  }
0x20c: {  	s14 =	sadd.s32 $0x150, s30;
	s31 =	simm.s32 $0xEF28  }
0x20d: {  	[hbm4b:s14+s3] =	stream.linear.scatter [tilespmem:s31], [sflag:$0x3], $0x80, $0x38;
	[tilespmem:$0x16600] =	vst v63  }
0x20e: {  	s14 =	sadd.s32 $0x160, s30;
	s31 =	simm.s32 $0xF130  }
0x20f: {  	[hbm4b:s14+s3] =	stream.linear.scatter [tilespmem:s31], [sflag:$0x3], $0x80, $0x38;
	[tilespmem:$0x16600] =	vst v63  }
0x210: {  	s14 =	sadd.s32 $0x170, s30;
	s31 =	simm.s32 $0xF338  }
0x211: {  	[hbm4b:s14+s3] =	stream.linear.scatter [tilespmem:s31], [sflag:$0x3], $0x80, $0x38;
	[tilespmem:$0x16600] =	vst v63  }
0x212: {  	s14 =	sadd.s32 $0x180, s30;
	s31 =	simm.s32 $0xE580  }
0x213: {  	[hbm4b:s14+s3] =	stream.linear.scatter [tilespmem:s31], [sflag:$0x3], $0x80, $0x38;
	[tilespmem:$0x16600] =	vst v63  }
0x214: {  	s14 =	sadd.s32 $0x190, s30;
	s31 =	simm.s32 $0xE788  }
0x215: {  	[hbm4b:s14+s3] =	stream.linear.scatter [tilespmem:s31], [sflag:$0x3], $0x80, $0x38;
	[tilespmem:$0x16600] =	vst v63  }
0x216: {  	s14 =	sadd.s32 $0x1A0, s30;
	s31 =	simm.s32 $0xE990  }
0x217: {  	[hbm4b:s14+s3] =	stream.linear.scatter [tilespmem:s31], [sflag:$0x3], $0x80, $0x38;
	[tilespmem:$0x16600] =	vst v63  }
0x218: {  	s14 =	sadd.s32 $0x1B0, s30;
	s31 =	simm.s32 $0xEB98  }
0x219: {  	[hbm4b:s14+s3] =	stream.linear.scatter [tilespmem:s31], [sflag:$0x3], $0x80, $0x38;
	[tilespmem:$0x16600] =	vst v63  }
0x21a: {  	s14 =	sadd.s32 $0x1C0, s30;
	s31 =	simm.s32 $0xEDA0  }
0x21b: {  	[hbm4b:s14+s3] =	stream.linear.scatter [tilespmem:s31], [sflag:$0x3], $0x80, $0x38;
	[tilespmem:$0x16600] =	vst v63  }
0x21c: {  	s14 =	sadd.s32 $0x1D0, s30;
	s31 =	simm.s32 $0xEFA8  }
0x21d: {  	[hbm4b:s14+s3] =	stream.linear.scatter [tilespmem:s31], [sflag:$0x3], $0x80, $0x38;
	[tilespmem:$0x16600] =	vst v63  }
0x21e: {  	s14 =	sadd.s32 $0x1E0, s30;
	s31 =	simm.s32 $0xF1B0  }
0x21f: {  	[hbm4b:s14+s3] =	stream.linear.scatter [tilespmem:s31], [sflag:$0x3], $0x80, $0x38;
	[tilespmem:$0x16600] =	vst v63  }
0x220: {  	s14 =	sadd.s32 $0x1F0, s30;
	s31 =	simm.s32 $0xF3B8  }
0x221: {  	[hbm4b:s14+s3] =	stream.linear.scatter [tilespmem:s31], [sflag:$0x3], $0x80, $0x38;
	[tilespmem:$0x16600] =	vst v63  }
0x222: {  	s14 =	sadd.s32 $0x1000, s30;
	s31 =	simm.s32 $0xF440  }
0x223: {  	[hbm4b:s14+s3] =	stream.linear.scatter [tilespmem:s31], [sflag:$0x3], $0x80, $0x38;
	[tilespmem:$0x16600] =	vst v63  }
0x224: {  	s14 =	sadd.s32 $0x1010, s30;
	s31 =	simm.s32 $0xF648  }
0x225: {  	[hbm4b:s14+s3] =	stream.linear.scatter [tilespmem:s31], [sflag:$0x3], $0x80, $0x38;
	[tilespmem:$0x16600] =	vst v63  }
0x226: {  	s14 =	sadd.s32 $0x1020, s30;
	s31 =	simm.s32 $0xF850  }
0x227: {  	[hbm4b:s14+s3] =	stream.linear.scatter [tilespmem:s31], [sflag:$0x3], $0x80, $0x38;
	[tilespmem:$0x16600] =	vst v63  }
0x228: {  	s14 =	sadd.s32 $0x1030, s30;
	s31 =	simm.s32 $0xFA58  }
0x229: {  	[hbm4b:s14+s3] =	stream.linear.scatter [tilespmem:s31], [sflag:$0x3], $0x80, $0x38;
	[tilespmem:$0x16600] =	vst v63  }
0x22a: {  	s14 =	sadd.s32 $0x1040, s30;
	s31 =	simm.s32 $0xFC60  }
0x22b: {  	[hbm4b:s14+s3] =	stream.linear.scatter [tilespmem:s31], [sflag:$0x3], $0x80, $0x38;
	[tilespmem:$0x16600] =	vst v63  }
0x22c: {  	s14 =	sadd.s32 $0x1050, s30;
	s31 =	simm.s32 $0xFE68  }
0x22d: {  	[hbm4b:s14+s3] =	stream.linear.scatter [tilespmem:s31], [sflag:$0x3], $0x80, $0x38;
	[tilespmem:$0x16600] =	vst v63  }
0x22e: {  	s14 =	sadd.s32 $0x1060, s30;
	s31 =	simm.s32 $0x10070  }
0x22f: {  	[hbm4b:s14+s3] =	stream.linear.scatter [tilespmem:s31], [sflag:$0x3], $0x80, $0x38;
	[tilespmem:$0x16600] =	vst v63  }
0x230: {  	s14 =	sadd.s32 $0x1070, s30;
	s31 =	simm.s32 $0x10278  }
0x231: {  	[hbm4b:s14+s3] =	stream.linear.scatter [tilespmem:s31], [sflag:$0x3], $0x80, $0x38;
	[tilespmem:$0x16600] =	vst v63  }
0x232: {  	s14 =	sadd.s32 $0x1080, s30;
	s31 =	simm.s32 $0xF4C0  }
0x233: {  	[hbm4b:s14+s3] =	stream.linear.scatter [tilespmem:s31], [sflag:$0x3], $0x80, $0x38;
	[tilespmem:$0x16600] =	vst v63  }
0x234: {  	s14 =	sadd.s32 $0x1090, s30;
	s31 =	simm.s32 $0xF6C8  }
0x235: {  	[hbm4b:s14+s3] =	stream.linear.scatter [tilespmem:s31], [sflag:$0x3], $0x80, $0x38;
	[tilespmem:$0x16600] =	vst v63  }
0x236: {  	s14 =	sadd.s32 $0x10A0, s30;
	s31 =	simm.s32 $0xF8D0  }
0x237: {  	[hbm4b:s14+s3] =	stream.linear.scatter [tilespmem:s31], [sflag:$0x3], $0x80, $0x38;
	[tilespmem:$0x16600] =	vst v63  }
0x238: {  	s14 =	sadd.s32 $0x10B0, s30;
	s31 =	simm.s32 $0xFAD8  }
0x239: {  	[hbm4b:s14+s3] =	stream.linear.scatter [tilespmem:s31], [sflag:$0x3], $0x80, $0x38;
	[tilespmem:$0x16600] =	vst v63  }
0x23a: {  	s14 =	sadd.s32 $0x10C0, s30;
	s31 =	simm.s32 $0xFCE0  }
0x23b: {  	[hbm4b:s14+s3] =	stream.linear.scatter [tilespmem:s31], [sflag:$0x3], $0x80, $0x38;
	[tilespmem:$0x16600] =	vst v63  }
0x23c: {  	s14 =	sadd.s32 $0x10D0, s30;
	s31 =	simm.s32 $0xFEE8  }
0x23d: {  	[hbm4b:s14+s3] =	stream.linear.scatter [tilespmem:s31], [sflag:$0x3], $0x80, $0x38;
	[tilespmem:$0x16600] =	vst v63  }
0x23e: {  	s14 =	sadd.s32 $0x10E0, s30;
	s31 =	simm.s32 $0x100F0  }
0x23f: {  	[hbm4b:s14+s3] =	stream.linear.scatter [tilespmem:s31], [sflag:$0x3], $0x80, $0x38;
	[tilespmem:$0x16600] =	vst v63  }
0x240: {  	s14 =	sadd.s32 $0x10F0, s30;
	s31 =	simm.s32 $0x102F8  }
0x241: {  	[hbm4b:s14+s3] =	stream.linear.scatter [tilespmem:s31], [sflag:$0x3], $0x80, $0x38;
	[tilespmem:$0x16600] =	vst v63  }
0x242: {  	s14 =	sadd.s32 $0x1100, s30;
	s31 =	simm.s32 $0xF540  }
0x243: {  	[hbm4b:s14+s3] =	stream.linear.scatter [tilespmem:s31], [sflag:$0x3], $0x80, $0x38;
	[tilespmem:$0x16600] =	vst v63  }
0x244: {  	s14 =	sadd.s32 $0x1110, s30;
	s31 =	simm.s32 $0xF748  }
0x245: {  	[hbm4b:s14+s3] =	stream.linear.scatter [tilespmem:s31], [sflag:$0x3], $0x80, $0x38;
	[tilespmem:$0x16600] =	vst v63  }
0x246: {  	s14 =	sadd.s32 $0x1120, s30;
	s31 =	simm.s32 $0xF950  }
0x247: {  	[hbm4b:s14+s3] =	stream.linear.scatter [tilespmem:s31], [sflag:$0x3], $0x80, $0x38;
	[tilespmem:$0x16600] =	vst v63  }
0x248: {  	s14 =	sadd.s32 $0x1130, s30;
	s31 =	simm.s32 $0xFB58  }
0x249: {  	[hbm4b:s14+s3] =	stream.linear.scatter [tilespmem:s31], [sflag:$0x3], $0x80, $0x38;
	[tilespmem:$0x16600] =	vst v63  }
0x24a: {  	s14 =	sadd.s32 $0x1140, s30;
	s31 =	simm.s32 $0xFD60  }
0x24b: {  	[hbm4b:s14+s3] =	stream.linear.scatter [tilespmem:s31], [sflag:$0x3], $0x80, $0x38;
	[tilespmem:$0x16600] =	vst v63  }
0x24c: {  	s14 =	sadd.s32 $0x1150, s30;
	s31 =	simm.s32 $0xFF68  }
0x24d: {  	[hbm4b:s14+s3] =	stream.linear.scatter [tilespmem:s31], [sflag:$0x3], $0x80, $0x38;
	[tilespmem:$0x16600] =	vst v63  }
0x24e: {  	s14 =	sadd.s32 $0x1160, s30;
	s31 =	simm.s32 $0x10170  }
0x24f: {  	[hbm4b:s14+s3] =	stream.linear.scatter [tilespmem:s31], [sflag:$0x3], $0x80, $0x38;
	[tilespmem:$0x16600] =	vst v63  }
0x250: {  	s14 =	sadd.s32 $0x1170, s30;
	s31 =	simm.s32 $0x10378  }
0x251: {  	[hbm4b:s14+s3] =	stream.linear.scatter [tilespmem:s31], [sflag:$0x3], $0x80, $0x38;
	[tilespmem:$0x16600] =	vst v63  }
0x252: {  	s14 =	sadd.s32 $0x1180, s30;
	s31 =	simm.s32 $0xF5C0  }
0x253: {  	[hbm4b:s14+s3] =	stream.linear.scatter [tilespmem:s31], [sflag:$0x3], $0x80, $0x38;
	[tilespmem:$0x16600] =	vst v63  }
0x254: {  	s14 =	sadd.s32 $0x1190, s30;
	s31 =	simm.s32 $0xF7C8  }
0x255: {  	[hbm4b:s14+s3] =	stream.linear.scatter [tilespmem:s31], [sflag:$0x3], $0x80, $0x38;
	[tilespmem:$0x16600] =	vst v63  }
0x256: {  	s14 =	sadd.s32 $0x11A0, s30;
	s31 =	simm.s32 $0xF9D0  }
0x257: {  	[hbm4b:s14+s3] =	stream.linear.scatter [tilespmem:s31], [sflag:$0x3], $0x80, $0x38;
	[tilespmem:$0x16600] =	vst v63  }
0x258: {  	s14 =	sadd.s32 $0x11B0, s30;
	s31 =	simm.s32 $0xFBD8  }
0x259: {  	[hbm4b:s14+s3] =	stream.linear.scatter [tilespmem:s31], [sflag:$0x3], $0x80, $0x38;
	[tilespmem:$0x16600] =	vst v63  }
0x25a: {  	s14 =	sadd.s32 $0x11C0, s30;
	s31 =	simm.s32 $0xFDE0  }
0x25b: {  	[hbm4b:s14+s3] =	stream.linear.scatter [tilespmem:s31], [sflag:$0x3], $0x80, $0x38;
	[tilespmem:$0x16600] =	vst v63  }
0x25c: {  	s14 =	sadd.s32 $0x11D0, s30;
	s31 =	simm.s32 $0xFFE8  }
0x25d: {  	[hbm4b:s14+s3] =	stream.linear.scatter [tilespmem:s31], [sflag:$0x3], $0x80, $0x38;
	[tilespmem:$0x16600] =	vst v63  }
0x25e: {  	s14 =	sadd.s32 $0x11E0, s30;
	s31 =	simm.s32 $0x101F0  }
0x25f: {  	[hbm4b:s14+s3] =	stream.linear.scatter [tilespmem:s31], [sflag:$0x3], $0x80, $0x38;
	[tilespmem:$0x16600] =	vst v63  }
0x260: {  	s14 =	sadd.s32 $0x11F0, s30;
	s31 =	simm.s32 $0x103F8  }
0x261: {  	[hbm4b:s14+s3] =	stream.linear.scatter [tilespmem:s31], [sflag:$0x3], $0x80, $0x38;
	[tilespmem:$0x16600] =	vst v63  }
0x262: {  	s14 =	sadd.s32 $0x2000, s30;
	s31 =	simm.s32 $0x10480  }
0x263: {  	[hbm4b:s14+s3] =	stream.linear.scatter [tilespmem:s31], [sflag:$0x3], $0x80, $0x38;
	[tilespmem:$0x16600] =	vst v63  }
0x264: {  	s14 =	sadd.s32 $0x2010, s30;
	s31 =	simm.s32 $0x10688  }
0x265: {  	[hbm4b:s14+s3] =	stream.linear.scatter [tilespmem:s31], [sflag:$0x3], $0x80, $0x38;
	[tilespmem:$0x16600] =	vst v63  }
0x266: {  	s14 =	sadd.s32 $0x2020, s30;
	s31 =	simm.s32 $0x10890  }
0x267: {  	[hbm4b:s14+s3] =	stream.linear.scatter [tilespmem:s31], [sflag:$0x3], $0x80, $0x38;
	[tilespmem:$0x16600] =	vst v63  }
0x268: {  	s14 =	sadd.s32 $0x2030, s30;
	s31 =	simm.s32 $0x10A98  }
0x269: {  	[hbm4b:s14+s3] =	stream.linear.scatter [tilespmem:s31], [sflag:$0x3], $0x80, $0x38;
	[tilespmem:$0x16600] =	vst v63  }
0x26a: {  	s14 =	sadd.s32 $0x2040, s30;
	s31 =	simm.s32 $0x10CA0  }
0x26b: {  	[hbm4b:s14+s3] =	stream.linear.scatter [tilespmem:s31], [sflag:$0x3], $0x80, $0x38;
	[tilespmem:$0x16600] =	vst v63  }
0x26c: {  	s14 =	sadd.s32 $0x2050, s30;
	s31 =	simm.s32 $0x10EA8  }
0x26d: {  	[hbm4b:s14+s3] =	stream.linear.scatter [tilespmem:s31], [sflag:$0x3], $0x80, $0x38;
	[tilespmem:$0x16600] =	vst v63  }
0x26e: {  	s14 =	sadd.s32 $0x2060, s30;
	s31 =	simm.s32 $0x110B0  }
0x26f: {  	[hbm4b:s14+s3] =	stream.linear.scatter [tilespmem:s31], [sflag:$0x3], $0x80, $0x38;
	[tilespmem:$0x16600] =	vst v63  }
0x270: {  	s14 =	sadd.s32 $0x2070, s30;
	s31 =	simm.s32 $0x112B8  }
0x271: {  	[hbm4b:s14+s3] =	stream.linear.scatter [tilespmem:s31], [sflag:$0x3], $0x80, $0x38;
	[tilespmem:$0x16600] =	vst v63  }
0x272: {  	s14 =	sadd.s32 $0x2080, s30;
	s31 =	simm.s32 $0x10500  }
0x273: {  	[hbm4b:s14+s3] =	stream.linear.scatter [tilespmem:s31], [sflag:$0x3], $0x80, $0x38;
	[tilespmem:$0x16600] =	vst v63  }
0x274: {  	s14 =	sadd.s32 $0x2090, s30;
	s31 =	simm.s32 $0x10708  }
0x275: {  	[hbm4b:s14+s3] =	stream.linear.scatter [tilespmem:s31], [sflag:$0x3], $0x80, $0x38;
	[tilespmem:$0x16600] =	vst v63  }
0x276: {  	s14 =	sadd.s32 $0x20A0, s30;
	s31 =	simm.s32 $0x10910  }
0x277: {  	[hbm4b:s14+s3] =	stream.linear.scatter [tilespmem:s31], [sflag:$0x3], $0x80, $0x38;
	[tilespmem:$0x16600] =	vst v63  }
0x278: {  	s14 =	sadd.s32 $0x20B0, s30;
	s31 =	simm.s32 $0x10B18  }
0x279: {  	[hbm4b:s14+s3] =	stream.linear.scatter [tilespmem:s31], [sflag:$0x3], $0x80, $0x38;
	[tilespmem:$0x16600] =	vst v63  }
0x27a: {  	s14 =	sadd.s32 $0x20C0, s30;
	s31 =	simm.s32 $0x10D20  }
0x27b: {  	[hbm4b:s14+s3] =	stream.linear.scatter [tilespmem:s31], [sflag:$0x3], $0x80, $0x38;
	[tilespmem:$0x16600] =	vst v63  }
0x27c: {  	s14 =	sadd.s32 $0x20D0, s30;
	s31 =	simm.s32 $0x10F28  }
0x27d: {  	[hbm4b:s14+s3] =	stream.linear.scatter [tilespmem:s31], [sflag:$0x3], $0x80, $0x38;
	[tilespmem:$0x16600] =	vst v63  }
0x27e: {  	s14 =	sadd.s32 $0x20E0, s30;
	s31 =	simm.s32 $0x11130  }
0x27f: {  	[hbm4b:s14+s3] =	stream.linear.scatter [tilespmem:s31], [sflag:$0x3], $0x80, $0x38;
	[tilespmem:$0x16600] =	vst v63  }
0x280: {  	s14 =	sadd.s32 $0x20F0, s30;
	s31 =	simm.s32 $0x11338  }
0x281: {  	[hbm4b:s14+s3] =	stream.linear.scatter [tilespmem:s31], [sflag:$0x3], $0x80, $0x38;
	[tilespmem:$0x16600] =	vst v63  }
0x282: {  	s14 =	sadd.s32 $0x2100, s30;
	s31 =	simm.s32 $0x10580  }
0x283: {  	[hbm4b:s14+s3] =	stream.linear.scatter [tilespmem:s31], [sflag:$0x3], $0x80, $0x38;
	[tilespmem:$0x16600] =	vst v63  }
0x284: {  	s14 =	sadd.s32 $0x2110, s30;
	s31 =	simm.s32 $0x10788  }
0x285: {  	[hbm4b:s14+s3] =	stream.linear.scatter [tilespmem:s31], [sflag:$0x3], $0x80, $0x38;
	[tilespmem:$0x16600] =	vst v63  }
0x286: {  	s14 =	sadd.s32 $0x2120, s30;
	s31 =	simm.s32 $0x10990  }
0x287: {  	[hbm4b:s14+s3] =	stream.linear.scatter [tilespmem:s31], [sflag:$0x3], $0x80, $0x38;
	[tilespmem:$0x16600] =	vst v63  }
0x288: {  	s14 =	sadd.s32 $0x2130, s30;
	s31 =	simm.s32 $0x10B98  }
0x289: {  	[hbm4b:s14+s3] =	stream.linear.scatter [tilespmem:s31], [sflag:$0x3], $0x80, $0x38;
	[tilespmem:$0x16600] =	vst v63  }
0x28a: {  	s14 =	sadd.s32 $0x2140, s30;
	s31 =	simm.s32 $0x10DA0  }
0x28b: {  	[hbm4b:s14+s3] =	stream.linear.scatter [tilespmem:s31], [sflag:$0x3], $0x80, $0x38;
	[tilespmem:$0x16600] =	vst v63  }
0x28c: {  	s14 =	sadd.s32 $0x2150, s30;
	s31 =	simm.s32 $0x10FA8  }
0x28d: {  	[hbm4b:s14+s3] =	stream.linear.scatter [tilespmem:s31], [sflag:$0x3], $0x80, $0x38;
	[tilespmem:$0x16600] =	vst v63  }
0x28e: {  	s14 =	sadd.s32 $0x2160, s30;
	s31 =	simm.s32 $0x111B0  }
0x28f: {  	[hbm4b:s14+s3] =	stream.linear.scatter [tilespmem:s31], [sflag:$0x3], $0x80, $0x38;
	[tilespmem:$0x16600] =	vst v63  }
0x290: {  	s14 =	sadd.s32 $0x2170, s30;
	s31 =	simm.s32 $0x113B8  }
0x291: {  	[hbm4b:s14+s3] =	stream.linear.scatter [tilespmem:s31], [sflag:$0x3], $0x80, $0x38;
	[tilespmem:$0x16600] =	vst v63  }
0x292: {  	s14 =	sadd.s32 $0x2180, s30;
	s31 =	simm.s32 $0x10600  }
0x293: {  	[hbm4b:s14+s3] =	stream.linear.scatter [tilespmem:s31], [sflag:$0x3], $0x80, $0x38;
	[tilespmem:$0x16600] =	vst v63  }
0x294: {  	s14 =	sadd.s32 $0x2190, s30;
	s31 =	simm.s32 $0x10808  }
0x295: {  	[hbm4b:s14+s3] =	stream.linear.scatter [tilespmem:s31], [sflag:$0x3], $0x80, $0x38;
	[tilespmem:$0x16600] =	vst v63  }
0x296: {  	s14 =	sadd.s32 $0x21A0, s30;
	s31 =	simm.s32 $0x10A10  }
0x297: {  	[hbm4b:s14+s3] =	stream.linear.scatter [tilespmem:s31], [sflag:$0x3], $0x80, $0x38;
	[tilespmem:$0x16600] =	vst v63  }
0x298: {  	s14 =	sadd.s32 $0x21B0, s30;
	s31 =	simm.s32 $0x10C18  }
0x299: {  	[hbm4b:s14+s3] =	stream.linear.scatter [tilespmem:s31], [sflag:$0x3], $0x80, $0x38;
	[tilespmem:$0x16600] =	vst v63  }
0x29a: {  	s7 =	sor.u32 s7, s28;
	s14 =	sadd.s32 $0x21C0, s30;
	s31 =	simm.s32 $0x10E20  }
0x29b: {  	[hbm4b:s14+s3] =	stream.linear.scatter [tilespmem:s31], [sflag:$0x3], $0x80, $0x38;
	[tilespmem:$0x16600] =	vst v63  }
0x29c: {  	s7 =	sshll.u32 s7, $0x7;
	s14 =	sadd.s32 $0x21D0, s30;
	s31 =	simm.s32 $0x11028  }
0x29d: {  	[hbm4b:s14+s3] =	stream.linear.scatter [tilespmem:s31], [sflag:$0x3], $0x80, $0x38;
	[tilespmem:$0x16600] =	vst v63  }
0x29e: {  	s7 =	sand.u32 $0x1FFFCC00, s7;
	s14 =	sadd.s32 $0x21E0, s30;
	s31 =	simm.s32 $0x11230  }
0x29f: {  	[hbm4b:s14+s3] =	stream.linear.scatter [tilespmem:s31], [sflag:$0x3], $0x80, $0x38;
	[tilespmem:$0x16600] =	vst v63  }
0x2a0: {  	s28 =	sadd.s32 s7, s2;
	s30 =	sadd.s32 $0x21F0, s30;
	s31 =	simm.s32 $0x11438  }
0x2a1: {  	[hbm4b:s30+s3] =	stream.linear.scatter [tilespmem:s31], [sflag:$0x3], $0x80, $0x38;
	[tilespmem:$0x16600] =	vst v63  }
0x2a2: {  	s7 =	sadd.s32 $0x3000, s28;
	s14 =	simm.s32 $0x114C0  }
0x2a3: {  	[hbm4b:s7+s3] =	stream.linear.scatter [tilespmem:s14], [sflag:$0x3], $0x80, $0x38;
	[tilespmem:$0x16600] =	vst v63  }
0x2a4: {  	s30 =	sadd.s32 $0x3010, s28;
	s31 =	simm.s32 $0x116C8  }
0x2a5: {  	[hbm4b:s30+s3] =	stream.linear.scatter [tilespmem:s31], [sflag:$0x3], $0x80, $0x38;
	[tilespmem:$0x16600] =	vst v63  }
0x2a6: {  	s8 =	sadd.s32 $0x3020, s28;
	s14 =	simm.s32 $0x118D0  }
0x2a7: {  	[hbm4b:s8+s3] =	stream.linear.scatter [tilespmem:s14], [sflag:$0x3], $0x80, $0x38;
	[tilespmem:$0x16600] =	vst v63  }
0x2a8: {  	s30 =	sadd.s32 $0x3030, s28;
	s31 =	simm.s32 $0x11AD8  }
0x2a9: {  	[hbm4b:s30+s3] =	stream.linear.scatter [tilespmem:s31], [sflag:$0x3], $0x80, $0x38;
	[tilespmem:$0x16600] =	vst v63  }
0x2aa: {  	s8 =	sadd.s32 $0x3040, s28;
	s14 =	simm.s32 $0x11CE0  }
0x2ab: {  	[hbm4b:s8+s3] =	stream.linear.scatter [tilespmem:s14], [sflag:$0x3], $0x80, $0x38;
	[tilespmem:$0x16600] =	vst v63  }
0x2ac: {  	s30 =	sadd.s32 $0x3050, s28;
	s31 =	simm.s32 $0x11EE8  }
0x2ad: {  	[hbm4b:s30+s3] =	stream.linear.scatter [tilespmem:s31], [sflag:$0x3], $0x80, $0x38;
	[tilespmem:$0x16600] =	vst v63  }
0x2ae: {  	s8 =	sadd.s32 $0x3060, s28;
	s14 =	simm.s32 $0x120F0  }
0x2af: {  	[hbm4b:s8+s3] =	stream.linear.scatter [tilespmem:s14], [sflag:$0x3], $0x80, $0x38;
	[tilespmem:$0x16600] =	vst v63  }
0x2b0: {  	s30 =	sadd.s32 $0x3070, s28;
	s31 =	simm.s32 $0x122F8  }
0x2b1: {  	[hbm4b:s30+s3] =	stream.linear.scatter [tilespmem:s31], [sflag:$0x3], $0x80, $0x38;
	[tilespmem:$0x16600] =	vst v63  }
0x2b2: {  	s8 =	sadd.s32 $0x3080, s28;
	s14 =	simm.s32 $0x11540  }
0x2b3: {  	[hbm4b:s8+s3] =	stream.linear.scatter [tilespmem:s14], [sflag:$0x3], $0x80, $0x38;
	[tilespmem:$0x16600] =	vst v63  }
0x2b4: {  	s30 =	sadd.s32 $0x3090, s28;
	s31 =	simm.s32 $0x11748  }
0x2b5: {  	[hbm4b:s30+s3] =	stream.linear.scatter [tilespmem:s31], [sflag:$0x3], $0x80, $0x38;
	[tilespmem:$0x16600] =	vst v63  }
0x2b6: {  	s8 =	sadd.s32 $0x30A0, s28;
	s14 =	simm.s32 $0x11950  }
0x2b7: {  	[hbm4b:s8+s3] =	stream.linear.scatter [tilespmem:s14], [sflag:$0x3], $0x80, $0x38;
	[tilespmem:$0x16600] =	vst v63  }
0x2b8: {  	s30 =	sadd.s32 $0x30B0, s28;
	s31 =	simm.s32 $0x11B58  }
0x2b9: {  	[hbm4b:s30+s3] =	stream.linear.scatter [tilespmem:s31], [sflag:$0x3], $0x80, $0x38;
	[tilespmem:$0x16600] =	vst v63  }
0x2ba: {  	s8 =	sadd.s32 $0x30C0, s28;
	s14 =	simm.s32 $0x11D60  }
0x2bb: {  	[hbm4b:s8+s3] =	stream.linear.scatter [tilespmem:s14], [sflag:$0x3], $0x80, $0x38;
	[tilespmem:$0x16600] =	vst v63  }
0x2bc: {  	s30 =	sadd.s32 $0x30D0, s28;
	s31 =	simm.s32 $0x11F68  }
0x2bd: {  	[hbm4b:s30+s3] =	stream.linear.scatter [tilespmem:s31], [sflag:$0x3], $0x80, $0x38;
	[tilespmem:$0x16600] =	vst v63  }
0x2be: {  	s8 =	sadd.s32 $0x30E0, s28;
	s14 =	simm.s32 $0x12170  }
0x2bf: {  	[hbm4b:s8+s3] =	stream.linear.scatter [tilespmem:s14], [sflag:$0x3], $0x80, $0x38;
	[tilespmem:$0x16600] =	vst v63  }
0x2c0: {  	s30 =	sadd.s32 $0x30F0, s28;
	s31 =	simm.s32 $0x12378  }
0x2c1: {  	[hbm4b:s30+s3] =	stream.linear.scatter [tilespmem:s31], [sflag:$0x3], $0x80, $0x38;
	[tilespmem:$0x16600] =	vst v63  }
0x2c2: {  	s8 =	sadd.s32 $0x3100, s28;
	s14 =	simm.s32 $0x115C0  }
0x2c3: {  	[hbm4b:s8+s3] =	stream.linear.scatter [tilespmem:s14], [sflag:$0x3], $0x80, $0x38;
	[tilespmem:$0x16600] =	vst v63  }
0x2c4: {  	s30 =	sadd.s32 $0x3110, s28;
	s31 =	simm.s32 $0x117C8  }
0x2c5: {  	[hbm4b:s30+s3] =	stream.linear.scatter [tilespmem:s31], [sflag:$0x3], $0x80, $0x38;
	[tilespmem:$0x16600] =	vst v63  }
0x2c6: {  	s8 =	sadd.s32 $0x3120, s28;
	s14 =	simm.s32 $0x119D0  }
0x2c7: {  	[hbm4b:s8+s3] =	stream.linear.scatter [tilespmem:s14], [sflag:$0x3], $0x80, $0x38;
	[tilespmem:$0x16600] =	vst v63  }
0x2c8: {  	s30 =	sadd.s32 $0x3130, s28;
	s31 =	simm.s32 $0x11BD8  }
0x2c9: {  	[hbm4b:s30+s3] =	stream.linear.scatter [tilespmem:s31], [sflag:$0x3], $0x80, $0x38;
	[tilespmem:$0x16600] =	vst v63  }
0x2ca: {  	s8 =	sadd.s32 $0x3140, s28;
	s14 =	simm.s32 $0x11DE0  }
0x2cb: {  	[hbm4b:s8+s3] =	stream.linear.scatter [tilespmem:s14], [sflag:$0x3], $0x80, $0x38;
	[tilespmem:$0x16600] =	vst v63  }
0x2cc: {  	s30 =	sadd.s32 $0x3150, s28;
	s31 =	simm.s32 $0x11FE8  }
0x2cd: {  	[hbm4b:s30+s3] =	stream.linear.scatter [tilespmem:s31], [sflag:$0x3], $0x80, $0x38;
	[tilespmem:$0x16600] =	vst v63  }
0x2ce: {  	s8 =	sadd.s32 $0x3160, s28;
	s14 =	simm.s32 $0x121F0  }
0x2cf: {  	[hbm4b:s8+s3] =	stream.linear.scatter [tilespmem:s14], [sflag:$0x3], $0x80, $0x38;
	[tilespmem:$0x16600] =	vst v63  }
0x2d0: {  	s30 =	sadd.s32 $0x3170, s28;
	s31 =	simm.s32 $0x123F8  }
0x2d1: {  	[hbm4b:s30+s3] =	stream.linear.scatter [tilespmem:s31], [sflag:$0x3], $0x80, $0x38;
	[tilespmem:$0x16600] =	vst v63  }
0x2d2: {  	s8 =	sadd.s32 $0x3180, s28;
	s14 =	simm.s32 $0x11640  }
0x2d3: {  	[hbm4b:s8+s3] =	stream.linear.scatter [tilespmem:s14], [sflag:$0x3], $0x80, $0x38;
	[tilespmem:$0x16600] =	vst v63  }
0x2d4: {  	s30 =	sadd.s32 $0x3190, s28;
	s31 =	simm.s32 $0x11848  }
0x2d5: {  	[hbm4b:s30+s3] =	stream.linear.scatter [tilespmem:s31], [sflag:$0x3], $0x80, $0x38;
	[tilespmem:$0x16600] =	vst v63  }
0x2d6: {  	s8 =	sadd.s32 $0x31A0, s28;
	s14 =	simm.s32 $0x11A50  }
0x2d7: {  	[hbm4b:s8+s3] =	stream.linear.scatter [tilespmem:s14], [sflag:$0x3], $0x80, $0x38;
	[tilespmem:$0x16600] =	vst v63  }
0x2d8: {  	s30 =	sadd.s32 $0x31B0, s28;
	s31 =	simm.s32 $0x11C58  }
0x2d9: {  	[hbm4b:s30+s3] =	stream.linear.scatter [tilespmem:s31], [sflag:$0x3], $0x80, $0x38;
	[tilespmem:$0x16600] =	vst v63  }
0x2da: {  	s8 =	sadd.s32 $0x31C0, s28;
	s14 =	simm.s32 $0x11E60  }
0x2db: {  	[hbm4b:s8+s3] =	stream.linear.scatter [tilespmem:s14], [sflag:$0x3], $0x80, $0x38;
	[tilespmem:$0x16600] =	vst v63  }
0x2dc: {  	p1 =	sne.s32 s26, $0x18;
	s30 =	sadd.s32 $0x31D0, s28;
	s31 =	simm.s32 $0x12068  }
0x2dd: {  	[hbm4b:s30+s3] =	stream.linear.scatter [tilespmem:s31], [sflag:$0x3], $0x80, $0x38;
	[tilespmem:$0x16600] =	vst v63  }
.Ltmp3:
0x2de: {  	_ = 	snop;
	(pc) =	sbr.rel @p1 .LBB2_6-.Ltmp3, $4  }
0x2df: {  	s8 =	sadd.s32 $0x31E0, s28;
	s14 =	simm.s32 $0x12270  }
0x2e0: {  	[hbm4b:s8+s3] =	stream.linear.scatter [tilespmem:s14], [sflag:$0x3], $0x80, $0x38;
	[tilespmem:$0x16600] =	vst v63  }
0x2e1: {  	s30 =	sadd.s32 $0x31F0, s28;
	s31 =	simm.s32 $0x12478  }
0x2e2: {  	[hbm4b:s30+s3] =	stream.linear.scatter [tilespmem:s31], [sflag:$0x3], $0x80, $0x38;
	[tilespmem:$0x16600] =	vst v63  }
.Ltmp4:
0x2e3: {  	(pc) =	sbr.rel .LBB2_7-.Ltmp4, $4  }
0x2e4: {  	_ = 	snop  }
0x2e5: {  	_ =	swait.ge [sflag:s1], $0x4000  }
0x2e6: {  	[sflag:s1] =	ssyncset.done $0x0  }
0x2e7: {  	[sflag:s1] =	ssyncadd.s32 $0xFFFFC000  }
.LBB2_6:
0x2e8: {  	s7 =	sshll.u32 s26, $0xC  }
0x2e9: {  	s7 =	sshra.s32 s7, $0x2  }
.Ltmp5:
0x2ea: {  	s7 =	sadd.s32 $0x400, s7;
	(pc) =	sbr.rel @p0 .LBB2_8-.Ltmp5, $4  }
0x2eb: {  	[tilespmem:s10], [sflag:$0x1] =	stream.indirect.gather [hbm4b:s4+s9], $0x20, s7, s9, $0xb8;
	[tilespmem:$0x16600] =	vst v63  }
0x2ec: {  	_ =	swait.ge [sflag:s1], $0x4000  }
0x2ed: {  	[sflag:s1] =	ssyncset.done $0x0  }
0x2ee: {  	[sflag:s1] =	ssyncadd.s32 $0xFFFFC000  }
.LBB2_7:
0x2ef: {  	_ =	swait.ge [sflag:s0], $0x400  }
0x2f0: {  	[sflag:s0] =	ssyncset.done $0x0  }
0x2f1: {  	[sflag:s0] =	ssyncadd.s32 $0xFFFFFC00  }
0x2f2: {  	_ =	swait.ge [sflag:s0], $0x400  }
0x2f3: {  	[sflag:s0] =	ssyncset.done $0x0  }
0x2f4: {  	[sflag:s0] =	ssyncadd.s32 $0xFFFFFC00  }
0x2f5: {  	_ =	swait.ge [sflag:s0], $0x400  }
0x2f6: {  	[sflag:s0] =	ssyncset.done $0x0  }
0x2f7: {  	[sflag:s0] =	ssyncadd.s32 $0xFFFFFC00  }
0x2f8: {  	_ =	swait.ge [sflag:s0], $0x400  }
0x2f9: {  	[sflag:s0] =	ssyncset.done $0x0  }
0x2fa: {  	[sflag:s0] =	ssyncadd.s32 $0xFFFFFC00  }
0x2fb: {  	_ =	swait.ge [sflag:s0], $0x400  }
0x2fc: {  	[sflag:s0] =	ssyncset.done $0x0  }
0x2fd: {  	[sflag:s0] =	ssyncadd.s32 $0xFFFFFC00  }
0x2fe: {  	_ =	swait.ge [sflag:s0], $0x400  }
0x2ff: {  	[sflag:s0] =	ssyncset.done $0x0  }
0x300: {  	[sflag:s0] =	ssyncadd.s32 $0xFFFFFC00  }
0x301: {  	_ =	swait.ge [sflag:s0], $0x400  }
0x302: {  	[sflag:s0] =	ssyncset.done $0x0  }
0x303: {  	[sflag:s0] =	ssyncadd.s32 $0xFFFFFC00  }
0x304: {  	_ =	swait.ge [sflag:s0], $0x400  }
0x305: {  	[sflag:s0] =	ssyncset.done $0x0  }
0x306: {  	[sflag:s0] =	ssyncadd.s32 $0xFFFFFC00  }
0x307: {  	_ =	swait.ge [sflag:s0], $0x400  }
0x308: {  	[sflag:s0] =	ssyncset.done $0x0  }
0x309: {  	[sflag:s0] =	ssyncadd.s32 $0xFFFFFC00  }
0x30a: {  	_ =	swait.ge [sflag:s0], $0x400  }
0x30b: {  	[sflag:s0] =	ssyncset.done $0x0  }
0x30c: {  	[sflag:s0] =	ssyncadd.s32 $0xFFFFFC00  }
0x30d: {  	_ =	swait.ge [sflag:s0], $0x400  }
0x30e: {  	[sflag:s0] =	ssyncset.done $0x0  }
0x30f: {  	[sflag:s0] =	ssyncadd.s32 $0xFFFFFC00  }
0x310: {  	_ =	swait.ge [sflag:s0], $0x400  }
0x311: {  	[sflag:s0] =	ssyncset.done $0x0  }
0x312: {  	[sflag:s0] =	ssyncadd.s32 $0xFFFFFC00  }
0x313: {  	_ =	swait.ge [sflag:s0], $0x400  }
0x314: {  	[sflag:s0] =	ssyncset.done $0x0  }
0x315: {  	[sflag:s0] =	ssyncadd.s32 $0xFFFFFC00  }
0x316: {  	_ =	swait.ge [sflag:s0], $0x400  }
0x317: {  	[sflag:s0] =	ssyncset.done $0x0  }
0x318: {  	[sflag:s0] =	ssyncadd.s32 $0xFFFFFC00  }
0x319: {  	_ =	swait.ge [sflag:s0], $0x400  }
0x31a: {  	[sflag:s0] =	ssyncset.done $0x0  }
0x31b: {  	[sflag:s0] =	ssyncadd.s32 $0xFFFFFC00  }
0x31c: {  	_ =	swait.ge [sflag:s0], $0x400  }
0x31d: {  	[sflag:s0] =	ssyncset.done $0x0  }
0x31e: {  	[sflag:s0] =	ssyncadd.s32 $0xFFFFFC00  }
.LBB2_8:
0x31f: {  	s7 =	simm.s32 $0x0  }
0x320: {  	v18 =	vmov s7  }
0x321: {  	v18 =	vshll.u32 v18, $0x5  }
0x322: {  	v19 =	vor.u32 v0, v18  }
0x323: {  	v18 =	vor.u32 v2, v18;
	_ =	sdelay $0x2  }
0x324: {  	s8 =	simm.s32 $0x1  }
0x325: {  	v20 =	vadd.s32 s7, v1;
	v21 =	vmov s8;
	v19 =	vld.idx.msk [tilespmem:v19+s11+$0x0], $0xffff  }
0x326: {  	v22 =	vadd.s32 s7, v3;
	v23 =	vshll.u32 v21, $0x5;
	v18 =	vld.idx.msk [tilespmem:v18+s11+$0x0], $0xffff  }
0x327: {  	v24 =	vor.u32 v0, v23  }
0x328: {  	v23 =	vor.u32 v2, v23;
	_ =	sdelay $0x1  }
0x329: {  	[tilespmem:v20+s6+$0x0] =	vst.idx.msk $0xffff, v19  }
0x32a: {  	s14 =	simm.s32 $0x2;
	v19 =	vand.u32 $0x1F0, v21;
	[tilespmem:v22+s6+$0x0] =	vst.idx.msk $0xffff, v18  }
0x32b: {  	v21 =	vmov s14;
	v20 =	vadd.s32 v4, v19;
	v18 =	vld.idx.msk [tilespmem:v24+s11+$0x0], $0xffff  }
0x32c: {  	v19 =	vadd.s32 v5, v19;
	v22 =	vld.idx.msk [tilespmem:v23+s11+$0x0], $0xffff;
	v23 =	vshll.u32 v21, $0x5  }
0x32d: {  	v51 =	vor.u32 v0, v23  }
0x32e: {  	v23 =	vor.u32 v2, v23;
	_ =	sdelay $0x1  }
0x32f: {  	[tilespmem:v20+s6+$0x0] =	vst.idx.msk $0xffff, v18  }
0x330: {  	s8 =	simm.s32 $0x3;
	v18 =	vand.u32 $0x1F0, v21;
	[tilespmem:v19+s6+$0x0] =	vst.idx.msk $0xffff, v22  }
0x331: {  	v21 =	vmov s8;
	v20 =	vadd.s32 v6, v18;
	v19 =	vld.idx.msk [tilespmem:v51+s11+$0x0], $0xffff  }
0x332: {  	v18 =	vadd.s32 v7, v18;
	v22 =	vld.idx.msk [tilespmem:v23+s11+$0x0], $0xffff;
	v23 =	vshll.u32 v21, $0x5  }
0x333: {  	v52 =	vor.u32 v0, v23  }
0x334: {  	v23 =	vor.u32 v2, v23;
	_ =	sdelay $0x1  }
0x335: {  	[tilespmem:v20+s6+$0x0] =	vst.idx.msk $0xffff, v19  }
0x336: {  	s14 =	simm.s32 $0x4;
	v19 =	vand.u32 $0x1F0, v21;
	[tilespmem:v18+s6+$0x0] =	vst.idx.msk $0xffff, v22  }
0x337: {  	v21 =	vmov s14;
	v20 =	vadd.s32 v8, v19;
	v18 =	vld.idx.msk [tilespmem:v52+s11+$0x0], $0xffff  }
0x338: {  	v19 =	vadd.s32 v9, v19;
	v22 =	vld.idx.msk [tilespmem:v23+s11+$0x0], $0xffff;
	v23 =	vshll.u32 v21, $0x5  }
0x339: {  	v53 =	vor.u32 v0, v23  }
0x33a: {  	v23 =	vor.u32 v2, v23;
	_ =	sdelay $0x1  }
0x33b: {  	[tilespmem:v20+s6+$0x0] =	vst.idx.msk $0xffff, v18  }
0x33c: {  	s8 =	simm.s32 $0x5;
	v18 =	vand.u32 $0x1F0, v21;
	[tilespmem:v19+s6+$0x0] =	vst.idx.msk $0xffff, v22  }
0x33d: {  	v21 =	vmov s8;
	v20 =	vadd.s32 v10, v18;
	v19 =	vld.idx.msk [tilespmem:v53+s11+$0x0], $0xffff  }
0x33e: {  	v18 =	vadd.s32 v11, v18;
	v22 =	vld.idx.msk [tilespmem:v23+s11+$0x0], $0xffff;
	v23 =	vshll.u32 v21, $0x5  }
0x33f: {  	v54 =	vor.u32 v0, v23  }
0x340: {  	v23 =	vor.u32 v2, v23;
	_ =	sdelay $0x1  }
0x341: {  	[tilespmem:v20+s6+$0x0] =	vst.idx.msk $0xffff, v19  }
0x342: {  	s14 =	simm.s32 $0x6;
	v19 =	vand.u32 $0x1F0, v21;
	[tilespmem:v18+s6+$0x0] =	vst.idx.msk $0xffff, v22  }
0x343: {  	v21 =	vmov s14;
	v20 =	vadd.s32 v12, v19;
	v18 =	vld.idx.msk [tilespmem:v54+s11+$0x0], $0xffff  }
0x344: {  	v19 =	vadd.s32 v13, v19;
	v22 =	vld.idx.msk [tilespmem:v23+s11+$0x0], $0xffff;
	v23 =	vshll.u32 v21, $0x5  }
0x345: {  	v55 =	vor.u32 v0, v23  }
0x346: {  	v23 =	vor.u32 v2, v23;
	_ =	sdelay $0x1  }
0x347: {  	[tilespmem:v20+s6+$0x0] =	vst.idx.msk $0xffff, v18  }
0x348: {  	s8 =	simm.s32 $0x7;
	v18 =	vand.u32 $0x1F0, v21;
	[tilespmem:v19+s6+$0x0] =	vst.idx.msk $0xffff, v22  }
0x349: {  	v21 =	vmov s8;
	v20 =	vadd.s32 v14, v18;
	v19 =	vld.idx.msk [tilespmem:v55+s11+$0x0], $0xffff  }
0x34a: {  	v18 =	vadd.s32 v15, v18;
	v22 =	vld.idx.msk [tilespmem:v23+s11+$0x0], $0xffff;
	v23 =	vshll.u32 v21, $0x5  }
0x34b: {  	v56 =	vor.u32 v0, v23  }
0x34c: {  	v23 =	vor.u32 v2, v23;
	_ =	sdelay $0x1  }
0x34d: {  	[tilespmem:v20+s6+$0x0] =	vst.idx.msk $0xffff, v19  }
0x34e: {  	s7 =	simm.s32 $0x8;
	v19 =	vand.u32 $0x1F0, v21;
	[tilespmem:v18+s6+$0x0] =	vst.idx.msk $0xffff, v22  }
0x34f: {  	v21 =	vmov s7;
	v20 =	vadd.s32 v16, v19;
	v18 =	vld.idx.msk [tilespmem:v56+s11+$0x0], $0xffff  }
0x350: {  	v19 =	vadd.s32 v17, v19;
	v21 =	vshll.u32 v21, $0x5;
	v22 =	vld.idx.msk [tilespmem:v23+s11+$0x0], $0xffff  }
0x351: {  	v23 =	vor.u32 v0, v21  }
0x352: {  	v21 =	vor.u32 v2, v21;
	_ =	sdelay $0x1  }
0x353: {  	[tilespmem:v20+s6+$0x0] =	vst.idx.msk $0xffff, v18  }
0x354: {  	s14 =	simm.s32 $0x9;
	[tilespmem:v19+s6+$0x0] =	vst.idx.msk $0xffff, v22  }
0x355: {  	v20 =	vmov s14;
	v19 =	vadd.s32 s7, v1;
	v18 =	vld.idx.msk [tilespmem:v23+s11+$0x0], $0xffff  }
0x356: {  	v22 =	vadd.s32 s7, v3;
	v21 =	vld.idx.msk [tilespmem:v21+s11+$0x0], $0xffff;
	v23 =	vshll.u32 v20, $0x5  }
0x357: {  	v57 =	vor.u32 v0, v23  }
0x358: {  	v23 =	vor.u32 v2, v23;
	_ =	sdelay $0x1  }
0x359: {  	[tilespmem:v19+s6+$0x0] =	vst.idx.msk $0xffff, v18  }
0x35a: {  	s8 =	simm.s32 $0xA;
	v18 =	vand.u32 $0x1F8, v20;
	[tilespmem:v22+s6+$0x0] =	vst.idx.msk $0xffff, v21  }
0x35b: {  	v20 =	vadd.s32 v4, v18;
	v21 =	vmov s8;
	v19 =	vld.idx.msk [tilespmem:v57+s11+$0x0], $0xffff  }
0x35c: {  	v18 =	vadd.s32 v5, v18;
	v22 =	vld.idx.msk [tilespmem:v23+s11+$0x0], $0xffff;
	v23 =	vshll.u32 v21, $0x5  }
0x35d: {  	v58 =	vor.u32 v0, v23  }
0x35e: {  	v23 =	vor.u32 v2, v23;
	_ =	sdelay $0x1  }
0x35f: {  	[tilespmem:v20+s6+$0x0] =	vst.idx.msk $0xffff, v19  }
0x360: {  	s14 =	simm.s32 $0xB;
	v19 =	vand.u32 $0x1F8, v21;
	[tilespmem:v18+s6+$0x0] =	vst.idx.msk $0xffff, v22  }
0x361: {  	v21 =	vmov s14;
	v20 =	vadd.s32 v6, v19;
	v18 =	vld.idx.msk [tilespmem:v58+s11+$0x0], $0xffff  }
0x362: {  	v19 =	vadd.s32 v7, v19;
	v22 =	vld.idx.msk [tilespmem:v23+s11+$0x0], $0xffff;
	v23 =	vshll.u32 v21, $0x5  }
0x363: {  	v59 =	vor.u32 v0, v23  }
0x364: {  	v23 =	vor.u32 v2, v23;
	_ =	sdelay $0x1  }
0x365: {  	[tilespmem:v20+s6+$0x0] =	vst.idx.msk $0xffff, v18  }
0x366: {  	s8 =	simm.s32 $0xC;
	v18 =	vand.u32 $0x1F8, v21;
	[tilespmem:v19+s6+$0x0] =	vst.idx.msk $0xffff, v22  }
0x367: {  	v21 =	vmov s8;
	v20 =	vadd.s32 v8, v18;
	v19 =	vld.idx.msk [tilespmem:v59+s11+$0x0], $0xffff  }
0x368: {  	v18 =	vadd.s32 v9, v18;
	v22 =	vld.idx.msk [tilespmem:v23+s11+$0x0], $0xffff;
	v23 =	vshll.u32 v21, $0x5  }
0x369: {  	v60 =	vor.u32 v0, v23  }
0x36a: {  	v23 =	vor.u32 v2, v23;
	_ =	sdelay $0x1  }
0x36b: {  	[tilespmem:v20+s6+$0x0] =	vst.idx.msk $0xffff, v19  }
0x36c: {  	s14 =	simm.s32 $0xD;
	v19 =	vand.u32 $0x1F8, v21;
	[tilespmem:v18+s6+$0x0] =	vst.idx.msk $0xffff, v22  }
0x36d: {  	v21 =	vmov s14;
	v20 =	vadd.s32 v10, v19;
	v18 =	vld.idx.msk [tilespmem:v60+s11+$0x0], $0xffff  }
0x36e: {  	v19 =	vadd.s32 v11, v19;
	v22 =	vld.idx.msk [tilespmem:v23+s11+$0x0], $0xffff;
	v23 =	vshll.u32 v21, $0x5  }
0x36f: {  	v61 =	vor.u32 v0, v23  }
0x370: {  	v23 =	vor.u32 v2, v23;
	_ =	sdelay $0x1  }
0x371: {  	[tilespmem:v20+s6+$0x0] =	vst.idx.msk $0xffff, v18  }
0x372: {  	s8 =	simm.s32 $0xE;
	v18 =	vand.u32 $0x1F8, v21;
	[tilespmem:v19+s6+$0x0] =	vst.idx.msk $0xffff, v22  }
0x373: {  	v21 =	vmov s8;
	v20 =	vadd.s32 v12, v18;
	v19 =	vld.idx.msk [tilespmem:v61+s11+$0x0], $0xffff  }
0x374: {  	v18 =	vadd.s32 v13, v18;
	v22 =	vld.idx.msk [tilespmem:v23+s11+$0x0], $0xffff;
	v23 =	vshll.u32 v21, $0x5  }
0x375: {  	v62 =	vor.u32 v0, v23;
	_ =	sdelay $0x2  }
0x376: {  	v23 =	vor.u32 v2, v23;
	[tilespmem:v20+s6+$0x0] =	vst.idx.msk $0xffff, v19  }
0x377: {  	v19 =	vand.u32 $0x1F8, v21;
	[tilespmem:v18+s6+$0x0] =	vst.idx.msk $0xffff, v22  }
0x378: {  	v20 =	vadd.s32 v14, v19;
	v18 =	vld.idx.msk [tilespmem:v62+s11+$0x0], $0xffff  }
0x379: {  	s14 =	simm.s32 $0xF  }
0x37a: {  	v21 =	vmov s14  }
0x37b: {  	v19 =	vadd.s32 v15, v19;
	v22 =	vld.idx.msk [tilespmem:v23+s11+$0x0], $0xffff;
	v23 =	vshll.u32 v21, $0x5  }
0x37c: {  	v63 =	vor.u32 v0, v23  }
0x37d: {  	[tilespmem:v20+s6+$0x0] =	vst.idx.msk $0xffff, v18;
	v18 =	vor.u32 v2, v23;
	_ =	sdelay $0x2  }
0x37e: {  	s8 =	simm.s32 $0x10;
	v20 =	vand.u32 $0x1F8, v21;
	[tilespmem:v19+s6+$0x0] =	vst.idx.msk $0xffff, v22  }
0x37f: {  	v23 =	vadd.s32 v16, v20;
	v19 =	vmov s8;
	v22 =	vld.idx.msk [tilespmem:v63+s11+$0x0], $0xffff  }
0x380: {  	v21 =	vadd.s32 v17, v20;
	v19 =	vshll.u32 v19, $0x5;
	v18 =	vld.idx.msk [tilespmem:v18+s11+$0x0], $0xffff  }
0x381: {  	v20 =	vor.u32 v0, v19  }
0x382: {  	v19 =	vor.u32 v2, v19;
	_ =	sdelay $0x1  }
0x383: {  	s30 =	simm.s32 $0x1F;
	s31 =	simm.s32 $0x2F;
	[tilespmem:v23+s6+$0x0] =	vst.idx.msk $0xffff, v22  }
.LBB2_9:
0x384: {  	p0 =	sne.s32 s31, $0x1FF;
	[tilespmem:v21+s6+$0x0] =	vst.idx.msk $0xffff, v18;
	s7 =	smov.u32 s31;
	s31 =	sadd.s32 $0x10, s31  }
0x385: {  	s14 =	sadd.s32 $0xFFFFFFF2, s30;
	v18 =	vld.idx.msk [tilespmem:v20+s11+$0x0], $0xffff  }
0x386: {  	v20 =	vadd.s32 s8, v1;
	v21 =	vmov s14;
	v19 =	vld.idx.msk [tilespmem:v19+s11+$0x0], $0xffff  }
0x387: {  	v22 =	vadd.s32 s8, v3;
	v23 =	vshll.u32 v21, $0x5;
	v21 =	vand.u32 $0x1F0, v21  }
0x388: {  	v24 =	vor.u32 v0, v23  }
0x389: {  	v23 =	vor.u32 v2, v23;
	_ =	sdelay $0x1  }
0x38a: {  	[tilespmem:v20+s6+$0x0] =	vst.idx.msk $0xffff, v18  }
0x38b: {  	[tilespmem:v22+s6+$0x0] =	vst.idx.msk $0xffff, v19  }
0x38c: {  	s8 =	sadd.s32 $0xFFFFFFF3, s30;
	v18 =	vld.idx.msk [tilespmem:v24+s11+$0x0], $0xffff  }
0x38d: {  	v20 =	vadd.s32 v4, v21;
	v22 =	vmov s8;
	v19 =	vld.idx.msk [tilespmem:v23+s11+$0x0], $0xffff  }
0x38e: {  	v21 =	vadd.s32 v5, v21;
	v23 =	vshll.u32 v22, $0x5;
	v22 =	vand.u32 $0x1F0, v22  }
0x38f: {  	v24 =	vor.u32 v0, v23  }
0x390: {  	v23 =	vor.u32 v2, v23;
	_ =	sdelay $0x1  }
0x391: {  	[tilespmem:v20+s6+$0x0] =	vst.idx.msk $0xffff, v18  }
0x392: {  	[tilespmem:v21+s6+$0x0] =	vst.idx.msk $0xffff, v19  }
0x393: {  	s8 =	sadd.s32 $0xFFFFFFF4, s30;
	v18 =	vld.idx.msk [tilespmem:v24+s11+$0x0], $0xffff  }
0x394: {  	v20 =	vadd.s32 v6, v22;
	v21 =	vmov s8;
	v19 =	vld.idx.msk [tilespmem:v23+s11+$0x0], $0xffff  }
0x395: {  	v22 =	vadd.s32 v7, v22;
	v23 =	vshll.u32 v21, $0x5;
	v21 =	vand.u32 $0x1F0, v21  }
0x396: {  	v24 =	vor.u32 v0, v23  }
0x397: {  	v23 =	vor.u32 v2, v23;
	_ =	sdelay $0x1  }
0x398: {  	[tilespmem:v20+s6+$0x0] =	vst.idx.msk $0xffff, v18  }
0x399: {  	[tilespmem:v22+s6+$0x0] =	vst.idx.msk $0xffff, v19  }
0x39a: {  	s8 =	sadd.s32 $0xFFFFFFF5, s30;
	v18 =	vld.idx.msk [tilespmem:v24+s11+$0x0], $0xffff  }
0x39b: {  	v20 =	vadd.s32 v8, v21;
	v22 =	vmov s8;
	v19 =	vld.idx.msk [tilespmem:v23+s11+$0x0], $0xffff  }
0x39c: {  	v21 =	vadd.s32 v9, v21;
	v23 =	vshll.u32 v22, $0x5;
	v22 =	vand.u32 $0x1F0, v22  }
0x39d: {  	v24 =	vor.u32 v0, v23  }
0x39e: {  	v23 =	vor.u32 v2, v23;
	_ =	sdelay $0x1  }
0x39f: {  	[tilespmem:v20+s6+$0x0] =	vst.idx.msk $0xffff, v18  }
0x3a0: {  	[tilespmem:v21+s6+$0x0] =	vst.idx.msk $0xffff, v19  }
0x3a1: {  	s8 =	sadd.s32 $0xFFFFFFF6, s30;
	v18 =	vld.idx.msk [tilespmem:v24+s11+$0x0], $0xffff  }
0x3a2: {  	v20 =	vadd.s32 v10, v22;
	v21 =	vmov s8;
	v19 =	vld.idx.msk [tilespmem:v23+s11+$0x0], $0xffff  }
0x3a3: {  	v22 =	vadd.s32 v11, v22;
	v23 =	vshll.u32 v21, $0x5;
	v21 =	vand.u32 $0x1F0, v21  }
0x3a4: {  	v24 =	vor.u32 v0, v23  }
0x3a5: {  	v23 =	vor.u32 v2, v23;
	_ =	sdelay $0x1  }
0x3a6: {  	[tilespmem:v20+s6+$0x0] =	vst.idx.msk $0xffff, v18  }
0x3a7: {  	[tilespmem:v22+s6+$0x0] =	vst.idx.msk $0xffff, v19  }
0x3a8: {  	s8 =	sadd.s32 $0xFFFFFFF7, s30;
	v18 =	vld.idx.msk [tilespmem:v24+s11+$0x0], $0xffff  }
0x3a9: {  	v20 =	vadd.s32 v12, v21;
	v22 =	vmov s8;
	v19 =	vld.idx.msk [tilespmem:v23+s11+$0x0], $0xffff  }
0x3aa: {  	v21 =	vadd.s32 v13, v21;
	v23 =	vshll.u32 v22, $0x5;
	v22 =	vand.u32 $0x1F0, v22  }
0x3ab: {  	v24 =	vor.u32 v0, v23  }
0x3ac: {  	v23 =	vor.u32 v2, v23;
	_ =	sdelay $0x1  }
0x3ad: {  	[tilespmem:v20+s6+$0x0] =	vst.idx.msk $0xffff, v18  }
0x3ae: {  	[tilespmem:v21+s6+$0x0] =	vst.idx.msk $0xffff, v19  }
0x3af: {  	s8 =	sadd.s32 $0xFFFFFFF8, s30;
	v18 =	vld.idx.msk [tilespmem:v24+s11+$0x0], $0xffff  }
0x3b0: {  	v20 =	vadd.s32 v14, v22;
	v21 =	vmov s8;
	v19 =	vld.idx.msk [tilespmem:v23+s11+$0x0], $0xffff  }
0x3b1: {  	v22 =	vadd.s32 v15, v22;
	v23 =	vshll.u32 v21, $0x5;
	v21 =	vand.u32 $0x1F0, v21  }
0x3b2: {  	v24 =	vor.u32 v0, v23  }
0x3b3: {  	v23 =	vor.u32 v2, v23;
	_ =	sdelay $0x1  }
0x3b4: {  	[tilespmem:v20+s6+$0x0] =	vst.idx.msk $0xffff, v18  }
0x3b5: {  	[tilespmem:v22+s6+$0x0] =	vst.idx.msk $0xffff, v19  }
0x3b6: {  	s8 =	sadd.s32 $0xFFFFFFF9, s30;
	v18 =	vld.idx.msk [tilespmem:v24+s11+$0x0], $0xffff  }
0x3b7: {  	v20 =	vadd.s32 v16, v21;
	v22 =	vmov s8;
	v19 =	vld.idx.msk [tilespmem:v23+s11+$0x0], $0xffff  }
0x3b8: {  	v21 =	vadd.s32 v17, v21;
	v22 =	vshll.u32 v22, $0x5  }
0x3b9: {  	v23 =	vor.u32 v0, v22  }
0x3ba: {  	v22 =	vor.u32 v2, v22;
	_ =	sdelay $0x1  }
0x3bb: {  	[tilespmem:v20+s6+$0x0] =	vst.idx.msk $0xffff, v18  }
0x3bc: {  	[tilespmem:v21+s6+$0x0] =	vst.idx.msk $0xffff, v19  }
0x3bd: {  	s14 =	sadd.s32 $0xFFFFFFFA, s30;
	v18 =	vld.idx.msk [tilespmem:v23+s11+$0x0], $0xffff  }
0x3be: {  	v20 =	vadd.s32 s8, v1;
	v21 =	vmov s14;
	v19 =	vld.idx.msk [tilespmem:v22+s11+$0x0], $0xffff  }
0x3bf: {  	v23 =	vshll.u32 v21, $0x5;
	v22 =	vadd.s32 s8, v3  }
0x3c0: {  	v24 =	vor.u32 v0, v23  }
0x3c1: {  	v23 =	vor.u32 v2, v23;
	_ =	sdelay $0x1  }
0x3c2: {  	[tilespmem:v20+s6+$0x0] =	vst.idx.msk $0xffff, v18  }
0x3c3: {  	[tilespmem:v22+s6+$0x0] =	vst.idx.msk $0xffff, v19  }
0x3c4: {  	s8 =	sadd.s32 $0xFFFFFFFB, s30;
	v19 =	vand.u32 $0x1F8, v21;
	v18 =	vld.idx.msk [tilespmem:v24+s11+$0x0], $0xffff  }
0x3c5: {  	v22 =	vmov s8;
	v21 =	vadd.s32 v4, v19;
	v20 =	vld.idx.msk [tilespmem:v23+s11+$0x0], $0xffff  }
0x3c6: {  	v19 =	vadd.s32 v5, v19;
	v23 =	vshll.u32 v22, $0x5;
	v22 =	vand.u32 $0x1F8, v22  }
0x3c7: {  	v24 =	vor.u32 v0, v23  }
0x3c8: {  	v23 =	vor.u32 v2, v23;
	_ =	sdelay $0x1  }
0x3c9: {  	[tilespmem:v21+s6+$0x0] =	vst.idx.msk $0xffff, v18  }
0x3ca: {  	[tilespmem:v19+s6+$0x0] =	vst.idx.msk $0xffff, v20  }
0x3cb: {  	s8 =	sadd.s32 $0xFFFFFFFC, s30;
	v18 =	vld.idx.msk [tilespmem:v24+s11+$0x0], $0xffff  }
0x3cc: {  	v21 =	vmov s8;
	v20 =	vadd.s32 v6, v22;
	v19 =	vld.idx.msk [tilespmem:v23+s11+$0x0], $0xffff  }
0x3cd: {  	v22 =	vadd.s32 v7, v22;
	v23 =	vshll.u32 v21, $0x5;
	v21 =	vand.u32 $0x1F8, v21  }
0x3ce: {  	v24 =	vor.u32 v0, v23  }
0x3cf: {  	v23 =	vor.u32 v2, v23;
	_ =	sdelay $0x1  }
0x3d0: {  	[tilespmem:v20+s6+$0x0] =	vst.idx.msk $0xffff, v18  }
0x3d1: {  	[tilespmem:v22+s6+$0x0] =	vst.idx.msk $0xffff, v19  }
0x3d2: {  	s8 =	sadd.s32 $0xFFFFFFFD, s30;
	v18 =	vld.idx.msk [tilespmem:v24+s11+$0x0], $0xffff  }
0x3d3: {  	v20 =	vadd.s32 v8, v21;
	v22 =	vmov s8;
	v19 =	vld.idx.msk [tilespmem:v23+s11+$0x0], $0xffff  }
0x3d4: {  	v21 =	vadd.s32 v9, v21;
	v23 =	vshll.u32 v22, $0x5;
	v22 =	vand.u32 $0x1F8, v22  }
0x3d5: {  	v24 =	vor.u32 v0, v23  }
0x3d6: {  	v23 =	vor.u32 v2, v23;
	_ =	sdelay $0x1  }
0x3d7: {  	[tilespmem:v20+s6+$0x0] =	vst.idx.msk $0xffff, v18  }
0x3d8: {  	[tilespmem:v21+s6+$0x0] =	vst.idx.msk $0xffff, v19  }
0x3d9: {  	s8 =	sadd.s32 $0xFFFFFFFE, s30;
	v18 =	vld.idx.msk [tilespmem:v24+s11+$0x0], $0xffff  }
0x3da: {  	v20 =	vadd.s32 v10, v22;
	v21 =	vmov s8;
	v19 =	vld.idx.msk [tilespmem:v23+s11+$0x0], $0xffff  }
0x3db: {  	v22 =	vadd.s32 v11, v22;
	v23 =	vshll.u32 v21, $0x5;
	v21 =	vand.u32 $0x1F8, v21  }
0x3dc: {  	v24 =	vor.u32 v0, v23  }
0x3dd: {  	v23 =	vor.u32 v2, v23;
	_ =	sdelay $0x1  }
0x3de: {  	[tilespmem:v20+s6+$0x0] =	vst.idx.msk $0xffff, v18  }
0x3df: {  	[tilespmem:v22+s6+$0x0] =	vst.idx.msk $0xffff, v19  }
0x3e0: {  	s8 =	sadd.s32 $0xFFFFFFFF, s30;
	v18 =	vld.idx.msk [tilespmem:v24+s11+$0x0], $0xffff  }
0x3e1: {  	v20 =	vadd.s32 v12, v21;
	v22 =	vmov s8;
	v19 =	vld.idx.msk [tilespmem:v23+s11+$0x0], $0xffff  }
0x3e2: {  	v21 =	vadd.s32 v13, v21;
	v23 =	vshll.u32 v22, $0x5;
	v22 =	vand.u32 $0x1F8, v22  }
0x3e3: {  	v24 =	vor.u32 v0, v23  }
0x3e4: {  	v23 =	vor.u32 v2, v23;
	_ =	sdelay $0x1  }
0x3e5: {  	[tilespmem:v20+s6+$0x0] =	vst.idx.msk $0xffff, v18  }
0x3e6: {  	[tilespmem:v21+s6+$0x0] =	vst.idx.msk $0xffff, v19  }
0x3e7: {  	v18 =	vld.idx.msk [tilespmem:v24+s11+$0x0], $0xffff  }
0x3e8: {  	v20 =	vadd.s32 v14, v22;
	v21 =	vmov s30;
	s30 =	smov.u32 s7;
	v19 =	vld.idx.msk [tilespmem:v23+s11+$0x0], $0xffff  }
0x3e9: {  	v22 =	vadd.s32 v15, v22;
	v23 =	vshll.u32 v21, $0x5;
	v21 =	vand.u32 $0x1F8, v21  }
0x3ea: {  	v24 =	vor.u32 v0, v23  }
0x3eb: {  	v23 =	vor.u32 v2, v23;
	_ =	sdelay $0x1  }
0x3ec: {  	[tilespmem:v20+s6+$0x0] =	vst.idx.msk $0xffff, v18  }
0x3ed: {  	[tilespmem:v22+s6+$0x0] =	vst.idx.msk $0xffff, v19  }
0x3ee: {  	s8 =	sadd.s32 $0xFFFFFFF1, s30;
	v22 =	vld.idx.msk [tilespmem:v24+s11+$0x0], $0xffff  }
0x3ef: {  	v19 =	vmov s8;
	v18 =	vld.idx.msk [tilespmem:v23+s11+$0x0], $0xffff;
	v23 =	vadd.s32 v16, v21  }
.Ltmp6:
0x3f0: {  	v19 =	vshll.u32 v19, $0x5;
	v21 =	vadd.s32 v17, v21;
	(pc) =	sbr.rel @p0 .LBB2_9-.Ltmp6, $2  }
0x3f1: {  	v20 =	vor.u32 v0, v19;
	v19 =	vor.u32 v2, v19;
	_ =	sdelay $0x2  }
0x3f2: {  	[tilespmem:v23+s6+$0x0] =	vst.idx.msk $0xffff, v22  }
0x3f3: {  	_ =	sdelay $0x3  }
0x3f4: {  	[tilespmem:v21+s6+$0x0] =	vst.idx.msk $0xffff, v18;
	s7 =	sadd.s32 $0xFFFFFFF2, s30  }
0x3f5: {  	v43 =	vadd.s32 s8, v1;
	v18 =	vld.idx.msk [tilespmem:v20+s11+$0x0], $0xffff;
	v44 =	vmov s7  }
0x3f6: {  	v22 =	vadd.s32 s8, v3;
	v19 =	vld.idx.msk [tilespmem:v19+s11+$0x0], $0xffff;
	v23 =	vshll.u32 v44, $0x5  }
0x3f7: {  	v24 =	vor.u32 v0, v23  }
0x3f8: {  	v23 =	vor.u32 v2, v23;
	_ =	sdelay $0x1  }
0x3f9: {  	[tilespmem:v43+s6+$0x0] =	vst.idx.msk $0xffff, v18  }
0x3fa: {  	s31 =	sadd.s32 $0xFFFFFFF3, s30;
	v18 =	vand.u32 $0x1F0, v44;
	[tilespmem:v22+s6+$0x0] =	vst.idx.msk $0xffff, v19  }
0x3fb: {  	v46 =	vmov s31;
	v45 =	vadd.s32 v4, v18;
	v19 =	vld.idx.msk [tilespmem:v24+s11+$0x0], $0xffff  }
0x3fc: {  	v47 =	vshll.u32 v46, $0x5;
	v18 =	vadd.s32 v5, v18;
	v22 =	vld.idx.msk [tilespmem:v23+s11+$0x0], $0xffff  }
0x3fd: {  	v48 =	vor.u32 v0, v47  }
0x3fe: {  	v23 =	vor.u32 v2, v47;
	_ =	sdelay $0x1  }
0x3ff: {  	[tilespmem:v45+s6+$0x0] =	vst.idx.msk $0xffff, v19  }
0x400: {  	s8 =	sadd.s32 $0xFFFFFFF4, s30;
	v19 =	vand.u32 $0x1F0, v46;
	[tilespmem:v18+s6+$0x0] =	vst.idx.msk $0xffff, v22  }
0x401: {  	v50 =	vmov s8;
	v49 =	vadd.s32 v6, v19;
	v18 =	vld.idx.msk [tilespmem:v48+s11+$0x0], $0xffff  }
0x402: {  	v51 =	vshll.u32 v50, $0x5;
	v19 =	vadd.s32 v7, v19;
	v22 =	vld.idx.msk [tilespmem:v23+s11+$0x0], $0xffff  }
0x403: {  	v52 =	vor.u32 v0, v51  }
0x404: {  	v23 =	vor.u32 v2, v51;
	_ =	sdelay $0x1  }
0x405: {  	[tilespmem:v49+s6+$0x0] =	vst.idx.msk $0xffff, v18  }
0x406: {  	s14 =	sadd.s32 $0xFFFFFFF5, s30;
	v18 =	vand.u32 $0x1F0, v50;
	[tilespmem:v19+s6+$0x0] =	vst.idx.msk $0xffff, v22  }
0x407: {  	v54 =	vmov s14;
	v53 =	vadd.s32 v8, v18;
	v19 =	vld.idx.msk [tilespmem:v52+s11+$0x0], $0xffff  }
0x408: {  	v55 =	vshll.u32 v54, $0x5;
	v18 =	vadd.s32 v9, v18;
	v22 =	vld.idx.msk [tilespmem:v23+s11+$0x0], $0xffff  }
0x409: {  	v56 =	vor.u32 v0, v55  }
0x40a: {  	v23 =	vor.u32 v2, v55;
	_ =	sdelay $0x1  }
0x40b: {  	[tilespmem:v53+s6+$0x0] =	vst.idx.msk $0xffff, v19  }
0x40c: {  	s31 =	sadd.s32 $0xFFFFFFF6, s30;
	v19 =	vand.u32 $0x1F0, v54;
	[tilespmem:v18+s6+$0x0] =	vst.idx.msk $0xffff, v22  }
0x40d: {  	v58 =	vmov s31;
	v57 =	vadd.s32 v10, v19;
	v18 =	vld.idx.msk [tilespmem:v56+s11+$0x0], $0xffff  }
0x40e: {  	v59 =	vshll.u32 v58, $0x5;
	v19 =	vadd.s32 v11, v19;
	v22 =	vld.idx.msk [tilespmem:v23+s11+$0x0], $0xffff  }
0x40f: {  	v60 =	vor.u32 v0, v59  }
0x410: {  	v23 =	vor.u32 v2, v59;
	_ =	sdelay $0x1  }
0x411: {  	[tilespmem:v57+s6+$0x0] =	vst.idx.msk $0xffff, v18  }
0x412: {  	s8 =	sadd.s32 $0xFFFFFFF7, s30;
	v18 =	vand.u32 $0x1F0, v58;
	[tilespmem:v19+s6+$0x0] =	vst.idx.msk $0xffff, v22  }
0x413: {  	v62 =	vmov s8;
	v61 =	vadd.s32 v12, v18;
	v19 =	vld.idx.msk [tilespmem:v60+s11+$0x0], $0xffff  }
0x414: {  	v63 =	vshll.u32 v62, $0x5;
	v18 =	vadd.s32 v13, v18;
	v22 =	vld.idx.msk [tilespmem:v23+s11+$0x0], $0xffff  }
0x415: {  	v28 =	vor.u32 v0, v63  }
0x416: {  	v23 =	vor.u32 v2, v63;
	_ =	sdelay $0x1  }
0x417: {  	[tilespmem:v61+s6+$0x0] =	vst.idx.msk $0xffff, v19  }
0x418: {  	s14 =	sadd.s32 $0xFFFFFFF8, s30;
	v19 =	vand.u32 $0x1F0, v62;
	[tilespmem:v18+s6+$0x0] =	vst.idx.msk $0xffff, v22  }
0x419: {  	v30 =	vmov s14;
	v29 =	vadd.s32 v14, v19;
	v18 =	vld.idx.msk [tilespmem:v28+s11+$0x0], $0xffff  }
0x41a: {  	v31 =	vshll.u32 v30, $0x5;
	v19 =	vadd.s32 v15, v19;
	v22 =	vld.idx.msk [tilespmem:v23+s11+$0x0], $0xffff  }
0x41b: {  	v32 =	vor.u32 v0, v31  }
0x41c: {  	v23 =	vor.u32 v2, v31;
	_ =	sdelay $0x1  }
0x41d: {  	[tilespmem:v29+s6+$0x0] =	vst.idx.msk $0xffff, v18  }
0x41e: {  	s31 =	sadd.s32 $0xFFFFFFF9, s30;
	v18 =	vand.u32 $0x1F0, v30;
	[tilespmem:v19+s6+$0x0] =	vst.idx.msk $0xffff, v22  }
0x41f: {  	v34 =	vmov s31;
	v33 =	vadd.s32 v16, v18;
	v19 =	vld.idx.msk [tilespmem:v32+s11+$0x0], $0xffff  }
0x420: {  	v21 =	vshll.u32 v34, $0x5;
	v18 =	vadd.s32 v17, v18;
	v22 =	vld.idx.msk [tilespmem:v23+s11+$0x0], $0xffff  }
0x421: {  	v35 =	vor.u32 v0, v21  }
0x422: {  	v21 =	vor.u32 v2, v21;
	_ =	sdelay $0x1  }
0x423: {  	[tilespmem:v33+s6+$0x0] =	vst.idx.msk $0xffff, v19  }
0x424: {  	s14 =	sadd.s32 $0xFFFFFFFA, s30;
	[tilespmem:v18+s6+$0x0] =	vst.idx.msk $0xffff, v22  }
0x425: {  	v36 =	vadd.s32 s31, v1;
	v18 =	vmov s14;
	v19 =	vld.idx.msk [tilespmem:v35+s11+$0x0], $0xffff  }
0x426: {  	v37 =	vadd.s32 s31, v3;
	v21 =	vld.idx.msk [tilespmem:v21+s11+$0x0], $0xffff;
	v38 =	vshll.u32 v18, $0x5  }
0x427: {  	v39 =	vor.u32 v0, v38  }
0x428: {  	v23 =	vor.u32 v2, v38;
	_ =	sdelay $0x1  }
0x429: {  	[tilespmem:v36+s6+$0x0] =	vst.idx.msk $0xffff, v19  }
0x42a: {  	s31 =	sadd.s32 $0xFFFFFFFB, s30;
	v18 =	vand.u32 $0x1F8, v18;
	[tilespmem:v37+s6+$0x0] =	vst.idx.msk $0xffff, v21  }
0x42b: {  	v41 =	vmov s31;
	v40 =	vadd.s32 v4, v18;
	v19 =	vld.idx.msk [tilespmem:v39+s11+$0x0], $0xffff  }
0x42c: {  	v42 =	vshll.u32 v41, $0x5;
	v18 =	vadd.s32 v5, v18;
	v22 =	vld.idx.msk [tilespmem:v23+s11+$0x0], $0xffff  }
0x42d: {  	v43 =	vor.u32 v0, v42  }
0x42e: {  	v23 =	vor.u32 v2, v42;
	_ =	sdelay $0x1  }
0x42f: {  	[tilespmem:v40+s6+$0x0] =	vst.idx.msk $0xffff, v19  }
0x430: {  	s8 =	sadd.s32 $0xFFFFFFFC, s30;
	v19 =	vand.u32 $0x1F8, v41;
	[tilespmem:v18+s6+$0x0] =	vst.idx.msk $0xffff, v22  }
0x431: {  	v45 =	vmov s8;
	v44 =	vadd.s32 v6, v19;
	v18 =	vld.idx.msk [tilespmem:v43+s11+$0x0], $0xffff  }
0x432: {  	v46 =	vshll.u32 v45, $0x5;
	v19 =	vadd.s32 v7, v19;
	v22 =	vld.idx.msk [tilespmem:v23+s11+$0x0], $0xffff  }
0x433: {  	v47 =	vor.u32 v0, v46  }
0x434: {  	v23 =	vor.u32 v2, v46;
	_ =	sdelay $0x1  }
0x435: {  	[tilespmem:v44+s6+$0x0] =	vst.idx.msk $0xffff, v18  }
0x436: {  	s14 =	sadd.s32 $0xFFFFFFFD, s30;
	v18 =	vand.u32 $0x1F8, v45;
	[tilespmem:v19+s6+$0x0] =	vst.idx.msk $0xffff, v22  }
0x437: {  	v49 =	vmov s14;
	v48 =	vadd.s32 v8, v18;
	v19 =	vld.idx.msk [tilespmem:v47+s11+$0x0], $0xffff  }
0x438: {  	v50 =	vshll.u32 v49, $0x5;
	v18 =	vadd.s32 v9, v18;
	v22 =	vld.idx.msk [tilespmem:v23+s11+$0x0], $0xffff  }
0x439: {  	v51 =	vor.u32 v0, v50  }
0x43a: {  	v23 =	vor.u32 v2, v50;
	_ =	sdelay $0x1  }
0x43b: {  	[tilespmem:v48+s6+$0x0] =	vst.idx.msk $0xffff, v19  }
0x43c: {  	s31 =	sadd.s32 $0xFFFFFFFE, s30;
	v19 =	vand.u32 $0x1F8, v49;
	[tilespmem:v18+s6+$0x0] =	vst.idx.msk $0xffff, v22  }
0x43d: {  	v53 =	vmov s31;
	v52 =	vadd.s32 v10, v19;
	v18 =	vld.idx.msk [tilespmem:v51+s11+$0x0], $0xffff  }
0x43e: {  	v54 =	vshll.u32 v53, $0x5;
	v19 =	vadd.s32 v11, v19;
	v22 =	vld.idx.msk [tilespmem:v23+s11+$0x0], $0xffff  }
0x43f: {  	v55 =	vor.u32 v0, v54  }
0x440: {  	v23 =	vor.u32 v2, v54;
	_ =	sdelay $0x1  }
0x441: {  	[tilespmem:v52+s6+$0x0] =	vst.idx.msk $0xffff, v18  }
0x442: {  	s8 =	sadd.s32 $0xFFFFFFFF, s30;
	v18 =	vand.u32 $0x1F8, v53;
	[tilespmem:v19+s6+$0x0] =	vst.idx.msk $0xffff, v22  }
0x443: {  	v19 =	vmov s8;
	v21 =	vadd.s32 v12, v18;
	v20 =	vld.idx.msk [tilespmem:v55+s11+$0x0], $0xffff  }
0x444: {  	v18 =	vadd.s32 v13, v18;
	v22 =	vld.idx.msk [tilespmem:v23+s11+$0x0], $0xffff;
	v56 =	vshll.u32 v19, $0x5  }
0x445: {  	v57 =	vor.u32 v0, v56  }
0x446: {  	v23 =	vor.u32 v2, v56;
	_ =	sdelay $0x1  }
0x447: {  	[tilespmem:v21+s6+$0x0] =	vst.idx.msk $0xffff, v20  }
0x448: {  	v19 =	vand.u32 $0x1F8, v19;
	[tilespmem:v18+s6+$0x0] =	vst.idx.msk $0xffff, v22  }
0x449: {  	v59 =	vmov s30;
	v58 =	vadd.s32 v14, v19;
	v18 =	vld.idx.msk [tilespmem:v57+s11+$0x0], $0xffff  }
0x44a: {  	v60 =	vshll.u32 v59, $0x5;
	v19 =	vadd.s32 v15, v19;
	v22 =	vld.idx.msk [tilespmem:v23+s11+$0x0], $0xffff  }
0x44b: {  	v61 =	vor.u32 v0, v60  }
0x44c: {  	v23 =	vor.u32 v2, v60;
	_ =	sdelay $0x1  }
0x44d: {  	[tilespmem:v58+s6+$0x0] =	vst.idx.msk $0xffff, v18  }
0x44e: {  	v18 =	vand.u32 $0x1F8, v59;
	[tilespmem:v19+s6+$0x0] =	vst.idx.msk $0xffff, v22  }
0x44f: {  	v62 =	vadd.s32 v16, v18;
	v19 =	vld.idx.msk [tilespmem:v61+s11+$0x0], $0xffff  }
0x450: {  	v18 =	vadd.s32 v17, v18;
	v63 =	vld.idx.msk [tilespmem:v23+s11+$0x0], $0xffff;
	_ =	sdelay $0x3  }
0x451: {  	s7 =	sadd.s32 s29, s2;
	[tilespmem:v62+s6+$0x0] =	vst.idx.msk $0xffff, v19  }
0x452: {  	s14 =	sadd.s32 $0x200, s7;
	[tilespmem:v18+s6+$0x0] =	vst.idx.msk $0xffff, v63  }
0x453: {  	[hbm4b:s14+s3] =	stream.linear.scatter [tilespmem:s6], [sflag:$0x4], $0x80, $0x38;
	[tilespmem:$0x16600] =	vst v63  }
0x454: {  	s29 =	sadd.s32 $0x210, s7;
	s14 =	simm.s32 $0x12708  }
0x455: {  	[hbm4b:s29+s3] =	stream.linear.scatter [tilespmem:s14], [sflag:$0x4], $0x80, $0x38;
	[tilespmem:$0x16600] =	vst v63  }
0x456: {  	s31 =	simm.s32 $0x12910;
	s30 =	sadd.s32 $0x220, s7  }
0x457: {  	[hbm4b:s30+s3] =	stream.linear.scatter [tilespmem:s31], [sflag:$0x4], $0x80, $0x38;
	[tilespmem:$0x16600] =	vst v63  }
0x458: {  	s14 =	sadd.s32 $0x230, s7;
	s29 =	simm.s32 $0x12B18  }
0x459: {  	[hbm4b:s14+s3] =	stream.linear.scatter [tilespmem:s29], [sflag:$0x4], $0x80, $0x38;
	[tilespmem:$0x16600] =	vst v63  }
0x45a: {  	s30 =	sadd.s32 $0x240, s7;
	s31 =	simm.s32 $0x12D20  }
0x45b: {  	[hbm4b:s30+s3] =	stream.linear.scatter [tilespmem:s31], [sflag:$0x4], $0x80, $0x38;
	[tilespmem:$0x16600] =	vst v63  }
0x45c: {  	s14 =	sadd.s32 $0x250, s7;
	s29 =	simm.s32 $0x12F28  }
0x45d: {  	[hbm4b:s14+s3] =	stream.linear.scatter [tilespmem:s29], [sflag:$0x4], $0x80, $0x38;
	[tilespmem:$0x16600] =	vst v63  }
0x45e: {  	s30 =	sadd.s32 $0x260, s7;
	s31 =	simm.s32 $0x13130  }
0x45f: {  	[hbm4b:s30+s3] =	stream.linear.scatter [tilespmem:s31], [sflag:$0x4], $0x80, $0x38;
	[tilespmem:$0x16600] =	vst v63  }
0x460: {  	s14 =	sadd.s32 $0x270, s7;
	s29 =	simm.s32 $0x13338  }
0x461: {  	[hbm4b:s14+s3] =	stream.linear.scatter [tilespmem:s29], [sflag:$0x4], $0x80, $0x38;
	[tilespmem:$0x16600] =	vst v63  }
0x462: {  	s30 =	sadd.s32 $0x280, s7;
	s31 =	simm.s32 $0x12580  }
0x463: {  	[hbm4b:s30+s3] =	stream.linear.scatter [tilespmem:s31], [sflag:$0x4], $0x80, $0x38;
	[tilespmem:$0x16600] =	vst v63  }
0x464: {  	s14 =	sadd.s32 $0x290, s7;
	s29 =	simm.s32 $0x12788  }
0x465: {  	[hbm4b:s14+s3] =	stream.linear.scatter [tilespmem:s29], [sflag:$0x4], $0x80, $0x38;
	[tilespmem:$0x16600] =	vst v63  }
0x466: {  	s30 =	sadd.s32 $0x2A0, s7;
	s31 =	simm.s32 $0x12990  }
0x467: {  	[hbm4b:s30+s3] =	stream.linear.scatter [tilespmem:s31], [sflag:$0x4], $0x80, $0x38;
	[tilespmem:$0x16600] =	vst v63  }
0x468: {  	s14 =	sadd.s32 $0x2B0, s7;
	s29 =	simm.s32 $0x12B98  }
0x469: {  	[hbm4b:s14+s3] =	stream.linear.scatter [tilespmem:s29], [sflag:$0x4], $0x80, $0x38;
	[tilespmem:$0x16600] =	vst v63  }
0x46a: {  	s30 =	sadd.s32 $0x2C0, s7;
	s31 =	simm.s32 $0x12DA0  }
0x46b: {  	[hbm4b:s30+s3] =	stream.linear.scatter [tilespmem:s31], [sflag:$0x4], $0x80, $0x38;
	[tilespmem:$0x16600] =	vst v63  }
0x46c: {  	s14 =	sadd.s32 $0x2D0, s7;
	s29 =	simm.s32 $0x12FA8  }
0x46d: {  	[hbm4b:s14+s3] =	stream.linear.scatter [tilespmem:s29], [sflag:$0x4], $0x80, $0x38;
	[tilespmem:$0x16600] =	vst v63  }
0x46e: {  	s30 =	sadd.s32 $0x2E0, s7;
	s31 =	simm.s32 $0x131B0  }
0x46f: {  	[hbm4b:s30+s3] =	stream.linear.scatter [tilespmem:s31], [sflag:$0x4], $0x80, $0x38;
	[tilespmem:$0x16600] =	vst v63  }
0x470: {  	s14 =	sadd.s32 $0x2F0, s7;
	s29 =	simm.s32 $0x133B8  }
0x471: {  	[hbm4b:s14+s3] =	stream.linear.scatter [tilespmem:s29], [sflag:$0x4], $0x80, $0x38;
	[tilespmem:$0x16600] =	vst v63  }
0x472: {  	s30 =	sadd.s32 $0x300, s7;
	s31 =	simm.s32 $0x12600  }
0x473: {  	[hbm4b:s30+s3] =	stream.linear.scatter [tilespmem:s31], [sflag:$0x4], $0x80, $0x38;
	[tilespmem:$0x16600] =	vst v63  }
0x474: {  	s14 =	sadd.s32 $0x310, s7;
	s29 =	simm.s32 $0x12808  }
0x475: {  	[hbm4b:s14+s3] =	stream.linear.scatter [tilespmem:s29], [sflag:$0x4], $0x80, $0x38;
	[tilespmem:$0x16600] =	vst v63  }
0x476: {  	s30 =	sadd.s32 $0x320, s7;
	s31 =	simm.s32 $0x12A10  }
0x477: {  	[hbm4b:s30+s3] =	stream.linear.scatter [tilespmem:s31], [sflag:$0x4], $0x80, $0x38;
	[tilespmem:$0x16600] =	vst v63  }
0x478: {  	s14 =	sadd.s32 $0x330, s7;
	s29 =	simm.s32 $0x12C18  }
0x479: {  	[hbm4b:s14+s3] =	stream.linear.scatter [tilespmem:s29], [sflag:$0x4], $0x80, $0x38;
	[tilespmem:$0x16600] =	vst v63  }
0x47a: {  	s30 =	sadd.s32 $0x340, s7;
	s31 =	simm.s32 $0x12E20  }
0x47b: {  	[hbm4b:s30+s3] =	stream.linear.scatter [tilespmem:s31], [sflag:$0x4], $0x80, $0x38;
	[tilespmem:$0x16600] =	vst v63  }
0x47c: {  	s14 =	sadd.s32 $0x350, s7;
	s29 =	simm.s32 $0x13028  }
0x47d: {  	[hbm4b:s14+s3] =	stream.linear.scatter [tilespmem:s29], [sflag:$0x4], $0x80, $0x38;
	[tilespmem:$0x16600] =	vst v63  }
0x47e: {  	s30 =	sadd.s32 $0x360, s7;
	s31 =	simm.s32 $0x13230  }
0x47f: {  	[hbm4b:s30+s3] =	stream.linear.scatter [tilespmem:s31], [sflag:$0x4], $0x80, $0x38;
	[tilespmem:$0x16600] =	vst v63  }
0x480: {  	s14 =	sadd.s32 $0x370, s7;
	s29 =	simm.s32 $0x13438  }
0x481: {  	[hbm4b:s14+s3] =	stream.linear.scatter [tilespmem:s29], [sflag:$0x4], $0x80, $0x38;
	[tilespmem:$0x16600] =	vst v63  }
0x482: {  	s30 =	sadd.s32 $0x380, s7;
	s31 =	simm.s32 $0x12680  }
0x483: {  	[hbm4b:s30+s3] =	stream.linear.scatter [tilespmem:s31], [sflag:$0x4], $0x80, $0x38;
	[tilespmem:$0x16600] =	vst v63  }
0x484: {  	s14 =	sadd.s32 $0x390, s7;
	s29 =	simm.s32 $0x12888  }
0x485: {  	[hbm4b:s14+s3] =	stream.linear.scatter [tilespmem:s29], [sflag:$0x4], $0x80, $0x38;
	[tilespmem:$0x16600] =	vst v63  }
0x486: {  	s30 =	sadd.s32 $0x3A0, s7;
	s31 =	simm.s32 $0x12A90  }
0x487: {  	[hbm4b:s30+s3] =	stream.linear.scatter [tilespmem:s31], [sflag:$0x4], $0x80, $0x38;
	[tilespmem:$0x16600] =	vst v63  }
0x488: {  	s14 =	sadd.s32 $0x3B0, s7;
	s29 =	simm.s32 $0x12C98  }
0x489: {  	[hbm4b:s14+s3] =	stream.linear.scatter [tilespmem:s29], [sflag:$0x4], $0x80, $0x38;
	[tilespmem:$0x16600] =	vst v63  }
0x48a: {  	s30 =	sadd.s32 $0x3C0, s7;
	s31 =	simm.s32 $0x12EA0  }
0x48b: {  	[hbm4b:s30+s3] =	stream.linear.scatter [tilespmem:s31], [sflag:$0x4], $0x80, $0x38;
	[tilespmem:$0x16600] =	vst v63  }
0x48c: {  	s14 =	sadd.s32 $0x3D0, s7;
	s29 =	simm.s32 $0x130A8  }
0x48d: {  	[hbm4b:s14+s3] =	stream.linear.scatter [tilespmem:s29], [sflag:$0x4], $0x80, $0x38;
	[tilespmem:$0x16600] =	vst v63  }
0x48e: {  	s30 =	sadd.s32 $0x3E0, s7;
	s31 =	simm.s32 $0x132B0  }
0x48f: {  	[hbm4b:s30+s3] =	stream.linear.scatter [tilespmem:s31], [sflag:$0x4], $0x80, $0x38;
	[tilespmem:$0x16600] =	vst v63  }
0x490: {  	s14 =	sadd.s32 $0x3F0, s7;
	s29 =	simm.s32 $0x134B8  }
0x491: {  	[hbm4b:s14+s3] =	stream.linear.scatter [tilespmem:s29], [sflag:$0x4], $0x80, $0x38;
	[tilespmem:$0x16600] =	vst v63  }
0x492: {  	s30 =	sadd.s32 $0x1200, s7;
	s31 =	simm.s32 $0x13540  }
0x493: {  	[hbm4b:s30+s3] =	stream.linear.scatter [tilespmem:s31], [sflag:$0x4], $0x80, $0x38;
	[tilespmem:$0x16600] =	vst v63  }
0x494: {  	s14 =	sadd.s32 $0x1210, s7;
	s29 =	simm.s32 $0x13748  }
0x495: {  	[hbm4b:s14+s3] =	stream.linear.scatter [tilespmem:s29], [sflag:$0x4], $0x80, $0x38;
	[tilespmem:$0x16600] =	vst v63  }
0x496: {  	s30 =	sadd.s32 $0x1220, s7;
	s31 =	simm.s32 $0x13950  }
0x497: {  	[hbm4b:s30+s3] =	stream.linear.scatter [tilespmem:s31], [sflag:$0x4], $0x80, $0x38;
	[tilespmem:$0x16600] =	vst v63  }
0x498: {  	s14 =	sadd.s32 $0x1230, s7;
	s29 =	simm.s32 $0x13B58  }
0x499: {  	[hbm4b:s14+s3] =	stream.linear.scatter [tilespmem:s29], [sflag:$0x4], $0x80, $0x38;
	[tilespmem:$0x16600] =	vst v63  }
0x49a: {  	s30 =	sadd.s32 $0x1240, s7;
	s31 =	simm.s32 $0x13D60  }
0x49b: {  	[hbm4b:s30+s3] =	stream.linear.scatter [tilespmem:s31], [sflag:$0x4], $0x80, $0x38;
	[tilespmem:$0x16600] =	vst v63  }
0x49c: {  	s14 =	sadd.s32 $0x1250, s7;
	s29 =	simm.s32 $0x13F68  }
0x49d: {  	[hbm4b:s14+s3] =	stream.linear.scatter [tilespmem:s29], [sflag:$0x4], $0x80, $0x38;
	[tilespmem:$0x16600] =	vst v63  }
0x49e: {  	s30 =	sadd.s32 $0x1260, s7;
	s31 =	simm.s32 $0x14170  }
0x49f: {  	[hbm4b:s30+s3] =	stream.linear.scatter [tilespmem:s31], [sflag:$0x4], $0x80, $0x38;
	[tilespmem:$0x16600] =	vst v63  }
0x4a0: {  	s14 =	sadd.s32 $0x1270, s7;
	s29 =	simm.s32 $0x14378  }
0x4a1: {  	[hbm4b:s14+s3] =	stream.linear.scatter [tilespmem:s29], [sflag:$0x4], $0x80, $0x38;
	[tilespmem:$0x16600] =	vst v63  }
0x4a2: {  	s30 =	sadd.s32 $0x1280, s7;
	s31 =	simm.s32 $0x135C0  }
0x4a3: {  	[hbm4b:s30+s3] =	stream.linear.scatter [tilespmem:s31], [sflag:$0x4], $0x80, $0x38;
	[tilespmem:$0x16600] =	vst v63  }
0x4a4: {  	s14 =	sadd.s32 $0x1290, s7;
	s29 =	simm.s32 $0x137C8  }
0x4a5: {  	[hbm4b:s14+s3] =	stream.linear.scatter [tilespmem:s29], [sflag:$0x4], $0x80, $0x38;
	[tilespmem:$0x16600] =	vst v63  }
0x4a6: {  	s30 =	sadd.s32 $0x12A0, s7;
	s31 =	simm.s32 $0x139D0  }
0x4a7: {  	[hbm4b:s30+s3] =	stream.linear.scatter [tilespmem:s31], [sflag:$0x4], $0x80, $0x38;
	[tilespmem:$0x16600] =	vst v63  }
0x4a8: {  	s14 =	sadd.s32 $0x12B0, s7;
	s29 =	simm.s32 $0x13BD8  }
0x4a9: {  	[hbm4b:s14+s3] =	stream.linear.scatter [tilespmem:s29], [sflag:$0x4], $0x80, $0x38;
	[tilespmem:$0x16600] =	vst v63  }
0x4aa: {  	s30 =	sadd.s32 $0x12C0, s7;
	s31 =	simm.s32 $0x13DE0  }
0x4ab: {  	[hbm4b:s30+s3] =	stream.linear.scatter [tilespmem:s31], [sflag:$0x4], $0x80, $0x38;
	[tilespmem:$0x16600] =	vst v63  }
0x4ac: {  	s14 =	sadd.s32 $0x12D0, s7;
	s29 =	simm.s32 $0x13FE8  }
0x4ad: {  	[hbm4b:s14+s3] =	stream.linear.scatter [tilespmem:s29], [sflag:$0x4], $0x80, $0x38;
	[tilespmem:$0x16600] =	vst v63  }
0x4ae: {  	s30 =	sadd.s32 $0x12E0, s7;
	s31 =	simm.s32 $0x141F0  }
0x4af: {  	[hbm4b:s30+s3] =	stream.linear.scatter [tilespmem:s31], [sflag:$0x4], $0x80, $0x38;
	[tilespmem:$0x16600] =	vst v63  }
0x4b0: {  	s14 =	sadd.s32 $0x12F0, s7;
	s29 =	simm.s32 $0x143F8  }
0x4b1: {  	[hbm4b:s14+s3] =	stream.linear.scatter [tilespmem:s29], [sflag:$0x4], $0x80, $0x38;
	[tilespmem:$0x16600] =	vst v63  }
0x4b2: {  	s30 =	sadd.s32 $0x1300, s7;
	s31 =	simm.s32 $0x13640  }
0x4b3: {  	[hbm4b:s30+s3] =	stream.linear.scatter [tilespmem:s31], [sflag:$0x4], $0x80, $0x38;
	[tilespmem:$0x16600] =	vst v63  }
0x4b4: {  	s14 =	sadd.s32 $0x1310, s7;
	s29 =	simm.s32 $0x13848  }
0x4b5: {  	[hbm4b:s14+s3] =	stream.linear.scatter [tilespmem:s29], [sflag:$0x4], $0x80, $0x38;
	[tilespmem:$0x16600] =	vst v63  }
0x4b6: {  	s30 =	sadd.s32 $0x1320, s7;
	s31 =	simm.s32 $0x13A50  }
0x4b7: {  	[hbm4b:s30+s3] =	stream.linear.scatter [tilespmem:s31], [sflag:$0x4], $0x80, $0x38;
	[tilespmem:$0x16600] =	vst v63  }
0x4b8: {  	s14 =	sadd.s32 $0x1330, s7;
	s29 =	simm.s32 $0x13C58  }
0x4b9: {  	[hbm4b:s14+s3] =	stream.linear.scatter [tilespmem:s29], [sflag:$0x4], $0x80, $0x38;
	[tilespmem:$0x16600] =	vst v63  }
0x4ba: {  	s30 =	sadd.s32 $0x1340, s7;
	s31 =	simm.s32 $0x13E60  }
0x4bb: {  	[hbm4b:s30+s3] =	stream.linear.scatter [tilespmem:s31], [sflag:$0x4], $0x80, $0x38;
	[tilespmem:$0x16600] =	vst v63  }
0x4bc: {  	s14 =	sadd.s32 $0x1350, s7;
	s29 =	simm.s32 $0x14068  }
0x4bd: {  	[hbm4b:s14+s3] =	stream.linear.scatter [tilespmem:s29], [sflag:$0x4], $0x80, $0x38;
	[tilespmem:$0x16600] =	vst v63  }
0x4be: {  	s30 =	sadd.s32 $0x1360, s7;
	s31 =	simm.s32 $0x14270  }
0x4bf: {  	[hbm4b:s30+s3] =	stream.linear.scatter [tilespmem:s31], [sflag:$0x4], $0x80, $0x38;
	[tilespmem:$0x16600] =	vst v63  }
0x4c0: {  	s14 =	sadd.s32 $0x1370, s7;
	s29 =	simm.s32 $0x14478  }
0x4c1: {  	[hbm4b:s14+s3] =	stream.linear.scatter [tilespmem:s29], [sflag:$0x4], $0x80, $0x38;
	[tilespmem:$0x16600] =	vst v63  }
0x4c2: {  	s30 =	sadd.s32 $0x1380, s7;
	s31 =	simm.s32 $0x136C0  }
0x4c3: {  	[hbm4b:s30+s3] =	stream.linear.scatter [tilespmem:s31], [sflag:$0x4], $0x80, $0x38;
	[tilespmem:$0x16600] =	vst v63  }
0x4c4: {  	s14 =	sadd.s32 $0x1390, s7;
	s29 =	simm.s32 $0x138C8  }
0x4c5: {  	[hbm4b:s14+s3] =	stream.linear.scatter [tilespmem:s29], [sflag:$0x4], $0x80, $0x38;
	[tilespmem:$0x16600] =	vst v63  }
0x4c6: {  	s30 =	sadd.s32 $0x13A0, s7;
	s31 =	simm.s32 $0x13AD0  }
0x4c7: {  	[hbm4b:s30+s3] =	stream.linear.scatter [tilespmem:s31], [sflag:$0x4], $0x80, $0x38;
	[tilespmem:$0x16600] =	vst v63  }
0x4c8: {  	s14 =	sadd.s32 $0x13B0, s7;
	s29 =	simm.s32 $0x13CD8  }
0x4c9: {  	[hbm4b:s14+s3] =	stream.linear.scatter [tilespmem:s29], [sflag:$0x4], $0x80, $0x38;
	[tilespmem:$0x16600] =	vst v63  }
0x4ca: {  	s30 =	sadd.s32 $0x13C0, s7;
	s31 =	simm.s32 $0x13EE0  }
0x4cb: {  	[hbm4b:s30+s3] =	stream.linear.scatter [tilespmem:s31], [sflag:$0x4], $0x80, $0x38;
	[tilespmem:$0x16600] =	vst v63  }
0x4cc: {  	s14 =	sadd.s32 $0x13D0, s7;
	s29 =	simm.s32 $0x140E8  }
0x4cd: {  	[hbm4b:s14+s3] =	stream.linear.scatter [tilespmem:s29], [sflag:$0x4], $0x80, $0x38;
	[tilespmem:$0x16600] =	vst v63  }
0x4ce: {  	s30 =	sadd.s32 $0x13E0, s7;
	s31 =	simm.s32 $0x142F0  }
0x4cf: {  	[hbm4b:s30+s3] =	stream.linear.scatter [tilespmem:s31], [sflag:$0x4], $0x80, $0x38;
	[tilespmem:$0x16600] =	vst v63  }
0x4d0: {  	s14 =	sadd.s32 $0x13F0, s7;
	s29 =	simm.s32 $0x144F8  }
0x4d1: {  	[hbm4b:s14+s3] =	stream.linear.scatter [tilespmem:s29], [sflag:$0x4], $0x80, $0x38;
	[tilespmem:$0x16600] =	vst v63  }
0x4d2: {  	s30 =	sadd.s32 $0x2200, s7;
	s31 =	simm.s32 $0x14580  }
0x4d3: {  	[hbm4b:s30+s3] =	stream.linear.scatter [tilespmem:s31], [sflag:$0x4], $0x80, $0x38;
	[tilespmem:$0x16600] =	vst v63  }
0x4d4: {  	s14 =	sadd.s32 $0x2210, s7;
	s29 =	simm.s32 $0x14788  }
0x4d5: {  	[hbm4b:s14+s3] =	stream.linear.scatter [tilespmem:s29], [sflag:$0x4], $0x80, $0x38;
	[tilespmem:$0x16600] =	vst v63  }
0x4d6: {  	s30 =	sadd.s32 $0x2220, s7;
	s31 =	simm.s32 $0x14990  }
0x4d7: {  	[hbm4b:s30+s3] =	stream.linear.scatter [tilespmem:s31], [sflag:$0x4], $0x80, $0x38;
	[tilespmem:$0x16600] =	vst v63  }
0x4d8: {  	s14 =	sadd.s32 $0x2230, s7;
	s29 =	simm.s32 $0x14B98  }
0x4d9: {  	[hbm4b:s14+s3] =	stream.linear.scatter [tilespmem:s29], [sflag:$0x4], $0x80, $0x38;
	[tilespmem:$0x16600] =	vst v63  }
0x4da: {  	s30 =	sadd.s32 $0x2240, s7;
	s31 =	simm.s32 $0x14DA0  }
0x4db: {  	[hbm4b:s30+s3] =	stream.linear.scatter [tilespmem:s31], [sflag:$0x4], $0x80, $0x38;
	[tilespmem:$0x16600] =	vst v63  }
0x4dc: {  	s14 =	sadd.s32 $0x2250, s7;
	s29 =	simm.s32 $0x14FA8  }
0x4dd: {  	[hbm4b:s14+s3] =	stream.linear.scatter [tilespmem:s29], [sflag:$0x4], $0x80, $0x38;
	[tilespmem:$0x16600] =	vst v63  }
0x4de: {  	s30 =	sadd.s32 $0x2260, s7;
	s31 =	simm.s32 $0x151B0  }
0x4df: {  	[hbm4b:s30+s3] =	stream.linear.scatter [tilespmem:s31], [sflag:$0x4], $0x80, $0x38;
	[tilespmem:$0x16600] =	vst v63  }
0x4e0: {  	s14 =	sadd.s32 $0x2270, s7;
	s29 =	simm.s32 $0x153B8  }
0x4e1: {  	[hbm4b:s14+s3] =	stream.linear.scatter [tilespmem:s29], [sflag:$0x4], $0x80, $0x38;
	[tilespmem:$0x16600] =	vst v63  }
0x4e2: {  	s30 =	sadd.s32 $0x2280, s7;
	s31 =	simm.s32 $0x14600  }
0x4e3: {  	[hbm4b:s30+s3] =	stream.linear.scatter [tilespmem:s31], [sflag:$0x4], $0x80, $0x38;
	[tilespmem:$0x16600] =	vst v63  }
0x4e4: {  	s14 =	sadd.s32 $0x2290, s7;
	s29 =	simm.s32 $0x14808  }
0x4e5: {  	[hbm4b:s14+s3] =	stream.linear.scatter [tilespmem:s29], [sflag:$0x4], $0x80, $0x38;
	[tilespmem:$0x16600] =	vst v63  }
0x4e6: {  	s30 =	sadd.s32 $0x22A0, s7;
	s31 =	simm.s32 $0x14A10  }
0x4e7: {  	[hbm4b:s30+s3] =	stream.linear.scatter [tilespmem:s31], [sflag:$0x4], $0x80, $0x38;
	[tilespmem:$0x16600] =	vst v63  }
0x4e8: {  	s14 =	sadd.s32 $0x22B0, s7;
	s29 =	simm.s32 $0x14C18  }
0x4e9: {  	[hbm4b:s14+s3] =	stream.linear.scatter [tilespmem:s29], [sflag:$0x4], $0x80, $0x38;
	[tilespmem:$0x16600] =	vst v63  }
0x4ea: {  	s30 =	sadd.s32 $0x22C0, s7;
	s31 =	simm.s32 $0x14E20  }
0x4eb: {  	[hbm4b:s30+s3] =	stream.linear.scatter [tilespmem:s31], [sflag:$0x4], $0x80, $0x38;
	[tilespmem:$0x16600] =	vst v63  }
0x4ec: {  	s14 =	sadd.s32 $0x22D0, s7;
	s29 =	simm.s32 $0x15028  }
0x4ed: {  	[hbm4b:s14+s3] =	stream.linear.scatter [tilespmem:s29], [sflag:$0x4], $0x80, $0x38;
	[tilespmem:$0x16600] =	vst v63  }
0x4ee: {  	s30 =	sadd.s32 $0x22E0, s7;
	s31 =	simm.s32 $0x15230  }
0x4ef: {  	[hbm4b:s30+s3] =	stream.linear.scatter [tilespmem:s31], [sflag:$0x4], $0x80, $0x38;
	[tilespmem:$0x16600] =	vst v63  }
0x4f0: {  	s14 =	sadd.s32 $0x22F0, s7;
	s29 =	simm.s32 $0x15438  }
0x4f1: {  	[hbm4b:s14+s3] =	stream.linear.scatter [tilespmem:s29], [sflag:$0x4], $0x80, $0x38;
	[tilespmem:$0x16600] =	vst v63  }
0x4f2: {  	s30 =	sadd.s32 $0x2300, s7;
	s31 =	simm.s32 $0x14680  }
0x4f3: {  	[hbm4b:s30+s3] =	stream.linear.scatter [tilespmem:s31], [sflag:$0x4], $0x80, $0x38;
	[tilespmem:$0x16600] =	vst v63  }
0x4f4: {  	s14 =	sadd.s32 $0x2310, s7;
	s29 =	simm.s32 $0x14888  }
0x4f5: {  	[hbm4b:s14+s3] =	stream.linear.scatter [tilespmem:s29], [sflag:$0x4], $0x80, $0x38;
	[tilespmem:$0x16600] =	vst v63  }
0x4f6: {  	s30 =	sadd.s32 $0x2320, s7;
	s31 =	simm.s32 $0x14A90  }
0x4f7: {  	[hbm4b:s30+s3] =	stream.linear.scatter [tilespmem:s31], [sflag:$0x4], $0x80, $0x38;
	[tilespmem:$0x16600] =	vst v63  }
0x4f8: {  	s14 =	sadd.s32 $0x2330, s7;
	s29 =	simm.s32 $0x14C98  }
0x4f9: {  	[hbm4b:s14+s3] =	stream.linear.scatter [tilespmem:s29], [sflag:$0x4], $0x80, $0x38;
	[tilespmem:$0x16600] =	vst v63  }
0x4fa: {  	s30 =	sadd.s32 $0x2340, s7;
	s31 =	simm.s32 $0x14EA0  }
0x4fb: {  	[hbm4b:s30+s3] =	stream.linear.scatter [tilespmem:s31], [sflag:$0x4], $0x80, $0x38;
	[tilespmem:$0x16600] =	vst v63  }
0x4fc: {  	s14 =	sadd.s32 $0x2350, s7;
	s29 =	simm.s32 $0x150A8  }
0x4fd: {  	[hbm4b:s14+s3] =	stream.linear.scatter [tilespmem:s29], [sflag:$0x4], $0x80, $0x38;
	[tilespmem:$0x16600] =	vst v63  }
0x4fe: {  	s30 =	sadd.s32 $0x2360, s7;
	s31 =	simm.s32 $0x152B0  }
0x4ff: {  	[hbm4b:s30+s3] =	stream.linear.scatter [tilespmem:s31], [sflag:$0x4], $0x80, $0x38;
	[tilespmem:$0x16600] =	vst v63  }
0x500: {  	s14 =	sadd.s32 $0x2370, s7;
	s29 =	simm.s32 $0x154B8  }
0x501: {  	[hbm4b:s14+s3] =	stream.linear.scatter [tilespmem:s29], [sflag:$0x4], $0x80, $0x38;
	[tilespmem:$0x16600] =	vst v63  }
0x502: {  	s30 =	sadd.s32 $0x2380, s7;
	s31 =	simm.s32 $0x14700  }
0x503: {  	[hbm4b:s30+s3] =	stream.linear.scatter [tilespmem:s31], [sflag:$0x4], $0x80, $0x38;
	[tilespmem:$0x16600] =	vst v63  }
0x504: {  	s14 =	sadd.s32 $0x2390, s7;
	s29 =	simm.s32 $0x14908  }
0x505: {  	[hbm4b:s14+s3] =	stream.linear.scatter [tilespmem:s29], [sflag:$0x4], $0x80, $0x38;
	[tilespmem:$0x16600] =	vst v63  }
0x506: {  	s30 =	sadd.s32 $0x23A0, s7;
	s31 =	simm.s32 $0x14B10  }
0x507: {  	[hbm4b:s30+s3] =	stream.linear.scatter [tilespmem:s31], [sflag:$0x4], $0x80, $0x38;
	[tilespmem:$0x16600] =	vst v63  }
0x508: {  	s14 =	sadd.s32 $0x23B0, s7;
	s29 =	simm.s32 $0x14D18  }
0x509: {  	[hbm4b:s14+s3] =	stream.linear.scatter [tilespmem:s29], [sflag:$0x4], $0x80, $0x38;
	[tilespmem:$0x16600] =	vst v63  }
0x50a: {  	s30 =	sadd.s32 $0x23C0, s7;
	s31 =	simm.s32 $0x14F20  }
0x50b: {  	[hbm4b:s30+s3] =	stream.linear.scatter [tilespmem:s31], [sflag:$0x4], $0x80, $0x38;
	[tilespmem:$0x16600] =	vst v63  }
0x50c: {  	s14 =	sadd.s32 $0x23D0, s7;
	s29 =	simm.s32 $0x15128  }
0x50d: {  	[hbm4b:s14+s3] =	stream.linear.scatter [tilespmem:s29], [sflag:$0x4], $0x80, $0x38;
	[tilespmem:$0x16600] =	vst v63  }
0x50e: {  	s30 =	sadd.s32 $0x23E0, s7;
	s31 =	simm.s32 $0x15330  }
0x50f: {  	[hbm4b:s30+s3] =	stream.linear.scatter [tilespmem:s31], [sflag:$0x4], $0x80, $0x38;
	[tilespmem:$0x16600] =	vst v63  }
0x510: {  	s7 =	sadd.s32 $0x23F0, s7;
	s29 =	simm.s32 $0x15538  }
0x511: {  	[hbm4b:s7+s3] =	stream.linear.scatter [tilespmem:s29], [sflag:$0x4], $0x80, $0x38;
	[tilespmem:$0x16600] =	vst v63  }
0x512: {  	s30 =	sadd.s32 $0x3200, s28;
	s31 =	simm.s32 $0x155C0  }
0x513: {  	[hbm4b:s30+s3] =	stream.linear.scatter [tilespmem:s31], [sflag:$0x4], $0x80, $0x38;
	[tilespmem:$0x16600] =	vst v63  }
0x514: {  	s14 =	sadd.s32 $0x3210, s28;
	s29 =	simm.s32 $0x157C8  }
0x515: {  	[hbm4b:s14+s3] =	stream.linear.scatter [tilespmem:s29], [sflag:$0x4], $0x80, $0x38;
	[tilespmem:$0x16600] =	vst v63  }
0x516: {  	s30 =	sadd.s32 $0x3220, s28;
	s31 =	simm.s32 $0x159D0  }
0x517: {  	[hbm4b:s30+s3] =	stream.linear.scatter [tilespmem:s31], [sflag:$0x4], $0x80, $0x38;
	[tilespmem:$0x16600] =	vst v63  }
0x518: {  	s14 =	sadd.s32 $0x3230, s28;
	s29 =	simm.s32 $0x15BD8  }
0x519: {  	[hbm4b:s14+s3] =	stream.linear.scatter [tilespmem:s29], [sflag:$0x4], $0x80, $0x38;
	[tilespmem:$0x16600] =	vst v63  }
0x51a: {  	s30 =	sadd.s32 $0x3240, s28;
	s31 =	simm.s32 $0x15DE0  }
0x51b: {  	[hbm4b:s30+s3] =	stream.linear.scatter [tilespmem:s31], [sflag:$0x4], $0x80, $0x38;
	[tilespmem:$0x16600] =	vst v63  }
0x51c: {  	s14 =	sadd.s32 $0x3250, s28;
	s29 =	simm.s32 $0x15FE8  }
0x51d: {  	[hbm4b:s14+s3] =	stream.linear.scatter [tilespmem:s29], [sflag:$0x4], $0x80, $0x38;
	[tilespmem:$0x16600] =	vst v63  }
0x51e: {  	s30 =	sadd.s32 $0x3260, s28;
	s31 =	simm.s32 $0x161F0  }
0x51f: {  	[hbm4b:s30+s3] =	stream.linear.scatter [tilespmem:s31], [sflag:$0x4], $0x80, $0x38;
	[tilespmem:$0x16600] =	vst v63  }
0x520: {  	s14 =	sadd.s32 $0x3270, s28;
	s29 =	simm.s32 $0x163F8  }
0x521: {  	[hbm4b:s14+s3] =	stream.linear.scatter [tilespmem:s29], [sflag:$0x4], $0x80, $0x38;
	[tilespmem:$0x16600] =	vst v63  }
0x522: {  	s30 =	sadd.s32 $0x3280, s28;
	s31 =	simm.s32 $0x15640  }
0x523: {  	[hbm4b:s30+s3] =	stream.linear.scatter [tilespmem:s31], [sflag:$0x4], $0x80, $0x38;
	[tilespmem:$0x16600] =	vst v63  }
0x524: {  	s14 =	sadd.s32 $0x3290, s28;
	s29 =	simm.s32 $0x15848  }
0x525: {  	[hbm4b:s14+s3] =	stream.linear.scatter [tilespmem:s29], [sflag:$0x4], $0x80, $0x38;
	[tilespmem:$0x16600] =	vst v63  }
0x526: {  	s30 =	sadd.s32 $0x32A0, s28;
	s31 =	simm.s32 $0x15A50  }
0x527: {  	[hbm4b:s30+s3] =	stream.linear.scatter [tilespmem:s31], [sflag:$0x4], $0x80, $0x38;
	[tilespmem:$0x16600] =	vst v63  }
0x528: {  	s14 =	sadd.s32 $0x32B0, s28;
	s29 =	simm.s32 $0x15C58  }
0x529: {  	[hbm4b:s14+s3] =	stream.linear.scatter [tilespmem:s29], [sflag:$0x4], $0x80, $0x38;
	[tilespmem:$0x16600] =	vst v63  }
0x52a: {  	s30 =	sadd.s32 $0x32C0, s28;
	s31 =	simm.s32 $0x15E60  }
0x52b: {  	[hbm4b:s30+s3] =	stream.linear.scatter [tilespmem:s31], [sflag:$0x4], $0x80, $0x38;
	[tilespmem:$0x16600] =	vst v63  }
0x52c: {  	s8 =	sadd.s32 $0x32D0, s28  }
0x52d: {  	[hbm4b:s8+s3] =	stream.linear.scatter [tilespmem:s19], [sflag:$0x4], $0x80, $0x38;
	[tilespmem:$0x16600] =	vst v63  }
0x52e: {  	s14 =	sadd.s32 $0x32E0, s28  }
0x52f: {  	[hbm4b:s14+s3] =	stream.linear.scatter [tilespmem:s21], [sflag:$0x4], $0x80, $0x38;
	[tilespmem:$0x16600] =	vst v63  }
0x530: {  	s29 =	sadd.s32 $0x32F0, s28  }
0x531: {  	[hbm4b:s29+s3] =	stream.linear.scatter [tilespmem:s22], [sflag:$0x4], $0x80, $0x38;
	[tilespmem:$0x16600] =	vst v63  }
0x532: {  	s30 =	sadd.s32 $0x3300, s28  }
0x533: {  	[hbm4b:s30+s3] =	stream.linear.scatter [tilespmem:s23], [sflag:$0x4], $0x80, $0x38;
	[tilespmem:$0x16600] =	vst v63  }
0x534: {  	s31 =	sadd.s32 $0x3310, s28  }
0x535: {  	[hbm4b:s31+s3] =	stream.linear.scatter [tilespmem:s20], [sflag:$0x4], $0x80, $0x38;
	[tilespmem:$0x16600] =	vst v63  }
0x536: {  	s8 =	sadd.s32 $0x3320, s28  }
0x537: {  	[hbm4b:s8+s3] =	stream.linear.scatter [tilespmem:s18], [sflag:$0x4], $0x80, $0x38;
	[tilespmem:$0x16600] =	vst v63  }
0x538: {  	s14 =	sadd.s32 $0x3330, s28;
	s29 =	simm.s32 $0x15CD8  }
0x539: {  	[hbm4b:s14+s3] =	stream.linear.scatter [tilespmem:s29], [sflag:$0x4], $0x80, $0x38;
	[tilespmem:$0x16600] =	vst v63  }
0x53a: {  	s30 =	sadd.s32 $0x3340, s28;
	s31 =	simm.s32 $0x15EE0  }
0x53b: {  	[hbm4b:s30+s3] =	stream.linear.scatter [tilespmem:s31], [sflag:$0x4], $0x80, $0x38;
	[tilespmem:$0x16600] =	vst v63  }
0x53c: {  	s14 =	sadd.s32 $0x3350, s28;
	s29 =	simm.s32 $0x160E8  }
0x53d: {  	[hbm4b:s14+s3] =	stream.linear.scatter [tilespmem:s29], [sflag:$0x4], $0x80, $0x38;
	[tilespmem:$0x16600] =	vst v63  }
0x53e: {  	s30 =	sadd.s32 $0x3360, s28  }
0x53f: {  	[hbm4b:s30+s3] =	stream.linear.scatter [tilespmem:s17], [sflag:$0x4], $0x80, $0x38;
	[tilespmem:$0x16600] =	vst v63  }
0x540: {  	s31 =	sadd.s32 $0x3370, s28  }
0x541: {  	[hbm4b:s31+s3] =	stream.linear.scatter [tilespmem:s16], [sflag:$0x4], $0x80, $0x38;
	[tilespmem:$0x16600] =	vst v63  }
0x542: {  	s8 =	sadd.s32 $0x3380, s28  }
0x543: {  	[hbm4b:s8+s3] =	stream.linear.scatter [tilespmem:s15], [sflag:$0x4], $0x80, $0x38;
	[tilespmem:$0x16600] =	vst v63  }
0x544: {  	s14 =	sadd.s32 $0x3390, s28;
	s29 =	simm.s32 $0x15948  }
0x545: {  	[hbm4b:s14+s3] =	stream.linear.scatter [tilespmem:s29], [sflag:$0x4], $0x80, $0x38;
	[tilespmem:$0x16600] =	vst v63  }
0x546: {  	s30 =	sadd.s32 $0x33A0, s28;
	s31 =	simm.s32 $0x15B50  }
0x547: {  	[hbm4b:s30+s3] =	stream.linear.scatter [tilespmem:s31], [sflag:$0x4], $0x80, $0x38;
	[tilespmem:$0x16600] =	vst v63  }
0x548: {  	s14 =	sadd.s32 $0x33B0, s28;
	s29 =	simm.s32 $0x15D58  }
0x549: {  	[hbm4b:s14+s3] =	stream.linear.scatter [tilespmem:s29], [sflag:$0x4], $0x80, $0x38;
	[tilespmem:$0x16600] =	vst v63  }
0x54a: {  	s30 =	sadd.s32 $0x33C0, s28;
	s31 =	simm.s32 $0x15F60  }
0x54b: {  	[hbm4b:s30+s3] =	stream.linear.scatter [tilespmem:s31], [sflag:$0x4], $0x80, $0x38;
	[tilespmem:$0x16600] =	vst v63  }
0x54c: {  	p0 =	seq.s32 s26, $0x18;
	s8 =	sadd.s32 $0x33D0, s28;
	s14 =	simm.s32 $0x16168  }
0x54d: {  	[hbm4b:s8+s3] =	stream.linear.scatter [tilespmem:s14], [sflag:$0x4], $0x80, $0x38;
	[tilespmem:$0x16600] =	vst v63  }
.Ltmp7:
0x54e: {  	_ = 	snop;
	(pc) =	sbr.rel @p0 .LBB2_12-.Ltmp7, $4  }
0x54f: {  	s29 =	sadd.s32 $0x33E0, s28;
	s30 =	simm.s32 $0x16370  }
0x550: {  	[hbm4b:s29+s3] =	stream.linear.scatter [tilespmem:s30], [sflag:$0x4], $0x80, $0x38;
	[tilespmem:$0x16600] =	vst v63  }
0x551: {  	s31 =	sadd.s32 $0x33F0, s28  }
0x552: {  	[hbm4b:s31+s3] =	stream.linear.scatter [tilespmem:s24], [sflag:$0x4], $0x80, $0x38;
	[tilespmem:$0x16600] =	vst v63  }
.Ltmp8:
0x553: {  	(pc) =	sbr.rel .LBB2_2-.Ltmp8, $4  }
0x554: {  	s7 =	sshll.u32 s26, $0xC  }
0x555: {  	s7 =	sshra.s32 s7, $0x2  }
0x556: {  	s26 =	sadd.s32 $0x1, s26;
	s7 =	sadd.s32 $0x600, s7  }
0x557: {  	[tilespmem:s11], [sflag:$0x2] =	stream.indirect.gather [hbm4b:s4+s9], $0x20, s7, s9, $0xb8;
	[tilespmem:$0x16600] =	vst v63  }
.LBB2_13:
0x558: {  	_ =	sfence.sel $0x180000  }
0x559: {  	[bflag:$0x0] =	sbarrier.arrive $0xFFFF  }
0x55a: {  	_ =	strace $0x90000047  }
0x55b: {  	s0 =	stileid.u32;
	[bflag:$0x2] =	sbarrier.arrive $0xFFFF  }
0x55c: {  	p0 =	sne.s32 s0, $0x0;
	s0 =	rddreg [dreg:$0x2]  }
0x55d: {  	s0 =	sadd.s32 @!p0 $0x100000, s0  }
0x55e: {  	[sflag:s0] =	ssyncadd.tile.s32 @!p0 $0x1;
	_ =	shalt  }
.Lfunc_end2:
_tile_overlayer_lowered:
.L_overlay_start_2:
0x55f: {  	(tag) =	ssettag $0x2  }
0x560: {  	s0 =	rddreg [dreg:$0x0];
	s2 =	stileid.u32  }
0x561: {  	s1 =	rddreg [dreg:$0x1];
	p0 =	sne.s32 s2, $0x0  }
0x562: {  	s3 =	rddreg [dreg:$0x2];
	[bflag:$0x3] =	sbarrier.arrive $0xFFFF;
	s2 =	simm.s32 @!p0 $0x1C05  }
0x563: {  	[timem:s3], [sflag:s2] =	dma.local @!p0 [hbm:s0], s1  }
0x564: {  	s0 =	simm.s32 @!p0 $0x5  }
0x565: {  	_ =	swait.ge @!p0 [sflag:s0], s1  }
0x566: {  	s1 =	ssub.s32 @!p0 $0x0, s1;
	[sflag:s0] =	ssyncset.done @!p0 $0x0  }
0x567: {  	[sflag:s0] =	ssyncadd.s32 @!p0 s1  }
0x568: {  	[bflag:$0x3] =	sbarrier.arrive $0xFFFF  }
0x569: {  	_ =	shalt  }

</sc_bundles>
